<compile_context>
chip_gen: v7x
topology: tpu7x:2x2x1
jax: 0.10.2.dev20260603
libtpu: 0.0.44.dev20260713+nightly
codegen_flags: <defaults>
</compile_context>

<pallas_src>
import functools

import jax
import jax.numpy as jnp
from jax import lax
from jax.experimental import pallas as pl
from jax.experimental.pallas import tpu as pltpu
from jax.experimental.pallas import tpu_sc as plsc

N = 4096
B = 1024
RB = 128
NW = 32
RPW = B // NW
K = 64
KPAD = 96
NG = K // 16
BIG = 1e30
BIGTH = 1e29
FAR = 100.0


def _tc_body(ro_ref, inv_ref, bmin_ref, bmax_ref, key_ref, tfar_ref):
    tn = None
    tf = None
    for a in range(3):
        o = ro_ref[:, a:a + 1]
        iv = inv_ref[:, a:a + 1]
        lo = bmin_ref[a:a + 1, :]
        hi = bmax_ref[a:a + 1, :]
        ta = (lo - o) * iv
        tb = (hi - o) * iv
        t1 = jnp.minimum(ta, tb)
        t2 = jnp.maximum(ta, tb)
        tn = t1 if tn is None else jnp.maximum(tn, t1)
        tf = t2 if tf is None else jnp.minimum(tf, t2)
    valid = (tf > tn) & (tf > 0.0)
    key_ref[...] = jnp.where(valid, tn, BIG)
    tfar_ref[...] = tf


def _tc_intersect(ro, inv, bmin_t, bmax_t):
    return pl.pallas_call(
        _tc_body,
        grid=(B // RB,),
        in_specs=[
            pl.BlockSpec((RB, 3), lambda i: (i, 0)),
            pl.BlockSpec((RB, 3), lambda i: (i, 0)),
            pl.BlockSpec((3, N), lambda i: (0, 0)),
            pl.BlockSpec((3, N), lambda i: (0, 0)),
        ],
        out_specs=[
            pl.BlockSpec((RB, N), lambda i: (i, 0)),
            pl.BlockSpec((RB, N), lambda i: (i, 0)),
        ],
        out_shape=[
            jax.ShapeDtypeStruct((B, N), jnp.float32),
            jax.ShapeDtypeStruct((B, N), jnp.float32),
        ],
    )(ro, inv, bmin_t, bmax_t)


def _sc_composite(key, tfar, dens, colors, sh_pad):
    mesh = plsc.VectorSubcoreMesh(core_axis_name="c", subcore_axis_name="s")

    @functools.partial(
        pl.kernel,
        mesh=mesh,
        compiler_params=pltpu.CompilerParams(
            use_tc_tiling_on_sc=False, needs_layout_passes=False),
        out_type=[
            jax.ShapeDtypeStruct((B * 3,), jnp.float32),
            jax.ShapeDtypeStruct((B,), jnp.float32),
            jax.ShapeDtypeStruct((B,), jnp.float32),
        ],
        scratch_types=[
            pltpu.VMEM((N,), jnp.float32),
            pltpu.VMEM((N,), jnp.float32),
            pltpu.VMEM((N,), jnp.float32),
            pltpu.VMEM((16,), jnp.float32),
            pltpu.VMEM((KPAD,), jnp.float32),
            pltpu.VMEM((KPAD,), jnp.float32),
            pltpu.VMEM((KPAD,), jnp.int32),
            pltpu.VMEM((K,), jnp.float32),
            pltpu.VMEM((K,), jnp.float32),
            pltpu.VMEM((N * 27,), jnp.float32),
            pltpu.VMEM((RPW * 16,), jnp.float32),
            pltpu.VMEM((RPW * 16,), jnp.float32),
            pltpu.VMEM((RPW * 16,), jnp.float32),
            pltpu.VMEM((RPW * 16,), jnp.float32),
            pltpu.VMEM((RPW * 16,), jnp.float32),
            pltpu.VMEM((RPW * 16,), jnp.float32),
            pltpu.VMEM((RPW * 3,), jnp.float32),
            pltpu.VMEM((RPW,), jnp.float32),
            pltpu.VMEM((RPW,), jnp.float32),
            pltpu.SemaphoreType.DMA,
        ],
    )
    def sc_kernel(key_hbm, tfar_hbm, dens_hbm, colors_hbm, sh_hbm,
                  rgb_hbm, dep_hbm, wei_hbm,
                  keyrow, tfrow, densv, shrow, hk, htf, hidx, hs, htm,
                  colflat, stR, stG, stB, stD, stW, stS,
                  outrgb, outd, outw, sem):
        wid = lax.axis_index("s") * 2 + lax.axis_index("c")
        base = wid * RPW
        lanes = lax.iota(jnp.int32, 16)
        zeros16 = jnp.zeros((16,), jnp.float32)

        pltpu.sync_copy(dens_hbm, densv)
        pltpu.sync_copy(colors_hbm, colflat)

        def per_ray(r, _):
            ray = base + r
            pltpu.sync_copy(key_hbm.at[ray], keyrow)
            pltpu.sync_copy(tfar_hbm.at[ray], tfrow)
            pltpu.sync_copy(sh_hbm.at[ray], shrow)
            for t in range(KPAD // 16):
                sl = pl.ds(t * 16, 16)
                hk[sl] = jnp.full((16,), BIG, jnp.float32)
                htf[sl] = zeros16
                hidx[sl] = jnp.zeros((16,), jnp.int32)

            def scan_g(g, cnt):
                k16 = keyrow[pl.ds(g * 16, 16)]
                m = k16 < BIGTH
                c = jnp.sum(m.astype(jnp.int32))

                @pl.when(c > 0)
                def _():
                    cc = jnp.minimum(cnt, K)
                    tf16 = tfrow[pl.ds(g * 16, 16)]
                    i16 = g * 16 + lanes
                    plsc.store_compressed(hk.at[pl.ds(cc, 16)], k16, mask=m)
                    plsc.store_compressed(htf.at[pl.ds(cc, 16)], tf16, mask=m)
                    plsc.store_compressed(hidx.at[pl.ds(cc, 16)], i16, mask=m)

                return cnt + c

            cnt = lax.fori_loop(0, N // 16, scan_g, 0)
            H = jnp.minimum(cnt, K)

            for hg in range(NG):
                sl = pl.ds(hg * 16, 16)
                k = hk[sl]
                tfv = htf[sl]
                idx = hidx[sl]
                mval = k < BIGTH
                te = jnp.maximum(k, 0.0)
                sig = jnp.exp(plsc.load_gather(densv, [idx]))
                hs[sl] = jnp.where(mval, sig * (tfv - te), 0.0)
                htm[sl] = jnp.where(mval, 0.5 * (te + tfv), 0.0)

            k_g = [hk[pl.ds(hg * 16, 16)] for hg in range(NG)]
            i_g = [hidx[pl.ds(hg * 16, 16)] for hg in range(NG)]

            def pair_j(j, S):
                jj = jnp.full((16,), j, jnp.int32)
                kj = plsc.load_gather(hk, [jj])
                sj = plsc.load_gather(hs, [jj])
                ij = plsc.load_gather(hidx, [jj])
                out = []
                for hg in range(NG):
                    before = (kj < k_g[hg]) | ((kj == k_g[hg]) & (ij < i_g[hg]))
                    out.append(S[hg] + jnp.where(before, sj, 0.0))
                return tuple(out)

            S = lax.fori_loop(0, H, pair_j,
                              tuple(zeros16 for _ in range(NG)))

            sh_k = [jnp.ones((16,), jnp.float32)] + [
                plsc.load_gather(shrow, [jnp.full((16,), kk, jnp.int32)])
                for kk in range(1, 9)]

            accR = accG = accB = accD = accW = accS = zeros16
            for hg in range(NG):
                sl = pl.ds(hg * 16, 16)
                sv = hs[sl]
                eS = jnp.exp(-S[hg])
                w = eS - eS * jnp.exp(-sv)
                idx27 = hidx[sl] * 27
                cc = []
                for ch in range(3):
                    acc = zeros16
                    for k9 in range(9):
                        col = plsc.load_gather(
                            colflat, [idx27 + (ch * 9 + k9)])
                        acc = acc + sh_k[k9] * col
                    den = 1.0 + jnp.exp(-acc)
                    yv = 1.0 / den
                    yv = yv * (2.0 - den * yv)
                    yv = yv * (2.0 - den * yv)
                    cc.append(yv)
                accR = accR + w * cc[0]
                accG = accG + w * cc[1]
                accB = accB + w * cc[2]
                accD = accD + w * htm[sl]
                accW = accW + w
                accS = accS + sv

            sl = pl.ds(r * 16, 16)
            stR[sl] = accR
            stG[sl] = accG
            stB[sl] = accB
            stD[sl] = accD
            stW[sl] = accW
            stS[sl] = accS
            return 0

        lax.fori_loop(0, RPW, per_ray, 0)

        for rg in range(RPW // 16):
            rows = rg * 16 + lanes

            def colsum(st):
                acc = zeros16
                for l in range(16):
                    acc = acc + plsc.load_gather(st, [rows * 16 + l])
                return acc

            Rv = colsum(stR)
            Gv = colsum(stG)
            Bv = colsum(stB)
            Dv = colsum(stD)
            Wv = colsum(stW)
            Sv = colsum(stS)
            tfin = jnp.exp(-Sv)
            dep = Dv + tfin * FAR
            ridx = rows * 3
            plsc.store_scatter(outrgb, [ridx], Rv)
            plsc.store_scatter(outrgb, [ridx + 1], Gv)
            plsc.store_scatter(outrgb, [ridx + 2], Bv)
            outd[pl.ds(rg * 16, 16)] = dep
            outw[pl.ds(rg * 16, 16)] = Wv

        pltpu.sync_copy(outrgb, rgb_hbm.at[pl.ds(base * 3, RPW * 3)])
        pltpu.sync_copy(outd, dep_hbm.at[pl.ds(base, RPW)])
        pltpu.sync_copy(outw, wei_hbm.at[pl.ds(base, RPW)])

    return sc_kernel(key, tfar, dens, colors, sh_pad)


def kernel(positions, sizes, densities, colors, ray_origins, ray_directions):
    half = (sizes * 0.5)[:, None]
    bmin_t = (positions - half).T
    bmax_t = (positions + half).T
    rdg = jnp.where(jnp.abs(ray_directions) < 1e-8, 1e-8, ray_directions)
    inv = 1.0 / rdg

    x = ray_directions[:, 0]
    y = ray_directions[:, 1]
    z = ray_directions[:, 2]
    sh = jnp.stack([jnp.ones_like(x), y, z, x, x * y, y * z,
                    3.0 * z * z - 1.0, x * z, x * x - y * y], axis=-1)
    sh_pad = jnp.concatenate(
        [sh, jnp.zeros((B, 7), jnp.float32)], axis=1)

    key, tfar = _tc_intersect(ray_origins, inv, bmin_t, bmax_t)

    rgb_flat, dep_flat, wei_flat = _sc_composite(
        key, tfar, densities, colors.reshape(-1), sh_pad)

    return (rgb_flat.reshape(B, 3), dep_flat[:, None], wei_flat[:, None])

# --- scband reference (transcript-rebuilt; emitter-appended) ---
"""Pipeline reference for scband-voxel-rasterizer-26422638805067 (READ-ONLY COPY).

The authoritative reference and input builder live on the scoring server;
editing this copy changes nothing except your own understanding.
"""

import jax, jax.numpy as jnp
import numpy as np


def eval_sh_basis(degree, dirs):
    x = dirs[..., 0]; y = dirs[..., 1]; z = dirs[..., 2]
    sh = [jnp.ones_like(x)]
    if degree >= 1:
        sh += [y, z, x]
    if degree >= 2:
        sh += [x * y, y * z, 3 * z ** 2 - 1, x * z, x ** 2 - y ** 2]
    return jnp.stack(sh, axis=-1)


def setup_inputs(seed: int = 0):
    key = jax.random.key(seed)
    ks = jax.random.split(key, 6)
    N = 4096
    B = 1024
    positions = jax.random.uniform(ks[0], (N, 3), minval=-1.0, maxval=1.0, dtype=jnp.float32)
    sizes = jax.random.uniform(ks[1], (N,), minval=0.02, maxval=0.1, dtype=jnp.float32)
    densities = jax.random.normal(ks[2], (N,), dtype=jnp.float32)
    colors = jax.random.normal(ks[3], (N, 27), dtype=jnp.float32) * 0.5
    xy = jax.random.uniform(ks[4], (B, 2), minval=-0.5, maxval=0.5, dtype=jnp.float32)
    ray_origins = jnp.concatenate([xy, jnp.full((B, 1), -3.0, dtype=jnp.float32)], axis=1)
    d = jnp.concatenate([jax.random.normal(ks[5], (B, 2), dtype=jnp.float32) * 0.1, jnp.ones((B, 1), dtype=jnp.float32)], axis=1)
    ray_directions = d / jnp.linalg.norm(d, axis=1, keepdims=True)
    return {"positions": positions, "sizes": sizes, "densities": densities, "colors": colors, "ray_origins": ray_origins, "ray_directions": ray_directions}


def _render(positions, sizes, densities, colors, ray_origins, ray_directions):
    FAR = 100.0
    bg = jnp.zeros(3, dtype=positions.dtype)
    N = positions.shape[0]
    B = ray_origins.shape[0]
    half = (sizes / 2.0)[:, None]
    box_min = positions - half
    box_max = positions + half
    rd = jnp.where(jnp.abs(ray_directions) < 1e-8, 1e-8, ray_directions)
    t_mins = (box_min[None, :, :] - ray_origins[:, None, :]) / rd[:, None, :]
    t_maxs = (box_max[None, :, :] - ray_origins[:, None, :]) / rd[:, None, :]
    t1 = jnp.minimum(t_mins, t_maxs)
    t2 = jnp.maximum(t_mins, t_maxs)
    t_near = jnp.max(t1, axis=-1)
    t_far = jnp.min(t2, axis=-1)
    valid = (t_far > t_near) & (t_far > 0)
    t_entry = jnp.maximum(t_near, 0.0)
    dt = jnp.where(valid, t_far - t_entry, 0.0)
    sigma = jnp.exp(densities)
    alpha = jnp.where(valid, 1.0 - jnp.exp(-sigma[None, :] * dt), 0.0)
    sh = eval_sh_basis(2, ray_directions)
    rgb_vox = jax.nn.sigmoid(jnp.einsum('bk,nck->bnc', sh, colors.reshape(N, 3, 9)))
    t_mid = 0.5 * (t_entry + t_far)
    sort_key = jnp.where(valid, t_near, jnp.inf)
    order = jnp.argsort(sort_key, axis=1)
    alpha_s = jnp.take_along_axis(alpha, order, axis=1)
    tmid_s = jnp.take_along_axis(t_mid, order, axis=1)
    rgb_s = jnp.take_along_axis(rgb_vox, order[:, :, None], axis=1)
    one_m = 1.0 - alpha_s
    T_excl = jnp.concatenate([jnp.ones((B, 1), dtype=alpha_s.dtype), jnp.cumprod(one_m, axis=1)[:, :-1]], axis=1)
    w = T_excl * alpha_s
    T_final = T_excl[:, -1] * one_m[:, -1]
    rgb = jnp.sum(w[:, :, None] * rgb_s, axis=1) + T_final[:, None] * bg[None, :]
    depth = jnp.sum(w * tmid_s, axis=1) + T_final * FAR
    weights = jnp.sum(w, axis=1)
    return rgb, depth[:, None], weights[:, None]


def reference(positions, sizes, densities, colors, ray_origins, ray_directions):
    return _render(positions, sizes, densities, colors, ray_origins, ray_directions)

if __name__ == "__main__":
    import jax
    _d = setup_inputs()
    print(jax.jit(kernel)(*tuple(_d.values())))

</pallas_src>

<mosaic_0001>
#map = affine_map<(d0, d1) -> (0, 0)>
#map1 = affine_map<(d0, d1) -> (0)>
module attributes {stable_mosaic.version = 14 : i64} {
  func.func @sc_kernel(%arg0: i32, %arg1: i32, %arg2: memref<1024x4096xf32, #tpu.memory_space<hbm>>, %arg3: memref<1024x4096xf32, #tpu.memory_space<hbm>>, %arg4: memref<4096xf32, #tpu.memory_space<hbm>>, %arg5: memref<110592xf32, #tpu.memory_space<hbm>>, %arg6: memref<1024x16xf32, #tpu.memory_space<hbm>>, %arg7: memref<3072xf32, #tpu.memory_space<hbm>>, %arg8: memref<1024xf32, #tpu.memory_space<hbm>>, %arg9: memref<1024xf32, #tpu.memory_space<hbm>>, %arg10: memref<4096xf32, #tpu.memory_space<vmem>>, %arg11: memref<4096xf32, #tpu.memory_space<vmem>>, %arg12: memref<4096xf32, #tpu.memory_space<vmem>>, %arg13: memref<16xf32, #tpu.memory_space<vmem>>, %arg14: memref<96xf32, #tpu.memory_space<vmem>>, %arg15: memref<96xf32, #tpu.memory_space<vmem>>, %arg16: memref<96xi32, #tpu.memory_space<vmem>>, %arg17: memref<64xf32, #tpu.memory_space<vmem>>, %arg18: memref<64xf32, #tpu.memory_space<vmem>>, %arg19: memref<110592xf32, #tpu.memory_space<vmem>>, %arg20: memref<512xf32, #tpu.memory_space<vmem>>, %arg21: memref<512xf32, #tpu.memory_space<vmem>>, %arg22: memref<512xf32, #tpu.memory_space<vmem>>, %arg23: memref<512xf32, #tpu.memory_space<vmem>>, %arg24: memref<512xf32, #tpu.memory_space<vmem>>, %arg25: memref<512xf32, #tpu.memory_space<vmem>>, %arg26: memref<96xf32, #tpu.memory_space<vmem>>, %arg27: memref<32xf32, #tpu.memory_space<vmem>>, %arg28: memref<32xf32, #tpu.memory_space<vmem>>, %arg29: memref<!tpu.dma_semaphore, #tpu.memory_space<semaphore_mem>>) attributes {dimension_semantics = [#tpu.dimension_semantics<core_parallel>, #tpu.dimension_semantics<subcore_parallel>], iteration_bounds = array<i64: 2, 16>, scalar_prefetch = 0 : i64, scratch_operands = 20 : i64, tpu.core_type = #tpu.core_type<sc_vector_subcore>, window_params = [{transform_indices = #map}, {transform_indices = #map}, {transform_indices = #map1}, {transform_indices = #map1}, {transform_indices = #map}, {transform_indices = #map1}, {transform_indices = #map1}, {transform_indices = #map1}]} {
    %mul3A = arith.constant 2 : i32
    %mul3A_0 = arith.muli %arg1, %mul3A : i32
    %add3A = arith.addi %mul3A_0, %arg0 : i32
    %mul3A_1 = arith.constant 32 : i32
    %mul3A_2 = arith.muli %add3A, %mul3A_1 : i32
    %iota3A = tpu.iota {dimensions = array<i32: 0>} : vector<16xi32>
    %broadcast_in_dim3A = arith.constant 0.000000e+00 : f32
    %broadcast_in_dim3A_3 = vector.broadcast %broadcast_in_dim3A : f32 to vector<16xf32>
    "tpu.region"() ({
      %run_scoped3A = tpu.sem_alloc : memref<!tpu.dma_semaphore, #tpu.memory_space<semaphore_mem>>
      tpu.enqueue_dma source(%arg4 : memref<4096xf32, #tpu.memory_space<hbm>>) target(%arg12 : memref<4096xf32, #tpu.memory_space<vmem>>) target_semaphore(%run_scoped3A : memref<!tpu.dma_semaphore, #tpu.memory_space<semaphore_mem>>)
      tpu.wait_dma2 semaphore(%run_scoped3A : memref<!tpu.dma_semaphore, #tpu.memory_space<semaphore_mem>>) src(%arg4 : memref<4096xf32, #tpu.memory_space<hbm>>) dst(%arg12 : memref<4096xf32, #tpu.memory_space<vmem>>)
      tpu.yield
    }) : () -> ()
    "tpu.region"() ({
      %run_scoped3A = tpu.sem_alloc : memref<!tpu.dma_semaphore, #tpu.memory_space<semaphore_mem>>
      tpu.enqueue_dma source(%arg5 : memref<110592xf32, #tpu.memory_space<hbm>>) target(%arg19 : memref<110592xf32, #tpu.memory_space<vmem>>) target_semaphore(%run_scoped3A : memref<!tpu.dma_semaphore, #tpu.memory_space<semaphore_mem>>)
      tpu.wait_dma2 semaphore(%run_scoped3A : memref<!tpu.dma_semaphore, #tpu.memory_space<semaphore_mem>>) src(%arg5 : memref<110592xf32, #tpu.memory_space<hbm>>) dst(%arg19 : memref<110592xf32, #tpu.memory_space<vmem>>)
      tpu.yield
    }) : () -> ()
    %scan3A = arith.constant 0 : i32
    %scan3A_4 = arith.constant 0 : i32
    %scan3A_5 = arith.constant 32 : i32
    %scan3A_6 = arith.addi %scan3A_4, %scan3A_5 : i32
    %scan3A_7 = arith.constant 1 : i32
    %scan3A_8 = scf.for %scan3A_1592 = %scan3A_4 to %scan3A_6 step %scan3A_7 iter_args(%scan3A_1593 = %scan3A) -> (i32)  : i32 {
      %add3A_1594 = arith.addi %mul3A_2, %scan3A_1592 : i32
      "tpu.region"() ({
        %run_scoped3A = tpu.sem_alloc : memref<!tpu.dma_semaphore, #tpu.memory_space<semaphore_mem>>
        %dma_start3A = arith.constant 0 : i32
        %dma_start3A_2847 = tpu.memref_slice %arg2[%add3A_1594, %dma_start3A] : memref<1024x4096xf32, #tpu.memory_space<hbm>> -> memref<1x4096xf32, #tpu.memory_space<hbm>>
        %dma_start3A_2848 = tpu.memref_squeeze %dma_start3A_2847 : memref<1x4096xf32, #tpu.memory_space<hbm>> -> memref<4096xf32, #tpu.memory_space<hbm>>
        %dma_start3A_2849 = arith.constant 0 : i32
        %dma_start3A_2850 = tpu.memref_slice %arg2[%add3A_1594, %dma_start3A_2849] : memref<1024x4096xf32, #tpu.memory_space<hbm>> -> memref<1x4096xf32, #tpu.memory_space<hbm>>
        %dma_start3A_2851 = tpu.memref_squeeze %dma_start3A_2850 : memref<1x4096xf32, #tpu.memory_space<hbm>> -> memref<4096xf32, #tpu.memory_space<hbm>>
        tpu.enqueue_dma source(%dma_start3A_2851 : memref<4096xf32, #tpu.memory_space<hbm>>) target(%arg10 : memref<4096xf32, #tpu.memory_space<vmem>>) target_semaphore(%run_scoped3A : memref<!tpu.dma_semaphore, #tpu.memory_space<semaphore_mem>>)
        %dma_wait3A = arith.constant 0 : i32
        %dma_wait3A_2852 = tpu.memref_slice %arg2[%add3A_1594, %dma_wait3A] : memref<1024x4096xf32, #tpu.memory_space<hbm>> -> memref<1x4096xf32, #tpu.memory_space<hbm>>
        %dma_wait3A_2853 = tpu.memref_squeeze %dma_wait3A_2852 : memref<1x4096xf32, #tpu.memory_space<hbm>> -> memref<4096xf32, #tpu.memory_space<hbm>>
        %dma_wait3A_2854 = arith.constant 0 : i32
        %dma_wait3A_2855 = tpu.memref_slice %arg2[%add3A_1594, %dma_wait3A_2854] : memref<1024x4096xf32, #tpu.memory_space<hbm>> -> memref<1x4096xf32, #tpu.memory_space<hbm>>
        %dma_wait3A_2856 = tpu.memref_squeeze %dma_wait3A_2855 : memref<1x4096xf32, #tpu.memory_space<hbm>> -> memref<4096xf32, #tpu.memory_space<hbm>>
        tpu.wait_dma2 semaphore(%run_scoped3A : memref<!tpu.dma_semaphore, #tpu.memory_space<semaphore_mem>>) src(%dma_wait3A_2856 : memref<4096xf32, #tpu.memory_space<hbm>>) dst(%arg10 : memref<4096xf32, #tpu.memory_space<vmem>>)
        tpu.yield
      }) : () -> ()
      "tpu.region"() ({
        %run_scoped3A = tpu.sem_alloc : memref<!tpu.dma_semaphore, #tpu.memory_space<semaphore_mem>>
        %dma_start3A = arith.constant 0 : i32
        %dma_start3A_2847 = tpu.memref_slice %arg3[%add3A_1594, %dma_start3A] : memref<1024x4096xf32, #tpu.memory_space<hbm>> -> memref<1x4096xf32, #tpu.memory_space<hbm>>
        %dma_start3A_2848 = tpu.memref_squeeze %dma_start3A_2847 : memref<1x4096xf32, #tpu.memory_space<hbm>> -> memref<4096xf32, #tpu.memory_space<hbm>>
        %dma_start3A_2849 = arith.constant 0 : i32
        %dma_start3A_2850 = tpu.memref_slice %arg3[%add3A_1594, %dma_start3A_2849] : memref<1024x4096xf32, #tpu.memory_space<hbm>> -> memref<1x4096xf32, #tpu.memory_space<hbm>>
        %dma_start3A_2851 = tpu.memref_squeeze %dma_start3A_2850 : memref<1x4096xf32, #tpu.memory_space<hbm>> -> memref<4096xf32, #tpu.memory_space<hbm>>
        tpu.enqueue_dma source(%dma_start3A_2851 : memref<4096xf32, #tpu.memory_space<hbm>>) target(%arg11 : memref<4096xf32, #tpu.memory_space<vmem>>) target_semaphore(%run_scoped3A : memref<!tpu.dma_semaphore, #tpu.memory_space<semaphore_mem>>)
        %dma_wait3A = arith.constant 0 : i32
        %dma_wait3A_2852 = tpu.memref_slice %arg3[%add3A_1594, %dma_wait3A] : memref<1024x4096xf32, #tpu.memory_space<hbm>> -> memref<1x4096xf32, #tpu.memory_space<hbm>>
        %dma_wait3A_2853 = tpu.memref_squeeze %dma_wait3A_2852 : memref<1x4096xf32, #tpu.memory_space<hbm>> -> memref<4096xf32, #tpu.memory_space<hbm>>
        %dma_wait3A_2854 = arith.constant 0 : i32
        %dma_wait3A_2855 = tpu.memref_slice %arg3[%add3A_1594, %dma_wait3A_2854] : memref<1024x4096xf32, #tpu.memory_space<hbm>> -> memref<1x4096xf32, #tpu.memory_space<hbm>>
        %dma_wait3A_2856 = tpu.memref_squeeze %dma_wait3A_2855 : memref<1x4096xf32, #tpu.memory_space<hbm>> -> memref<4096xf32, #tpu.memory_space<hbm>>
        tpu.wait_dma2 semaphore(%run_scoped3A : memref<!tpu.dma_semaphore, #tpu.memory_space<semaphore_mem>>) src(%dma_wait3A_2856 : memref<4096xf32, #tpu.memory_space<hbm>>) dst(%arg11 : memref<4096xf32, #tpu.memory_space<vmem>>)
        tpu.yield
      }) : () -> ()
      "tpu.region"() ({
        %run_scoped3A = tpu.sem_alloc : memref<!tpu.dma_semaphore, #tpu.memory_space<semaphore_mem>>
        %dma_start3A = arith.constant 0 : i32
        %dma_start3A_2847 = tpu.memref_slice %arg6[%add3A_1594, %dma_start3A] : memref<1024x16xf32, #tpu.memory_space<hbm>> -> memref<1x16xf32, #tpu.memory_space<hbm>>
        %dma_start3A_2848 = tpu.memref_squeeze %dma_start3A_2847 : memref<1x16xf32, #tpu.memory_space<hbm>> -> memref<16xf32, #tpu.memory_space<hbm>>
        %dma_start3A_2849 = arith.constant 0 : i32
        %dma_start3A_2850 = tpu.memref_slice %arg6[%add3A_1594, %dma_start3A_2849] : memref<1024x16xf32, #tpu.memory_space<hbm>> -> memref<1x16xf32, #tpu.memory_space<hbm>>
        %dma_start3A_2851 = tpu.memref_squeeze %dma_start3A_2850 : memref<1x16xf32, #tpu.memory_space<hbm>> -> memref<16xf32, #tpu.memory_space<hbm>>
        tpu.enqueue_dma source(%dma_start3A_2851 : memref<16xf32, #tpu.memory_space<hbm>>) target(%arg13 : memref<16xf32, #tpu.memory_space<vmem>>) target_semaphore(%run_scoped3A : memref<!tpu.dma_semaphore, #tpu.memory_space<semaphore_mem>>)
        %dma_wait3A = arith.constant 0 : i32
        %dma_wait3A_2852 = tpu.memref_slice %arg6[%add3A_1594, %dma_wait3A] : memref<1024x16xf32, #tpu.memory_space<hbm>> -> memref<1x16xf32, #tpu.memory_space<hbm>>
        %dma_wait3A_2853 = tpu.memref_squeeze %dma_wait3A_2852 : memref<1x16xf32, #tpu.memory_space<hbm>> -> memref<16xf32, #tpu.memory_space<hbm>>
        %dma_wait3A_2854 = arith.constant 0 : i32
        %dma_wait3A_2855 = tpu.memref_slice %arg6[%add3A_1594, %dma_wait3A_2854] : memref<1024x16xf32, #tpu.memory_space<hbm>> -> memref<1x16xf32, #tpu.memory_space<hbm>>
        %dma_wait3A_2856 = tpu.memref_squeeze %dma_wait3A_2855 : memref<1x16xf32, #tpu.memory_space<hbm>> -> memref<16xf32, #tpu.memory_space<hbm>>
        tpu.wait_dma2 semaphore(%run_scoped3A : memref<!tpu.dma_semaphore, #tpu.memory_space<semaphore_mem>>) src(%dma_wait3A_2856 : memref<16xf32, #tpu.memory_space<hbm>>) dst(%arg13 : memref<16xf32, #tpu.memory_space<vmem>>)
        tpu.yield
      }) : () -> ()
      %broadcast_in_dim3A_1595 = arith.constant 1.000000e+30 : f32
      %broadcast_in_dim3A_1596 = vector.broadcast %broadcast_in_dim3A_1595 : f32 to vector<16xf32>
      %swap3A_1597 = arith.constant 0 : index
      %swap3A_1598 = tpu.vector_load %arg14[%swap3A_1597] {strides = array<i32>} : memref<96xf32, #tpu.memory_space<vmem>>, vector<16xf32>,
      tpu.vector_store %arg14[%swap3A_1597], %broadcast_in_dim3A_1596 {strides = array<i32>} : memref<96xf32, #tpu.memory_space<vmem>>, vector<16xf32>,
      %swap3A_1599 = arith.constant 0 : index
      %swap3A_1600 = tpu.vector_load %arg15[%swap3A_1599] {strides = array<i32>} : memref<96xf32, #tpu.memory_space<vmem>>, vector<16xf32>,
      tpu.vector_store %arg15[%swap3A_1599], %broadcast_in_dim3A_3 {strides = array<i32>} : memref<96xf32, #tpu.memory_space<vmem>>, vector<16xf32>,
      %broadcast_in_dim3A_1601 = arith.constant 0 : i32
      %broadcast_in_dim3A_1602 = vector.broadcast %broadcast_in_dim3A_1601 : i32 to vector<16xi32>
      %swap3A_1603 = arith.constant 0 : index
      %swap3A_1604 = tpu.vector_load %arg16[%swap3A_1603] {strides = array<i32>} : memref<96xi32, #tpu.memory_space<vmem>>, vector<16xi32>,
      tpu.vector_store %arg16[%swap3A_1603], %broadcast_in_dim3A_1602 {strides = array<i32>} : memref<96xi32, #tpu.memory_space<vmem>>, vector<16xi32>,
      %broadcast_in_dim3A_1605 = arith.constant 1.000000e+30 : f32
      %broadcast_in_dim3A_1606 = vector.broadcast %broadcast_in_dim3A_1605 : f32 to vector<16xf32>
      %swap3A_1607 = arith.constant 16 : index
      %swap3A_1608 = tpu.vector_load %arg14[%swap3A_1607] {strides = array<i32>} : memref<96xf32, #tpu.memory_space<vmem>>, vector<16xf32>,
      tpu.vector_store %arg14[%swap3A_1607], %broadcast_in_dim3A_1606 {strides = array<i32>} : memref<96xf32, #tpu.memory_space<vmem>>, vector<16xf32>,
      %swap3A_1609 = arith.constant 16 : index
      %swap3A_1610 = tpu.vector_load %arg15[%swap3A_1609] {strides = array<i32>} : memref<96xf32, #tpu.memory_space<vmem>>, vector<16xf32>,
      tpu.vector_store %arg15[%swap3A_1609], %broadcast_in_dim3A_3 {strides = array<i32>} : memref<96xf32, #tpu.memory_space<vmem>>, vector<16xf32>,
      %broadcast_in_dim3A_1611 = arith.constant 0 : i32
      %broadcast_in_dim3A_1612 = vector.broadcast %broadcast_in_dim3A_1611 : i32 to vector<16xi32>
      %swap3A_1613 = arith.constant 16 : index
      %swap3A_1614 = tpu.vector_load %arg16[%swap3A_1613] {strides = array<i32>} : memref<96xi32, #tpu.memory_space<vmem>>, vector<16xi32>,
      tpu.vector_store %arg16[%swap3A_1613], %broadcast_in_dim3A_1612 {strides = array<i32>} : memref<96xi32, #tpu.memory_space<vmem>>, vector<16xi32>,
      %broadcast_in_dim3A_1615 = arith.constant 1.000000e+30 : f32
      %broadcast_in_dim3A_1616 = vector.broadcast %broadcast_in_dim3A_1615 : f32 to vector<16xf32>
      %swap3A_1617 = arith.constant 32 : index
      %swap3A_1618 = tpu.vector_load %arg14[%swap3A_1617] {strides = array<i32>} : memref<96xf32, #tpu.memory_space<vmem>>, vector<16xf32>,
      tpu.vector_store %arg14[%swap3A_1617], %broadcast_in_dim3A_1616 {strides = array<i32>} : memref<96xf32, #tpu.memory_space<vmem>>, vector<16xf32>,
      %swap3A_1619 = arith.constant 32 : index
      %swap3A_1620 = tpu.vector_load %arg15[%swap3A_1619] {strides = array<i32>} : memref<96xf32, #tpu.memory_space<vmem>>, vector<16xf32>,
      tpu.vector_store %arg15[%swap3A_1619], %broadcast_in_dim3A_3 {strides = array<i32>} : memref<96xf32, #tpu.memory_space<vmem>>, vector<16xf32>,
      %broadcast_in_dim3A_1621 = arith.constant 0 : i32
      %broadcast_in_dim3A_1622 = vector.broadcast %broadcast_in_dim3A_1621 : i32 to vector<16xi32>
      %swap3A_1623 = arith.constant 32 : index
      %swap3A_1624 = tpu.vector_load %arg16[%swap3A_1623] {strides = array<i32>} : memref<96xi32, #tpu.memory_space<vmem>>, vector<16xi32>,
      tpu.vector_store %arg16[%swap3A_1623], %broadcast_in_dim3A_1622 {strides = array<i32>} : memref<96xi32, #tpu.memory_space<vmem>>, vector<16xi32>,
      %broadcast_in_dim3A_1625 = arith.constant 1.000000e+30 : f32
      %broadcast_in_dim3A_1626 = vector.broadcast %broadcast_in_dim3A_1625 : f32 to vector<16xf32>
      %swap3A_1627 = arith.constant 48 : index
      %swap3A_1628 = tpu.vector_load %arg14[%swap3A_1627] {strides = array<i32>} : memref<96xf32, #tpu.memory_space<vmem>>, vector<16xf32>,
      tpu.vector_store %arg14[%swap3A_1627], %broadcast_in_dim3A_1626 {strides = array<i32>} : memref<96xf32, #tpu.memory_space<vmem>>, vector<16xf32>,
      %swap3A_1629 = arith.constant 48 : index
      %swap3A_1630 = tpu.vector_load %arg15[%swap3A_1629] {strides = array<i32>} : memref<96xf32, #tpu.memory_space<vmem>>, vector<16xf32>,
      tpu.vector_store %arg15[%swap3A_1629], %broadcast_in_dim3A_3 {strides = array<i32>} : memref<96xf32, #tpu.memory_space<vmem>>, vector<16xf32>,
      %broadcast_in_dim3A_1631 = arith.constant 0 : i32
      %broadcast_in_dim3A_1632 = vector.broadcast %broadcast_in_dim3A_1631 : i32 to vector<16xi32>
      %swap3A_1633 = arith.constant 48 : index
      %swap3A_1634 = tpu.vector_load %arg16[%swap3A_1633] {strides = array<i32>} : memref<96xi32, #tpu.memory_space<vmem>>, vector<16xi32>,
      tpu.vector_store %arg16[%swap3A_1633], %broadcast_in_dim3A_1632 {strides = array<i32>} : memref<96xi32, #tpu.memory_space<vmem>>, vector<16xi32>,
      %broadcast_in_dim3A_1635 = arith.constant 1.000000e+30 : f32
      %broadcast_in_dim3A_1636 = vector.broadcast %broadcast_in_dim3A_1635 : f32 to vector<16xf32>
      %swap3A_1637 = arith.constant 64 : index
      %swap3A_1638 = tpu.vector_load %arg14[%swap3A_1637] {strides = array<i32>} : memref<96xf32, #tpu.memory_space<vmem>>, vector<16xf32>,
      tpu.vector_store %arg14[%swap3A_1637], %broadcast_in_dim3A_1636 {strides = array<i32>} : memref<96xf32, #tpu.memory_space<vmem>>, vector<16xf32>,
      %swap3A_1639 = arith.constant 64 : index
      %swap3A_1640 = tpu.vector_load %arg15[%swap3A_1639] {strides = array<i32>} : memref<96xf32, #tpu.memory_space<vmem>>, vector<16xf32>,
      tpu.vector_store %arg15[%swap3A_1639], %broadcast_in_dim3A_3 {strides = array<i32>} : memref<96xf32, #tpu.memory_space<vmem>>, vector<16xf32>,
      %broadcast_in_dim3A_1641 = arith.constant 0 : i32
      %broadcast_in_dim3A_1642 = vector.broadcast %broadcast_in_dim3A_1641 : i32 to vector<16xi32>
      %swap3A_1643 = arith.constant 64 : index
      %swap3A_1644 = tpu.vector_load %arg16[%swap3A_1643] {strides = array<i32>} : memref<96xi32, #tpu.memory_space<vmem>>, vector<16xi32>,
      tpu.vector_store %arg16[%swap3A_1643], %broadcast_in_dim3A_1642 {strides = array<i32>} : memref<96xi32, #tpu.memory_space<vmem>>, vector<16xi32>,
      %broadcast_in_dim3A_1645 = arith.constant 1.000000e+30 : f32
      %broadcast_in_dim3A_1646 = vector.broadcast %broadcast_in_dim3A_1645 : f32 to vector<16xf32>
      %swap3A_1647 = arith.constant 80 : index
      %swap3A_1648 = tpu.vector_load %arg14[%swap3A_1647] {strides = array<i32>} : memref<96xf32, #tpu.memory_space<vmem>>, vector<16xf32>,
      tpu.vector_store %arg14[%swap3A_1647], %broadcast_in_dim3A_1646 {strides = array<i32>} : memref<96xf32, #tpu.memory_space<vmem>>, vector<16xf32>,
      %swap3A_1649 = arith.constant 80 : index
      %swap3A_1650 = tpu.vector_load %arg15[%swap3A_1649] {strides = array<i32>} : memref<96xf32, #tpu.memory_space<vmem>>, vector<16xf32>,
      tpu.vector_store %arg15[%swap3A_1649], %broadcast_in_dim3A_3 {strides = array<i32>} : memref<96xf32, #tpu.memory_space<vmem>>, vector<16xf32>,
      %broadcast_in_dim3A_1651 = arith.constant 0 : i32
      %broadcast_in_dim3A_1652 = vector.broadcast %broadcast_in_dim3A_1651 : i32 to vector<16xi32>
      %swap3A_1653 = arith.constant 80 : index
      %swap3A_1654 = tpu.vector_load %arg16[%swap3A_1653] {strides = array<i32>} : memref<96xi32, #tpu.memory_space<vmem>>, vector<16xi32>,
      tpu.vector_store %arg16[%swap3A_1653], %broadcast_in_dim3A_1652 {strides = array<i32>} : memref<96xi32, #tpu.memory_space<vmem>>, vector<16xi32>,
      %scan3A_1655 = arith.constant 0 : i32
      %scan3A_1656 = arith.constant 0 : i32
      %scan3A_1657 = arith.constant 256 : i32
      %scan3A_1658 = arith.addi %scan3A_1656, %scan3A_1657 : i32
      %scan3A_1659 = arith.constant 1 : i32
      %scan3A_1660 = scf.for %scan3A_2847 = %scan3A_1656 to %scan3A_1658 step %scan3A_1659 iter_args(%scan3A_2848 = %scan3A_1655) -> (i32)  : i32 {
        %mul3A_2849 = arith.constant 16 : i32
        %mul3A_2850 = arith.muli %scan3A_2847, %mul3A_2849 : i32
        %get3A_2851 = arith.index_cast %mul3A_2850 : i32 to index
        %get3A_2852 = tpu.vector_load %arg10[%get3A_2851] {strides = array<i32>} : memref<4096xf32, #tpu.memory_space<vmem>>, vector<16xf32>,
        %lt3A_2853 = arith.constant 1.000000e+29 : f32
        %lt3A_2854 = vector.broadcast %lt3A_2853 : f32 to vector<16xf32>
        %lt3A_2855 = arith.cmpf olt, %get3A_2852, %lt3A_2854 : vector<16xf32>
        %convert_element_type3A = arith.extui %lt3A_2855 : vector<16xi1> to vector<16xi32>
        %reduce_sum3A = arith.constant true
        %reduce_sum3A_2856 = vector.broadcast %reduce_sum3A : i1 to vector<16xi1>
        %reduce_sum3A_2857 = tpu.scan <sum>, %convert_element_type3A masked %reduce_sum3A_2856 : vector<16xi32>, vector<16xi1> -> vector<16xi32>
        %reduce_sum3A_2858 = vector.extract %reduce_sum3A_2857[15] : i32 from vector<16xi32>
        %gt3A = arith.constant 0 : i32
        %gt3A_2859 = arith.cmpi sgt, %reduce_sum3A_2858, %gt3A : i32
        %convert_element_type3A_2860 = arith.extui %gt3A_2859 : i1 to i32
        %cond3A = arith.constant 0 : i32
        %cond3A_2861 = arith.cmpi ne, %convert_element_type3A_2860, %cond3A : i32
        scf.if %cond3A_2861 {
          %min3A_2863 = arith.constant 64 : i32
          %min3A_2864 = arith.minsi %scan3A_2848, %min3A_2863 : i32
          %mul3A_2865 = arith.constant 16 : i32
          %mul3A_2866 = arith.muli %scan3A_2847, %mul3A_2865 : i32
          %get3A_2867 = arith.index_cast %mul3A_2866 : i32 to index
          %get3A_2868 = tpu.vector_load %arg11[%get3A_2867] {strides = array<i32>} : memref<4096xf32, #tpu.memory_space<vmem>>, vector<16xf32>,
          %mul3A_2869 = arith.constant 16 : i32
          %mul3A_2870 = arith.muli %scan3A_2847, %mul3A_2869 : i32
          %add3A_2871 = vector.broadcast %mul3A_2870 : i32 to vector<16xi32>
          %add3A_2872 = arith.addi %add3A_2871, %iota3A : vector<16xi32>
          %swap3A_2873 = arith.index_cast %min3A_2864 : i32 to index
          %swap3A_2874 = tpu.vector_load %arg14[%swap3A_2873] masked %lt3A_2855 {strides = array<i32>} : memref<96xf32, #tpu.memory_space<vmem>>, vector<16xf32>, vector<16xi1>
          tpu.vector_store %arg14[%swap3A_2873], %get3A_2852 masked %lt3A_2855 {strides = array<i32>} : memref<96xf32, #tpu.memory_space<vmem>>, vector<16xf32>, vector<16xi1>
          %swap3A_2875 = arith.index_cast %min3A_2864 : i32 to index
          %swap3A_2876 = tpu.vector_load %arg15[%swap3A_2875] masked %lt3A_2855 {strides = array<i32>} : memref<96xf32, #tpu.memory_space<vmem>>, vector<16xf32>, vector<16xi1>
          tpu.vector_store %arg15[%swap3A_2875], %get3A_2868 masked %lt3A_2855 {strides = array<i32>} : memref<96xf32, #tpu.memory_space<vmem>>, vector<16xf32>, vector<16xi1>
          %swap3A_2877 = arith.index_cast %min3A_2864 : i32 to index
          %swap3A_2878 = tpu.vector_load %arg16[%swap3A_2877] masked %lt3A_2855 {strides = array<i32>} : memref<96xi32, #tpu.memory_space<vmem>>, vector<16xi32>, vector<16xi1>
          tpu.vector_store %arg16[%swap3A_2877], %add3A_2872 masked %lt3A_2855 {strides = array<i32>} : memref<96xi32, #tpu.memory_space<vmem>>, vector<16xi32>, vector<16xi1>
        } else {
        }
        %add3A_2862 = arith.addi %scan3A_2848, %reduce_sum3A_2858 : i32
        scf.yield %add3A_2862 : i32
      }
      %scan3A_1661 = arith.constant 256 : i32
      %min3A = arith.constant 64 : i32
      %min3A_1662 = arith.minsi %scan3A_1660, %min3A : i32
      %get3A = arith.constant 0 : index
      %get3A_1663 = tpu.vector_load %arg14[%get3A] {strides = array<i32>} : memref<96xf32, #tpu.memory_space<vmem>>, vector<16xf32>,
      %get3A_1664 = arith.constant 0 : index
      %get3A_1665 = tpu.vector_load %arg15[%get3A_1664] {strides = array<i32>} : memref<96xf32, #tpu.memory_space<vmem>>, vector<16xf32>,
      %get3A_1666 = arith.constant 0 : index
      %get3A_1667 = tpu.vector_load %arg16[%get3A_1666] {strides = array<i32>} : memref<96xi32, #tpu.memory_space<vmem>>, vector<16xi32>,
      %lt3A = arith.constant 1.000000e+29 : f32
      %lt3A_1668 = vector.broadcast %lt3A : f32 to vector<16xf32>
      %lt3A_1669 = arith.cmpf olt, %get3A_1663, %lt3A_1668 : vector<16xf32>
      %max3A = arith.constant 0.000000e+00 : f32
      %max3A_1670 = vector.broadcast %max3A : f32 to vector<16xf32>
      %max3A_1671 = arith.maximumf %get3A_1663, %max3A_1670 : vector<16xf32>
      %gather3A_1672 = tpu.vector_load_idx %arg12[%get3A_1667] : memref<4096xf32, #tpu.memory_space<vmem>>[vector<16xi32>], vector<16xf32>,
      %exp3A_1673 = math.exp %gather3A_1672 : vector<16xf32>
      %sub3A = arith.subf %get3A_1665, %max3A_1671 : vector<16xf32>
      %mul3A_1674 = arith.mulf %exp3A_1673, %sub3A : vector<16xf32>
      %jit3A = arith.constant 0.000000e+00 : f32
      %broadcast_in_dim3A_1675 = vector.broadcast %jit3A : f32 to vector<16xf32>
      %select_n3A = arith.select %lt3A_1669, %mul3A_1674, %broadcast_in_dim3A_1675 : vector<16xi1>, vector<16xf32>
      %swap3A_1676 = arith.constant 0 : index
      %swap3A_1677 = tpu.vector_load %arg17[%swap3A_1676] {strides = array<i32>} : memref<64xf32, #tpu.memory_space<vmem>>, vector<16xf32>,
      tpu.vector_store %arg17[%swap3A_1676], %select_n3A {strides = array<i32>} : memref<64xf32, #tpu.memory_space<vmem>>, vector<16xf32>,
      %add3A_1678 = arith.addf %max3A_1671, %get3A_1665 : vector<16xf32>
      %mul3A_1679 = arith.constant 5.000000e-01 : f32
      %mul3A_1680 = vector.broadcast %mul3A_1679 : f32 to vector<16xf32>
      %mul3A_1681 = arith.mulf %mul3A_1680, %add3A_1678 : vector<16xf32>
      %jit3A_1682 = arith.constant 0.000000e+00 : f32
      %broadcast_in_dim3A_1683 = vector.broadcast %jit3A_1682 : f32 to vector<16xf32>
      %select_n3A_1684 = arith.select %lt3A_1669, %mul3A_1681, %broadcast_in_dim3A_1683 : vector<16xi1>, vector<16xf32>
      %swap3A_1685 = arith.constant 0 : index
      %swap3A_1686 = tpu.vector_load %arg18[%swap3A_1685] {strides = array<i32>} : memref<64xf32, #tpu.memory_space<vmem>>, vector<16xf32>,
      tpu.vector_store %arg18[%swap3A_1685], %select_n3A_1684 {strides = array<i32>} : memref<64xf32, #tpu.memory_space<vmem>>, vector<16xf32>,
      %get3A_1687 = arith.constant 16 : index
      %get3A_1688 = tpu.vector_load %arg14[%get3A_1687] {strides = array<i32>} : memref<96xf32, #tpu.memory_space<vmem>>, vector<16xf32>,
      %get3A_1689 = arith.constant 16 : index
      %get3A_1690 = tpu.vector_load %arg15[%get3A_1689] {strides = array<i32>} : memref<96xf32, #tpu.memory_space<vmem>>, vector<16xf32>,
      %get3A_1691 = arith.constant 16 : index
      %get3A_1692 = tpu.vector_load %arg16[%get3A_1691] {strides = array<i32>} : memref<96xi32, #tpu.memory_space<vmem>>, vector<16xi32>,
      %lt3A_1693 = arith.constant 1.000000e+29 : f32
      %lt3A_1694 = vector.broadcast %lt3A_1693 : f32 to vector<16xf32>
      %lt3A_1695 = arith.cmpf olt, %get3A_1688, %lt3A_1694 : vector<16xf32>
      %max3A_1696 = arith.constant 0.000000e+00 : f32
      %max3A_1697 = vector.broadcast %max3A_1696 : f32 to vector<16xf32>
      %max3A_1698 = arith.maximumf %get3A_1688, %max3A_1697 : vector<16xf32>
      %gather3A_1699 = tpu.vector_load_idx %arg12[%get3A_1692] : memref<4096xf32, #tpu.memory_space<vmem>>[vector<16xi32>], vector<16xf32>,
      %exp3A_1700 = math.exp %gather3A_1699 : vector<16xf32>
      %sub3A_1701 = arith.subf %get3A_1690, %max3A_1698 : vector<16xf32>
      %mul3A_1702 = arith.mulf %exp3A_1700, %sub3A_1701 : vector<16xf32>
      %jit3A_1703 = arith.constant 0.000000e+00 : f32
      %broadcast_in_dim3A_1704 = vector.broadcast %jit3A_1703 : f32 to vector<16xf32>
      %select_n3A_1705 = arith.select %lt3A_1695, %mul3A_1702, %broadcast_in_dim3A_1704 : vector<16xi1>, vector<16xf32>
      %swap3A_1706 = arith.constant 16 : index
      %swap3A_1707 = tpu.vector_load %arg17[%swap3A_1706] {strides = array<i32>} : memref<64xf32, #tpu.memory_space<vmem>>, vector<16xf32>,
      tpu.vector_store %arg17[%swap3A_1706], %select_n3A_1705 {strides = array<i32>} : memref<64xf32, #tpu.memory_space<vmem>>, vector<16xf32>,
      %add3A_1708 = arith.addf %max3A_1698, %get3A_1690 : vector<16xf32>
      %mul3A_1709 = arith.constant 5.000000e-01 : f32
      %mul3A_1710 = vector.broadcast %mul3A_1709 : f32 to vector<16xf32>
      %mul3A_1711 = arith.mulf %mul3A_1710, %add3A_1708 : vector<16xf32>
      %jit3A_1712 = arith.constant 0.000000e+00 : f32
      %broadcast_in_dim3A_1713 = vector.broadcast %jit3A_1712 : f32 to vector<16xf32>
      %select_n3A_1714 = arith.select %lt3A_1695, %mul3A_1711, %broadcast_in_dim3A_1713 : vector<16xi1>, vector<16xf32>
      %swap3A_1715 = arith.constant 16 : index
      %swap3A_1716 = tpu.vector_load %arg18[%swap3A_1715] {strides = array<i32>} : memref<64xf32, #tpu.memory_space<vmem>>, vector<16xf32>,
      tpu.vector_store %arg18[%swap3A_1715], %select_n3A_1714 {strides = array<i32>} : memref<64xf32, #tpu.memory_space<vmem>>, vector<16xf32>,
      %get3A_1717 = arith.constant 32 : index
      %get3A_1718 = tpu.vector_load %arg14[%get3A_1717] {strides = array<i32>} : memref<96xf32, #tpu.memory_space<vmem>>, vector<16xf32>,
      %get3A_1719 = arith.constant 32 : index
      %get3A_1720 = tpu.vector_load %arg15[%get3A_1719] {strides = array<i32>} : memref<96xf32, #tpu.memory_space<vmem>>, vector<16xf32>,
      %get3A_1721 = arith.constant 32 : index
      %get3A_1722 = tpu.vector_load %arg16[%get3A_1721] {strides = array<i32>} : memref<96xi32, #tpu.memory_space<vmem>>, vector<16xi32>,
      %lt3A_1723 = arith.constant 1.000000e+29 : f32
      %lt3A_1724 = vector.broadcast %lt3A_1723 : f32 to vector<16xf32>
      %lt3A_1725 = arith.cmpf olt, %get3A_1718, %lt3A_1724 : vector<16xf32>
      %max3A_1726 = arith.constant 0.000000e+00 : f32
      %max3A_1727 = vector.broadcast %max3A_1726 : f32 to vector<16xf32>
      %max3A_1728 = arith.maximumf %get3A_1718, %max3A_1727 : vector<16xf32>
      %gather3A_1729 = tpu.vector_load_idx %arg12[%get3A_1722] : memref<4096xf32, #tpu.memory_space<vmem>>[vector<16xi32>], vector<16xf32>,
      %exp3A_1730 = math.exp %gather3A_1729 : vector<16xf32>
      %sub3A_1731 = arith.subf %get3A_1720, %max3A_1728 : vector<16xf32>
      %mul3A_1732 = arith.mulf %exp3A_1730, %sub3A_1731 : vector<16xf32>
      %jit3A_1733 = arith.constant 0.000000e+00 : f32
      %broadcast_in_dim3A_1734 = vector.broadcast %jit3A_1733 : f32 to vector<16xf32>
      %select_n3A_1735 = arith.select %lt3A_1725, %mul3A_1732, %broadcast_in_dim3A_1734 : vector<16xi1>, vector<16xf32>
      %swap3A_1736 = arith.constant 32 : index
      %swap3A_1737 = tpu.vector_load %arg17[%swap3A_1736] {strides = array<i32>} : memref<64xf32, #tpu.memory_space<vmem>>, vector<16xf32>,
      tpu.vector_store %arg17[%swap3A_1736], %select_n3A_1735 {strides = array<i32>} : memref<64xf32, #tpu.memory_space<vmem>>, vector<16xf32>,
      %add3A_1738 = arith.addf %max3A_1728, %get3A_1720 : vector<16xf32>
      %mul3A_1739 = arith.constant 5.000000e-01 : f32
      %mul3A_1740 = vector.broadcast %mul3A_1739 : f32 to vector<16xf32>
      %mul3A_1741 = arith.mulf %mul3A_1740, %add3A_1738 : vector<16xf32>
      %jit3A_1742 = arith.constant 0.000000e+00 : f32
      %broadcast_in_dim3A_1743 = vector.broadcast %jit3A_1742 : f32 to vector<16xf32>
      %select_n3A_1744 = arith.select %lt3A_1725, %mul3A_1741, %broadcast_in_dim3A_1743 : vector<16xi1>, vector<16xf32>
      %swap3A_1745 = arith.constant 32 : index
      %swap3A_1746 = tpu.vector_load %arg18[%swap3A_1745] {strides = array<i32>} : memref<64xf32, #tpu.memory_space<vmem>>, vector<16xf32>,
      tpu.vector_store %arg18[%swap3A_1745], %select_n3A_1744 {strides = array<i32>} : memref<64xf32, #tpu.memory_space<vmem>>, vector<16xf32>,
      %get3A_1747 = arith.constant 48 : index
      %get3A_1748 = tpu.vector_load %arg14[%get3A_1747] {strides = array<i32>} : memref<96xf32, #tpu.memory_space<vmem>>, vector<16xf32>,
      %get3A_1749 = arith.constant 48 : index
      %get3A_1750 = tpu.vector_load %arg15[%get3A_1749] {strides = array<i32>} : memref<96xf32, #tpu.memory_space<vmem>>, vector<16xf32>,
      %get3A_1751 = arith.constant 48 : index
      %get3A_1752 = tpu.vector_load %arg16[%get3A_1751] {strides = array<i32>} : memref<96xi32, #tpu.memory_space<vmem>>, vector<16xi32>,
      %lt3A_1753 = arith.constant 1.000000e+29 : f32
      %lt3A_1754 = vector.broadcast %lt3A_1753 : f32 to vector<16xf32>
      %lt3A_1755 = arith.cmpf olt, %get3A_1748, %lt3A_1754 : vector<16xf32>
      %max3A_1756 = arith.constant 0.000000e+00 : f32
      %max3A_1757 = vector.broadcast %max3A_1756 : f32 to vector<16xf32>
      %max3A_1758 = arith.maximumf %get3A_1748, %max3A_1757 : vector<16xf32>
      %gather3A_1759 = tpu.vector_load_idx %arg12[%get3A_1752] : memref<4096xf32, #tpu.memory_space<vmem>>[vector<16xi32>], vector<16xf32>,
      %exp3A_1760 = math.exp %gather3A_1759 : vector<16xf32>
      %sub3A_1761 = arith.subf %get3A_1750, %max3A_1758 : vector<16xf32>
      %mul3A_1762 = arith.mulf %exp3A_1760, %sub3A_1761 : vector<16xf32>
      %jit3A_1763 = arith.constant 0.000000e+00 : f32
      %broadcast_in_dim3A_1764 = vector.broadcast %jit3A_1763 : f32 to vector<16xf32>
      %select_n3A_1765 = arith.select %lt3A_1755, %mul3A_1762, %broadcast_in_dim3A_1764 : vector<16xi1>, vector<16xf32>
      %swap3A_1766 = arith.constant 48 : index
      %swap3A_1767 = tpu.vector_load %arg17[%swap3A_1766] {strides = array<i32>} : memref<64xf32, #tpu.memory_space<vmem>>, vector<16xf32>,
      tpu.vector_store %arg17[%swap3A_1766], %select_n3A_1765 {strides = array<i32>} : memref<64xf32, #tpu.memory_space<vmem>>, vector<16xf32>,
      %add3A_1768 = arith.addf %max3A_1758, %get3A_1750 : vector<16xf32>
      %mul3A_1769 = arith.constant 5.000000e-01 : f32
      %mul3A_1770 = vector.broadcast %mul3A_1769 : f32 to vector<16xf32>
      %mul3A_1771 = arith.mulf %mul3A_1770, %add3A_1768 : vector<16xf32>
      %jit3A_1772 = arith.constant 0.000000e+00 : f32
      %broadcast_in_dim3A_1773 = vector.broadcast %jit3A_1772 : f32 to vector<16xf32>
      %select_n3A_1774 = arith.select %lt3A_1755, %mul3A_1771, %broadcast_in_dim3A_1773 : vector<16xi1>, vector<16xf32>
      %swap3A_1775 = arith.constant 48 : index
      %swap3A_1776 = tpu.vector_load %arg18[%swap3A_1775] {strides = array<i32>} : memref<64xf32, #tpu.memory_space<vmem>>, vector<16xf32>,
      tpu.vector_store %arg18[%swap3A_1775], %select_n3A_1774 {strides = array<i32>} : memref<64xf32, #tpu.memory_space<vmem>>, vector<16xf32>,
      %get3A_1777 = arith.constant 0 : index
      %get3A_1778 = tpu.vector_load %arg14[%get3A_1777] {strides = array<i32>} : memref<96xf32, #tpu.memory_space<vmem>>, vector<16xf32>,
      %get3A_1779 = arith.constant 16 : index
      %get3A_1780 = tpu.vector_load %arg14[%get3A_1779] {strides = array<i32>} : memref<96xf32, #tpu.memory_space<vmem>>, vector<16xf32>,
      %get3A_1781 = arith.constant 32 : index
      %get3A_1782 = tpu.vector_load %arg14[%get3A_1781] {strides = array<i32>} : memref<96xf32, #tpu.memory_space<vmem>>, vector<16xf32>,
      %get3A_1783 = arith.constant 48 : index
      %get3A_1784 = tpu.vector_load %arg14[%get3A_1783] {strides = array<i32>} : memref<96xf32, #tpu.memory_space<vmem>>, vector<16xf32>,
      %get3A_1785 = arith.constant 0 : index
      %get3A_1786 = tpu.vector_load %arg16[%get3A_1785] {strides = array<i32>} : memref<96xi32, #tpu.memory_space<vmem>>, vector<16xi32>,
      %get3A_1787 = arith.constant 16 : index
      %get3A_1788 = tpu.vector_load %arg16[%get3A_1787] {strides = array<i32>} : memref<96xi32, #tpu.memory_space<vmem>>, vector<16xi32>,
      %get3A_1789 = arith.constant 32 : index
      %get3A_1790 = tpu.vector_load %arg16[%get3A_1789] {strides = array<i32>} : memref<96xi32, #tpu.memory_space<vmem>>, vector<16xi32>,
      %get3A_1791 = arith.constant 48 : index
      %get3A_1792 = tpu.vector_load %arg16[%get3A_1791] {strides = array<i32>} : memref<96xi32, #tpu.memory_space<vmem>>, vector<16xi32>,
      %while3A = arith.constant 0 : i32
      %while3A_1793 = arith.subi %min3A_1662, %while3A : i32
      %while3A_1794 = arith.addi %while3A, %while3A_1793 : i32
      %while3A_1795 = arith.constant 1 : i32
      %while3A_1796 = arith.divsi %while3A_1793, %while3A_1795 : i32
      %while3A_1797 = arith.muli %while3A_1796, %while3A_1795 : i32
      %while3A_1798 = arith.addi %while3A, %while3A_1797 : i32
      %while3A_1799 = arith.constant 1 : i32
      %while3A_1800:4 = scf.for %while3A_2847 = %while3A to %while3A_1798 step %while3A_1799 iter_args(%while3A_2848 = %broadcast_in_dim3A_3, %while3A_2849 = %broadcast_in_dim3A_3, %while3A_2850 = %broadcast_in_dim3A_3, %while3A_2851 = %broadcast_in_dim3A_3) -> (vector<16xf32>, vector<16xf32>, vector<16xf32>, vector<16xf32>)  : i32 {
        %broadcast_in_dim3A_2852 = vector.broadcast %while3A_2847 : i32 to vector<16xi32>
        %gather3A_2853 = tpu.vector_load_idx %arg14[%broadcast_in_dim3A_2852] : memref<96xf32, #tpu.memory_space<vmem>>[vector<16xi32>], vector<16xf32>,
        %gather3A_2854 = tpu.vector_load_idx %arg17[%broadcast_in_dim3A_2852] : memref<64xf32, #tpu.memory_space<vmem>>[vector<16xi32>], vector<16xf32>,
        %gather3A_2855 = tpu.vector_load_idx %arg16[%broadcast_in_dim3A_2852] : memref<96xi32, #tpu.memory_space<vmem>>[vector<16xi32>], vector<16xi32>,
        %lt3A_2856 = arith.cmpf olt, %gather3A_2853, %get3A_1778 : vector<16xf32>
        %eq3A = arith.cmpf oeq, %gather3A_2853, %get3A_1778 : vector<16xf32>
        %lt3A_2857 = arith.cmpi slt, %gather3A_2855, %get3A_1786 : vector<16xi32>
        %and3A = arith.andi %eq3A, %lt3A_2857 : vector<16xi1>
        %or3A = arith.ori %lt3A_2856, %and3A : vector<16xi1>
        %jit3A_2858 = arith.constant 0.000000e+00 : f32
        %broadcast_in_dim3A_2859 = vector.broadcast %jit3A_2858 : f32 to vector<16xf32>
        %select_n3A_2860 = arith.select %or3A, %gather3A_2854, %broadcast_in_dim3A_2859 : vector<16xi1>, vector<16xf32>
        %add3A_2861 = arith.addf %while3A_2848, %select_n3A_2860 : vector<16xf32>
        %lt3A_2862 = arith.cmpf olt, %gather3A_2853, %get3A_1780 : vector<16xf32>
        %eq3A_2863 = arith.cmpf oeq, %gather3A_2853, %get3A_1780 : vector<16xf32>
        %lt3A_2864 = arith.cmpi slt, %gather3A_2855, %get3A_1788 : vector<16xi32>
        %and3A_2865 = arith.andi %eq3A_2863, %lt3A_2864 : vector<16xi1>
        %or3A_2866 = arith.ori %lt3A_2862, %and3A_2865 : vector<16xi1>
        %jit3A_2867 = arith.constant 0.000000e+00 : f32
        %broadcast_in_dim3A_2868 = vector.broadcast %jit3A_2867 : f32 to vector<16xf32>
        %select_n3A_2869 = arith.select %or3A_2866, %gather3A_2854, %broadcast_in_dim3A_2868 : vector<16xi1>, vector<16xf32>
        %add3A_2870 = arith.addf %while3A_2849, %select_n3A_2869 : vector<16xf32>
        %lt3A_2871 = arith.cmpf olt, %gather3A_2853, %get3A_1782 : vector<16xf32>
        %eq3A_2872 = arith.cmpf oeq, %gather3A_2853, %get3A_1782 : vector<16xf32>
        %lt3A_2873 = arith.cmpi slt, %gather3A_2855, %get3A_1790 : vector<16xi32>
        %and3A_2874 = arith.andi %eq3A_2872, %lt3A_2873 : vector<16xi1>
        %or3A_2875 = arith.ori %lt3A_2871, %and3A_2874 : vector<16xi1>
        %jit3A_2876 = arith.constant 0.000000e+00 : f32
        %broadcast_in_dim3A_2877 = vector.broadcast %jit3A_2876 : f32 to vector<16xf32>
        %select_n3A_2878 = arith.select %or3A_2875, %gather3A_2854, %broadcast_in_dim3A_2877 : vector<16xi1>, vector<16xf32>
        %add3A_2879 = arith.addf %while3A_2850, %select_n3A_2878 : vector<16xf32>
        %lt3A_2880 = arith.cmpf olt, %gather3A_2853, %get3A_1784 : vector<16xf32>
        %eq3A_2881 = arith.cmpf oeq, %gather3A_2853, %get3A_1784 : vector<16xf32>
        %lt3A_2882 = arith.cmpi slt, %gather3A_2855, %get3A_1792 : vector<16xi32>
        %and3A_2883 = arith.andi %eq3A_2881, %lt3A_2882 : vector<16xi1>
        %or3A_2884 = arith.ori %lt3A_2880, %and3A_2883 : vector<16xi1>
        %jit3A_2885 = arith.constant 0.000000e+00 : f32
        %broadcast_in_dim3A_2886 = vector.broadcast %jit3A_2885 : f32 to vector<16xf32>
        %select_n3A_2887 = arith.select %or3A_2884, %gather3A_2854, %broadcast_in_dim3A_2886 : vector<16xi1>, vector<16xf32>
        %add3A_2888 = arith.addf %while3A_2851, %select_n3A_2887 : vector<16xf32>
        scf.yield %add3A_2861, %add3A_2870, %add3A_2879, %add3A_2888 : vector<16xf32>, vector<16xf32>, vector<16xf32>, vector<16xf32>
      }
      %while3A_1801 = arith.constant 1 : i32
      %while3A_1802:4 = scf.for %while3A_2847 = %while3A_1798 to %while3A_1794 step %while3A_1801 iter_args(%while3A_2848 = %while3A_1800#0, %while3A_2849 = %while3A_1800#1, %while3A_2850 = %while3A_1800#2, %while3A_2851 = %while3A_1800#3) -> (vector<16xf32>, vector<16xf32>, vector<16xf32>, vector<16xf32>)  : i32 {
        %broadcast_in_dim3A_2852 = vector.broadcast %while3A_2847 : i32 to vector<16xi32>
        %gather3A_2853 = tpu.vector_load_idx %arg14[%broadcast_in_dim3A_2852] : memref<96xf32, #tpu.memory_space<vmem>>[vector<16xi32>], vector<16xf32>,
        %gather3A_2854 = tpu.vector_load_idx %arg17[%broadcast_in_dim3A_2852] : memref<64xf32, #tpu.memory_space<vmem>>[vector<16xi32>], vector<16xf32>,
        %gather3A_2855 = tpu.vector_load_idx %arg16[%broadcast_in_dim3A_2852] : memref<96xi32, #tpu.memory_space<vmem>>[vector<16xi32>], vector<16xi32>,
        %lt3A_2856 = arith.cmpf olt, %gather3A_2853, %get3A_1778 : vector<16xf32>
        %eq3A = arith.cmpf oeq, %gather3A_2853, %get3A_1778 : vector<16xf32>
        %lt3A_2857 = arith.cmpi slt, %gather3A_2855, %get3A_1786 : vector<16xi32>
        %and3A = arith.andi %eq3A, %lt3A_2857 : vector<16xi1>
        %or3A = arith.ori %lt3A_2856, %and3A : vector<16xi1>
        %jit3A_2858 = arith.constant 0.000000e+00 : f32
        %broadcast_in_dim3A_2859 = vector.broadcast %jit3A_2858 : f32 to vector<16xf32>
        %select_n3A_2860 = arith.select %or3A, %gather3A_2854, %broadcast_in_dim3A_2859 : vector<16xi1>, vector<16xf32>
        %add3A_2861 = arith.addf %while3A_2848, %select_n3A_2860 : vector<16xf32>
        %lt3A_2862 = arith.cmpf olt, %gather3A_2853, %get3A_1780 : vector<16xf32>
        %eq3A_2863 = arith.cmpf oeq, %gather3A_2853, %get3A_1780 : vector<16xf32>
        %lt3A_2864 = arith.cmpi slt, %gather3A_2855, %get3A_1788 : vector<16xi32>
        %and3A_2865 = arith.andi %eq3A_2863, %lt3A_2864 : vector<16xi1>
        %or3A_2866 = arith.ori %lt3A_2862, %and3A_2865 : vector<16xi1>
        %jit3A_2867 = arith.constant 0.000000e+00 : f32
        %broadcast_in_dim3A_2868 = vector.broadcast %jit3A_2867 : f32 to vector<16xf32>
        %select_n3A_2869 = arith.select %or3A_2866, %gather3A_2854, %broadcast_in_dim3A_2868 : vector<16xi1>, vector<16xf32>
        %add3A_2870 = arith.addf %while3A_2849, %select_n3A_2869 : vector<16xf32>
        %lt3A_2871 = arith.cmpf olt, %gather3A_2853, %get3A_1782 : vector<16xf32>
        %eq3A_2872 = arith.cmpf oeq, %gather3A_2853, %get3A_1782 : vector<16xf32>
        %lt3A_2873 = arith.cmpi slt, %gather3A_2855, %get3A_1790 : vector<16xi32>
        %and3A_2874 = arith.andi %eq3A_2872, %lt3A_2873 : vector<16xi1>
        %or3A_2875 = arith.ori %lt3A_2871, %and3A_2874 : vector<16xi1>
        %jit3A_2876 = arith.constant 0.000000e+00 : f32
        %broadcast_in_dim3A_2877 = vector.broadcast %jit3A_2876 : f32 to vector<16xf32>
        %select_n3A_2878 = arith.select %or3A_2875, %gather3A_2854, %broadcast_in_dim3A_2877 : vector<16xi1>, vector<16xf32>
        %add3A_2879 = arith.addf %while3A_2850, %select_n3A_2878 : vector<16xf32>
        %lt3A_2880 = arith.cmpf olt, %gather3A_2853, %get3A_1784 : vector<16xf32>
        %eq3A_2881 = arith.cmpf oeq, %gather3A_2853, %get3A_1784 : vector<16xf32>
        %lt3A_2882 = arith.cmpi slt, %gather3A_2855, %get3A_1792 : vector<16xi32>
        %and3A_2883 = arith.andi %eq3A_2881, %lt3A_2882 : vector<16xi1>
        %or3A_2884 = arith.ori %lt3A_2880, %and3A_2883 : vector<16xi1>
        %jit3A_2885 = arith.constant 0.000000e+00 : f32
        %broadcast_in_dim3A_2886 = vector.broadcast %jit3A_2885 : f32 to vector<16xf32>
        %select_n3A_2887 = arith.select %or3A_2884, %gather3A_2854, %broadcast_in_dim3A_2886 : vector<16xi1>, vector<16xf32>
        %add3A_2888 = arith.addf %while3A_2851, %select_n3A_2887 : vector<16xf32>
        scf.yield %add3A_2861, %add3A_2870, %add3A_2879, %add3A_2888 : vector<16xf32>, vector<16xf32>, vector<16xf32>, vector<16xf32>
      }
      %broadcast_in_dim3A_1803 = arith.constant 1.000000e+00 : f32
      %broadcast_in_dim3A_1804 = vector.broadcast %broadcast_in_dim3A_1803 : f32 to vector<16xf32>
      %broadcast_in_dim3A_1805 = arith.constant 1 : i32
      %broadcast_in_dim3A_1806 = vector.broadcast %broadcast_in_dim3A_1805 : i32 to vector<16xi32>
      %gather3A_1807 = tpu.vector_load_idx %arg13[%broadcast_in_dim3A_1806] : memref<16xf32, #tpu.memory_space<vmem>>[vector<16xi32>], vector<16xf32>,
      %broadcast_in_dim3A_1808 = arith.constant 2 : i32
      %broadcast_in_dim3A_1809 = vector.broadcast %broadcast_in_dim3A_1808 : i32 to vector<16xi32>
      %gather3A_1810 = tpu.vector_load_idx %arg13[%broadcast_in_dim3A_1809] : memref<16xf32, #tpu.memory_space<vmem>>[vector<16xi32>], vector<16xf32>,
      %broadcast_in_dim3A_1811 = arith.constant 3 : i32
      %broadcast_in_dim3A_1812 = vector.broadcast %broadcast_in_dim3A_1811 : i32 to vector<16xi32>
      %gather3A_1813 = tpu.vector_load_idx %arg13[%broadcast_in_dim3A_1812] : memref<16xf32, #tpu.memory_space<vmem>>[vector<16xi32>], vector<16xf32>,
      %broadcast_in_dim3A_1814 = arith.constant 4 : i32
      %broadcast_in_dim3A_1815 = vector.broadcast %broadcast_in_dim3A_1814 : i32 to vector<16xi32>
      %gather3A_1816 = tpu.vector_load_idx %arg13[%broadcast_in_dim3A_1815] : memref<16xf32, #tpu.memory_space<vmem>>[vector<16xi32>], vector<16xf32>,
      %broadcast_in_dim3A_1817 = arith.constant 5 : i32
      %broadcast_in_dim3A_1818 = vector.broadcast %broadcast_in_dim3A_1817 : i32 to vector<16xi32>
      %gather3A_1819 = tpu.vector_load_idx %arg13[%broadcast_in_dim3A_1818] : memref<16xf32, #tpu.memory_space<vmem>>[vector<16xi32>], vector<16xf32>,
      %broadcast_in_dim3A_1820 = arith.constant 6 : i32
      %broadcast_in_dim3A_1821 = vector.broadcast %broadcast_in_dim3A_1820 : i32 to vector<16xi32>
      %gather3A_1822 = tpu.vector_load_idx %arg13[%broadcast_in_dim3A_1821] : memref<16xf32, #tpu.memory_space<vmem>>[vector<16xi32>], vector<16xf32>,
      %broadcast_in_dim3A_1823 = arith.constant 7 : i32
      %broadcast_in_dim3A_1824 = vector.broadcast %broadcast_in_dim3A_1823 : i32 to vector<16xi32>
      %gather3A_1825 = tpu.vector_load_idx %arg13[%broadcast_in_dim3A_1824] : memref<16xf32, #tpu.memory_space<vmem>>[vector<16xi32>], vector<16xf32>,
      %broadcast_in_dim3A_1826 = arith.constant 8 : i32
      %broadcast_in_dim3A_1827 = vector.broadcast %broadcast_in_dim3A_1826 : i32 to vector<16xi32>
      %gather3A_1828 = tpu.vector_load_idx %arg13[%broadcast_in_dim3A_1827] : memref<16xf32, #tpu.memory_space<vmem>>[vector<16xi32>], vector<16xf32>,
      %get3A_1829 = arith.constant 0 : index
      %get3A_1830 = tpu.vector_load %arg17[%get3A_1829] {strides = array<i32>} : memref<64xf32, #tpu.memory_space<vmem>>, vector<16xf32>,
      %neg3A_1831 = arith.constant 0.000000e+00 : f32
      %neg3A_1832 = vector.broadcast %neg3A_1831 : f32 to vector<16xf32>
      %neg3A_1833 = arith.subf %neg3A_1832, %while3A_1802#0 : vector<16xf32>
      %exp3A_1834 = math.exp %neg3A_1833 : vector<16xf32>
      %neg3A_1835 = arith.constant 0.000000e+00 : f32
      %neg3A_1836 = vector.broadcast %neg3A_1835 : f32 to vector<16xf32>
      %neg3A_1837 = arith.subf %neg3A_1836, %get3A_1830 : vector<16xf32>
      %exp3A_1838 = math.exp %neg3A_1837 : vector<16xf32>
      %mul3A_1839 = arith.mulf %exp3A_1834, %exp3A_1838 : vector<16xf32>
      %sub3A_1840 = arith.subf %exp3A_1834, %mul3A_1839 : vector<16xf32>
      %get3A_1841 = arith.constant 0 : index
      %get3A_1842 = tpu.vector_load %arg16[%get3A_1841] {strides = array<i32>} : memref<96xi32, #tpu.memory_space<vmem>>, vector<16xi32>,
      %mul3A_1843 = arith.constant 27 : i32
      %mul3A_1844 = vector.broadcast %mul3A_1843 : i32 to vector<16xi32>
      %mul3A_1845 = arith.muli %get3A_1842, %mul3A_1844 : vector<16xi32>
      %add3A_1846 = arith.constant 0 : i32
      %add3A_1847 = vector.broadcast %add3A_1846 : i32 to vector<16xi32>
      %add3A_1848 = arith.addi %mul3A_1845, %add3A_1847 : vector<16xi32>
      %gather3A_1849 = tpu.vector_load_idx %arg19[%add3A_1848] : memref<110592xf32, #tpu.memory_space<vmem>>[vector<16xi32>], vector<16xf32>,
      %mul3A_1850 = arith.mulf %broadcast_in_dim3A_1804, %gather3A_1849 : vector<16xf32>
      %add3A_1851 = arith.addf %broadcast_in_dim3A_3, %mul3A_1850 : vector<16xf32>
      %add3A_1852 = arith.constant 1 : i32
      %add3A_1853 = vector.broadcast %add3A_1852 : i32 to vector<16xi32>
      %add3A_1854 = arith.addi %mul3A_1845, %add3A_1853 : vector<16xi32>
      %gather3A_1855 = tpu.vector_load_idx %arg19[%add3A_1854] : memref<110592xf32, #tpu.memory_space<vmem>>[vector<16xi32>], vector<16xf32>,
      %mul3A_1856 = arith.mulf %gather3A_1807, %gather3A_1855 : vector<16xf32>
      %add3A_1857 = arith.addf %add3A_1851, %mul3A_1856 : vector<16xf32>
      %add3A_1858 = arith.constant 2 : i32
      %add3A_1859 = vector.broadcast %add3A_1858 : i32 to vector<16xi32>
      %add3A_1860 = arith.addi %mul3A_1845, %add3A_1859 : vector<16xi32>
      %gather3A_1861 = tpu.vector_load_idx %arg19[%add3A_1860] : memref<110592xf32, #tpu.memory_space<vmem>>[vector<16xi32>], vector<16xf32>,
      %mul3A_1862 = arith.mulf %gather3A_1810, %gather3A_1861 : vector<16xf32>
      %add3A_1863 = arith.addf %add3A_1857, %mul3A_1862 : vector<16xf32>
      %add3A_1864 = arith.constant 3 : i32
      %add3A_1865 = vector.broadcast %add3A_1864 : i32 to vector<16xi32>
      %add3A_1866 = arith.addi %mul3A_1845, %add3A_1865 : vector<16xi32>
      %gather3A_1867 = tpu.vector_load_idx %arg19[%add3A_1866] : memref<110592xf32, #tpu.memory_space<vmem>>[vector<16xi32>], vector<16xf32>,
      %mul3A_1868 = arith.mulf %gather3A_1813, %gather3A_1867 : vector<16xf32>
      %add3A_1869 = arith.addf %add3A_1863, %mul3A_1868 : vector<16xf32>
      %add3A_1870 = arith.constant 4 : i32
      %add3A_1871 = vector.broadcast %add3A_1870 : i32 to vector<16xi32>
      %add3A_1872 = arith.addi %mul3A_1845, %add3A_1871 : vector<16xi32>
      %gather3A_1873 = tpu.vector_load_idx %arg19[%add3A_1872] : memref<110592xf32, #tpu.memory_space<vmem>>[vector<16xi32>], vector<16xf32>,
      %mul3A_1874 = arith.mulf %gather3A_1816, %gather3A_1873 : vector<16xf32>
      %add3A_1875 = arith.addf %add3A_1869, %mul3A_1874 : vector<16xf32>
      %add3A_1876 = arith.constant 5 : i32
      %add3A_1877 = vector.broadcast %add3A_1876 : i32 to vector<16xi32>
      %add3A_1878 = arith.addi %mul3A_1845, %add3A_1877 : vector<16xi32>
      %gather3A_1879 = tpu.vector_load_idx %arg19[%add3A_1878] : memref<110592xf32, #tpu.memory_space<vmem>>[vector<16xi32>], vector<16xf32>,
      %mul3A_1880 = arith.mulf %gather3A_1819, %gather3A_1879 : vector<16xf32>
      %add3A_1881 = arith.addf %add3A_1875, %mul3A_1880 : vector<16xf32>
      %add3A_1882 = arith.constant 6 : i32
      %add3A_1883 = vector.broadcast %add3A_1882 : i32 to vector<16xi32>
      %add3A_1884 = arith.addi %mul3A_1845, %add3A_1883 : vector<16xi32>
      %gather3A_1885 = tpu.vector_load_idx %arg19[%add3A_1884] : memref<110592xf32, #tpu.memory_space<vmem>>[vector<16xi32>], vector<16xf32>,
      %mul3A_1886 = arith.mulf %gather3A_1822, %gather3A_1885 : vector<16xf32>
      %add3A_1887 = arith.addf %add3A_1881, %mul3A_1886 : vector<16xf32>
      %add3A_1888 = arith.constant 7 : i32
      %add3A_1889 = vector.broadcast %add3A_1888 : i32 to vector<16xi32>
      %add3A_1890 = arith.addi %mul3A_1845, %add3A_1889 : vector<16xi32>
      %gather3A_1891 = tpu.vector_load_idx %arg19[%add3A_1890] : memref<110592xf32, #tpu.memory_space<vmem>>[vector<16xi32>], vector<16xf32>,
      %mul3A_1892 = arith.mulf %gather3A_1825, %gather3A_1891 : vector<16xf32>
      %add3A_1893 = arith.addf %add3A_1887, %mul3A_1892 : vector<16xf32>
      %add3A_1894 = arith.constant 8 : i32
      %add3A_1895 = vector.broadcast %add3A_1894 : i32 to vector<16xi32>
      %add3A_1896 = arith.addi %mul3A_1845, %add3A_1895 : vector<16xi32>
      %gather3A_1897 = tpu.vector_load_idx %arg19[%add3A_1896] : memref<110592xf32, #tpu.memory_space<vmem>>[vector<16xi32>], vector<16xf32>,
      %mul3A_1898 = arith.mulf %gather3A_1828, %gather3A_1897 : vector<16xf32>
      %add3A_1899 = arith.addf %add3A_1893, %mul3A_1898 : vector<16xf32>
      %neg3A_1900 = arith.constant 0.000000e+00 : f32
      %neg3A_1901 = vector.broadcast %neg3A_1900 : f32 to vector<16xf32>
      %neg3A_1902 = arith.subf %neg3A_1901, %add3A_1899 : vector<16xf32>
      %exp3A_1903 = math.exp %neg3A_1902 : vector<16xf32>
      %add3A_1904 = arith.constant 1.000000e+00 : f32
      %add3A_1905 = vector.broadcast %add3A_1904 : f32 to vector<16xf32>
      %add3A_1906 = arith.addf %add3A_1905, %exp3A_1903 : vector<16xf32>
      %div3A = arith.constant 1.000000e+00 : f32
      %div3A_1907 = vector.broadcast %div3A : f32 to vector<16xf32>
      %div3A_1908 = arith.divf %div3A_1907, %add3A_1906 : vector<16xf32>
      %mul3A_1909 = arith.mulf %add3A_1906, %div3A_1908 : vector<16xf32>
      %sub3A_1910 = arith.constant 2.000000e+00 : f32
      %sub3A_1911 = vector.broadcast %sub3A_1910 : f32 to vector<16xf32>
      %sub3A_1912 = arith.subf %sub3A_1911, %mul3A_1909 : vector<16xf32>
      %mul3A_1913 = arith.mulf %div3A_1908, %sub3A_1912 : vector<16xf32>
      %mul3A_1914 = arith.mulf %add3A_1906, %mul3A_1913 : vector<16xf32>
      %sub3A_1915 = arith.constant 2.000000e+00 : f32
      %sub3A_1916 = vector.broadcast %sub3A_1915 : f32 to vector<16xf32>
      %sub3A_1917 = arith.subf %sub3A_1916, %mul3A_1914 : vector<16xf32>
      %mul3A_1918 = arith.mulf %mul3A_1913, %sub3A_1917 : vector<16xf32>
      %add3A_1919 = arith.constant 9 : i32
      %add3A_1920 = vector.broadcast %add3A_1919 : i32 to vector<16xi32>
      %add3A_1921 = arith.addi %mul3A_1845, %add3A_1920 : vector<16xi32>
      %gather3A_1922 = tpu.vector_load_idx %arg19[%add3A_1921] : memref<110592xf32, #tpu.memory_space<vmem>>[vector<16xi32>], vector<16xf32>,
      %mul3A_1923 = arith.mulf %broadcast_in_dim3A_1804, %gather3A_1922 : vector<16xf32>
      %add3A_1924 = arith.addf %broadcast_in_dim3A_3, %mul3A_1923 : vector<16xf32>
      %add3A_1925 = arith.constant 10 : i32
      %add3A_1926 = vector.broadcast %add3A_1925 : i32 to vector<16xi32>
      %add3A_1927 = arith.addi %mul3A_1845, %add3A_1926 : vector<16xi32>
      %gather3A_1928 = tpu.vector_load_idx %arg19[%add3A_1927] : memref<110592xf32, #tpu.memory_space<vmem>>[vector<16xi32>], vector<16xf32>,
      %mul3A_1929 = arith.mulf %gather3A_1807, %gather3A_1928 : vector<16xf32>
      %add3A_1930 = arith.addf %add3A_1924, %mul3A_1929 : vector<16xf32>
      %add3A_1931 = arith.constant 11 : i32
      %add3A_1932 = vector.broadcast %add3A_1931 : i32 to vector<16xi32>
      %add3A_1933 = arith.addi %mul3A_1845, %add3A_1932 : vector<16xi32>
      %gather3A_1934 = tpu.vector_load_idx %arg19[%add3A_1933] : memref<110592xf32, #tpu.memory_space<vmem>>[vector<16xi32>], vector<16xf32>,
      %mul3A_1935 = arith.mulf %gather3A_1810, %gather3A_1934 : vector<16xf32>
      %add3A_1936 = arith.addf %add3A_1930, %mul3A_1935 : vector<16xf32>
      %add3A_1937 = arith.constant 12 : i32
      %add3A_1938 = vector.broadcast %add3A_1937 : i32 to vector<16xi32>
      %add3A_1939 = arith.addi %mul3A_1845, %add3A_1938 : vector<16xi32>
      %gather3A_1940 = tpu.vector_load_idx %arg19[%add3A_1939] : memref<110592xf32, #tpu.memory_space<vmem>>[vector<16xi32>], vector<16xf32>,
      %mul3A_1941 = arith.mulf %gather3A_1813, %gather3A_1940 : vector<16xf32>
      %add3A_1942 = arith.addf %add3A_1936, %mul3A_1941 : vector<16xf32>
      %add3A_1943 = arith.constant 13 : i32
      %add3A_1944 = vector.broadcast %add3A_1943 : i32 to vector<16xi32>
      %add3A_1945 = arith.addi %mul3A_1845, %add3A_1944 : vector<16xi32>
      %gather3A_1946 = tpu.vector_load_idx %arg19[%add3A_1945] : memref<110592xf32, #tpu.memory_space<vmem>>[vector<16xi32>], vector<16xf32>,
      %mul3A_1947 = arith.mulf %gather3A_1816, %gather3A_1946 : vector<16xf32>
      %add3A_1948 = arith.addf %add3A_1942, %mul3A_1947 : vector<16xf32>
      %add3A_1949 = arith.constant 14 : i32
      %add3A_1950 = vector.broadcast %add3A_1949 : i32 to vector<16xi32>
      %add3A_1951 = arith.addi %mul3A_1845, %add3A_1950 : vector<16xi32>
      %gather3A_1952 = tpu.vector_load_idx %arg19[%add3A_1951] : memref<110592xf32, #tpu.memory_space<vmem>>[vector<16xi32>], vector<16xf32>,
      %mul3A_1953 = arith.mulf %gather3A_1819, %gather3A_1952 : vector<16xf32>
      %add3A_1954 = arith.addf %add3A_1948, %mul3A_1953 : vector<16xf32>
      %add3A_1955 = arith.constant 15 : i32
      %add3A_1956 = vector.broadcast %add3A_1955 : i32 to vector<16xi32>
      %add3A_1957 = arith.addi %mul3A_1845, %add3A_1956 : vector<16xi32>
      %gather3A_1958 = tpu.vector_load_idx %arg19[%add3A_1957] : memref<110592xf32, #tpu.memory_space<vmem>>[vector<16xi32>], vector<16xf32>,
      %mul3A_1959 = arith.mulf %gather3A_1822, %gather3A_1958 : vector<16xf32>
      %add3A_1960 = arith.addf %add3A_1954, %mul3A_1959 : vector<16xf32>
      %add3A_1961 = arith.constant 16 : i32
      %add3A_1962 = vector.broadcast %add3A_1961 : i32 to vector<16xi32>
      %add3A_1963 = arith.addi %mul3A_1845, %add3A_1962 : vector<16xi32>
      %gather3A_1964 = tpu.vector_load_idx %arg19[%add3A_1963] : memref<110592xf32, #tpu.memory_space<vmem>>[vector<16xi32>], vector<16xf32>,
      %mul3A_1965 = arith.mulf %gather3A_1825, %gather3A_1964 : vector<16xf32>
      %add3A_1966 = arith.addf %add3A_1960, %mul3A_1965 : vector<16xf32>
      %add3A_1967 = arith.constant 17 : i32
      %add3A_1968 = vector.broadcast %add3A_1967 : i32 to vector<16xi32>
      %add3A_1969 = arith.addi %mul3A_1845, %add3A_1968 : vector<16xi32>
      %gather3A_1970 = tpu.vector_load_idx %arg19[%add3A_1969] : memref<110592xf32, #tpu.memory_space<vmem>>[vector<16xi32>], vector<16xf32>,
      %mul3A_1971 = arith.mulf %gather3A_1828, %gather3A_1970 : vector<16xf32>
      %add3A_1972 = arith.addf %add3A_1966, %mul3A_1971 : vector<16xf32>
      %neg3A_1973 = arith.constant 0.000000e+00 : f32
      %neg3A_1974 = vector.broadcast %neg3A_1973 : f32 to vector<16xf32>
      %neg3A_1975 = arith.subf %neg3A_1974, %add3A_1972 : vector<16xf32>
      %exp3A_1976 = math.exp %neg3A_1975 : vector<16xf32>
      %add3A_1977 = arith.constant 1.000000e+00 : f32
      %add3A_1978 = vector.broadcast %add3A_1977 : f32 to vector<16xf32>
      %add3A_1979 = arith.addf %add3A_1978, %exp3A_1976 : vector<16xf32>
      %div3A_1980 = arith.constant 1.000000e+00 : f32
      %div3A_1981 = vector.broadcast %div3A_1980 : f32 to vector<16xf32>
      %div3A_1982 = arith.divf %div3A_1981, %add3A_1979 : vector<16xf32>
      %mul3A_1983 = arith.mulf %add3A_1979, %div3A_1982 : vector<16xf32>
      %sub3A_1984 = arith.constant 2.000000e+00 : f32
      %sub3A_1985 = vector.broadcast %sub3A_1984 : f32 to vector<16xf32>
      %sub3A_1986 = arith.subf %sub3A_1985, %mul3A_1983 : vector<16xf32>
      %mul3A_1987 = arith.mulf %div3A_1982, %sub3A_1986 : vector<16xf32>
      %mul3A_1988 = arith.mulf %add3A_1979, %mul3A_1987 : vector<16xf32>
      %sub3A_1989 = arith.constant 2.000000e+00 : f32
      %sub3A_1990 = vector.broadcast %sub3A_1989 : f32 to vector<16xf32>
      %sub3A_1991 = arith.subf %sub3A_1990, %mul3A_1988 : vector<16xf32>
      %mul3A_1992 = arith.mulf %mul3A_1987, %sub3A_1991 : vector<16xf32>
      %add3A_1993 = arith.constant 18 : i32
      %add3A_1994 = vector.broadcast %add3A_1993 : i32 to vector<16xi32>
      %add3A_1995 = arith.addi %mul3A_1845, %add3A_1994 : vector<16xi32>
      %gather3A_1996 = tpu.vector_load_idx %arg19[%add3A_1995] : memref<110592xf32, #tpu.memory_space<vmem>>[vector<16xi32>], vector<16xf32>,
      %mul3A_1997 = arith.mulf %broadcast_in_dim3A_1804, %gather3A_1996 : vector<16xf32>
      %add3A_1998 = arith.addf %broadcast_in_dim3A_3, %mul3A_1997 : vector<16xf32>
      %add3A_1999 = arith.constant 19 : i32
      %add3A_2000 = vector.broadcast %add3A_1999 : i32 to vector<16xi32>
      %add3A_2001 = arith.addi %mul3A_1845, %add3A_2000 : vector<16xi32>
      %gather3A_2002 = tpu.vector_load_idx %arg19[%add3A_2001] : memref<110592xf32, #tpu.memory_space<vmem>>[vector<16xi32>], vector<16xf32>,
      %mul3A_2003 = arith.mulf %gather3A_1807, %gather3A_2002 : vector<16xf32>
      %add3A_2004 = arith.addf %add3A_1998, %mul3A_2003 : vector<16xf32>
      %add3A_2005 = arith.constant 20 : i32
      %add3A_2006 = vector.broadcast %add3A_2005 : i32 to vector<16xi32>
      %add3A_2007 = arith.addi %mul3A_1845, %add3A_2006 : vector<16xi32>
      %gather3A_2008 = tpu.vector_load_idx %arg19[%add3A_2007] : memref<110592xf32, #tpu.memory_space<vmem>>[vector<16xi32>], vector<16xf32>,
      %mul3A_2009 = arith.mulf %gather3A_1810, %gather3A_2008 : vector<16xf32>
      %add3A_2010 = arith.addf %add3A_2004, %mul3A_2009 : vector<16xf32>
      %add3A_2011 = arith.constant 21 : i32
      %add3A_2012 = vector.broadcast %add3A_2011 : i32 to vector<16xi32>
      %add3A_2013 = arith.addi %mul3A_1845, %add3A_2012 : vector<16xi32>
      %gather3A_2014 = tpu.vector_load_idx %arg19[%add3A_2013] : memref<110592xf32, #tpu.memory_space<vmem>>[vector<16xi32>], vector<16xf32>,
      %mul3A_2015 = arith.mulf %gather3A_1813, %gather3A_2014 : vector<16xf32>
      %add3A_2016 = arith.addf %add3A_2010, %mul3A_2015 : vector<16xf32>
      %add3A_2017 = arith.constant 22 : i32
      %add3A_2018 = vector.broadcast %add3A_2017 : i32 to vector<16xi32>
      %add3A_2019 = arith.addi %mul3A_1845, %add3A_2018 : vector<16xi32>
      %gather3A_2020 = tpu.vector_load_idx %arg19[%add3A_2019] : memref<110592xf32, #tpu.memory_space<vmem>>[vector<16xi32>], vector<16xf32>,
      %mul3A_2021 = arith.mulf %gather3A_1816, %gather3A_2020 : vector<16xf32>
      %add3A_2022 = arith.addf %add3A_2016, %mul3A_2021 : vector<16xf32>
      %add3A_2023 = arith.constant 23 : i32
      %add3A_2024 = vector.broadcast %add3A_2023 : i32 to vector<16xi32>
      %add3A_2025 = arith.addi %mul3A_1845, %add3A_2024 : vector<16xi32>
      %gather3A_2026 = tpu.vector_load_idx %arg19[%add3A_2025] : memref<110592xf32, #tpu.memory_space<vmem>>[vector<16xi32>], vector<16xf32>,
      %mul3A_2027 = arith.mulf %gather3A_1819, %gather3A_2026 : vector<16xf32>
      %add3A_2028 = arith.addf %add3A_2022, %mul3A_2027 : vector<16xf32>
      %add3A_2029 = arith.constant 24 : i32
      %add3A_2030 = vector.broadcast %add3A_2029 : i32 to vector<16xi32>
      %add3A_2031 = arith.addi %mul3A_1845, %add3A_2030 : vector<16xi32>
      %gather3A_2032 = tpu.vector_load_idx %arg19[%add3A_2031] : memref<110592xf32, #tpu.memory_space<vmem>>[vector<16xi32>], vector<16xf32>,
      %mul3A_2033 = arith.mulf %gather3A_1822, %gather3A_2032 : vector<16xf32>
      %add3A_2034 = arith.addf %add3A_2028, %mul3A_2033 : vector<16xf32>
      %add3A_2035 = arith.constant 25 : i32
      %add3A_2036 = vector.broadcast %add3A_2035 : i32 to vector<16xi32>
      %add3A_2037 = arith.addi %mul3A_1845, %add3A_2036 : vector<16xi32>
      %gather3A_2038 = tpu.vector_load_idx %arg19[%add3A_2037] : memref<110592xf32, #tpu.memory_space<vmem>>[vector<16xi32>], vector<16xf32>,
      %mul3A_2039 = arith.mulf %gather3A_1825, %gather3A_2038 : vector<16xf32>
      %add3A_2040 = arith.addf %add3A_2034, %mul3A_2039 : vector<16xf32>
      %add3A_2041 = arith.constant 26 : i32
      %add3A_2042 = vector.broadcast %add3A_2041 : i32 to vector<16xi32>
      %add3A_2043 = arith.addi %mul3A_1845, %add3A_2042 : vector<16xi32>
      %gather3A_2044 = tpu.vector_load_idx %arg19[%add3A_2043] : memref<110592xf32, #tpu.memory_space<vmem>>[vector<16xi32>], vector<16xf32>,
      %mul3A_2045 = arith.mulf %gather3A_1828, %gather3A_2044 : vector<16xf32>
      %add3A_2046 = arith.addf %add3A_2040, %mul3A_2045 : vector<16xf32>
      %neg3A_2047 = arith.constant 0.000000e+00 : f32
      %neg3A_2048 = vector.broadcast %neg3A_2047 : f32 to vector<16xf32>
      %neg3A_2049 = arith.subf %neg3A_2048, %add3A_2046 : vector<16xf32>
      %exp3A_2050 = math.exp %neg3A_2049 : vector<16xf32>
      %add3A_2051 = arith.constant 1.000000e+00 : f32
      %add3A_2052 = vector.broadcast %add3A_2051 : f32 to vector<16xf32>
      %add3A_2053 = arith.addf %add3A_2052, %exp3A_2050 : vector<16xf32>
      %div3A_2054 = arith.constant 1.000000e+00 : f32
      %div3A_2055 = vector.broadcast %div3A_2054 : f32 to vector<16xf32>
      %div3A_2056 = arith.divf %div3A_2055, %add3A_2053 : vector<16xf32>
      %mul3A_2057 = arith.mulf %add3A_2053, %div3A_2056 : vector<16xf32>
      %sub3A_2058 = arith.constant 2.000000e+00 : f32
      %sub3A_2059 = vector.broadcast %sub3A_2058 : f32 to vector<16xf32>
      %sub3A_2060 = arith.subf %sub3A_2059, %mul3A_2057 : vector<16xf32>
      %mul3A_2061 = arith.mulf %div3A_2056, %sub3A_2060 : vector<16xf32>
      %mul3A_2062 = arith.mulf %add3A_2053, %mul3A_2061 : vector<16xf32>
      %sub3A_2063 = arith.constant 2.000000e+00 : f32
      %sub3A_2064 = vector.broadcast %sub3A_2063 : f32 to vector<16xf32>
      %sub3A_2065 = arith.subf %sub3A_2064, %mul3A_2062 : vector<16xf32>
      %mul3A_2066 = arith.mulf %mul3A_2061, %sub3A_2065 : vector<16xf32>
      %mul3A_2067 = arith.mulf %sub3A_1840, %mul3A_1918 : vector<16xf32>
      %add3A_2068 = arith.addf %broadcast_in_dim3A_3, %mul3A_2067 : vector<16xf32>
      %mul3A_2069 = arith.mulf %sub3A_1840, %mul3A_1992 : vector<16xf32>
      %add3A_2070 = arith.addf %broadcast_in_dim3A_3, %mul3A_2069 : vector<16xf32>
      %mul3A_2071 = arith.mulf %sub3A_1840, %mul3A_2066 : vector<16xf32>
      %add3A_2072 = arith.addf %broadcast_in_dim3A_3, %mul3A_2071 : vector<16xf32>
      %get3A_2073 = arith.constant 0 : index
      %get3A_2074 = tpu.vector_load %arg18[%get3A_2073] {strides = array<i32>} : memref<64xf32, #tpu.memory_space<vmem>>, vector<16xf32>,
      %mul3A_2075 = arith.mulf %sub3A_1840, %get3A_2074 : vector<16xf32>
      %add3A_2076 = arith.addf %broadcast_in_dim3A_3, %mul3A_2075 : vector<16xf32>
      %add3A_2077 = arith.addf %broadcast_in_dim3A_3, %sub3A_1840 : vector<16xf32>
      %add3A_2078 = arith.addf %broadcast_in_dim3A_3, %get3A_1830 : vector<16xf32>
      %get3A_2079 = arith.constant 16 : index
      %get3A_2080 = tpu.vector_load %arg17[%get3A_2079] {strides = array<i32>} : memref<64xf32, #tpu.memory_space<vmem>>, vector<16xf32>,
      %neg3A_2081 = arith.constant 0.000000e+00 : f32
      %neg3A_2082 = vector.broadcast %neg3A_2081 : f32 to vector<16xf32>
      %neg3A_2083 = arith.subf %neg3A_2082, %while3A_1802#1 : vector<16xf32>
      %exp3A_2084 = math.exp %neg3A_2083 : vector<16xf32>
      %neg3A_2085 = arith.constant 0.000000e+00 : f32
      %neg3A_2086 = vector.broadcast %neg3A_2085 : f32 to vector<16xf32>
      %neg3A_2087 = arith.subf %neg3A_2086, %get3A_2080 : vector<16xf32>
      %exp3A_2088 = math.exp %neg3A_2087 : vector<16xf32>
      %mul3A_2089 = arith.mulf %exp3A_2084, %exp3A_2088 : vector<16xf32>
      %sub3A_2090 = arith.subf %exp3A_2084, %mul3A_2089 : vector<16xf32>
      %get3A_2091 = arith.constant 16 : index
      %get3A_2092 = tpu.vector_load %arg16[%get3A_2091] {strides = array<i32>} : memref<96xi32, #tpu.memory_space<vmem>>, vector<16xi32>,
      %mul3A_2093 = arith.constant 27 : i32
      %mul3A_2094 = vector.broadcast %mul3A_2093 : i32 to vector<16xi32>
      %mul3A_2095 = arith.muli %get3A_2092, %mul3A_2094 : vector<16xi32>
      %add3A_2096 = arith.constant 0 : i32
      %add3A_2097 = vector.broadcast %add3A_2096 : i32 to vector<16xi32>
      %add3A_2098 = arith.addi %mul3A_2095, %add3A_2097 : vector<16xi32>
      %gather3A_2099 = tpu.vector_load_idx %arg19[%add3A_2098] : memref<110592xf32, #tpu.memory_space<vmem>>[vector<16xi32>], vector<16xf32>,
      %mul3A_2100 = arith.mulf %broadcast_in_dim3A_1804, %gather3A_2099 : vector<16xf32>
      %add3A_2101 = arith.addf %broadcast_in_dim3A_3, %mul3A_2100 : vector<16xf32>
      %add3A_2102 = arith.constant 1 : i32
      %add3A_2103 = vector.broadcast %add3A_2102 : i32 to vector<16xi32>
      %add3A_2104 = arith.addi %mul3A_2095, %add3A_2103 : vector<16xi32>
      %gather3A_2105 = tpu.vector_load_idx %arg19[%add3A_2104] : memref<110592xf32, #tpu.memory_space<vmem>>[vector<16xi32>], vector<16xf32>,
      %mul3A_2106 = arith.mulf %gather3A_1807, %gather3A_2105 : vector<16xf32>
      %add3A_2107 = arith.addf %add3A_2101, %mul3A_2106 : vector<16xf32>
      %add3A_2108 = arith.constant 2 : i32
      %add3A_2109 = vector.broadcast %add3A_2108 : i32 to vector<16xi32>
      %add3A_2110 = arith.addi %mul3A_2095, %add3A_2109 : vector<16xi32>
      %gather3A_2111 = tpu.vector_load_idx %arg19[%add3A_2110] : memref<110592xf32, #tpu.memory_space<vmem>>[vector<16xi32>], vector<16xf32>,
      %mul3A_2112 = arith.mulf %gather3A_1810, %gather3A_2111 : vector<16xf32>
      %add3A_2113 = arith.addf %add3A_2107, %mul3A_2112 : vector<16xf32>
      %add3A_2114 = arith.constant 3 : i32
      %add3A_2115 = vector.broadcast %add3A_2114 : i32 to vector<16xi32>
      %add3A_2116 = arith.addi %mul3A_2095, %add3A_2115 : vector<16xi32>
      %gather3A_2117 = tpu.vector_load_idx %arg19[%add3A_2116] : memref<110592xf32, #tpu.memory_space<vmem>>[vector<16xi32>], vector<16xf32>,
      %mul3A_2118 = arith.mulf %gather3A_1813, %gather3A_2117 : vector<16xf32>
      %add3A_2119 = arith.addf %add3A_2113, %mul3A_2118 : vector<16xf32>
      %add3A_2120 = arith.constant 4 : i32
      %add3A_2121 = vector.broadcast %add3A_2120 : i32 to vector<16xi32>
      %add3A_2122 = arith.addi %mul3A_2095, %add3A_2121 : vector<16xi32>
      %gather3A_2123 = tpu.vector_load_idx %arg19[%add3A_2122] : memref<110592xf32, #tpu.memory_space<vmem>>[vector<16xi32>], vector<16xf32>,
      %mul3A_2124 = arith.mulf %gather3A_1816, %gather3A_2123 : vector<16xf32>
      %add3A_2125 = arith.addf %add3A_2119, %mul3A_2124 : vector<16xf32>
      %add3A_2126 = arith.constant 5 : i32
      %add3A_2127 = vector.broadcast %add3A_2126 : i32 to vector<16xi32>
      %add3A_2128 = arith.addi %mul3A_2095, %add3A_2127 : vector<16xi32>
      %gather3A_2129 = tpu.vector_load_idx %arg19[%add3A_2128] : memref<110592xf32, #tpu.memory_space<vmem>>[vector<16xi32>], vector<16xf32>,
      %mul3A_2130 = arith.mulf %gather3A_1819, %gather3A_2129 : vector<16xf32>
      %add3A_2131 = arith.addf %add3A_2125, %mul3A_2130 : vector<16xf32>
      %add3A_2132 = arith.constant 6 : i32
      %add3A_2133 = vector.broadcast %add3A_2132 : i32 to vector<16xi32>
      %add3A_2134 = arith.addi %mul3A_2095, %add3A_2133 : vector<16xi32>
      %gather3A_2135 = tpu.vector_load_idx %arg19[%add3A_2134] : memref<110592xf32, #tpu.memory_space<vmem>>[vector<16xi32>], vector<16xf32>,
      %mul3A_2136 = arith.mulf %gather3A_1822, %gather3A_2135 : vector<16xf32>
      %add3A_2137 = arith.addf %add3A_2131, %mul3A_2136 : vector<16xf32>
      %add3A_2138 = arith.constant 7 : i32
      %add3A_2139 = vector.broadcast %add3A_2138 : i32 to vector<16xi32>
      %add3A_2140 = arith.addi %mul3A_2095, %add3A_2139 : vector<16xi32>
      %gather3A_2141 = tpu.vector_load_idx %arg19[%add3A_2140] : memref<110592xf32, #tpu.memory_space<vmem>>[vector<16xi32>], vector<16xf32>,
      %mul3A_2142 = arith.mulf %gather3A_1825, %gather3A_2141 : vector<16xf32>
      %add3A_2143 = arith.addf %add3A_2137, %mul3A_2142 : vector<16xf32>
      %add3A_2144 = arith.constant 8 : i32
      %add3A_2145 = vector.broadcast %add3A_2144 : i32 to vector<16xi32>
      %add3A_2146 = arith.addi %mul3A_2095, %add3A_2145 : vector<16xi32>
      %gather3A_2147 = tpu.vector_load_idx %arg19[%add3A_2146] : memref<110592xf32, #tpu.memory_space<vmem>>[vector<16xi32>], vector<16xf32>,
      %mul3A_2148 = arith.mulf %gather3A_1828, %gather3A_2147 : vector<16xf32>
      %add3A_2149 = arith.addf %add3A_2143, %mul3A_2148 : vector<16xf32>
      %neg3A_2150 = arith.constant 0.000000e+00 : f32
      %neg3A_2151 = vector.broadcast %neg3A_2150 : f32 to vector<16xf32>
      %neg3A_2152 = arith.subf %neg3A_2151, %add3A_2149 : vector<16xf32>
      %exp3A_2153 = math.exp %neg3A_2152 : vector<16xf32>
      %add3A_2154 = arith.constant 1.000000e+00 : f32
      %add3A_2155 = vector.broadcast %add3A_2154 : f32 to vector<16xf32>
      %add3A_2156 = arith.addf %add3A_2155, %exp3A_2153 : vector<16xf32>
      %div3A_2157 = arith.constant 1.000000e+00 : f32
      %div3A_2158 = vector.broadcast %div3A_2157 : f32 to vector<16xf32>
      %div3A_2159 = arith.divf %div3A_2158, %add3A_2156 : vector<16xf32>
      %mul3A_2160 = arith.mulf %add3A_2156, %div3A_2159 : vector<16xf32>
      %sub3A_2161 = arith.constant 2.000000e+00 : f32
      %sub3A_2162 = vector.broadcast %sub3A_2161 : f32 to vector<16xf32>
      %sub3A_2163 = arith.subf %sub3A_2162, %mul3A_2160 : vector<16xf32>
      %mul3A_2164 = arith.mulf %div3A_2159, %sub3A_2163 : vector<16xf32>
      %mul3A_2165 = arith.mulf %add3A_2156, %mul3A_2164 : vector<16xf32>
      %sub3A_2166 = arith.constant 2.000000e+00 : f32
      %sub3A_2167 = vector.broadcast %sub3A_2166 : f32 to vector<16xf32>
      %sub3A_2168 = arith.subf %sub3A_2167, %mul3A_2165 : vector<16xf32>
      %mul3A_2169 = arith.mulf %mul3A_2164, %sub3A_2168 : vector<16xf32>
      %add3A_2170 = arith.constant 9 : i32
      %add3A_2171 = vector.broadcast %add3A_2170 : i32 to vector<16xi32>
      %add3A_2172 = arith.addi %mul3A_2095, %add3A_2171 : vector<16xi32>
      %gather3A_2173 = tpu.vector_load_idx %arg19[%add3A_2172] : memref<110592xf32, #tpu.memory_space<vmem>>[vector<16xi32>], vector<16xf32>,
      %mul3A_2174 = arith.mulf %broadcast_in_dim3A_1804, %gather3A_2173 : vector<16xf32>
      %add3A_2175 = arith.addf %broadcast_in_dim3A_3, %mul3A_2174 : vector<16xf32>
      %add3A_2176 = arith.constant 10 : i32
      %add3A_2177 = vector.broadcast %add3A_2176 : i32 to vector<16xi32>
      %add3A_2178 = arith.addi %mul3A_2095, %add3A_2177 : vector<16xi32>
      %gather3A_2179 = tpu.vector_load_idx %arg19[%add3A_2178] : memref<110592xf32, #tpu.memory_space<vmem>>[vector<16xi32>], vector<16xf32>,
      %mul3A_2180 = arith.mulf %gather3A_1807, %gather3A_2179 : vector<16xf32>
      %add3A_2181 = arith.addf %add3A_2175, %mul3A_2180 : vector<16xf32>
      %add3A_2182 = arith.constant 11 : i32
      %add3A_2183 = vector.broadcast %add3A_2182 : i32 to vector<16xi32>
      %add3A_2184 = arith.addi %mul3A_2095, %add3A_2183 : vector<16xi32>
      %gather3A_2185 = tpu.vector_load_idx %arg19[%add3A_2184] : memref<110592xf32, #tpu.memory_space<vmem>>[vector<16xi32>], vector<16xf32>,
      %mul3A_2186 = arith.mulf %gather3A_1810, %gather3A_2185 : vector<16xf32>
      %add3A_2187 = arith.addf %add3A_2181, %mul3A_2186 : vector<16xf32>
      %add3A_2188 = arith.constant 12 : i32
      %add3A_2189 = vector.broadcast %add3A_2188 : i32 to vector<16xi32>
      %add3A_2190 = arith.addi %mul3A_2095, %add3A_2189 : vector<16xi32>
      %gather3A_2191 = tpu.vector_load_idx %arg19[%add3A_2190] : memref<110592xf32, #tpu.memory_space<vmem>>[vector<16xi32>], vector<16xf32>,
      %mul3A_2192 = arith.mulf %gather3A_1813, %gather3A_2191 : vector<16xf32>
      %add3A_2193 = arith.addf %add3A_2187, %mul3A_2192 : vector<16xf32>
      %add3A_2194 = arith.constant 13 : i32
      %add3A_2195 = vector.broadcast %add3A_2194 : i32 to vector<16xi32>
      %add3A_2196 = arith.addi %mul3A_2095, %add3A_2195 : vector<16xi32>
      %gather3A_2197 = tpu.vector_load_idx %arg19[%add3A_2196] : memref<110592xf32, #tpu.memory_space<vmem>>[vector<16xi32>], vector<16xf32>,
      %mul3A_2198 = arith.mulf %gather3A_1816, %gather3A_2197 : vector<16xf32>
      %add3A_2199 = arith.addf %add3A_2193, %mul3A_2198 : vector<16xf32>
      %add3A_2200 = arith.constant 14 : i32
      %add3A_2201 = vector.broadcast %add3A_2200 : i32 to vector<16xi32>
      %add3A_2202 = arith.addi %mul3A_2095, %add3A_2201 : vector<16xi32>
      %gather3A_2203 = tpu.vector_load_idx %arg19[%add3A_2202] : memref<110592xf32, #tpu.memory_space<vmem>>[vector<16xi32>], vector<16xf32>,
      %mul3A_2204 = arith.mulf %gather3A_1819, %gather3A_2203 : vector<16xf32>
      %add3A_2205 = arith.addf %add3A_2199, %mul3A_2204 : vector<16xf32>
      %add3A_2206 = arith.constant 15 : i32
      %add3A_2207 = vector.broadcast %add3A_2206 : i32 to vector<16xi32>
      %add3A_2208 = arith.addi %mul3A_2095, %add3A_2207 : vector<16xi32>
      %gather3A_2209 = tpu.vector_load_idx %arg19[%add3A_2208] : memref<110592xf32, #tpu.memory_space<vmem>>[vector<16xi32>], vector<16xf32>,
      %mul3A_2210 = arith.mulf %gather3A_1822, %gather3A_2209 : vector<16xf32>
      %add3A_2211 = arith.addf %add3A_2205, %mul3A_2210 : vector<16xf32>
      %add3A_2212 = arith.constant 16 : i32
      %add3A_2213 = vector.broadcast %add3A_2212 : i32 to vector<16xi32>
      %add3A_2214 = arith.addi %mul3A_2095, %add3A_2213 : vector<16xi32>
      %gather3A_2215 = tpu.vector_load_idx %arg19[%add3A_2214] : memref<110592xf32, #tpu.memory_space<vmem>>[vector<16xi32>], vector<16xf32>,
      %mul3A_2216 = arith.mulf %gather3A_1825, %gather3A_2215 : vector<16xf32>
      %add3A_2217 = arith.addf %add3A_2211, %mul3A_2216 : vector<16xf32>
      %add3A_2218 = arith.constant 17 : i32
      %add3A_2219 = vector.broadcast %add3A_2218 : i32 to vector<16xi32>
      %add3A_2220 = arith.addi %mul3A_2095, %add3A_2219 : vector<16xi32>
      %gather3A_2221 = tpu.vector_load_idx %arg19[%add3A_2220] : memref<110592xf32, #tpu.memory_space<vmem>>[vector<16xi32>], vector<16xf32>,
      %mul3A_2222 = arith.mulf %gather3A_1828, %gather3A_2221 : vector<16xf32>
      %add3A_2223 = arith.addf %add3A_2217, %mul3A_2222 : vector<16xf32>
      %neg3A_2224 = arith.constant 0.000000e+00 : f32
      %neg3A_2225 = vector.broadcast %neg3A_2224 : f32 to vector<16xf32>
      %neg3A_2226 = arith.subf %neg3A_2225, %add3A_2223 : vector<16xf32>
      %exp3A_2227 = math.exp %neg3A_2226 : vector<16xf32>
      %add3A_2228 = arith.constant 1.000000e+00 : f32
      %add3A_2229 = vector.broadcast %add3A_2228 : f32 to vector<16xf32>
      %add3A_2230 = arith.addf %add3A_2229, %exp3A_2227 : vector<16xf32>
      %div3A_2231 = arith.constant 1.000000e+00 : f32
      %div3A_2232 = vector.broadcast %div3A_2231 : f32 to vector<16xf32>
      %div3A_2233 = arith.divf %div3A_2232, %add3A_2230 : vector<16xf32>
      %mul3A_2234 = arith.mulf %add3A_2230, %div3A_2233 : vector<16xf32>
      %sub3A_2235 = arith.constant 2.000000e+00 : f32
      %sub3A_2236 = vector.broadcast %sub3A_2235 : f32 to vector<16xf32>
      %sub3A_2237 = arith.subf %sub3A_2236, %mul3A_2234 : vector<16xf32>
      %mul3A_2238 = arith.mulf %div3A_2233, %sub3A_2237 : vector<16xf32>
      %mul3A_2239 = arith.mulf %add3A_2230, %mul3A_2238 : vector<16xf32>
      %sub3A_2240 = arith.constant 2.000000e+00 : f32
      %sub3A_2241 = vector.broadcast %sub3A_2240 : f32 to vector<16xf32>
      %sub3A_2242 = arith.subf %sub3A_2241, %mul3A_2239 : vector<16xf32>
      %mul3A_2243 = arith.mulf %mul3A_2238, %sub3A_2242 : vector<16xf32>
      %add3A_2244 = arith.constant 18 : i32
      %add3A_2245 = vector.broadcast %add3A_2244 : i32 to vector<16xi32>
      %add3A_2246 = arith.addi %mul3A_2095, %add3A_2245 : vector<16xi32>
      %gather3A_2247 = tpu.vector_load_idx %arg19[%add3A_2246] : memref<110592xf32, #tpu.memory_space<vmem>>[vector<16xi32>], vector<16xf32>,
      %mul3A_2248 = arith.mulf %broadcast_in_dim3A_1804, %gather3A_2247 : vector<16xf32>
      %add3A_2249 = arith.addf %broadcast_in_dim3A_3, %mul3A_2248 : vector<16xf32>
      %add3A_2250 = arith.constant 19 : i32
      %add3A_2251 = vector.broadcast %add3A_2250 : i32 to vector<16xi32>
      %add3A_2252 = arith.addi %mul3A_2095, %add3A_2251 : vector<16xi32>
      %gather3A_2253 = tpu.vector_load_idx %arg19[%add3A_2252] : memref<110592xf32, #tpu.memory_space<vmem>>[vector<16xi32>], vector<16xf32>,
      %mul3A_2254 = arith.mulf %gather3A_1807, %gather3A_2253 : vector<16xf32>
      %add3A_2255 = arith.addf %add3A_2249, %mul3A_2254 : vector<16xf32>
      %add3A_2256 = arith.constant 20 : i32
      %add3A_2257 = vector.broadcast %add3A_2256 : i32 to vector<16xi32>
      %add3A_2258 = arith.addi %mul3A_2095, %add3A_2257 : vector<16xi32>
      %gather3A_2259 = tpu.vector_load_idx %arg19[%add3A_2258] : memref<110592xf32, #tpu.memory_space<vmem>>[vector<16xi32>], vector<16xf32>,
      %mul3A_2260 = arith.mulf %gather3A_1810, %gather3A_2259 : vector<16xf32>
      %add3A_2261 = arith.addf %add3A_2255, %mul3A_2260 : vector<16xf32>
      %add3A_2262 = arith.constant 21 : i32
      %add3A_2263 = vector.broadcast %add3A_2262 : i32 to vector<16xi32>
      %add3A_2264 = arith.addi %mul3A_2095, %add3A_2263 : vector<16xi32>
      %gather3A_2265 = tpu.vector_load_idx %arg19[%add3A_2264] : memref<110592xf32, #tpu.memory_space<vmem>>[vector<16xi32>], vector<16xf32>,
      %mul3A_2266 = arith.mulf %gather3A_1813, %gather3A_2265 : vector<16xf32>
      %add3A_2267 = arith.addf %add3A_2261, %mul3A_2266 : vector<16xf32>
      %add3A_2268 = arith.constant 22 : i32
      %add3A_2269 = vector.broadcast %add3A_2268 : i32 to vector<16xi32>
      %add3A_2270 = arith.addi %mul3A_2095, %add3A_2269 : vector<16xi32>
      %gather3A_2271 = tpu.vector_load_idx %arg19[%add3A_2270] : memref<110592xf32, #tpu.memory_space<vmem>>[vector<16xi32>], vector<16xf32>,
      %mul3A_2272 = arith.mulf %gather3A_1816, %gather3A_2271 : vector<16xf32>
      %add3A_2273 = arith.addf %add3A_2267, %mul3A_2272 : vector<16xf32>
      %add3A_2274 = arith.constant 23 : i32
      %add3A_2275 = vector.broadcast %add3A_2274 : i32 to vector<16xi32>
      %add3A_2276 = arith.addi %mul3A_2095, %add3A_2275 : vector<16xi32>
      %gather3A_2277 = tpu.vector_load_idx %arg19[%add3A_2276] : memref<110592xf32, #tpu.memory_space<vmem>>[vector<16xi32>], vector<16xf32>,
      %mul3A_2278 = arith.mulf %gather3A_1819, %gather3A_2277 : vector<16xf32>
      %add3A_2279 = arith.addf %add3A_2273, %mul3A_2278 : vector<16xf32>
      %add3A_2280 = arith.constant 24 : i32
      %add3A_2281 = vector.broadcast %add3A_2280 : i32 to vector<16xi32>
      %add3A_2282 = arith.addi %mul3A_2095, %add3A_2281 : vector<16xi32>
      %gather3A_2283 = tpu.vector_load_idx %arg19[%add3A_2282] : memref<110592xf32, #tpu.memory_space<vmem>>[vector<16xi32>], vector<16xf32>,
      %mul3A_2284 = arith.mulf %gather3A_1822, %gather3A_2283 : vector<16xf32>
      %add3A_2285 = arith.addf %add3A_2279, %mul3A_2284 : vector<16xf32>
      %add3A_2286 = arith.constant 25 : i32
      %add3A_2287 = vector.broadcast %add3A_2286 : i32 to vector<16xi32>
      %add3A_2288 = arith.addi %mul3A_2095, %add3A_2287 : vector<16xi32>
      %gather3A_2289 = tpu.vector_load_idx %arg19[%add3A_2288] : memref<110592xf32, #tpu.memory_space<vmem>>[vector<16xi32>], vector<16xf32>,
      %mul3A_2290 = arith.mulf %gather3A_1825, %gather3A_2289 : vector<16xf32>
      %add3A_2291 = arith.addf %add3A_2285, %mul3A_2290 : vector<16xf32>
      %add3A_2292 = arith.constant 26 : i32
      %add3A_2293 = vector.broadcast %add3A_2292 : i32 to vector<16xi32>
      %add3A_2294 = arith.addi %mul3A_2095, %add3A_2293 : vector<16xi32>
      %gather3A_2295 = tpu.vector_load_idx %arg19[%add3A_2294] : memref<110592xf32, #tpu.memory_space<vmem>>[vector<16xi32>], vector<16xf32>,
      %mul3A_2296 = arith.mulf %gather3A_1828, %gather3A_2295 : vector<16xf32>
      %add3A_2297 = arith.addf %add3A_2291, %mul3A_2296 : vector<16xf32>
      %neg3A_2298 = arith.constant 0.000000e+00 : f32
      %neg3A_2299 = vector.broadcast %neg3A_2298 : f32 to vector<16xf32>
      %neg3A_2300 = arith.subf %neg3A_2299, %add3A_2297 : vector<16xf32>
      %exp3A_2301 = math.exp %neg3A_2300 : vector<16xf32>
      %add3A_2302 = arith.constant 1.000000e+00 : f32
      %add3A_2303 = vector.broadcast %add3A_2302 : f32 to vector<16xf32>
      %add3A_2304 = arith.addf %add3A_2303, %exp3A_2301 : vector<16xf32>
      %div3A_2305 = arith.constant 1.000000e+00 : f32
      %div3A_2306 = vector.broadcast %div3A_2305 : f32 to vector<16xf32>
      %div3A_2307 = arith.divf %div3A_2306, %add3A_2304 : vector<16xf32>
      %mul3A_2308 = arith.mulf %add3A_2304, %div3A_2307 : vector<16xf32>
      %sub3A_2309 = arith.constant 2.000000e+00 : f32
      %sub3A_2310 = vector.broadcast %sub3A_2309 : f32 to vector<16xf32>
      %sub3A_2311 = arith.subf %sub3A_2310, %mul3A_2308 : vector<16xf32>
      %mul3A_2312 = arith.mulf %div3A_2307, %sub3A_2311 : vector<16xf32>
      %mul3A_2313 = arith.mulf %add3A_2304, %mul3A_2312 : vector<16xf32>
      %sub3A_2314 = arith.constant 2.000000e+00 : f32
      %sub3A_2315 = vector.broadcast %sub3A_2314 : f32 to vector<16xf32>
      %sub3A_2316 = arith.subf %sub3A_2315, %mul3A_2313 : vector<16xf32>
      %mul3A_2317 = arith.mulf %mul3A_2312, %sub3A_2316 : vector<16xf32>
      %mul3A_2318 = arith.mulf %sub3A_2090, %mul3A_2169 : vector<16xf32>
      %add3A_2319 = arith.addf %add3A_2068, %mul3A_2318 : vector<16xf32>
      %mul3A_2320 = arith.mulf %sub3A_2090, %mul3A_2243 : vector<16xf32>
      %add3A_2321 = arith.addf %add3A_2070, %mul3A_2320 : vector<16xf32>
      %mul3A_2322 = arith.mulf %sub3A_2090, %mul3A_2317 : vector<16xf32>
      %add3A_2323 = arith.addf %add3A_2072, %mul3A_2322 : vector<16xf32>
      %get3A_2324 = arith.constant 16 : index
      %get3A_2325 = tpu.vector_load %arg18[%get3A_2324] {strides = array<i32>} : memref<64xf32, #tpu.memory_space<vmem>>, vector<16xf32>,
      %mul3A_2326 = arith.mulf %sub3A_2090, %get3A_2325 : vector<16xf32>
      %add3A_2327 = arith.addf %add3A_2076, %mul3A_2326 : vector<16xf32>
      %add3A_2328 = arith.addf %add3A_2077, %sub3A_2090 : vector<16xf32>
      %add3A_2329 = arith.addf %add3A_2078, %get3A_2080 : vector<16xf32>
      %get3A_2330 = arith.constant 32 : index
      %get3A_2331 = tpu.vector_load %arg17[%get3A_2330] {strides = array<i32>} : memref<64xf32, #tpu.memory_space<vmem>>, vector<16xf32>,
      %neg3A_2332 = arith.constant 0.000000e+00 : f32
      %neg3A_2333 = vector.broadcast %neg3A_2332 : f32 to vector<16xf32>
      %neg3A_2334 = arith.subf %neg3A_2333, %while3A_1802#2 : vector<16xf32>
      %exp3A_2335 = math.exp %neg3A_2334 : vector<16xf32>
      %neg3A_2336 = arith.constant 0.000000e+00 : f32
      %neg3A_2337 = vector.broadcast %neg3A_2336 : f32 to vector<16xf32>
      %neg3A_2338 = arith.subf %neg3A_2337, %get3A_2331 : vector<16xf32>
      %exp3A_2339 = math.exp %neg3A_2338 : vector<16xf32>
      %mul3A_2340 = arith.mulf %exp3A_2335, %exp3A_2339 : vector<16xf32>
      %sub3A_2341 = arith.subf %exp3A_2335, %mul3A_2340 : vector<16xf32>
      %get3A_2342 = arith.constant 32 : index
      %get3A_2343 = tpu.vector_load %arg16[%get3A_2342] {strides = array<i32>} : memref<96xi32, #tpu.memory_space<vmem>>, vector<16xi32>,
      %mul3A_2344 = arith.constant 27 : i32
      %mul3A_2345 = vector.broadcast %mul3A_2344 : i32 to vector<16xi32>
      %mul3A_2346 = arith.muli %get3A_2343, %mul3A_2345 : vector<16xi32>
      %add3A_2347 = arith.constant 0 : i32
      %add3A_2348 = vector.broadcast %add3A_2347 : i32 to vector<16xi32>
      %add3A_2349 = arith.addi %mul3A_2346, %add3A_2348 : vector<16xi32>
      %gather3A_2350 = tpu.vector_load_idx %arg19[%add3A_2349] : memref<110592xf32, #tpu.memory_space<vmem>>[vector<16xi32>], vector<16xf32>,
      %mul3A_2351 = arith.mulf %broadcast_in_dim3A_1804, %gather3A_2350 : vector<16xf32>
      %add3A_2352 = arith.addf %broadcast_in_dim3A_3, %mul3A_2351 : vector<16xf32>
      %add3A_2353 = arith.constant 1 : i32
      %add3A_2354 = vector.broadcast %add3A_2353 : i32 to vector<16xi32>
      %add3A_2355 = arith.addi %mul3A_2346, %add3A_2354 : vector<16xi32>
      %gather3A_2356 = tpu.vector_load_idx %arg19[%add3A_2355] : memref<110592xf32, #tpu.memory_space<vmem>>[vector<16xi32>], vector<16xf32>,
      %mul3A_2357 = arith.mulf %gather3A_1807, %gather3A_2356 : vector<16xf32>
      %add3A_2358 = arith.addf %add3A_2352, %mul3A_2357 : vector<16xf32>
      %add3A_2359 = arith.constant 2 : i32
      %add3A_2360 = vector.broadcast %add3A_2359 : i32 to vector<16xi32>
      %add3A_2361 = arith.addi %mul3A_2346, %add3A_2360 : vector<16xi32>
      %gather3A_2362 = tpu.vector_load_idx %arg19[%add3A_2361] : memref<110592xf32, #tpu.memory_space<vmem>>[vector<16xi32>], vector<16xf32>,
      %mul3A_2363 = arith.mulf %gather3A_1810, %gather3A_2362 : vector<16xf32>
      %add3A_2364 = arith.addf %add3A_2358, %mul3A_2363 : vector<16xf32>
      %add3A_2365 = arith.constant 3 : i32
      %add3A_2366 = vector.broadcast %add3A_2365 : i32 to vector<16xi32>
      %add3A_2367 = arith.addi %mul3A_2346, %add3A_2366 : vector<16xi32>
      %gather3A_2368 = tpu.vector_load_idx %arg19[%add3A_2367] : memref<110592xf32, #tpu.memory_space<vmem>>[vector<16xi32>], vector<16xf32>,
      %mul3A_2369 = arith.mulf %gather3A_1813, %gather3A_2368 : vector<16xf32>
      %add3A_2370 = arith.addf %add3A_2364, %mul3A_2369 : vector<16xf32>
      %add3A_2371 = arith.constant 4 : i32
      %add3A_2372 = vector.broadcast %add3A_2371 : i32 to vector<16xi32>
      %add3A_2373 = arith.addi %mul3A_2346, %add3A_2372 : vector<16xi32>
      %gather3A_2374 = tpu.vector_load_idx %arg19[%add3A_2373] : memref<110592xf32, #tpu.memory_space<vmem>>[vector<16xi32>], vector<16xf32>,
      %mul3A_2375 = arith.mulf %gather3A_1816, %gather3A_2374 : vector<16xf32>
      %add3A_2376 = arith.addf %add3A_2370, %mul3A_2375 : vector<16xf32>
      %add3A_2377 = arith.constant 5 : i32
      %add3A_2378 = vector.broadcast %add3A_2377 : i32 to vector<16xi32>
      %add3A_2379 = arith.addi %mul3A_2346, %add3A_2378 : vector<16xi32>
      %gather3A_2380 = tpu.vector_load_idx %arg19[%add3A_2379] : memref<110592xf32, #tpu.memory_space<vmem>>[vector<16xi32>], vector<16xf32>,
      %mul3A_2381 = arith.mulf %gather3A_1819, %gather3A_2380 : vector<16xf32>
      %add3A_2382 = arith.addf %add3A_2376, %mul3A_2381 : vector<16xf32>
      %add3A_2383 = arith.constant 6 : i32
      %add3A_2384 = vector.broadcast %add3A_2383 : i32 to vector<16xi32>
      %add3A_2385 = arith.addi %mul3A_2346, %add3A_2384 : vector<16xi32>
      %gather3A_2386 = tpu.vector_load_idx %arg19[%add3A_2385] : memref<110592xf32, #tpu.memory_space<vmem>>[vector<16xi32>], vector<16xf32>,
      %mul3A_2387 = arith.mulf %gather3A_1822, %gather3A_2386 : vector<16xf32>
      %add3A_2388 = arith.addf %add3A_2382, %mul3A_2387 : vector<16xf32>
      %add3A_2389 = arith.constant 7 : i32
      %add3A_2390 = vector.broadcast %add3A_2389 : i32 to vector<16xi32>
      %add3A_2391 = arith.addi %mul3A_2346, %add3A_2390 : vector<16xi32>
      %gather3A_2392 = tpu.vector_load_idx %arg19[%add3A_2391] : memref<110592xf32, #tpu.memory_space<vmem>>[vector<16xi32>], vector<16xf32>,
      %mul3A_2393 = arith.mulf %gather3A_1825, %gather3A_2392 : vector<16xf32>
      %add3A_2394 = arith.addf %add3A_2388, %mul3A_2393 : vector<16xf32>
      %add3A_2395 = arith.constant 8 : i32
      %add3A_2396 = vector.broadcast %add3A_2395 : i32 to vector<16xi32>
      %add3A_2397 = arith.addi %mul3A_2346, %add3A_2396 : vector<16xi32>
      %gather3A_2398 = tpu.vector_load_idx %arg19[%add3A_2397] : memref<110592xf32, #tpu.memory_space<vmem>>[vector<16xi32>], vector<16xf32>,
      %mul3A_2399 = arith.mulf %gather3A_1828, %gather3A_2398 : vector<16xf32>
      %add3A_2400 = arith.addf %add3A_2394, %mul3A_2399 : vector<16xf32>
      %neg3A_2401 = arith.constant 0.000000e+00 : f32
      %neg3A_2402 = vector.broadcast %neg3A_2401 : f32 to vector<16xf32>
      %neg3A_2403 = arith.subf %neg3A_2402, %add3A_2400 : vector<16xf32>
      %exp3A_2404 = math.exp %neg3A_2403 : vector<16xf32>
      %add3A_2405 = arith.constant 1.000000e+00 : f32
      %add3A_2406 = vector.broadcast %add3A_2405 : f32 to vector<16xf32>
      %add3A_2407 = arith.addf %add3A_2406, %exp3A_2404 : vector<16xf32>
      %div3A_2408 = arith.constant 1.000000e+00 : f32
      %div3A_2409 = vector.broadcast %div3A_2408 : f32 to vector<16xf32>
      %div3A_2410 = arith.divf %div3A_2409, %add3A_2407 : vector<16xf32>
      %mul3A_2411 = arith.mulf %add3A_2407, %div3A_2410 : vector<16xf32>
      %sub3A_2412 = arith.constant 2.000000e+00 : f32
      %sub3A_2413 = vector.broadcast %sub3A_2412 : f32 to vector<16xf32>
      %sub3A_2414 = arith.subf %sub3A_2413, %mul3A_2411 : vector<16xf32>
      %mul3A_2415 = arith.mulf %div3A_2410, %sub3A_2414 : vector<16xf32>
      %mul3A_2416 = arith.mulf %add3A_2407, %mul3A_2415 : vector<16xf32>
      %sub3A_2417 = arith.constant 2.000000e+00 : f32
      %sub3A_2418 = vector.broadcast %sub3A_2417 : f32 to vector<16xf32>
      %sub3A_2419 = arith.subf %sub3A_2418, %mul3A_2416 : vector<16xf32>
      %mul3A_2420 = arith.mulf %mul3A_2415, %sub3A_2419 : vector<16xf32>
      %add3A_2421 = arith.constant 9 : i32
      %add3A_2422 = vector.broadcast %add3A_2421 : i32 to vector<16xi32>
      %add3A_2423 = arith.addi %mul3A_2346, %add3A_2422 : vector<16xi32>
      %gather3A_2424 = tpu.vector_load_idx %arg19[%add3A_2423] : memref<110592xf32, #tpu.memory_space<vmem>>[vector<16xi32>], vector<16xf32>,
      %mul3A_2425 = arith.mulf %broadcast_in_dim3A_1804, %gather3A_2424 : vector<16xf32>
      %add3A_2426 = arith.addf %broadcast_in_dim3A_3, %mul3A_2425 : vector<16xf32>
      %add3A_2427 = arith.constant 10 : i32
      %add3A_2428 = vector.broadcast %add3A_2427 : i32 to vector<16xi32>
      %add3A_2429 = arith.addi %mul3A_2346, %add3A_2428 : vector<16xi32>
      %gather3A_2430 = tpu.vector_load_idx %arg19[%add3A_2429] : memref<110592xf32, #tpu.memory_space<vmem>>[vector<16xi32>], vector<16xf32>,
      %mul3A_2431 = arith.mulf %gather3A_1807, %gather3A_2430 : vector<16xf32>
      %add3A_2432 = arith.addf %add3A_2426, %mul3A_2431 : vector<16xf32>
      %add3A_2433 = arith.constant 11 : i32
      %add3A_2434 = vector.broadcast %add3A_2433 : i32 to vector<16xi32>
      %add3A_2435 = arith.addi %mul3A_2346, %add3A_2434 : vector<16xi32>
      %gather3A_2436 = tpu.vector_load_idx %arg19[%add3A_2435] : memref<110592xf32, #tpu.memory_space<vmem>>[vector<16xi32>], vector<16xf32>,
      %mul3A_2437 = arith.mulf %gather3A_1810, %gather3A_2436 : vector<16xf32>
      %add3A_2438 = arith.addf %add3A_2432, %mul3A_2437 : vector<16xf32>
      %add3A_2439 = arith.constant 12 : i32
      %add3A_2440 = vector.broadcast %add3A_2439 : i32 to vector<16xi32>
      %add3A_2441 = arith.addi %mul3A_2346, %add3A_2440 : vector<16xi32>
      %gather3A_2442 = tpu.vector_load_idx %arg19[%add3A_2441] : memref<110592xf32, #tpu.memory_space<vmem>>[vector<16xi32>], vector<16xf32>,
      %mul3A_2443 = arith.mulf %gather3A_1813, %gather3A_2442 : vector<16xf32>
      %add3A_2444 = arith.addf %add3A_2438, %mul3A_2443 : vector<16xf32>
      %add3A_2445 = arith.constant 13 : i32
      %add3A_2446 = vector.broadcast %add3A_2445 : i32 to vector<16xi32>
      %add3A_2447 = arith.addi %mul3A_2346, %add3A_2446 : vector<16xi32>
      %gather3A_2448 = tpu.vector_load_idx %arg19[%add3A_2447] : memref<110592xf32, #tpu.memory_space<vmem>>[vector<16xi32>], vector<16xf32>,
      %mul3A_2449 = arith.mulf %gather3A_1816, %gather3A_2448 : vector<16xf32>
      %add3A_2450 = arith.addf %add3A_2444, %mul3A_2449 : vector<16xf32>
      %add3A_2451 = arith.constant 14 : i32
      %add3A_2452 = vector.broadcast %add3A_2451 : i32 to vector<16xi32>
      %add3A_2453 = arith.addi %mul3A_2346, %add3A_2452 : vector<16xi32>
      %gather3A_2454 = tpu.vector_load_idx %arg19[%add3A_2453] : memref<110592xf32, #tpu.memory_space<vmem>>[vector<16xi32>], vector<16xf32>,
      %mul3A_2455 = arith.mulf %gather3A_1819, %gather3A_2454 : vector<16xf32>
      %add3A_2456 = arith.addf %add3A_2450, %mul3A_2455 : vector<16xf32>
      %add3A_2457 = arith.constant 15 : i32
      %add3A_2458 = vector.broadcast %add3A_2457 : i32 to vector<16xi32>
      %add3A_2459 = arith.addi %mul3A_2346, %add3A_2458 : vector<16xi32>
      %gather3A_2460 = tpu.vector_load_idx %arg19[%add3A_2459] : memref<110592xf32, #tpu.memory_space<vmem>>[vector<16xi32>], vector<16xf32>,
      %mul3A_2461 = arith.mulf %gather3A_1822, %gather3A_2460 : vector<16xf32>
      %add3A_2462 = arith.addf %add3A_2456, %mul3A_2461 : vector<16xf32>
      %add3A_2463 = arith.constant 16 : i32
      %add3A_2464 = vector.broadcast %add3A_2463 : i32 to vector<16xi32>
      %add3A_2465 = arith.addi %mul3A_2346, %add3A_2464 : vector<16xi32>
      %gather3A_2466 = tpu.vector_load_idx %arg19[%add3A_2465] : memref<110592xf32, #tpu.memory_space<vmem>>[vector<16xi32>], vector<16xf32>,
      %mul3A_2467 = arith.mulf %gather3A_1825, %gather3A_2466 : vector<16xf32>
      %add3A_2468 = arith.addf %add3A_2462, %mul3A_2467 : vector<16xf32>
      %add3A_2469 = arith.constant 17 : i32
      %add3A_2470 = vector.broadcast %add3A_2469 : i32 to vector<16xi32>
      %add3A_2471 = arith.addi %mul3A_2346, %add3A_2470 : vector<16xi32>
      %gather3A_2472 = tpu.vector_load_idx %arg19[%add3A_2471] : memref<110592xf32, #tpu.memory_space<vmem>>[vector<16xi32>], vector<16xf32>,
      %mul3A_2473 = arith.mulf %gather3A_1828, %gather3A_2472 : vector<16xf32>
      %add3A_2474 = arith.addf %add3A_2468, %mul3A_2473 : vector<16xf32>
      %neg3A_2475 = arith.constant 0.000000e+00 : f32
      %neg3A_2476 = vector.broadcast %neg3A_2475 : f32 to vector<16xf32>
      %neg3A_2477 = arith.subf %neg3A_2476, %add3A_2474 : vector<16xf32>
      %exp3A_2478 = math.exp %neg3A_2477 : vector<16xf32>
      %add3A_2479 = arith.constant 1.000000e+00 : f32
      %add3A_2480 = vector.broadcast %add3A_2479 : f32 to vector<16xf32>
      %add3A_2481 = arith.addf %add3A_2480, %exp3A_2478 : vector<16xf32>
      %div3A_2482 = arith.constant 1.000000e+00 : f32
      %div3A_2483 = vector.broadcast %div3A_2482 : f32 to vector<16xf32>
      %div3A_2484 = arith.divf %div3A_2483, %add3A_2481 : vector<16xf32>
      %mul3A_2485 = arith.mulf %add3A_2481, %div3A_2484 : vector<16xf32>
      %sub3A_2486 = arith.constant 2.000000e+00 : f32
      %sub3A_2487 = vector.broadcast %sub3A_2486 : f32 to vector<16xf32>
      %sub3A_2488 = arith.subf %sub3A_2487, %mul3A_2485 : vector<16xf32>
      %mul3A_2489 = arith.mulf %div3A_2484, %sub3A_2488 : vector<16xf32>
      %mul3A_2490 = arith.mulf %add3A_2481, %mul3A_2489 : vector<16xf32>
      %sub3A_2491 = arith.constant 2.000000e+00 : f32
      %sub3A_2492 = vector.broadcast %sub3A_2491 : f32 to vector<16xf32>
      %sub3A_2493 = arith.subf %sub3A_2492, %mul3A_2490 : vector<16xf32>
      %mul3A_2494 = arith.mulf %mul3A_2489, %sub3A_2493 : vector<16xf32>
      %add3A_2495 = arith.constant 18 : i32
      %add3A_2496 = vector.broadcast %add3A_2495 : i32 to vector<16xi32>
      %add3A_2497 = arith.addi %mul3A_2346, %add3A_2496 : vector<16xi32>
      %gather3A_2498 = tpu.vector_load_idx %arg19[%add3A_2497] : memref<110592xf32, #tpu.memory_space<vmem>>[vector<16xi32>], vector<16xf32>,
      %mul3A_2499 = arith.mulf %broadcast_in_dim3A_1804, %gather3A_2498 : vector<16xf32>
      %add3A_2500 = arith.addf %broadcast_in_dim3A_3, %mul3A_2499 : vector<16xf32>
      %add3A_2501 = arith.constant 19 : i32
      %add3A_2502 = vector.broadcast %add3A_2501 : i32 to vector<16xi32>
      %add3A_2503 = arith.addi %mul3A_2346, %add3A_2502 : vector<16xi32>
      %gather3A_2504 = tpu.vector_load_idx %arg19[%add3A_2503] : memref<110592xf32, #tpu.memory_space<vmem>>[vector<16xi32>], vector<16xf32>,
      %mul3A_2505 = arith.mulf %gather3A_1807, %gather3A_2504 : vector<16xf32>
      %add3A_2506 = arith.addf %add3A_2500, %mul3A_2505 : vector<16xf32>
      %add3A_2507 = arith.constant 20 : i32
      %add3A_2508 = vector.broadcast %add3A_2507 : i32 to vector<16xi32>
      %add3A_2509 = arith.addi %mul3A_2346, %add3A_2508 : vector<16xi32>
      %gather3A_2510 = tpu.vector_load_idx %arg19[%add3A_2509] : memref<110592xf32, #tpu.memory_space<vmem>>[vector<16xi32>], vector<16xf32>,
      %mul3A_2511 = arith.mulf %gather3A_1810, %gather3A_2510 : vector<16xf32>
      %add3A_2512 = arith.addf %add3A_2506, %mul3A_2511 : vector<16xf32>
      %add3A_2513 = arith.constant 21 : i32
      %add3A_2514 = vector.broadcast %add3A_2513 : i32 to vector<16xi32>
      %add3A_2515 = arith.addi %mul3A_2346, %add3A_2514 : vector<16xi32>
      %gather3A_2516 = tpu.vector_load_idx %arg19[%add3A_2515] : memref<110592xf32, #tpu.memory_space<vmem>>[vector<16xi32>], vector<16xf32>,
      %mul3A_2517 = arith.mulf %gather3A_1813, %gather3A_2516 : vector<16xf32>
      %add3A_2518 = arith.addf %add3A_2512, %mul3A_2517 : vector<16xf32>
      %add3A_2519 = arith.constant 22 : i32
      %add3A_2520 = vector.broadcast %add3A_2519 : i32 to vector<16xi32>
      %add3A_2521 = arith.addi %mul3A_2346, %add3A_2520 : vector<16xi32>
      %gather3A_2522 = tpu.vector_load_idx %arg19[%add3A_2521] : memref<110592xf32, #tpu.memory_space<vmem>>[vector<16xi32>], vector<16xf32>,
      %mul3A_2523 = arith.mulf %gather3A_1816, %gather3A_2522 : vector<16xf32>
      %add3A_2524 = arith.addf %add3A_2518, %mul3A_2523 : vector<16xf32>
      %add3A_2525 = arith.constant 23 : i32
      %add3A_2526 = vector.broadcast %add3A_2525 : i32 to vector<16xi32>
      %add3A_2527 = arith.addi %mul3A_2346, %add3A_2526 : vector<16xi32>
      %gather3A_2528 = tpu.vector_load_idx %arg19[%add3A_2527] : memref<110592xf32, #tpu.memory_space<vmem>>[vector<16xi32>], vector<16xf32>,
      %mul3A_2529 = arith.mulf %gather3A_1819, %gather3A_2528 : vector<16xf32>
      %add3A_2530 = arith.addf %add3A_2524, %mul3A_2529 : vector<16xf32>
      %add3A_2531 = arith.constant 24 : i32
      %add3A_2532 = vector.broadcast %add3A_2531 : i32 to vector<16xi32>
      %add3A_2533 = arith.addi %mul3A_2346, %add3A_2532 : vector<16xi32>
      %gather3A_2534 = tpu.vector_load_idx %arg19[%add3A_2533] : memref<110592xf32, #tpu.memory_space<vmem>>[vector<16xi32>], vector<16xf32>,
      %mul3A_2535 = arith.mulf %gather3A_1822, %gather3A_2534 : vector<16xf32>
      %add3A_2536 = arith.addf %add3A_2530, %mul3A_2535 : vector<16xf32>
      %add3A_2537 = arith.constant 25 : i32
      %add3A_2538 = vector.broadcast %add3A_2537 : i32 to vector<16xi32>
      %add3A_2539 = arith.addi %mul3A_2346, %add3A_2538 : vector<16xi32>
      %gather3A_2540 = tpu.vector_load_idx %arg19[%add3A_2539] : memref<110592xf32, #tpu.memory_space<vmem>>[vector<16xi32>], vector<16xf32>,
      %mul3A_2541 = arith.mulf %gather3A_1825, %gather3A_2540 : vector<16xf32>
      %add3A_2542 = arith.addf %add3A_2536, %mul3A_2541 : vector<16xf32>
      %add3A_2543 = arith.constant 26 : i32
      %add3A_2544 = vector.broadcast %add3A_2543 : i32 to vector<16xi32>
      %add3A_2545 = arith.addi %mul3A_2346, %add3A_2544 : vector<16xi32>
      %gather3A_2546 = tpu.vector_load_idx %arg19[%add3A_2545] : memref<110592xf32, #tpu.memory_space<vmem>>[vector<16xi32>], vector<16xf32>,
      %mul3A_2547 = arith.mulf %gather3A_1828, %gather3A_2546 : vector<16xf32>
      %add3A_2548 = arith.addf %add3A_2542, %mul3A_2547 : vector<16xf32>
      %neg3A_2549 = arith.constant 0.000000e+00 : f32
      %neg3A_2550 = vector.broadcast %neg3A_2549 : f32 to vector<16xf32>
      %neg3A_2551 = arith.subf %neg3A_2550, %add3A_2548 : vector<16xf32>
      %exp3A_2552 = math.exp %neg3A_2551 : vector<16xf32>
      %add3A_2553 = arith.constant 1.000000e+00 : f32
      %add3A_2554 = vector.broadcast %add3A_2553 : f32 to vector<16xf32>
      %add3A_2555 = arith.addf %add3A_2554, %exp3A_2552 : vector<16xf32>
      %div3A_2556 = arith.constant 1.000000e+00 : f32
      %div3A_2557 = vector.broadcast %div3A_2556 : f32 to vector<16xf32>
      %div3A_2558 = arith.divf %div3A_2557, %add3A_2555 : vector<16xf32>
      %mul3A_2559 = arith.mulf %add3A_2555, %div3A_2558 : vector<16xf32>
      %sub3A_2560 = arith.constant 2.000000e+00 : f32
      %sub3A_2561 = vector.broadcast %sub3A_2560 : f32 to vector<16xf32>
      %sub3A_2562 = arith.subf %sub3A_2561, %mul3A_2559 : vector<16xf32>
      %mul3A_2563 = arith.mulf %div3A_2558, %sub3A_2562 : vector<16xf32>
      %mul3A_2564 = arith.mulf %add3A_2555, %mul3A_2563 : vector<16xf32>
      %sub3A_2565 = arith.constant 2.000000e+00 : f32
      %sub3A_2566 = vector.broadcast %sub3A_2565 : f32 to vector<16xf32>
      %sub3A_2567 = arith.subf %sub3A_2566, %mul3A_2564 : vector<16xf32>
      %mul3A_2568 = arith.mulf %mul3A_2563, %sub3A_2567 : vector<16xf32>
      %mul3A_2569 = arith.mulf %sub3A_2341, %mul3A_2420 : vector<16xf32>
      %add3A_2570 = arith.addf %add3A_2319, %mul3A_2569 : vector<16xf32>
      %mul3A_2571 = arith.mulf %sub3A_2341, %mul3A_2494 : vector<16xf32>
      %add3A_2572 = arith.addf %add3A_2321, %mul3A_2571 : vector<16xf32>
      %mul3A_2573 = arith.mulf %sub3A_2341, %mul3A_2568 : vector<16xf32>
      %add3A_2574 = arith.addf %add3A_2323, %mul3A_2573 : vector<16xf32>
      %get3A_2575 = arith.constant 32 : index
      %get3A_2576 = tpu.vector_load %arg18[%get3A_2575] {strides = array<i32>} : memref<64xf32, #tpu.memory_space<vmem>>, vector<16xf32>,
      %mul3A_2577 = arith.mulf %sub3A_2341, %get3A_2576 : vector<16xf32>
      %add3A_2578 = arith.addf %add3A_2327, %mul3A_2577 : vector<16xf32>
      %add3A_2579 = arith.addf %add3A_2328, %sub3A_2341 : vector<16xf32>
      %add3A_2580 = arith.addf %add3A_2329, %get3A_2331 : vector<16xf32>
      %get3A_2581 = arith.constant 48 : index
      %get3A_2582 = tpu.vector_load %arg17[%get3A_2581] {strides = array<i32>} : memref<64xf32, #tpu.memory_space<vmem>>, vector<16xf32>,
      %neg3A_2583 = arith.constant 0.000000e+00 : f32
      %neg3A_2584 = vector.broadcast %neg3A_2583 : f32 to vector<16xf32>
      %neg3A_2585 = arith.subf %neg3A_2584, %while3A_1802#3 : vector<16xf32>
      %exp3A_2586 = math.exp %neg3A_2585 : vector<16xf32>
      %neg3A_2587 = arith.constant 0.000000e+00 : f32
      %neg3A_2588 = vector.broadcast %neg3A_2587 : f32 to vector<16xf32>
      %neg3A_2589 = arith.subf %neg3A_2588, %get3A_2582 : vector<16xf32>
      %exp3A_2590 = math.exp %neg3A_2589 : vector<16xf32>
      %mul3A_2591 = arith.mulf %exp3A_2586, %exp3A_2590 : vector<16xf32>
      %sub3A_2592 = arith.subf %exp3A_2586, %mul3A_2591 : vector<16xf32>
      %get3A_2593 = arith.constant 48 : index
      %get3A_2594 = tpu.vector_load %arg16[%get3A_2593] {strides = array<i32>} : memref<96xi32, #tpu.memory_space<vmem>>, vector<16xi32>,
      %mul3A_2595 = arith.constant 27 : i32
      %mul3A_2596 = vector.broadcast %mul3A_2595 : i32 to vector<16xi32>
      %mul3A_2597 = arith.muli %get3A_2594, %mul3A_2596 : vector<16xi32>
      %add3A_2598 = arith.constant 0 : i32
      %add3A_2599 = vector.broadcast %add3A_2598 : i32 to vector<16xi32>
      %add3A_2600 = arith.addi %mul3A_2597, %add3A_2599 : vector<16xi32>
      %gather3A_2601 = tpu.vector_load_idx %arg19[%add3A_2600] : memref<110592xf32, #tpu.memory_space<vmem>>[vector<16xi32>], vector<16xf32>,
      %mul3A_2602 = arith.mulf %broadcast_in_dim3A_1804, %gather3A_2601 : vector<16xf32>
      %add3A_2603 = arith.addf %broadcast_in_dim3A_3, %mul3A_2602 : vector<16xf32>
      %add3A_2604 = arith.constant 1 : i32
      %add3A_2605 = vector.broadcast %add3A_2604 : i32 to vector<16xi32>
      %add3A_2606 = arith.addi %mul3A_2597, %add3A_2605 : vector<16xi32>
      %gather3A_2607 = tpu.vector_load_idx %arg19[%add3A_2606] : memref<110592xf32, #tpu.memory_space<vmem>>[vector<16xi32>], vector<16xf32>,
      %mul3A_2608 = arith.mulf %gather3A_1807, %gather3A_2607 : vector<16xf32>
      %add3A_2609 = arith.addf %add3A_2603, %mul3A_2608 : vector<16xf32>
      %add3A_2610 = arith.constant 2 : i32
      %add3A_2611 = vector.broadcast %add3A_2610 : i32 to vector<16xi32>
      %add3A_2612 = arith.addi %mul3A_2597, %add3A_2611 : vector<16xi32>
      %gather3A_2613 = tpu.vector_load_idx %arg19[%add3A_2612] : memref<110592xf32, #tpu.memory_space<vmem>>[vector<16xi32>], vector<16xf32>,
      %mul3A_2614 = arith.mulf %gather3A_1810, %gather3A_2613 : vector<16xf32>
      %add3A_2615 = arith.addf %add3A_2609, %mul3A_2614 : vector<16xf32>
      %add3A_2616 = arith.constant 3 : i32
      %add3A_2617 = vector.broadcast %add3A_2616 : i32 to vector<16xi32>
      %add3A_2618 = arith.addi %mul3A_2597, %add3A_2617 : vector<16xi32>
      %gather3A_2619 = tpu.vector_load_idx %arg19[%add3A_2618] : memref<110592xf32, #tpu.memory_space<vmem>>[vector<16xi32>], vector<16xf32>,
      %mul3A_2620 = arith.mulf %gather3A_1813, %gather3A_2619 : vector<16xf32>
      %add3A_2621 = arith.addf %add3A_2615, %mul3A_2620 : vector<16xf32>
      %add3A_2622 = arith.constant 4 : i32
      %add3A_2623 = vector.broadcast %add3A_2622 : i32 to vector<16xi32>
      %add3A_2624 = arith.addi %mul3A_2597, %add3A_2623 : vector<16xi32>
      %gather3A_2625 = tpu.vector_load_idx %arg19[%add3A_2624] : memref<110592xf32, #tpu.memory_space<vmem>>[vector<16xi32>], vector<16xf32>,
      %mul3A_2626 = arith.mulf %gather3A_1816, %gather3A_2625 : vector<16xf32>
      %add3A_2627 = arith.addf %add3A_2621, %mul3A_2626 : vector<16xf32>
      %add3A_2628 = arith.constant 5 : i32
      %add3A_2629 = vector.broadcast %add3A_2628 : i32 to vector<16xi32>
      %add3A_2630 = arith.addi %mul3A_2597, %add3A_2629 : vector<16xi32>
      %gather3A_2631 = tpu.vector_load_idx %arg19[%add3A_2630] : memref<110592xf32, #tpu.memory_space<vmem>>[vector<16xi32>], vector<16xf32>,
      %mul3A_2632 = arith.mulf %gather3A_1819, %gather3A_2631 : vector<16xf32>
      %add3A_2633 = arith.addf %add3A_2627, %mul3A_2632 : vector<16xf32>
      %add3A_2634 = arith.constant 6 : i32
      %add3A_2635 = vector.broadcast %add3A_2634 : i32 to vector<16xi32>
      %add3A_2636 = arith.addi %mul3A_2597, %add3A_2635 : vector<16xi32>
      %gather3A_2637 = tpu.vector_load_idx %arg19[%add3A_2636] : memref<110592xf32, #tpu.memory_space<vmem>>[vector<16xi32>], vector<16xf32>,
      %mul3A_2638 = arith.mulf %gather3A_1822, %gather3A_2637 : vector<16xf32>
      %add3A_2639 = arith.addf %add3A_2633, %mul3A_2638 : vector<16xf32>
      %add3A_2640 = arith.constant 7 : i32
      %add3A_2641 = vector.broadcast %add3A_2640 : i32 to vector<16xi32>
      %add3A_2642 = arith.addi %mul3A_2597, %add3A_2641 : vector<16xi32>
      %gather3A_2643 = tpu.vector_load_idx %arg19[%add3A_2642] : memref<110592xf32, #tpu.memory_space<vmem>>[vector<16xi32>], vector<16xf32>,
      %mul3A_2644 = arith.mulf %gather3A_1825, %gather3A_2643 : vector<16xf32>
      %add3A_2645 = arith.addf %add3A_2639, %mul3A_2644 : vector<16xf32>
      %add3A_2646 = arith.constant 8 : i32
      %add3A_2647 = vector.broadcast %add3A_2646 : i32 to vector<16xi32>
      %add3A_2648 = arith.addi %mul3A_2597, %add3A_2647 : vector<16xi32>
      %gather3A_2649 = tpu.vector_load_idx %arg19[%add3A_2648] : memref<110592xf32, #tpu.memory_space<vmem>>[vector<16xi32>], vector<16xf32>,
      %mul3A_2650 = arith.mulf %gather3A_1828, %gather3A_2649 : vector<16xf32>
      %add3A_2651 = arith.addf %add3A_2645, %mul3A_2650 : vector<16xf32>
      %neg3A_2652 = arith.constant 0.000000e+00 : f32
      %neg3A_2653 = vector.broadcast %neg3A_2652 : f32 to vector<16xf32>
      %neg3A_2654 = arith.subf %neg3A_2653, %add3A_2651 : vector<16xf32>
      %exp3A_2655 = math.exp %neg3A_2654 : vector<16xf32>
      %add3A_2656 = arith.constant 1.000000e+00 : f32
      %add3A_2657 = vector.broadcast %add3A_2656 : f32 to vector<16xf32>
      %add3A_2658 = arith.addf %add3A_2657, %exp3A_2655 : vector<16xf32>
      %div3A_2659 = arith.constant 1.000000e+00 : f32
      %div3A_2660 = vector.broadcast %div3A_2659 : f32 to vector<16xf32>
      %div3A_2661 = arith.divf %div3A_2660, %add3A_2658 : vector<16xf32>
      %mul3A_2662 = arith.mulf %add3A_2658, %div3A_2661 : vector<16xf32>
      %sub3A_2663 = arith.constant 2.000000e+00 : f32
      %sub3A_2664 = vector.broadcast %sub3A_2663 : f32 to vector<16xf32>
      %sub3A_2665 = arith.subf %sub3A_2664, %mul3A_2662 : vector<16xf32>
      %mul3A_2666 = arith.mulf %div3A_2661, %sub3A_2665 : vector<16xf32>
      %mul3A_2667 = arith.mulf %add3A_2658, %mul3A_2666 : vector<16xf32>
      %sub3A_2668 = arith.constant 2.000000e+00 : f32
      %sub3A_2669 = vector.broadcast %sub3A_2668 : f32 to vector<16xf32>
      %sub3A_2670 = arith.subf %sub3A_2669, %mul3A_2667 : vector<16xf32>
      %mul3A_2671 = arith.mulf %mul3A_2666, %sub3A_2670 : vector<16xf32>
      %add3A_2672 = arith.constant 9 : i32
      %add3A_2673 = vector.broadcast %add3A_2672 : i32 to vector<16xi32>
      %add3A_2674 = arith.addi %mul3A_2597, %add3A_2673 : vector<16xi32>
      %gather3A_2675 = tpu.vector_load_idx %arg19[%add3A_2674] : memref<110592xf32, #tpu.memory_space<vmem>>[vector<16xi32>], vector<16xf32>,
      %mul3A_2676 = arith.mulf %broadcast_in_dim3A_1804, %gather3A_2675 : vector<16xf32>
      %add3A_2677 = arith.addf %broadcast_in_dim3A_3, %mul3A_2676 : vector<16xf32>
      %add3A_2678 = arith.constant 10 : i32
      %add3A_2679 = vector.broadcast %add3A_2678 : i32 to vector<16xi32>
      %add3A_2680 = arith.addi %mul3A_2597, %add3A_2679 : vector<16xi32>
      %gather3A_2681 = tpu.vector_load_idx %arg19[%add3A_2680] : memref<110592xf32, #tpu.memory_space<vmem>>[vector<16xi32>], vector<16xf32>,
      %mul3A_2682 = arith.mulf %gather3A_1807, %gather3A_2681 : vector<16xf32>
      %add3A_2683 = arith.addf %add3A_2677, %mul3A_2682 : vector<16xf32>
      %add3A_2684 = arith.constant 11 : i32
      %add3A_2685 = vector.broadcast %add3A_2684 : i32 to vector<16xi32>
      %add3A_2686 = arith.addi %mul3A_2597, %add3A_2685 : vector<16xi32>
      %gather3A_2687 = tpu.vector_load_idx %arg19[%add3A_2686] : memref<110592xf32, #tpu.memory_space<vmem>>[vector<16xi32>], vector<16xf32>,
      %mul3A_2688 = arith.mulf %gather3A_1810, %gather3A_2687 : vector<16xf32>
      %add3A_2689 = arith.addf %add3A_2683, %mul3A_2688 : vector<16xf32>
      %add3A_2690 = arith.constant 12 : i32
      %add3A_2691 = vector.broadcast %add3A_2690 : i32 to vector<16xi32>
      %add3A_2692 = arith.addi %mul3A_2597, %add3A_2691 : vector<16xi32>
      %gather3A_2693 = tpu.vector_load_idx %arg19[%add3A_2692] : memref<110592xf32, #tpu.memory_space<vmem>>[vector<16xi32>], vector<16xf32>,
      %mul3A_2694 = arith.mulf %gather3A_1813, %gather3A_2693 : vector<16xf32>
      %add3A_2695 = arith.addf %add3A_2689, %mul3A_2694 : vector<16xf32>
      %add3A_2696 = arith.constant 13 : i32
      %add3A_2697 = vector.broadcast %add3A_2696 : i32 to vector<16xi32>
      %add3A_2698 = arith.addi %mul3A_2597, %add3A_2697 : vector<16xi32>
      %gather3A_2699 = tpu.vector_load_idx %arg19[%add3A_2698] : memref<110592xf32, #tpu.memory_space<vmem>>[vector<16xi32>], vector<16xf32>,
      %mul3A_2700 = arith.mulf %gather3A_1816, %gather3A_2699 : vector<16xf32>
      %add3A_2701 = arith.addf %add3A_2695, %mul3A_2700 : vector<16xf32>
      %add3A_2702 = arith.constant 14 : i32
      %add3A_2703 = vector.broadcast %add3A_2702 : i32 to vector<16xi32>
      %add3A_2704 = arith.addi %mul3A_2597, %add3A_2703 : vector<16xi32>
      %gather3A_2705 = tpu.vector_load_idx %arg19[%add3A_2704] : memref<110592xf32, #tpu.memory_space<vmem>>[vector<16xi32>], vector<16xf32>,
      %mul3A_2706 = arith.mulf %gather3A_1819, %gather3A_2705 : vector<16xf32>
      %add3A_2707 = arith.addf %add3A_2701, %mul3A_2706 : vector<16xf32>
      %add3A_2708 = arith.constant 15 : i32
      %add3A_2709 = vector.broadcast %add3A_2708 : i32 to vector<16xi32>
      %add3A_2710 = arith.addi %mul3A_2597, %add3A_2709 : vector<16xi32>
      %gather3A_2711 = tpu.vector_load_idx %arg19[%add3A_2710] : memref<110592xf32, #tpu.memory_space<vmem>>[vector<16xi32>], vector<16xf32>,
      %mul3A_2712 = arith.mulf %gather3A_1822, %gather3A_2711 : vector<16xf32>
      %add3A_2713 = arith.addf %add3A_2707, %mul3A_2712 : vector<16xf32>
      %add3A_2714 = arith.constant 16 : i32
      %add3A_2715 = vector.broadcast %add3A_2714 : i32 to vector<16xi32>
      %add3A_2716 = arith.addi %mul3A_2597, %add3A_2715 : vector<16xi32>
      %gather3A_2717 = tpu.vector_load_idx %arg19[%add3A_2716] : memref<110592xf32, #tpu.memory_space<vmem>>[vector<16xi32>], vector<16xf32>,
      %mul3A_2718 = arith.mulf %gather3A_1825, %gather3A_2717 : vector<16xf32>
      %add3A_2719 = arith.addf %add3A_2713, %mul3A_2718 : vector<16xf32>
      %add3A_2720 = arith.constant 17 : i32
      %add3A_2721 = vector.broadcast %add3A_2720 : i32 to vector<16xi32>
      %add3A_2722 = arith.addi %mul3A_2597, %add3A_2721 : vector<16xi32>
      %gather3A_2723 = tpu.vector_load_idx %arg19[%add3A_2722] : memref<110592xf32, #tpu.memory_space<vmem>>[vector<16xi32>], vector<16xf32>,
      %mul3A_2724 = arith.mulf %gather3A_1828, %gather3A_2723 : vector<16xf32>
      %add3A_2725 = arith.addf %add3A_2719, %mul3A_2724 : vector<16xf32>
      %neg3A_2726 = arith.constant 0.000000e+00 : f32
      %neg3A_2727 = vector.broadcast %neg3A_2726 : f32 to vector<16xf32>
      %neg3A_2728 = arith.subf %neg3A_2727, %add3A_2725 : vector<16xf32>
      %exp3A_2729 = math.exp %neg3A_2728 : vector<16xf32>
      %add3A_2730 = arith.constant 1.000000e+00 : f32
      %add3A_2731 = vector.broadcast %add3A_2730 : f32 to vector<16xf32>
      %add3A_2732 = arith.addf %add3A_2731, %exp3A_2729 : vector<16xf32>
      %div3A_2733 = arith.constant 1.000000e+00 : f32
      %div3A_2734 = vector.broadcast %div3A_2733 : f32 to vector<16xf32>
      %div3A_2735 = arith.divf %div3A_2734, %add3A_2732 : vector<16xf32>
      %mul3A_2736 = arith.mulf %add3A_2732, %div3A_2735 : vector<16xf32>
      %sub3A_2737 = arith.constant 2.000000e+00 : f32
      %sub3A_2738 = vector.broadcast %sub3A_2737 : f32 to vector<16xf32>
      %sub3A_2739 = arith.subf %sub3A_2738, %mul3A_2736 : vector<16xf32>
      %mul3A_2740 = arith.mulf %div3A_2735, %sub3A_2739 : vector<16xf32>
      %mul3A_2741 = arith.mulf %add3A_2732, %mul3A_2740 : vector<16xf32>
      %sub3A_2742 = arith.constant 2.000000e+00 : f32
      %sub3A_2743 = vector.broadcast %sub3A_2742 : f32 to vector<16xf32>
      %sub3A_2744 = arith.subf %sub3A_2743, %mul3A_2741 : vector<16xf32>
      %mul3A_2745 = arith.mulf %mul3A_2740, %sub3A_2744 : vector<16xf32>
      %add3A_2746 = arith.constant 18 : i32
      %add3A_2747 = vector.broadcast %add3A_2746 : i32 to vector<16xi32>
      %add3A_2748 = arith.addi %mul3A_2597, %add3A_2747 : vector<16xi32>
      %gather3A_2749 = tpu.vector_load_idx %arg19[%add3A_2748] : memref<110592xf32, #tpu.memory_space<vmem>>[vector<16xi32>], vector<16xf32>,
      %mul3A_2750 = arith.mulf %broadcast_in_dim3A_1804, %gather3A_2749 : vector<16xf32>
      %add3A_2751 = arith.addf %broadcast_in_dim3A_3, %mul3A_2750 : vector<16xf32>
      %add3A_2752 = arith.constant 19 : i32
      %add3A_2753 = vector.broadcast %add3A_2752 : i32 to vector<16xi32>
      %add3A_2754 = arith.addi %mul3A_2597, %add3A_2753 : vector<16xi32>
      %gather3A_2755 = tpu.vector_load_idx %arg19[%add3A_2754] : memref<110592xf32, #tpu.memory_space<vmem>>[vector<16xi32>], vector<16xf32>,
      %mul3A_2756 = arith.mulf %gather3A_1807, %gather3A_2755 : vector<16xf32>
      %add3A_2757 = arith.addf %add3A_2751, %mul3A_2756 : vector<16xf32>
      %add3A_2758 = arith.constant 20 : i32
      %add3A_2759 = vector.broadcast %add3A_2758 : i32 to vector<16xi32>
      %add3A_2760 = arith.addi %mul3A_2597, %add3A_2759 : vector<16xi32>
      %gather3A_2761 = tpu.vector_load_idx %arg19[%add3A_2760] : memref<110592xf32, #tpu.memory_space<vmem>>[vector<16xi32>], vector<16xf32>,
      %mul3A_2762 = arith.mulf %gather3A_1810, %gather3A_2761 : vector<16xf32>
      %add3A_2763 = arith.addf %add3A_2757, %mul3A_2762 : vector<16xf32>
      %add3A_2764 = arith.constant 21 : i32
      %add3A_2765 = vector.broadcast %add3A_2764 : i32 to vector<16xi32>
      %add3A_2766 = arith.addi %mul3A_2597, %add3A_2765 : vector<16xi32>
      %gather3A_2767 = tpu.vector_load_idx %arg19[%add3A_2766] : memref<110592xf32, #tpu.memory_space<vmem>>[vector<16xi32>], vector<16xf32>,
      %mul3A_2768 = arith.mulf %gather3A_1813, %gather3A_2767 : vector<16xf32>
      %add3A_2769 = arith.addf %add3A_2763, %mul3A_2768 : vector<16xf32>
      %add3A_2770 = arith.constant 22 : i32
      %add3A_2771 = vector.broadcast %add3A_2770 : i32 to vector<16xi32>
      %add3A_2772 = arith.addi %mul3A_2597, %add3A_2771 : vector<16xi32>
      %gather3A_2773 = tpu.vector_load_idx %arg19[%add3A_2772] : memref<110592xf32, #tpu.memory_space<vmem>>[vector<16xi32>], vector<16xf32>,
      %mul3A_2774 = arith.mulf %gather3A_1816, %gather3A_2773 : vector<16xf32>
      %add3A_2775 = arith.addf %add3A_2769, %mul3A_2774 : vector<16xf32>
      %add3A_2776 = arith.constant 23 : i32
      %add3A_2777 = vector.broadcast %add3A_2776 : i32 to vector<16xi32>
      %add3A_2778 = arith.addi %mul3A_2597, %add3A_2777 : vector<16xi32>
      %gather3A_2779 = tpu.vector_load_idx %arg19[%add3A_2778] : memref<110592xf32, #tpu.memory_space<vmem>>[vector<16xi32>], vector<16xf32>,
      %mul3A_2780 = arith.mulf %gather3A_1819, %gather3A_2779 : vector<16xf32>
      %add3A_2781 = arith.addf %add3A_2775, %mul3A_2780 : vector<16xf32>
      %add3A_2782 = arith.constant 24 : i32
      %add3A_2783 = vector.broadcast %add3A_2782 : i32 to vector<16xi32>
      %add3A_2784 = arith.addi %mul3A_2597, %add3A_2783 : vector<16xi32>
      %gather3A_2785 = tpu.vector_load_idx %arg19[%add3A_2784] : memref<110592xf32, #tpu.memory_space<vmem>>[vector<16xi32>], vector<16xf32>,
      %mul3A_2786 = arith.mulf %gather3A_1822, %gather3A_2785 : vector<16xf32>
      %add3A_2787 = arith.addf %add3A_2781, %mul3A_2786 : vector<16xf32>
      %add3A_2788 = arith.constant 25 : i32
      %add3A_2789 = vector.broadcast %add3A_2788 : i32 to vector<16xi32>
      %add3A_2790 = arith.addi %mul3A_2597, %add3A_2789 : vector<16xi32>
      %gather3A_2791 = tpu.vector_load_idx %arg19[%add3A_2790] : memref<110592xf32, #tpu.memory_space<vmem>>[vector<16xi32>], vector<16xf32>,
      %mul3A_2792 = arith.mulf %gather3A_1825, %gather3A_2791 : vector<16xf32>
      %add3A_2793 = arith.addf %add3A_2787, %mul3A_2792 : vector<16xf32>
      %add3A_2794 = arith.constant 26 : i32
      %add3A_2795 = vector.broadcast %add3A_2794 : i32 to vector<16xi32>
      %add3A_2796 = arith.addi %mul3A_2597, %add3A_2795 : vector<16xi32>
      %gather3A_2797 = tpu.vector_load_idx %arg19[%add3A_2796] : memref<110592xf32, #tpu.memory_space<vmem>>[vector<16xi32>], vector<16xf32>,
      %mul3A_2798 = arith.mulf %gather3A_1828, %gather3A_2797 : vector<16xf32>
      %add3A_2799 = arith.addf %add3A_2793, %mul3A_2798 : vector<16xf32>
      %neg3A_2800 = arith.constant 0.000000e+00 : f32
      %neg3A_2801 = vector.broadcast %neg3A_2800 : f32 to vector<16xf32>
      %neg3A_2802 = arith.subf %neg3A_2801, %add3A_2799 : vector<16xf32>
      %exp3A_2803 = math.exp %neg3A_2802 : vector<16xf32>
      %add3A_2804 = arith.constant 1.000000e+00 : f32
      %add3A_2805 = vector.broadcast %add3A_2804 : f32 to vector<16xf32>
      %add3A_2806 = arith.addf %add3A_2805, %exp3A_2803 : vector<16xf32>
      %div3A_2807 = arith.constant 1.000000e+00 : f32
      %div3A_2808 = vector.broadcast %div3A_2807 : f32 to vector<16xf32>
      %div3A_2809 = arith.divf %div3A_2808, %add3A_2806 : vector<16xf32>
      %mul3A_2810 = arith.mulf %add3A_2806, %div3A_2809 : vector<16xf32>
      %sub3A_2811 = arith.constant 2.000000e+00 : f32
      %sub3A_2812 = vector.broadcast %sub3A_2811 : f32 to vector<16xf32>
      %sub3A_2813 = arith.subf %sub3A_2812, %mul3A_2810 : vector<16xf32>
      %mul3A_2814 = arith.mulf %div3A_2809, %sub3A_2813 : vector<16xf32>
      %mul3A_2815 = arith.mulf %add3A_2806, %mul3A_2814 : vector<16xf32>
      %sub3A_2816 = arith.constant 2.000000e+00 : f32
      %sub3A_2817 = vector.broadcast %sub3A_2816 : f32 to vector<16xf32>
      %sub3A_2818 = arith.subf %sub3A_2817, %mul3A_2815 : vector<16xf32>
      %mul3A_2819 = arith.mulf %mul3A_2814, %sub3A_2818 : vector<16xf32>
      %mul3A_2820 = arith.mulf %sub3A_2592, %mul3A_2671 : vector<16xf32>
      %add3A_2821 = arith.addf %add3A_2570, %mul3A_2820 : vector<16xf32>
      %mul3A_2822 = arith.mulf %sub3A_2592, %mul3A_2745 : vector<16xf32>
      %add3A_2823 = arith.addf %add3A_2572, %mul3A_2822 : vector<16xf32>
      %mul3A_2824 = arith.mulf %sub3A_2592, %mul3A_2819 : vector<16xf32>
      %add3A_2825 = arith.addf %add3A_2574, %mul3A_2824 : vector<16xf32>
      %get3A_2826 = arith.constant 48 : index
      %get3A_2827 = tpu.vector_load %arg18[%get3A_2826] {strides = array<i32>} : memref<64xf32, #tpu.memory_space<vmem>>, vector<16xf32>,
      %mul3A_2828 = arith.mulf %sub3A_2592, %get3A_2827 : vector<16xf32>
      %add3A_2829 = arith.addf %add3A_2578, %mul3A_2828 : vector<16xf32>
      %add3A_2830 = arith.addf %add3A_2579, %sub3A_2592 : vector<16xf32>
      %add3A_2831 = arith.addf %add3A_2580, %get3A_2582 : vector<16xf32>
      %mul3A_2832 = arith.constant 16 : i32
      %mul3A_2833 = arith.muli %scan3A_1592, %mul3A_2832 : i32
      %swap3A_2834 = arith.index_cast %mul3A_2833 : i32 to index
      %swap3A_2835 = tpu.vector_load %arg20[%swap3A_2834] {strides = array<i32>} : memref<512xf32, #tpu.memory_space<vmem>>, vector<16xf32>,
      tpu.vector_store %arg20[%swap3A_2834], %add3A_2821 {strides = array<i32>} : memref<512xf32, #tpu.memory_space<vmem>>, vector<16xf32>,
      %swap3A_2836 = arith.index_cast %mul3A_2833 : i32 to index
      %swap3A_2837 = tpu.vector_load %arg21[%swap3A_2836] {strides = array<i32>} : memref<512xf32, #tpu.memory_space<vmem>>, vector<16xf32>,
      tpu.vector_store %arg21[%swap3A_2836], %add3A_2823 {strides = array<i32>} : memref<512xf32, #tpu.memory_space<vmem>>, vector<16xf32>,
      %swap3A_2838 = arith.index_cast %mul3A_2833 : i32 to index
      %swap3A_2839 = tpu.vector_load %arg22[%swap3A_2838] {strides = array<i32>} : memref<512xf32, #tpu.memory_space<vmem>>, vector<16xf32>,
      tpu.vector_store %arg22[%swap3A_2838], %add3A_2825 {strides = array<i32>} : memref<512xf32, #tpu.memory_space<vmem>>, vector<16xf32>,
      %swap3A_2840 = arith.index_cast %mul3A_2833 : i32 to index
      %swap3A_2841 = tpu.vector_load %arg23[%swap3A_2840] {strides = array<i32>} : memref<512xf32, #tpu.memory_space<vmem>>, vector<16xf32>,
      tpu.vector_store %arg23[%swap3A_2840], %add3A_2829 {strides = array<i32>} : memref<512xf32, #tpu.memory_space<vmem>>, vector<16xf32>,
      %swap3A_2842 = arith.index_cast %mul3A_2833 : i32 to index
      %swap3A_2843 = tpu.vector_load %arg24[%swap3A_2842] {strides = array<i32>} : memref<512xf32, #tpu.memory_space<vmem>>, vector<16xf32>,
      tpu.vector_store %arg24[%swap3A_2842], %add3A_2830 {strides = array<i32>} : memref<512xf32, #tpu.memory_space<vmem>>, vector<16xf32>,
      %swap3A_2844 = arith.index_cast %mul3A_2833 : i32 to index
      %swap3A_2845 = tpu.vector_load %arg25[%swap3A_2844] {strides = array<i32>} : memref<512xf32, #tpu.memory_space<vmem>>, vector<16xf32>,
      tpu.vector_store %arg25[%swap3A_2844], %add3A_2831 {strides = array<i32>} : memref<512xf32, #tpu.memory_space<vmem>>, vector<16xf32>,
      %scan3A_2846 = arith.constant 0 : i32
      scf.yield %scan3A_2846 : i32
    }
    %scan3A_9 = arith.constant 32 : i32
    %add3A_10 = arith.constant 0 : i32
    %add3A_11 = vector.broadcast %add3A_10 : i32 to vector<16xi32>
    %add3A_12 = arith.addi %add3A_11, %iota3A : vector<16xi32>
    %mul3A_13 = arith.constant 16 : i32
    %mul3A_14 = vector.broadcast %mul3A_13 : i32 to vector<16xi32>
    %mul3A_15 = arith.muli %add3A_12, %mul3A_14 : vector<16xi32>
    %add3A_16 = arith.constant 0 : i32
    %add3A_17 = vector.broadcast %add3A_16 : i32 to vector<16xi32>
    %add3A_18 = arith.addi %mul3A_15, %add3A_17 : vector<16xi32>
    %gather3A = tpu.vector_load_idx %arg20[%add3A_18] : memref<512xf32, #tpu.memory_space<vmem>>[vector<16xi32>], vector<16xf32>,
    %add3A_19 = arith.addf %broadcast_in_dim3A_3, %gather3A : vector<16xf32>
    %mul3A_20 = arith.constant 16 : i32
    %mul3A_21 = vector.broadcast %mul3A_20 : i32 to vector<16xi32>
    %mul3A_22 = arith.muli %add3A_12, %mul3A_21 : vector<16xi32>
    %add3A_23 = arith.constant 1 : i32
    %add3A_24 = vector.broadcast %add3A_23 : i32 to vector<16xi32>
    %add3A_25 = arith.addi %mul3A_22, %add3A_24 : vector<16xi32>
    %gather3A_26 = tpu.vector_load_idx %arg20[%add3A_25] : memref<512xf32, #tpu.memory_space<vmem>>[vector<16xi32>], vector<16xf32>,
    %add3A_27 = arith.addf %add3A_19, %gather3A_26 : vector<16xf32>
    %mul3A_28 = arith.constant 16 : i32
    %mul3A_29 = vector.broadcast %mul3A_28 : i32 to vector<16xi32>
    %mul3A_30 = arith.muli %add3A_12, %mul3A_29 : vector<16xi32>
    %add3A_31 = arith.constant 2 : i32
    %add3A_32 = vector.broadcast %add3A_31 : i32 to vector<16xi32>
    %add3A_33 = arith.addi %mul3A_30, %add3A_32 : vector<16xi32>
    %gather3A_34 = tpu.vector_load_idx %arg20[%add3A_33] : memref<512xf32, #tpu.memory_space<vmem>>[vector<16xi32>], vector<16xf32>,
    %add3A_35 = arith.addf %add3A_27, %gather3A_34 : vector<16xf32>
    %mul3A_36 = arith.constant 16 : i32
    %mul3A_37 = vector.broadcast %mul3A_36 : i32 to vector<16xi32>
    %mul3A_38 = arith.muli %add3A_12, %mul3A_37 : vector<16xi32>
    %add3A_39 = arith.constant 3 : i32
    %add3A_40 = vector.broadcast %add3A_39 : i32 to vector<16xi32>
    %add3A_41 = arith.addi %mul3A_38, %add3A_40 : vector<16xi32>
    %gather3A_42 = tpu.vector_load_idx %arg20[%add3A_41] : memref<512xf32, #tpu.memory_space<vmem>>[vector<16xi32>], vector<16xf32>,
    %add3A_43 = arith.addf %add3A_35, %gather3A_42 : vector<16xf32>
    %mul3A_44 = arith.constant 16 : i32
    %mul3A_45 = vector.broadcast %mul3A_44 : i32 to vector<16xi32>
    %mul3A_46 = arith.muli %add3A_12, %mul3A_45 : vector<16xi32>
    %add3A_47 = arith.constant 4 : i32
    %add3A_48 = vector.broadcast %add3A_47 : i32 to vector<16xi32>
    %add3A_49 = arith.addi %mul3A_46, %add3A_48 : vector<16xi32>
    %gather3A_50 = tpu.vector_load_idx %arg20[%add3A_49] : memref<512xf32, #tpu.memory_space<vmem>>[vector<16xi32>], vector<16xf32>,
    %add3A_51 = arith.addf %add3A_43, %gather3A_50 : vector<16xf32>
    %mul3A_52 = arith.constant 16 : i32
    %mul3A_53 = vector.broadcast %mul3A_52 : i32 to vector<16xi32>
    %mul3A_54 = arith.muli %add3A_12, %mul3A_53 : vector<16xi32>
    %add3A_55 = arith.constant 5 : i32
    %add3A_56 = vector.broadcast %add3A_55 : i32 to vector<16xi32>
    %add3A_57 = arith.addi %mul3A_54, %add3A_56 : vector<16xi32>
    %gather3A_58 = tpu.vector_load_idx %arg20[%add3A_57] : memref<512xf32, #tpu.memory_space<vmem>>[vector<16xi32>], vector<16xf32>,
    %add3A_59 = arith.addf %add3A_51, %gather3A_58 : vector<16xf32>
    %mul3A_60 = arith.constant 16 : i32
    %mul3A_61 = vector.broadcast %mul3A_60 : i32 to vector<16xi32>
    %mul3A_62 = arith.muli %add3A_12, %mul3A_61 : vector<16xi32>
    %add3A_63 = arith.constant 6 : i32
    %add3A_64 = vector.broadcast %add3A_63 : i32 to vector<16xi32>
    %add3A_65 = arith.addi %mul3A_62, %add3A_64 : vector<16xi32>
    %gather3A_66 = tpu.vector_load_idx %arg20[%add3A_65] : memref<512xf32, #tpu.memory_space<vmem>>[vector<16xi32>], vector<16xf32>,
    %add3A_67 = arith.addf %add3A_59, %gather3A_66 : vector<16xf32>
    %mul3A_68 = arith.constant 16 : i32
    %mul3A_69 = vector.broadcast %mul3A_68 : i32 to vector<16xi32>
    %mul3A_70 = arith.muli %add3A_12, %mul3A_69 : vector<16xi32>
    %add3A_71 = arith.constant 7 : i32
    %add3A_72 = vector.broadcast %add3A_71 : i32 to vector<16xi32>
    %add3A_73 = arith.addi %mul3A_70, %add3A_72 : vector<16xi32>
    %gather3A_74 = tpu.vector_load_idx %arg20[%add3A_73] : memref<512xf32, #tpu.memory_space<vmem>>[vector<16xi32>], vector<16xf32>,
    %add3A_75 = arith.addf %add3A_67, %gather3A_74 : vector<16xf32>
    %mul3A_76 = arith.constant 16 : i32
    %mul3A_77 = vector.broadcast %mul3A_76 : i32 to vector<16xi32>
    %mul3A_78 = arith.muli %add3A_12, %mul3A_77 : vector<16xi32>
    %add3A_79 = arith.constant 8 : i32
    %add3A_80 = vector.broadcast %add3A_79 : i32 to vector<16xi32>
    %add3A_81 = arith.addi %mul3A_78, %add3A_80 : vector<16xi32>
    %gather3A_82 = tpu.vector_load_idx %arg20[%add3A_81] : memref<512xf32, #tpu.memory_space<vmem>>[vector<16xi32>], vector<16xf32>,
    %add3A_83 = arith.addf %add3A_75, %gather3A_82 : vector<16xf32>
    %mul3A_84 = arith.constant 16 : i32
    %mul3A_85 = vector.broadcast %mul3A_84 : i32 to vector<16xi32>
    %mul3A_86 = arith.muli %add3A_12, %mul3A_85 : vector<16xi32>
    %add3A_87 = arith.constant 9 : i32
    %add3A_88 = vector.broadcast %add3A_87 : i32 to vector<16xi32>
    %add3A_89 = arith.addi %mul3A_86, %add3A_88 : vector<16xi32>
    %gather3A_90 = tpu.vector_load_idx %arg20[%add3A_89] : memref<512xf32, #tpu.memory_space<vmem>>[vector<16xi32>], vector<16xf32>,
    %add3A_91 = arith.addf %add3A_83, %gather3A_90 : vector<16xf32>
    %mul3A_92 = arith.constant 16 : i32
    %mul3A_93 = vector.broadcast %mul3A_92 : i32 to vector<16xi32>
    %mul3A_94 = arith.muli %add3A_12, %mul3A_93 : vector<16xi32>
    %add3A_95 = arith.constant 10 : i32
    %add3A_96 = vector.broadcast %add3A_95 : i32 to vector<16xi32>
    %add3A_97 = arith.addi %mul3A_94, %add3A_96 : vector<16xi32>
    %gather3A_98 = tpu.vector_load_idx %arg20[%add3A_97] : memref<512xf32, #tpu.memory_space<vmem>>[vector<16xi32>], vector<16xf32>,
    %add3A_99 = arith.addf %add3A_91, %gather3A_98 : vector<16xf32>
    %mul3A_100 = arith.constant 16 : i32
    %mul3A_101 = vector.broadcast %mul3A_100 : i32 to vector<16xi32>
    %mul3A_102 = arith.muli %add3A_12, %mul3A_101 : vector<16xi32>
    %add3A_103 = arith.constant 11 : i32
    %add3A_104 = vector.broadcast %add3A_103 : i32 to vector<16xi32>
    %add3A_105 = arith.addi %mul3A_102, %add3A_104 : vector<16xi32>
    %gather3A_106 = tpu.vector_load_idx %arg20[%add3A_105] : memref<512xf32, #tpu.memory_space<vmem>>[vector<16xi32>], vector<16xf32>,
    %add3A_107 = arith.addf %add3A_99, %gather3A_106 : vector<16xf32>
    %mul3A_108 = arith.constant 16 : i32
    %mul3A_109 = vector.broadcast %mul3A_108 : i32 to vector<16xi32>
    %mul3A_110 = arith.muli %add3A_12, %mul3A_109 : vector<16xi32>
    %add3A_111 = arith.constant 12 : i32
    %add3A_112 = vector.broadcast %add3A_111 : i32 to vector<16xi32>
    %add3A_113 = arith.addi %mul3A_110, %add3A_112 : vector<16xi32>
    %gather3A_114 = tpu.vector_load_idx %arg20[%add3A_113] : memref<512xf32, #tpu.memory_space<vmem>>[vector<16xi32>], vector<16xf32>,
    %add3A_115 = arith.addf %add3A_107, %gather3A_114 : vector<16xf32>
    %mul3A_116 = arith.constant 16 : i32
    %mul3A_117 = vector.broadcast %mul3A_116 : i32 to vector<16xi32>
    %mul3A_118 = arith.muli %add3A_12, %mul3A_117 : vector<16xi32>
    %add3A_119 = arith.constant 13 : i32
    %add3A_120 = vector.broadcast %add3A_119 : i32 to vector<16xi32>
    %add3A_121 = arith.addi %mul3A_118, %add3A_120 : vector<16xi32>
    %gather3A_122 = tpu.vector_load_idx %arg20[%add3A_121] : memref<512xf32, #tpu.memory_space<vmem>>[vector<16xi32>], vector<16xf32>,
    %add3A_123 = arith.addf %add3A_115, %gather3A_122 : vector<16xf32>
    %mul3A_124 = arith.constant 16 : i32
    %mul3A_125 = vector.broadcast %mul3A_124 : i32 to vector<16xi32>
    %mul3A_126 = arith.muli %add3A_12, %mul3A_125 : vector<16xi32>
    %add3A_127 = arith.constant 14 : i32
    %add3A_128 = vector.broadcast %add3A_127 : i32 to vector<16xi32>
    %add3A_129 = arith.addi %mul3A_126, %add3A_128 : vector<16xi32>
    %gather3A_130 = tpu.vector_load_idx %arg20[%add3A_129] : memref<512xf32, #tpu.memory_space<vmem>>[vector<16xi32>], vector<16xf32>,
    %add3A_131 = arith.addf %add3A_123, %gather3A_130 : vector<16xf32>
    %mul3A_132 = arith.constant 16 : i32
    %mul3A_133 = vector.broadcast %mul3A_132 : i32 to vector<16xi32>
    %mul3A_134 = arith.muli %add3A_12, %mul3A_133 : vector<16xi32>
    %add3A_135 = arith.constant 15 : i32
    %add3A_136 = vector.broadcast %add3A_135 : i32 to vector<16xi32>
    %add3A_137 = arith.addi %mul3A_134, %add3A_136 : vector<16xi32>
    %gather3A_138 = tpu.vector_load_idx %arg20[%add3A_137] : memref<512xf32, #tpu.memory_space<vmem>>[vector<16xi32>], vector<16xf32>,
    %add3A_139 = arith.addf %add3A_131, %gather3A_138 : vector<16xf32>
    %mul3A_140 = arith.constant 16 : i32
    %mul3A_141 = vector.broadcast %mul3A_140 : i32 to vector<16xi32>
    %mul3A_142 = arith.muli %add3A_12, %mul3A_141 : vector<16xi32>
    %add3A_143 = arith.constant 0 : i32
    %add3A_144 = vector.broadcast %add3A_143 : i32 to vector<16xi32>
    %add3A_145 = arith.addi %mul3A_142, %add3A_144 : vector<16xi32>
    %gather3A_146 = tpu.vector_load_idx %arg21[%add3A_145] : memref<512xf32, #tpu.memory_space<vmem>>[vector<16xi32>], vector<16xf32>,
    %add3A_147 = arith.addf %broadcast_in_dim3A_3, %gather3A_146 : vector<16xf32>
    %mul3A_148 = arith.constant 16 : i32
    %mul3A_149 = vector.broadcast %mul3A_148 : i32 to vector<16xi32>
    %mul3A_150 = arith.muli %add3A_12, %mul3A_149 : vector<16xi32>
    %add3A_151 = arith.constant 1 : i32
    %add3A_152 = vector.broadcast %add3A_151 : i32 to vector<16xi32>
    %add3A_153 = arith.addi %mul3A_150, %add3A_152 : vector<16xi32>
    %gather3A_154 = tpu.vector_load_idx %arg21[%add3A_153] : memref<512xf32, #tpu.memory_space<vmem>>[vector<16xi32>], vector<16xf32>,
    %add3A_155 = arith.addf %add3A_147, %gather3A_154 : vector<16xf32>
    %mul3A_156 = arith.constant 16 : i32
    %mul3A_157 = vector.broadcast %mul3A_156 : i32 to vector<16xi32>
    %mul3A_158 = arith.muli %add3A_12, %mul3A_157 : vector<16xi32>
    %add3A_159 = arith.constant 2 : i32
    %add3A_160 = vector.broadcast %add3A_159 : i32 to vector<16xi32>
    %add3A_161 = arith.addi %mul3A_158, %add3A_160 : vector<16xi32>
    %gather3A_162 = tpu.vector_load_idx %arg21[%add3A_161] : memref<512xf32, #tpu.memory_space<vmem>>[vector<16xi32>], vector<16xf32>,
    %add3A_163 = arith.addf %add3A_155, %gather3A_162 : vector<16xf32>
    %mul3A_164 = arith.constant 16 : i32
    %mul3A_165 = vector.broadcast %mul3A_164 : i32 to vector<16xi32>
    %mul3A_166 = arith.muli %add3A_12, %mul3A_165 : vector<16xi32>
    %add3A_167 = arith.constant 3 : i32
    %add3A_168 = vector.broadcast %add3A_167 : i32 to vector<16xi32>
    %add3A_169 = arith.addi %mul3A_166, %add3A_168 : vector<16xi32>
    %gather3A_170 = tpu.vector_load_idx %arg21[%add3A_169] : memref<512xf32, #tpu.memory_space<vmem>>[vector<16xi32>], vector<16xf32>,
    %add3A_171 = arith.addf %add3A_163, %gather3A_170 : vector<16xf32>
    %mul3A_172 = arith.constant 16 : i32
    %mul3A_173 = vector.broadcast %mul3A_172 : i32 to vector<16xi32>
    %mul3A_174 = arith.muli %add3A_12, %mul3A_173 : vector<16xi32>
    %add3A_175 = arith.constant 4 : i32
    %add3A_176 = vector.broadcast %add3A_175 : i32 to vector<16xi32>
    %add3A_177 = arith.addi %mul3A_174, %add3A_176 : vector<16xi32>
    %gather3A_178 = tpu.vector_load_idx %arg21[%add3A_177] : memref<512xf32, #tpu.memory_space<vmem>>[vector<16xi32>], vector<16xf32>,
    %add3A_179 = arith.addf %add3A_171, %gather3A_178 : vector<16xf32>
    %mul3A_180 = arith.constant 16 : i32
    %mul3A_181 = vector.broadcast %mul3A_180 : i32 to vector<16xi32>
    %mul3A_182 = arith.muli %add3A_12, %mul3A_181 : vector<16xi32>
    %add3A_183 = arith.constant 5 : i32
    %add3A_184 = vector.broadcast %add3A_183 : i32 to vector<16xi32>
    %add3A_185 = arith.addi %mul3A_182, %add3A_184 : vector<16xi32>
    %gather3A_186 = tpu.vector_load_idx %arg21[%add3A_185] : memref<512xf32, #tpu.memory_space<vmem>>[vector<16xi32>], vector<16xf32>,
    %add3A_187 = arith.addf %add3A_179, %gather3A_186 : vector<16xf32>
    %mul3A_188 = arith.constant 16 : i32
    %mul3A_189 = vector.broadcast %mul3A_188 : i32 to vector<16xi32>
    %mul3A_190 = arith.muli %add3A_12, %mul3A_189 : vector<16xi32>
    %add3A_191 = arith.constant 6 : i32
    %add3A_192 = vector.broadcast %add3A_191 : i32 to vector<16xi32>
    %add3A_193 = arith.addi %mul3A_190, %add3A_192 : vector<16xi32>
    %gather3A_194 = tpu.vector_load_idx %arg21[%add3A_193] : memref<512xf32, #tpu.memory_space<vmem>>[vector<16xi32>], vector<16xf32>,
    %add3A_195 = arith.addf %add3A_187, %gather3A_194 : vector<16xf32>
    %mul3A_196 = arith.constant 16 : i32
    %mul3A_197 = vector.broadcast %mul3A_196 : i32 to vector<16xi32>
    %mul3A_198 = arith.muli %add3A_12, %mul3A_197 : vector<16xi32>
    %add3A_199 = arith.constant 7 : i32
    %add3A_200 = vector.broadcast %add3A_199 : i32 to vector<16xi32>
    %add3A_201 = arith.addi %mul3A_198, %add3A_200 : vector<16xi32>
    %gather3A_202 = tpu.vector_load_idx %arg21[%add3A_201] : memref<512xf32, #tpu.memory_space<vmem>>[vector<16xi32>], vector<16xf32>,
    %add3A_203 = arith.addf %add3A_195, %gather3A_202 : vector<16xf32>
    %mul3A_204 = arith.constant 16 : i32
    %mul3A_205 = vector.broadcast %mul3A_204 : i32 to vector<16xi32>
    %mul3A_206 = arith.muli %add3A_12, %mul3A_205 : vector<16xi32>
    %add3A_207 = arith.constant 8 : i32
    %add3A_208 = vector.broadcast %add3A_207 : i32 to vector<16xi32>
    %add3A_209 = arith.addi %mul3A_206, %add3A_208 : vector<16xi32>
    %gather3A_210 = tpu.vector_load_idx %arg21[%add3A_209] : memref<512xf32, #tpu.memory_space<vmem>>[vector<16xi32>], vector<16xf32>,
    %add3A_211 = arith.addf %add3A_203, %gather3A_210 : vector<16xf32>
    %mul3A_212 = arith.constant 16 : i32
    %mul3A_213 = vector.broadcast %mul3A_212 : i32 to vector<16xi32>
    %mul3A_214 = arith.muli %add3A_12, %mul3A_213 : vector<16xi32>
    %add3A_215 = arith.constant 9 : i32
    %add3A_216 = vector.broadcast %add3A_215 : i32 to vector<16xi32>
    %add3A_217 = arith.addi %mul3A_214, %add3A_216 : vector<16xi32>
    %gather3A_218 = tpu.vector_load_idx %arg21[%add3A_217] : memref<512xf32, #tpu.memory_space<vmem>>[vector<16xi32>], vector<16xf32>,
    %add3A_219 = arith.addf %add3A_211, %gather3A_218 : vector<16xf32>
    %mul3A_220 = arith.constant 16 : i32
    %mul3A_221 = vector.broadcast %mul3A_220 : i32 to vector<16xi32>
    %mul3A_222 = arith.muli %add3A_12, %mul3A_221 : vector<16xi32>
    %add3A_223 = arith.constant 10 : i32
    %add3A_224 = vector.broadcast %add3A_223 : i32 to vector<16xi32>
    %add3A_225 = arith.addi %mul3A_222, %add3A_224 : vector<16xi32>
    %gather3A_226 = tpu.vector_load_idx %arg21[%add3A_225] : memref<512xf32, #tpu.memory_space<vmem>>[vector<16xi32>], vector<16xf32>,
    %add3A_227 = arith.addf %add3A_219, %gather3A_226 : vector<16xf32>
    %mul3A_228 = arith.constant 16 : i32
    %mul3A_229 = vector.broadcast %mul3A_228 : i32 to vector<16xi32>
    %mul3A_230 = arith.muli %add3A_12, %mul3A_229 : vector<16xi32>
    %add3A_231 = arith.constant 11 : i32
    %add3A_232 = vector.broadcast %add3A_231 : i32 to vector<16xi32>
    %add3A_233 = arith.addi %mul3A_230, %add3A_232 : vector<16xi32>
    %gather3A_234 = tpu.vector_load_idx %arg21[%add3A_233] : memref<512xf32, #tpu.memory_space<vmem>>[vector<16xi32>], vector<16xf32>,
    %add3A_235 = arith.addf %add3A_227, %gather3A_234 : vector<16xf32>
    %mul3A_236 = arith.constant 16 : i32
    %mul3A_237 = vector.broadcast %mul3A_236 : i32 to vector<16xi32>
    %mul3A_238 = arith.muli %add3A_12, %mul3A_237 : vector<16xi32>
    %add3A_239 = arith.constant 12 : i32
    %add3A_240 = vector.broadcast %add3A_239 : i32 to vector<16xi32>
    %add3A_241 = arith.addi %mul3A_238, %add3A_240 : vector<16xi32>
    %gather3A_242 = tpu.vector_load_idx %arg21[%add3A_241] : memref<512xf32, #tpu.memory_space<vmem>>[vector<16xi32>], vector<16xf32>,
    %add3A_243 = arith.addf %add3A_235, %gather3A_242 : vector<16xf32>
    %mul3A_244 = arith.constant 16 : i32
    %mul3A_245 = vector.broadcast %mul3A_244 : i32 to vector<16xi32>
    %mul3A_246 = arith.muli %add3A_12, %mul3A_245 : vector<16xi32>
    %add3A_247 = arith.constant 13 : i32
    %add3A_248 = vector.broadcast %add3A_247 : i32 to vector<16xi32>
    %add3A_249 = arith.addi %mul3A_246, %add3A_248 : vector<16xi32>
    %gather3A_250 = tpu.vector_load_idx %arg21[%add3A_249] : memref<512xf32, #tpu.memory_space<vmem>>[vector<16xi32>], vector<16xf32>,
    %add3A_251 = arith.addf %add3A_243, %gather3A_250 : vector<16xf32>
    %mul3A_252 = arith.constant 16 : i32
    %mul3A_253 = vector.broadcast %mul3A_252 : i32 to vector<16xi32>
    %mul3A_254 = arith.muli %add3A_12, %mul3A_253 : vector<16xi32>
    %add3A_255 = arith.constant 14 : i32
    %add3A_256 = vector.broadcast %add3A_255 : i32 to vector<16xi32>
    %add3A_257 = arith.addi %mul3A_254, %add3A_256 : vector<16xi32>
    %gather3A_258 = tpu.vector_load_idx %arg21[%add3A_257] : memref<512xf32, #tpu.memory_space<vmem>>[vector<16xi32>], vector<16xf32>,
    %add3A_259 = arith.addf %add3A_251, %gather3A_258 : vector<16xf32>
    %mul3A_260 = arith.constant 16 : i32
    %mul3A_261 = vector.broadcast %mul3A_260 : i32 to vector<16xi32>
    %mul3A_262 = arith.muli %add3A_12, %mul3A_261 : vector<16xi32>
    %add3A_263 = arith.constant 15 : i32
    %add3A_264 = vector.broadcast %add3A_263 : i32 to vector<16xi32>
    %add3A_265 = arith.addi %mul3A_262, %add3A_264 : vector<16xi32>
    %gather3A_266 = tpu.vector_load_idx %arg21[%add3A_265] : memref<512xf32, #tpu.memory_space<vmem>>[vector<16xi32>], vector<16xf32>,
    %add3A_267 = arith.addf %add3A_259, %gather3A_266 : vector<16xf32>
    %mul3A_268 = arith.constant 16 : i32
    %mul3A_269 = vector.broadcast %mul3A_268 : i32 to vector<16xi32>
    %mul3A_270 = arith.muli %add3A_12, %mul3A_269 : vector<16xi32>
    %add3A_271 = arith.constant 0 : i32
    %add3A_272 = vector.broadcast %add3A_271 : i32 to vector<16xi32>
    %add3A_273 = arith.addi %mul3A_270, %add3A_272 : vector<16xi32>
    %gather3A_274 = tpu.vector_load_idx %arg22[%add3A_273] : memref<512xf32, #tpu.memory_space<vmem>>[vector<16xi32>], vector<16xf32>,
    %add3A_275 = arith.addf %broadcast_in_dim3A_3, %gather3A_274 : vector<16xf32>
    %mul3A_276 = arith.constant 16 : i32
    %mul3A_277 = vector.broadcast %mul3A_276 : i32 to vector<16xi32>
    %mul3A_278 = arith.muli %add3A_12, %mul3A_277 : vector<16xi32>
    %add3A_279 = arith.constant 1 : i32
    %add3A_280 = vector.broadcast %add3A_279 : i32 to vector<16xi32>
    %add3A_281 = arith.addi %mul3A_278, %add3A_280 : vector<16xi32>
    %gather3A_282 = tpu.vector_load_idx %arg22[%add3A_281] : memref<512xf32, #tpu.memory_space<vmem>>[vector<16xi32>], vector<16xf32>,
    %add3A_283 = arith.addf %add3A_275, %gather3A_282 : vector<16xf32>
    %mul3A_284 = arith.constant 16 : i32
    %mul3A_285 = vector.broadcast %mul3A_284 : i32 to vector<16xi32>
    %mul3A_286 = arith.muli %add3A_12, %mul3A_285 : vector<16xi32>
    %add3A_287 = arith.constant 2 : i32
    %add3A_288 = vector.broadcast %add3A_287 : i32 to vector<16xi32>
    %add3A_289 = arith.addi %mul3A_286, %add3A_288 : vector<16xi32>
    %gather3A_290 = tpu.vector_load_idx %arg22[%add3A_289] : memref<512xf32, #tpu.memory_space<vmem>>[vector<16xi32>], vector<16xf32>,
    %add3A_291 = arith.addf %add3A_283, %gather3A_290 : vector<16xf32>
    %mul3A_292 = arith.constant 16 : i32
    %mul3A_293 = vector.broadcast %mul3A_292 : i32 to vector<16xi32>
    %mul3A_294 = arith.muli %add3A_12, %mul3A_293 : vector<16xi32>
    %add3A_295 = arith.constant 3 : i32
    %add3A_296 = vector.broadcast %add3A_295 : i32 to vector<16xi32>
    %add3A_297 = arith.addi %mul3A_294, %add3A_296 : vector<16xi32>
    %gather3A_298 = tpu.vector_load_idx %arg22[%add3A_297] : memref<512xf32, #tpu.memory_space<vmem>>[vector<16xi32>], vector<16xf32>,
    %add3A_299 = arith.addf %add3A_291, %gather3A_298 : vector<16xf32>
    %mul3A_300 = arith.constant 16 : i32
    %mul3A_301 = vector.broadcast %mul3A_300 : i32 to vector<16xi32>
    %mul3A_302 = arith.muli %add3A_12, %mul3A_301 : vector<16xi32>
    %add3A_303 = arith.constant 4 : i32
    %add3A_304 = vector.broadcast %add3A_303 : i32 to vector<16xi32>
    %add3A_305 = arith.addi %mul3A_302, %add3A_304 : vector<16xi32>
    %gather3A_306 = tpu.vector_load_idx %arg22[%add3A_305] : memref<512xf32, #tpu.memory_space<vmem>>[vector<16xi32>], vector<16xf32>,
    %add3A_307 = arith.addf %add3A_299, %gather3A_306 : vector<16xf32>
    %mul3A_308 = arith.constant 16 : i32
    %mul3A_309 = vector.broadcast %mul3A_308 : i32 to vector<16xi32>
    %mul3A_310 = arith.muli %add3A_12, %mul3A_309 : vector<16xi32>
    %add3A_311 = arith.constant 5 : i32
    %add3A_312 = vector.broadcast %add3A_311 : i32 to vector<16xi32>
    %add3A_313 = arith.addi %mul3A_310, %add3A_312 : vector<16xi32>
    %gather3A_314 = tpu.vector_load_idx %arg22[%add3A_313] : memref<512xf32, #tpu.memory_space<vmem>>[vector<16xi32>], vector<16xf32>,
    %add3A_315 = arith.addf %add3A_307, %gather3A_314 : vector<16xf32>
    %mul3A_316 = arith.constant 16 : i32
    %mul3A_317 = vector.broadcast %mul3A_316 : i32 to vector<16xi32>
    %mul3A_318 = arith.muli %add3A_12, %mul3A_317 : vector<16xi32>
    %add3A_319 = arith.constant 6 : i32
    %add3A_320 = vector.broadcast %add3A_319 : i32 to vector<16xi32>
    %add3A_321 = arith.addi %mul3A_318, %add3A_320 : vector<16xi32>
    %gather3A_322 = tpu.vector_load_idx %arg22[%add3A_321] : memref<512xf32, #tpu.memory_space<vmem>>[vector<16xi32>], vector<16xf32>,
    %add3A_323 = arith.addf %add3A_315, %gather3A_322 : vector<16xf32>
    %mul3A_324 = arith.constant 16 : i32
    %mul3A_325 = vector.broadcast %mul3A_324 : i32 to vector<16xi32>
    %mul3A_326 = arith.muli %add3A_12, %mul3A_325 : vector<16xi32>
    %add3A_327 = arith.constant 7 : i32
    %add3A_328 = vector.broadcast %add3A_327 : i32 to vector<16xi32>
    %add3A_329 = arith.addi %mul3A_326, %add3A_328 : vector<16xi32>
    %gather3A_330 = tpu.vector_load_idx %arg22[%add3A_329] : memref<512xf32, #tpu.memory_space<vmem>>[vector<16xi32>], vector<16xf32>,
    %add3A_331 = arith.addf %add3A_323, %gather3A_330 : vector<16xf32>
    %mul3A_332 = arith.constant 16 : i32
    %mul3A_333 = vector.broadcast %mul3A_332 : i32 to vector<16xi32>
    %mul3A_334 = arith.muli %add3A_12, %mul3A_333 : vector<16xi32>
    %add3A_335 = arith.constant 8 : i32
    %add3A_336 = vector.broadcast %add3A_335 : i32 to vector<16xi32>
    %add3A_337 = arith.addi %mul3A_334, %add3A_336 : vector<16xi32>
    %gather3A_338 = tpu.vector_load_idx %arg22[%add3A_337] : memref<512xf32, #tpu.memory_space<vmem>>[vector<16xi32>], vector<16xf32>,
    %add3A_339 = arith.addf %add3A_331, %gather3A_338 : vector<16xf32>
    %mul3A_340 = arith.constant 16 : i32
    %mul3A_341 = vector.broadcast %mul3A_340 : i32 to vector<16xi32>
    %mul3A_342 = arith.muli %add3A_12, %mul3A_341 : vector<16xi32>
    %add3A_343 = arith.constant 9 : i32
    %add3A_344 = vector.broadcast %add3A_343 : i32 to vector<16xi32>
    %add3A_345 = arith.addi %mul3A_342, %add3A_344 : vector<16xi32>
    %gather3A_346 = tpu.vector_load_idx %arg22[%add3A_345] : memref<512xf32, #tpu.memory_space<vmem>>[vector<16xi32>], vector<16xf32>,
    %add3A_347 = arith.addf %add3A_339, %gather3A_346 : vector<16xf32>
    %mul3A_348 = arith.constant 16 : i32
    %mul3A_349 = vector.broadcast %mul3A_348 : i32 to vector<16xi32>
    %mul3A_350 = arith.muli %add3A_12, %mul3A_349 : vector<16xi32>
    %add3A_351 = arith.constant 10 : i32
    %add3A_352 = vector.broadcast %add3A_351 : i32 to vector<16xi32>
    %add3A_353 = arith.addi %mul3A_350, %add3A_352 : vector<16xi32>
    %gather3A_354 = tpu.vector_load_idx %arg22[%add3A_353] : memref<512xf32, #tpu.memory_space<vmem>>[vector<16xi32>], vector<16xf32>,
    %add3A_355 = arith.addf %add3A_347, %gather3A_354 : vector<16xf32>
    %mul3A_356 = arith.constant 16 : i32
    %mul3A_357 = vector.broadcast %mul3A_356 : i32 to vector<16xi32>
    %mul3A_358 = arith.muli %add3A_12, %mul3A_357 : vector<16xi32>
    %add3A_359 = arith.constant 11 : i32
    %add3A_360 = vector.broadcast %add3A_359 : i32 to vector<16xi32>
    %add3A_361 = arith.addi %mul3A_358, %add3A_360 : vector<16xi32>
    %gather3A_362 = tpu.vector_load_idx %arg22[%add3A_361] : memref<512xf32, #tpu.memory_space<vmem>>[vector<16xi32>], vector<16xf32>,
    %add3A_363 = arith.addf %add3A_355, %gather3A_362 : vector<16xf32>
    %mul3A_364 = arith.constant 16 : i32
    %mul3A_365 = vector.broadcast %mul3A_364 : i32 to vector<16xi32>
    %mul3A_366 = arith.muli %add3A_12, %mul3A_365 : vector<16xi32>
    %add3A_367 = arith.constant 12 : i32
    %add3A_368 = vector.broadcast %add3A_367 : i32 to vector<16xi32>
    %add3A_369 = arith.addi %mul3A_366, %add3A_368 : vector<16xi32>
    %gather3A_370 = tpu.vector_load_idx %arg22[%add3A_369] : memref<512xf32, #tpu.memory_space<vmem>>[vector<16xi32>], vector<16xf32>,
    %add3A_371 = arith.addf %add3A_363, %gather3A_370 : vector<16xf32>
    %mul3A_372 = arith.constant 16 : i32
    %mul3A_373 = vector.broadcast %mul3A_372 : i32 to vector<16xi32>
    %mul3A_374 = arith.muli %add3A_12, %mul3A_373 : vector<16xi32>
    %add3A_375 = arith.constant 13 : i32
    %add3A_376 = vector.broadcast %add3A_375 : i32 to vector<16xi32>
    %add3A_377 = arith.addi %mul3A_374, %add3A_376 : vector<16xi32>
    %gather3A_378 = tpu.vector_load_idx %arg22[%add3A_377] : memref<512xf32, #tpu.memory_space<vmem>>[vector<16xi32>], vector<16xf32>,
    %add3A_379 = arith.addf %add3A_371, %gather3A_378 : vector<16xf32>
    %mul3A_380 = arith.constant 16 : i32
    %mul3A_381 = vector.broadcast %mul3A_380 : i32 to vector<16xi32>
    %mul3A_382 = arith.muli %add3A_12, %mul3A_381 : vector<16xi32>
    %add3A_383 = arith.constant 14 : i32
    %add3A_384 = vector.broadcast %add3A_383 : i32 to vector<16xi32>
    %add3A_385 = arith.addi %mul3A_382, %add3A_384 : vector<16xi32>
    %gather3A_386 = tpu.vector_load_idx %arg22[%add3A_385] : memref<512xf32, #tpu.memory_space<vmem>>[vector<16xi32>], vector<16xf32>,
    %add3A_387 = arith.addf %add3A_379, %gather3A_386 : vector<16xf32>
    %mul3A_388 = arith.constant 16 : i32
    %mul3A_389 = vector.broadcast %mul3A_388 : i32 to vector<16xi32>
    %mul3A_390 = arith.muli %add3A_12, %mul3A_389 : vector<16xi32>
    %add3A_391 = arith.constant 15 : i32
    %add3A_392 = vector.broadcast %add3A_391 : i32 to vector<16xi32>
    %add3A_393 = arith.addi %mul3A_390, %add3A_392 : vector<16xi32>
    %gather3A_394 = tpu.vector_load_idx %arg22[%add3A_393] : memref<512xf32, #tpu.memory_space<vmem>>[vector<16xi32>], vector<16xf32>,
    %add3A_395 = arith.addf %add3A_387, %gather3A_394 : vector<16xf32>
    %mul3A_396 = arith.constant 16 : i32
    %mul3A_397 = vector.broadcast %mul3A_396 : i32 to vector<16xi32>
    %mul3A_398 = arith.muli %add3A_12, %mul3A_397 : vector<16xi32>
    %add3A_399 = arith.constant 0 : i32
    %add3A_400 = vector.broadcast %add3A_399 : i32 to vector<16xi32>
    %add3A_401 = arith.addi %mul3A_398, %add3A_400 : vector<16xi32>
    %gather3A_402 = tpu.vector_load_idx %arg23[%add3A_401] : memref<512xf32, #tpu.memory_space<vmem>>[vector<16xi32>], vector<16xf32>,
    %add3A_403 = arith.addf %broadcast_in_dim3A_3, %gather3A_402 : vector<16xf32>
    %mul3A_404 = arith.constant 16 : i32
    %mul3A_405 = vector.broadcast %mul3A_404 : i32 to vector<16xi32>
    %mul3A_406 = arith.muli %add3A_12, %mul3A_405 : vector<16xi32>
    %add3A_407 = arith.constant 1 : i32
    %add3A_408 = vector.broadcast %add3A_407 : i32 to vector<16xi32>
    %add3A_409 = arith.addi %mul3A_406, %add3A_408 : vector<16xi32>
    %gather3A_410 = tpu.vector_load_idx %arg23[%add3A_409] : memref<512xf32, #tpu.memory_space<vmem>>[vector<16xi32>], vector<16xf32>,
    %add3A_411 = arith.addf %add3A_403, %gather3A_410 : vector<16xf32>
    %mul3A_412 = arith.constant 16 : i32
    %mul3A_413 = vector.broadcast %mul3A_412 : i32 to vector<16xi32>
    %mul3A_414 = arith.muli %add3A_12, %mul3A_413 : vector<16xi32>
    %add3A_415 = arith.constant 2 : i32
    %add3A_416 = vector.broadcast %add3A_415 : i32 to vector<16xi32>
    %add3A_417 = arith.addi %mul3A_414, %add3A_416 : vector<16xi32>
    %gather3A_418 = tpu.vector_load_idx %arg23[%add3A_417] : memref<512xf32, #tpu.memory_space<vmem>>[vector<16xi32>], vector<16xf32>,
    %add3A_419 = arith.addf %add3A_411, %gather3A_418 : vector<16xf32>
    %mul3A_420 = arith.constant 16 : i32
    %mul3A_421 = vector.broadcast %mul3A_420 : i32 to vector<16xi32>
    %mul3A_422 = arith.muli %add3A_12, %mul3A_421 : vector<16xi32>
    %add3A_423 = arith.constant 3 : i32
    %add3A_424 = vector.broadcast %add3A_423 : i32 to vector<16xi32>
    %add3A_425 = arith.addi %mul3A_422, %add3A_424 : vector<16xi32>
    %gather3A_426 = tpu.vector_load_idx %arg23[%add3A_425] : memref<512xf32, #tpu.memory_space<vmem>>[vector<16xi32>], vector<16xf32>,
    %add3A_427 = arith.addf %add3A_419, %gather3A_426 : vector<16xf32>
    %mul3A_428 = arith.constant 16 : i32
    %mul3A_429 = vector.broadcast %mul3A_428 : i32 to vector<16xi32>
    %mul3A_430 = arith.muli %add3A_12, %mul3A_429 : vector<16xi32>
    %add3A_431 = arith.constant 4 : i32
    %add3A_432 = vector.broadcast %add3A_431 : i32 to vector<16xi32>
    %add3A_433 = arith.addi %mul3A_430, %add3A_432 : vector<16xi32>
    %gather3A_434 = tpu.vector_load_idx %arg23[%add3A_433] : memref<512xf32, #tpu.memory_space<vmem>>[vector<16xi32>], vector<16xf32>,
    %add3A_435 = arith.addf %add3A_427, %gather3A_434 : vector<16xf32>
    %mul3A_436 = arith.constant 16 : i32
    %mul3A_437 = vector.broadcast %mul3A_436 : i32 to vector<16xi32>
    %mul3A_438 = arith.muli %add3A_12, %mul3A_437 : vector<16xi32>
    %add3A_439 = arith.constant 5 : i32
    %add3A_440 = vector.broadcast %add3A_439 : i32 to vector<16xi32>
    %add3A_441 = arith.addi %mul3A_438, %add3A_440 : vector<16xi32>
    %gather3A_442 = tpu.vector_load_idx %arg23[%add3A_441] : memref<512xf32, #tpu.memory_space<vmem>>[vector<16xi32>], vector<16xf32>,
    %add3A_443 = arith.addf %add3A_435, %gather3A_442 : vector<16xf32>
    %mul3A_444 = arith.constant 16 : i32
    %mul3A_445 = vector.broadcast %mul3A_444 : i32 to vector<16xi32>
    %mul3A_446 = arith.muli %add3A_12, %mul3A_445 : vector<16xi32>
    %add3A_447 = arith.constant 6 : i32
    %add3A_448 = vector.broadcast %add3A_447 : i32 to vector<16xi32>
    %add3A_449 = arith.addi %mul3A_446, %add3A_448 : vector<16xi32>
    %gather3A_450 = tpu.vector_load_idx %arg23[%add3A_449] : memref<512xf32, #tpu.memory_space<vmem>>[vector<16xi32>], vector<16xf32>,
    %add3A_451 = arith.addf %add3A_443, %gather3A_450 : vector<16xf32>
    %mul3A_452 = arith.constant 16 : i32
    %mul3A_453 = vector.broadcast %mul3A_452 : i32 to vector<16xi32>
    %mul3A_454 = arith.muli %add3A_12, %mul3A_453 : vector<16xi32>
    %add3A_455 = arith.constant 7 : i32
    %add3A_456 = vector.broadcast %add3A_455 : i32 to vector<16xi32>
    %add3A_457 = arith.addi %mul3A_454, %add3A_456 : vector<16xi32>
    %gather3A_458 = tpu.vector_load_idx %arg23[%add3A_457] : memref<512xf32, #tpu.memory_space<vmem>>[vector<16xi32>], vector<16xf32>,
    %add3A_459 = arith.addf %add3A_451, %gather3A_458 : vector<16xf32>
    %mul3A_460 = arith.constant 16 : i32
    %mul3A_461 = vector.broadcast %mul3A_460 : i32 to vector<16xi32>
    %mul3A_462 = arith.muli %add3A_12, %mul3A_461 : vector<16xi32>
    %add3A_463 = arith.constant 8 : i32
    %add3A_464 = vector.broadcast %add3A_463 : i32 to vector<16xi32>
    %add3A_465 = arith.addi %mul3A_462, %add3A_464 : vector<16xi32>
    %gather3A_466 = tpu.vector_load_idx %arg23[%add3A_465] : memref<512xf32, #tpu.memory_space<vmem>>[vector<16xi32>], vector<16xf32>,
    %add3A_467 = arith.addf %add3A_459, %gather3A_466 : vector<16xf32>
    %mul3A_468 = arith.constant 16 : i32
    %mul3A_469 = vector.broadcast %mul3A_468 : i32 to vector<16xi32>
    %mul3A_470 = arith.muli %add3A_12, %mul3A_469 : vector<16xi32>
    %add3A_471 = arith.constant 9 : i32
    %add3A_472 = vector.broadcast %add3A_471 : i32 to vector<16xi32>
    %add3A_473 = arith.addi %mul3A_470, %add3A_472 : vector<16xi32>
    %gather3A_474 = tpu.vector_load_idx %arg23[%add3A_473] : memref<512xf32, #tpu.memory_space<vmem>>[vector<16xi32>], vector<16xf32>,
    %add3A_475 = arith.addf %add3A_467, %gather3A_474 : vector<16xf32>
    %mul3A_476 = arith.constant 16 : i32
    %mul3A_477 = vector.broadcast %mul3A_476 : i32 to vector<16xi32>
    %mul3A_478 = arith.muli %add3A_12, %mul3A_477 : vector<16xi32>
    %add3A_479 = arith.constant 10 : i32
    %add3A_480 = vector.broadcast %add3A_479 : i32 to vector<16xi32>
    %add3A_481 = arith.addi %mul3A_478, %add3A_480 : vector<16xi32>
    %gather3A_482 = tpu.vector_load_idx %arg23[%add3A_481] : memref<512xf32, #tpu.memory_space<vmem>>[vector<16xi32>], vector<16xf32>,
    %add3A_483 = arith.addf %add3A_475, %gather3A_482 : vector<16xf32>
    %mul3A_484 = arith.constant 16 : i32
    %mul3A_485 = vector.broadcast %mul3A_484 : i32 to vector<16xi32>
    %mul3A_486 = arith.muli %add3A_12, %mul3A_485 : vector<16xi32>
    %add3A_487 = arith.constant 11 : i32
    %add3A_488 = vector.broadcast %add3A_487 : i32 to vector<16xi32>
    %add3A_489 = arith.addi %mul3A_486, %add3A_488 : vector<16xi32>
    %gather3A_490 = tpu.vector_load_idx %arg23[%add3A_489] : memref<512xf32, #tpu.memory_space<vmem>>[vector<16xi32>], vector<16xf32>,
    %add3A_491 = arith.addf %add3A_483, %gather3A_490 : vector<16xf32>
    %mul3A_492 = arith.constant 16 : i32
    %mul3A_493 = vector.broadcast %mul3A_492 : i32 to vector<16xi32>
    %mul3A_494 = arith.muli %add3A_12, %mul3A_493 : vector<16xi32>
    %add3A_495 = arith.constant 12 : i32
    %add3A_496 = vector.broadcast %add3A_495 : i32 to vector<16xi32>
    %add3A_497 = arith.addi %mul3A_494, %add3A_496 : vector<16xi32>
    %gather3A_498 = tpu.vector_load_idx %arg23[%add3A_497] : memref<512xf32, #tpu.memory_space<vmem>>[vector<16xi32>], vector<16xf32>,
    %add3A_499 = arith.addf %add3A_491, %gather3A_498 : vector<16xf32>
    %mul3A_500 = arith.constant 16 : i32
    %mul3A_501 = vector.broadcast %mul3A_500 : i32 to vector<16xi32>
    %mul3A_502 = arith.muli %add3A_12, %mul3A_501 : vector<16xi32>
    %add3A_503 = arith.constant 13 : i32
    %add3A_504 = vector.broadcast %add3A_503 : i32 to vector<16xi32>
    %add3A_505 = arith.addi %mul3A_502, %add3A_504 : vector<16xi32>
    %gather3A_506 = tpu.vector_load_idx %arg23[%add3A_505] : memref<512xf32, #tpu.memory_space<vmem>>[vector<16xi32>], vector<16xf32>,
    %add3A_507 = arith.addf %add3A_499, %gather3A_506 : vector<16xf32>
    %mul3A_508 = arith.constant 16 : i32
    %mul3A_509 = vector.broadcast %mul3A_508 : i32 to vector<16xi32>
    %mul3A_510 = arith.muli %add3A_12, %mul3A_509 : vector<16xi32>
    %add3A_511 = arith.constant 14 : i32
    %add3A_512 = vector.broadcast %add3A_511 : i32 to vector<16xi32>
    %add3A_513 = arith.addi %mul3A_510, %add3A_512 : vector<16xi32>
    %gather3A_514 = tpu.vector_load_idx %arg23[%add3A_513] : memref<512xf32, #tpu.memory_space<vmem>>[vector<16xi32>], vector<16xf32>,
    %add3A_515 = arith.addf %add3A_507, %gather3A_514 : vector<16xf32>
    %mul3A_516 = arith.constant 16 : i32
    %mul3A_517 = vector.broadcast %mul3A_516 : i32 to vector<16xi32>
    %mul3A_518 = arith.muli %add3A_12, %mul3A_517 : vector<16xi32>
    %add3A_519 = arith.constant 15 : i32
    %add3A_520 = vector.broadcast %add3A_519 : i32 to vector<16xi32>
    %add3A_521 = arith.addi %mul3A_518, %add3A_520 : vector<16xi32>
    %gather3A_522 = tpu.vector_load_idx %arg23[%add3A_521] : memref<512xf32, #tpu.memory_space<vmem>>[vector<16xi32>], vector<16xf32>,
    %add3A_523 = arith.addf %add3A_515, %gather3A_522 : vector<16xf32>
    %mul3A_524 = arith.constant 16 : i32
    %mul3A_525 = vector.broadcast %mul3A_524 : i32 to vector<16xi32>
    %mul3A_526 = arith.muli %add3A_12, %mul3A_525 : vector<16xi32>
    %add3A_527 = arith.constant 0 : i32
    %add3A_528 = vector.broadcast %add3A_527 : i32 to vector<16xi32>
    %add3A_529 = arith.addi %mul3A_526, %add3A_528 : vector<16xi32>
    %gather3A_530 = tpu.vector_load_idx %arg24[%add3A_529] : memref<512xf32, #tpu.memory_space<vmem>>[vector<16xi32>], vector<16xf32>,
    %add3A_531 = arith.addf %broadcast_in_dim3A_3, %gather3A_530 : vector<16xf32>
    %mul3A_532 = arith.constant 16 : i32
    %mul3A_533 = vector.broadcast %mul3A_532 : i32 to vector<16xi32>
    %mul3A_534 = arith.muli %add3A_12, %mul3A_533 : vector<16xi32>
    %add3A_535 = arith.constant 1 : i32
    %add3A_536 = vector.broadcast %add3A_535 : i32 to vector<16xi32>
    %add3A_537 = arith.addi %mul3A_534, %add3A_536 : vector<16xi32>
    %gather3A_538 = tpu.vector_load_idx %arg24[%add3A_537] : memref<512xf32, #tpu.memory_space<vmem>>[vector<16xi32>], vector<16xf32>,
    %add3A_539 = arith.addf %add3A_531, %gather3A_538 : vector<16xf32>
    %mul3A_540 = arith.constant 16 : i32
    %mul3A_541 = vector.broadcast %mul3A_540 : i32 to vector<16xi32>
    %mul3A_542 = arith.muli %add3A_12, %mul3A_541 : vector<16xi32>
    %add3A_543 = arith.constant 2 : i32
    %add3A_544 = vector.broadcast %add3A_543 : i32 to vector<16xi32>
    %add3A_545 = arith.addi %mul3A_542, %add3A_544 : vector<16xi32>
    %gather3A_546 = tpu.vector_load_idx %arg24[%add3A_545] : memref<512xf32, #tpu.memory_space<vmem>>[vector<16xi32>], vector<16xf32>,
    %add3A_547 = arith.addf %add3A_539, %gather3A_546 : vector<16xf32>
    %mul3A_548 = arith.constant 16 : i32
    %mul3A_549 = vector.broadcast %mul3A_548 : i32 to vector<16xi32>
    %mul3A_550 = arith.muli %add3A_12, %mul3A_549 : vector<16xi32>
    %add3A_551 = arith.constant 3 : i32
    %add3A_552 = vector.broadcast %add3A_551 : i32 to vector<16xi32>
    %add3A_553 = arith.addi %mul3A_550, %add3A_552 : vector<16xi32>
    %gather3A_554 = tpu.vector_load_idx %arg24[%add3A_553] : memref<512xf32, #tpu.memory_space<vmem>>[vector<16xi32>], vector<16xf32>,
    %add3A_555 = arith.addf %add3A_547, %gather3A_554 : vector<16xf32>
    %mul3A_556 = arith.constant 16 : i32
    %mul3A_557 = vector.broadcast %mul3A_556 : i32 to vector<16xi32>
    %mul3A_558 = arith.muli %add3A_12, %mul3A_557 : vector<16xi32>
    %add3A_559 = arith.constant 4 : i32
    %add3A_560 = vector.broadcast %add3A_559 : i32 to vector<16xi32>
    %add3A_561 = arith.addi %mul3A_558, %add3A_560 : vector<16xi32>
    %gather3A_562 = tpu.vector_load_idx %arg24[%add3A_561] : memref<512xf32, #tpu.memory_space<vmem>>[vector<16xi32>], vector<16xf32>,
    %add3A_563 = arith.addf %add3A_555, %gather3A_562 : vector<16xf32>
    %mul3A_564 = arith.constant 16 : i32
    %mul3A_565 = vector.broadcast %mul3A_564 : i32 to vector<16xi32>
    %mul3A_566 = arith.muli %add3A_12, %mul3A_565 : vector<16xi32>
    %add3A_567 = arith.constant 5 : i32
    %add3A_568 = vector.broadcast %add3A_567 : i32 to vector<16xi32>
    %add3A_569 = arith.addi %mul3A_566, %add3A_568 : vector<16xi32>
    %gather3A_570 = tpu.vector_load_idx %arg24[%add3A_569] : memref<512xf32, #tpu.memory_space<vmem>>[vector<16xi32>], vector<16xf32>,
    %add3A_571 = arith.addf %add3A_563, %gather3A_570 : vector<16xf32>
    %mul3A_572 = arith.constant 16 : i32
    %mul3A_573 = vector.broadcast %mul3A_572 : i32 to vector<16xi32>
    %mul3A_574 = arith.muli %add3A_12, %mul3A_573 : vector<16xi32>
    %add3A_575 = arith.constant 6 : i32
    %add3A_576 = vector.broadcast %add3A_575 : i32 to vector<16xi32>
    %add3A_577 = arith.addi %mul3A_574, %add3A_576 : vector<16xi32>
    %gather3A_578 = tpu.vector_load_idx %arg24[%add3A_577] : memref<512xf32, #tpu.memory_space<vmem>>[vector<16xi32>], vector<16xf32>,
    %add3A_579 = arith.addf %add3A_571, %gather3A_578 : vector<16xf32>
    %mul3A_580 = arith.constant 16 : i32
    %mul3A_581 = vector.broadcast %mul3A_580 : i32 to vector<16xi32>
    %mul3A_582 = arith.muli %add3A_12, %mul3A_581 : vector<16xi32>
    %add3A_583 = arith.constant 7 : i32
    %add3A_584 = vector.broadcast %add3A_583 : i32 to vector<16xi32>
    %add3A_585 = arith.addi %mul3A_582, %add3A_584 : vector<16xi32>
    %gather3A_586 = tpu.vector_load_idx %arg24[%add3A_585] : memref<512xf32, #tpu.memory_space<vmem>>[vector<16xi32>], vector<16xf32>,
    %add3A_587 = arith.addf %add3A_579, %gather3A_586 : vector<16xf32>
    %mul3A_588 = arith.constant 16 : i32
    %mul3A_589 = vector.broadcast %mul3A_588 : i32 to vector<16xi32>
    %mul3A_590 = arith.muli %add3A_12, %mul3A_589 : vector<16xi32>
    %add3A_591 = arith.constant 8 : i32
    %add3A_592 = vector.broadcast %add3A_591 : i32 to vector<16xi32>
    %add3A_593 = arith.addi %mul3A_590, %add3A_592 : vector<16xi32>
    %gather3A_594 = tpu.vector_load_idx %arg24[%add3A_593] : memref<512xf32, #tpu.memory_space<vmem>>[vector<16xi32>], vector<16xf32>,
    %add3A_595 = arith.addf %add3A_587, %gather3A_594 : vector<16xf32>
    %mul3A_596 = arith.constant 16 : i32
    %mul3A_597 = vector.broadcast %mul3A_596 : i32 to vector<16xi32>
    %mul3A_598 = arith.muli %add3A_12, %mul3A_597 : vector<16xi32>
    %add3A_599 = arith.constant 9 : i32
    %add3A_600 = vector.broadcast %add3A_599 : i32 to vector<16xi32>
    %add3A_601 = arith.addi %mul3A_598, %add3A_600 : vector<16xi32>
    %gather3A_602 = tpu.vector_load_idx %arg24[%add3A_601] : memref<512xf32, #tpu.memory_space<vmem>>[vector<16xi32>], vector<16xf32>,
    %add3A_603 = arith.addf %add3A_595, %gather3A_602 : vector<16xf32>
    %mul3A_604 = arith.constant 16 : i32
    %mul3A_605 = vector.broadcast %mul3A_604 : i32 to vector<16xi32>
    %mul3A_606 = arith.muli %add3A_12, %mul3A_605 : vector<16xi32>
    %add3A_607 = arith.constant 10 : i32
    %add3A_608 = vector.broadcast %add3A_607 : i32 to vector<16xi32>
    %add3A_609 = arith.addi %mul3A_606, %add3A_608 : vector<16xi32>
    %gather3A_610 = tpu.vector_load_idx %arg24[%add3A_609] : memref<512xf32, #tpu.memory_space<vmem>>[vector<16xi32>], vector<16xf32>,
    %add3A_611 = arith.addf %add3A_603, %gather3A_610 : vector<16xf32>
    %mul3A_612 = arith.constant 16 : i32
    %mul3A_613 = vector.broadcast %mul3A_612 : i32 to vector<16xi32>
    %mul3A_614 = arith.muli %add3A_12, %mul3A_613 : vector<16xi32>
    %add3A_615 = arith.constant 11 : i32
    %add3A_616 = vector.broadcast %add3A_615 : i32 to vector<16xi32>
    %add3A_617 = arith.addi %mul3A_614, %add3A_616 : vector<16xi32>
    %gather3A_618 = tpu.vector_load_idx %arg24[%add3A_617] : memref<512xf32, #tpu.memory_space<vmem>>[vector<16xi32>], vector<16xf32>,
    %add3A_619 = arith.addf %add3A_611, %gather3A_618 : vector<16xf32>
    %mul3A_620 = arith.constant 16 : i32
    %mul3A_621 = vector.broadcast %mul3A_620 : i32 to vector<16xi32>
    %mul3A_622 = arith.muli %add3A_12, %mul3A_621 : vector<16xi32>
    %add3A_623 = arith.constant 12 : i32
    %add3A_624 = vector.broadcast %add3A_623 : i32 to vector<16xi32>
    %add3A_625 = arith.addi %mul3A_622, %add3A_624 : vector<16xi32>
    %gather3A_626 = tpu.vector_load_idx %arg24[%add3A_625] : memref<512xf32, #tpu.memory_space<vmem>>[vector<16xi32>], vector<16xf32>,
    %add3A_627 = arith.addf %add3A_619, %gather3A_626 : vector<16xf32>
    %mul3A_628 = arith.constant 16 : i32
    %mul3A_629 = vector.broadcast %mul3A_628 : i32 to vector<16xi32>
    %mul3A_630 = arith.muli %add3A_12, %mul3A_629 : vector<16xi32>
    %add3A_631 = arith.constant 13 : i32
    %add3A_632 = vector.broadcast %add3A_631 : i32 to vector<16xi32>
    %add3A_633 = arith.addi %mul3A_630, %add3A_632 : vector<16xi32>
    %gather3A_634 = tpu.vector_load_idx %arg24[%add3A_633] : memref<512xf32, #tpu.memory_space<vmem>>[vector<16xi32>], vector<16xf32>,
    %add3A_635 = arith.addf %add3A_627, %gather3A_634 : vector<16xf32>
    %mul3A_636 = arith.constant 16 : i32
    %mul3A_637 = vector.broadcast %mul3A_636 : i32 to vector<16xi32>
    %mul3A_638 = arith.muli %add3A_12, %mul3A_637 : vector<16xi32>
    %add3A_639 = arith.constant 14 : i32
    %add3A_640 = vector.broadcast %add3A_639 : i32 to vector<16xi32>
    %add3A_641 = arith.addi %mul3A_638, %add3A_640 : vector<16xi32>
    %gather3A_642 = tpu.vector_load_idx %arg24[%add3A_641] : memref<512xf32, #tpu.memory_space<vmem>>[vector<16xi32>], vector<16xf32>,
    %add3A_643 = arith.addf %add3A_635, %gather3A_642 : vector<16xf32>
    %mul3A_644 = arith.constant 16 : i32
    %mul3A_645 = vector.broadcast %mul3A_644 : i32 to vector<16xi32>
    %mul3A_646 = arith.muli %add3A_12, %mul3A_645 : vector<16xi32>
    %add3A_647 = arith.constant 15 : i32
    %add3A_648 = vector.broadcast %add3A_647 : i32 to vector<16xi32>
    %add3A_649 = arith.addi %mul3A_646, %add3A_648 : vector<16xi32>
    %gather3A_650 = tpu.vector_load_idx %arg24[%add3A_649] : memref<512xf32, #tpu.memory_space<vmem>>[vector<16xi32>], vector<16xf32>,
    %add3A_651 = arith.addf %add3A_643, %gather3A_650 : vector<16xf32>
    %mul3A_652 = arith.constant 16 : i32
    %mul3A_653 = vector.broadcast %mul3A_652 : i32 to vector<16xi32>
    %mul3A_654 = arith.muli %add3A_12, %mul3A_653 : vector<16xi32>
    %add3A_655 = arith.constant 0 : i32
    %add3A_656 = vector.broadcast %add3A_655 : i32 to vector<16xi32>
    %add3A_657 = arith.addi %mul3A_654, %add3A_656 : vector<16xi32>
    %gather3A_658 = tpu.vector_load_idx %arg25[%add3A_657] : memref<512xf32, #tpu.memory_space<vmem>>[vector<16xi32>], vector<16xf32>,
    %add3A_659 = arith.addf %broadcast_in_dim3A_3, %gather3A_658 : vector<16xf32>
    %mul3A_660 = arith.constant 16 : i32
    %mul3A_661 = vector.broadcast %mul3A_660 : i32 to vector<16xi32>
    %mul3A_662 = arith.muli %add3A_12, %mul3A_661 : vector<16xi32>
    %add3A_663 = arith.constant 1 : i32
    %add3A_664 = vector.broadcast %add3A_663 : i32 to vector<16xi32>
    %add3A_665 = arith.addi %mul3A_662, %add3A_664 : vector<16xi32>
    %gather3A_666 = tpu.vector_load_idx %arg25[%add3A_665] : memref<512xf32, #tpu.memory_space<vmem>>[vector<16xi32>], vector<16xf32>,
    %add3A_667 = arith.addf %add3A_659, %gather3A_666 : vector<16xf32>
    %mul3A_668 = arith.constant 16 : i32
    %mul3A_669 = vector.broadcast %mul3A_668 : i32 to vector<16xi32>
    %mul3A_670 = arith.muli %add3A_12, %mul3A_669 : vector<16xi32>
    %add3A_671 = arith.constant 2 : i32
    %add3A_672 = vector.broadcast %add3A_671 : i32 to vector<16xi32>
    %add3A_673 = arith.addi %mul3A_670, %add3A_672 : vector<16xi32>
    %gather3A_674 = tpu.vector_load_idx %arg25[%add3A_673] : memref<512xf32, #tpu.memory_space<vmem>>[vector<16xi32>], vector<16xf32>,
    %add3A_675 = arith.addf %add3A_667, %gather3A_674 : vector<16xf32>
    %mul3A_676 = arith.constant 16 : i32
    %mul3A_677 = vector.broadcast %mul3A_676 : i32 to vector<16xi32>
    %mul3A_678 = arith.muli %add3A_12, %mul3A_677 : vector<16xi32>
    %add3A_679 = arith.constant 3 : i32
    %add3A_680 = vector.broadcast %add3A_679 : i32 to vector<16xi32>
    %add3A_681 = arith.addi %mul3A_678, %add3A_680 : vector<16xi32>
    %gather3A_682 = tpu.vector_load_idx %arg25[%add3A_681] : memref<512xf32, #tpu.memory_space<vmem>>[vector<16xi32>], vector<16xf32>,
    %add3A_683 = arith.addf %add3A_675, %gather3A_682 : vector<16xf32>
    %mul3A_684 = arith.constant 16 : i32
    %mul3A_685 = vector.broadcast %mul3A_684 : i32 to vector<16xi32>
    %mul3A_686 = arith.muli %add3A_12, %mul3A_685 : vector<16xi32>
    %add3A_687 = arith.constant 4 : i32
    %add3A_688 = vector.broadcast %add3A_687 : i32 to vector<16xi32>
    %add3A_689 = arith.addi %mul3A_686, %add3A_688 : vector<16xi32>
    %gather3A_690 = tpu.vector_load_idx %arg25[%add3A_689] : memref<512xf32, #tpu.memory_space<vmem>>[vector<16xi32>], vector<16xf32>,
    %add3A_691 = arith.addf %add3A_683, %gather3A_690 : vector<16xf32>
    %mul3A_692 = arith.constant 16 : i32
    %mul3A_693 = vector.broadcast %mul3A_692 : i32 to vector<16xi32>
    %mul3A_694 = arith.muli %add3A_12, %mul3A_693 : vector<16xi32>
    %add3A_695 = arith.constant 5 : i32
    %add3A_696 = vector.broadcast %add3A_695 : i32 to vector<16xi32>
    %add3A_697 = arith.addi %mul3A_694, %add3A_696 : vector<16xi32>
    %gather3A_698 = tpu.vector_load_idx %arg25[%add3A_697] : memref<512xf32, #tpu.memory_space<vmem>>[vector<16xi32>], vector<16xf32>,
    %add3A_699 = arith.addf %add3A_691, %gather3A_698 : vector<16xf32>
    %mul3A_700 = arith.constant 16 : i32
    %mul3A_701 = vector.broadcast %mul3A_700 : i32 to vector<16xi32>
    %mul3A_702 = arith.muli %add3A_12, %mul3A_701 : vector<16xi32>
    %add3A_703 = arith.constant 6 : i32
    %add3A_704 = vector.broadcast %add3A_703 : i32 to vector<16xi32>
    %add3A_705 = arith.addi %mul3A_702, %add3A_704 : vector<16xi32>
    %gather3A_706 = tpu.vector_load_idx %arg25[%add3A_705] : memref<512xf32, #tpu.memory_space<vmem>>[vector<16xi32>], vector<16xf32>,
    %add3A_707 = arith.addf %add3A_699, %gather3A_706 : vector<16xf32>
    %mul3A_708 = arith.constant 16 : i32
    %mul3A_709 = vector.broadcast %mul3A_708 : i32 to vector<16xi32>
    %mul3A_710 = arith.muli %add3A_12, %mul3A_709 : vector<16xi32>
    %add3A_711 = arith.constant 7 : i32
    %add3A_712 = vector.broadcast %add3A_711 : i32 to vector<16xi32>
    %add3A_713 = arith.addi %mul3A_710, %add3A_712 : vector<16xi32>
    %gather3A_714 = tpu.vector_load_idx %arg25[%add3A_713] : memref<512xf32, #tpu.memory_space<vmem>>[vector<16xi32>], vector<16xf32>,
    %add3A_715 = arith.addf %add3A_707, %gather3A_714 : vector<16xf32>
    %mul3A_716 = arith.constant 16 : i32
    %mul3A_717 = vector.broadcast %mul3A_716 : i32 to vector<16xi32>
    %mul3A_718 = arith.muli %add3A_12, %mul3A_717 : vector<16xi32>
    %add3A_719 = arith.constant 8 : i32
    %add3A_720 = vector.broadcast %add3A_719 : i32 to vector<16xi32>
    %add3A_721 = arith.addi %mul3A_718, %add3A_720 : vector<16xi32>
    %gather3A_722 = tpu.vector_load_idx %arg25[%add3A_721] : memref<512xf32, #tpu.memory_space<vmem>>[vector<16xi32>], vector<16xf32>,
    %add3A_723 = arith.addf %add3A_715, %gather3A_722 : vector<16xf32>
    %mul3A_724 = arith.constant 16 : i32
    %mul3A_725 = vector.broadcast %mul3A_724 : i32 to vector<16xi32>
    %mul3A_726 = arith.muli %add3A_12, %mul3A_725 : vector<16xi32>
    %add3A_727 = arith.constant 9 : i32
    %add3A_728 = vector.broadcast %add3A_727 : i32 to vector<16xi32>
    %add3A_729 = arith.addi %mul3A_726, %add3A_728 : vector<16xi32>
    %gather3A_730 = tpu.vector_load_idx %arg25[%add3A_729] : memref<512xf32, #tpu.memory_space<vmem>>[vector<16xi32>], vector<16xf32>,
    %add3A_731 = arith.addf %add3A_723, %gather3A_730 : vector<16xf32>
    %mul3A_732 = arith.constant 16 : i32
    %mul3A_733 = vector.broadcast %mul3A_732 : i32 to vector<16xi32>
    %mul3A_734 = arith.muli %add3A_12, %mul3A_733 : vector<16xi32>
    %add3A_735 = arith.constant 10 : i32
    %add3A_736 = vector.broadcast %add3A_735 : i32 to vector<16xi32>
    %add3A_737 = arith.addi %mul3A_734, %add3A_736 : vector<16xi32>
    %gather3A_738 = tpu.vector_load_idx %arg25[%add3A_737] : memref<512xf32, #tpu.memory_space<vmem>>[vector<16xi32>], vector<16xf32>,
    %add3A_739 = arith.addf %add3A_731, %gather3A_738 : vector<16xf32>
    %mul3A_740 = arith.constant 16 : i32
    %mul3A_741 = vector.broadcast %mul3A_740 : i32 to vector<16xi32>
    %mul3A_742 = arith.muli %add3A_12, %mul3A_741 : vector<16xi32>
    %add3A_743 = arith.constant 11 : i32
    %add3A_744 = vector.broadcast %add3A_743 : i32 to vector<16xi32>
    %add3A_745 = arith.addi %mul3A_742, %add3A_744 : vector<16xi32>
    %gather3A_746 = tpu.vector_load_idx %arg25[%add3A_745] : memref<512xf32, #tpu.memory_space<vmem>>[vector<16xi32>], vector<16xf32>,
    %add3A_747 = arith.addf %add3A_739, %gather3A_746 : vector<16xf32>
    %mul3A_748 = arith.constant 16 : i32
    %mul3A_749 = vector.broadcast %mul3A_748 : i32 to vector<16xi32>
    %mul3A_750 = arith.muli %add3A_12, %mul3A_749 : vector<16xi32>
    %add3A_751 = arith.constant 12 : i32
    %add3A_752 = vector.broadcast %add3A_751 : i32 to vector<16xi32>
    %add3A_753 = arith.addi %mul3A_750, %add3A_752 : vector<16xi32>
    %gather3A_754 = tpu.vector_load_idx %arg25[%add3A_753] : memref<512xf32, #tpu.memory_space<vmem>>[vector<16xi32>], vector<16xf32>,
    %add3A_755 = arith.addf %add3A_747, %gather3A_754 : vector<16xf32>
    %mul3A_756 = arith.constant 16 : i32
    %mul3A_757 = vector.broadcast %mul3A_756 : i32 to vector<16xi32>
    %mul3A_758 = arith.muli %add3A_12, %mul3A_757 : vector<16xi32>
    %add3A_759 = arith.constant 13 : i32
    %add3A_760 = vector.broadcast %add3A_759 : i32 to vector<16xi32>
    %add3A_761 = arith.addi %mul3A_758, %add3A_760 : vector<16xi32>
    %gather3A_762 = tpu.vector_load_idx %arg25[%add3A_761] : memref<512xf32, #tpu.memory_space<vmem>>[vector<16xi32>], vector<16xf32>,
    %add3A_763 = arith.addf %add3A_755, %gather3A_762 : vector<16xf32>
    %mul3A_764 = arith.constant 16 : i32
    %mul3A_765 = vector.broadcast %mul3A_764 : i32 to vector<16xi32>
    %mul3A_766 = arith.muli %add3A_12, %mul3A_765 : vector<16xi32>
    %add3A_767 = arith.constant 14 : i32
    %add3A_768 = vector.broadcast %add3A_767 : i32 to vector<16xi32>
    %add3A_769 = arith.addi %mul3A_766, %add3A_768 : vector<16xi32>
    %gather3A_770 = tpu.vector_load_idx %arg25[%add3A_769] : memref<512xf32, #tpu.memory_space<vmem>>[vector<16xi32>], vector<16xf32>,
    %add3A_771 = arith.addf %add3A_763, %gather3A_770 : vector<16xf32>
    %mul3A_772 = arith.constant 16 : i32
    %mul3A_773 = vector.broadcast %mul3A_772 : i32 to vector<16xi32>
    %mul3A_774 = arith.muli %add3A_12, %mul3A_773 : vector<16xi32>
    %add3A_775 = arith.constant 15 : i32
    %add3A_776 = vector.broadcast %add3A_775 : i32 to vector<16xi32>
    %add3A_777 = arith.addi %mul3A_774, %add3A_776 : vector<16xi32>
    %gather3A_778 = tpu.vector_load_idx %arg25[%add3A_777] : memref<512xf32, #tpu.memory_space<vmem>>[vector<16xi32>], vector<16xf32>,
    %add3A_779 = arith.addf %add3A_771, %gather3A_778 : vector<16xf32>
    %neg3A = arith.constant 0.000000e+00 : f32
    %neg3A_780 = vector.broadcast %neg3A : f32 to vector<16xf32>
    %neg3A_781 = arith.subf %neg3A_780, %add3A_779 : vector<16xf32>
    %exp3A = math.exp %neg3A_781 : vector<16xf32>
    %mul3A_782 = arith.constant 1.000000e+02 : f32
    %mul3A_783 = vector.broadcast %mul3A_782 : f32 to vector<16xf32>
    %mul3A_784 = arith.mulf %exp3A, %mul3A_783 : vector<16xf32>
    %add3A_785 = arith.addf %add3A_523, %mul3A_784 : vector<16xf32>
    %mul3A_786 = arith.constant 3 : i32
    %mul3A_787 = vector.broadcast %mul3A_786 : i32 to vector<16xi32>
    %mul3A_788 = arith.muli %add3A_12, %mul3A_787 : vector<16xi32>
    tpu.vector_store_idx %arg26[%mul3A_788], %add3A_139 : memref<96xf32, #tpu.memory_space<vmem>>[vector<16xi32>], vector<16xf32>,
    %add3A_789 = arith.constant 1 : i32
    %add3A_790 = vector.broadcast %add3A_789 : i32 to vector<16xi32>
    %add3A_791 = arith.addi %mul3A_788, %add3A_790 : vector<16xi32>
    tpu.vector_store_idx %arg26[%add3A_791], %add3A_267 : memref<96xf32, #tpu.memory_space<vmem>>[vector<16xi32>], vector<16xf32>,
    %add3A_792 = arith.constant 2 : i32
    %add3A_793 = vector.broadcast %add3A_792 : i32 to vector<16xi32>
    %add3A_794 = arith.addi %mul3A_788, %add3A_793 : vector<16xi32>
    tpu.vector_store_idx %arg26[%add3A_794], %add3A_395 : memref<96xf32, #tpu.memory_space<vmem>>[vector<16xi32>], vector<16xf32>,
    %swap3A = arith.constant 0 : index
    %swap3A_795 = tpu.vector_load %arg27[%swap3A] {strides = array<i32>} : memref<32xf32, #tpu.memory_space<vmem>>, vector<16xf32>,
    tpu.vector_store %arg27[%swap3A], %add3A_785 {strides = array<i32>} : memref<32xf32, #tpu.memory_space<vmem>>, vector<16xf32>,
    %swap3A_796 = arith.constant 0 : index
    %swap3A_797 = tpu.vector_load %arg28[%swap3A_796] {strides = array<i32>} : memref<32xf32, #tpu.memory_space<vmem>>, vector<16xf32>,
    tpu.vector_store %arg28[%swap3A_796], %add3A_651 {strides = array<i32>} : memref<32xf32, #tpu.memory_space<vmem>>, vector<16xf32>,
    %add3A_798 = arith.constant 16 : i32
    %add3A_799 = vector.broadcast %add3A_798 : i32 to vector<16xi32>
    %add3A_800 = arith.addi %add3A_799, %iota3A : vector<16xi32>
    %mul3A_801 = arith.constant 16 : i32
    %mul3A_802 = vector.broadcast %mul3A_801 : i32 to vector<16xi32>
    %mul3A_803 = arith.muli %add3A_800, %mul3A_802 : vector<16xi32>
    %add3A_804 = arith.constant 0 : i32
    %add3A_805 = vector.broadcast %add3A_804 : i32 to vector<16xi32>
    %add3A_806 = arith.addi %mul3A_803, %add3A_805 : vector<16xi32>
    %gather3A_807 = tpu.vector_load_idx %arg20[%add3A_806] : memref<512xf32, #tpu.memory_space<vmem>>[vector<16xi32>], vector<16xf32>,
    %add3A_808 = arith.addf %broadcast_in_dim3A_3, %gather3A_807 : vector<16xf32>
    %mul3A_809 = arith.constant 16 : i32
    %mul3A_810 = vector.broadcast %mul3A_809 : i32 to vector<16xi32>
    %mul3A_811 = arith.muli %add3A_800, %mul3A_810 : vector<16xi32>
    %add3A_812 = arith.constant 1 : i32
    %add3A_813 = vector.broadcast %add3A_812 : i32 to vector<16xi32>
    %add3A_814 = arith.addi %mul3A_811, %add3A_813 : vector<16xi32>
    %gather3A_815 = tpu.vector_load_idx %arg20[%add3A_814] : memref<512xf32, #tpu.memory_space<vmem>>[vector<16xi32>], vector<16xf32>,
    %add3A_816 = arith.addf %add3A_808, %gather3A_815 : vector<16xf32>
    %mul3A_817 = arith.constant 16 : i32
    %mul3A_818 = vector.broadcast %mul3A_817 : i32 to vector<16xi32>
    %mul3A_819 = arith.muli %add3A_800, %mul3A_818 : vector<16xi32>
    %add3A_820 = arith.constant 2 : i32
    %add3A_821 = vector.broadcast %add3A_820 : i32 to vector<16xi32>
    %add3A_822 = arith.addi %mul3A_819, %add3A_821 : vector<16xi32>
    %gather3A_823 = tpu.vector_load_idx %arg20[%add3A_822] : memref<512xf32, #tpu.memory_space<vmem>>[vector<16xi32>], vector<16xf32>,
    %add3A_824 = arith.addf %add3A_816, %gather3A_823 : vector<16xf32>
    %mul3A_825 = arith.constant 16 : i32
    %mul3A_826 = vector.broadcast %mul3A_825 : i32 to vector<16xi32>
    %mul3A_827 = arith.muli %add3A_800, %mul3A_826 : vector<16xi32>
    %add3A_828 = arith.constant 3 : i32
    %add3A_829 = vector.broadcast %add3A_828 : i32 to vector<16xi32>
    %add3A_830 = arith.addi %mul3A_827, %add3A_829 : vector<16xi32>
    %gather3A_831 = tpu.vector_load_idx %arg20[%add3A_830] : memref<512xf32, #tpu.memory_space<vmem>>[vector<16xi32>], vector<16xf32>,
    %add3A_832 = arith.addf %add3A_824, %gather3A_831 : vector<16xf32>
    %mul3A_833 = arith.constant 16 : i32
    %mul3A_834 = vector.broadcast %mul3A_833 : i32 to vector<16xi32>
    %mul3A_835 = arith.muli %add3A_800, %mul3A_834 : vector<16xi32>
    %add3A_836 = arith.constant 4 : i32
    %add3A_837 = vector.broadcast %add3A_836 : i32 to vector<16xi32>
    %add3A_838 = arith.addi %mul3A_835, %add3A_837 : vector<16xi32>
    %gather3A_839 = tpu.vector_load_idx %arg20[%add3A_838] : memref<512xf32, #tpu.memory_space<vmem>>[vector<16xi32>], vector<16xf32>,
    %add3A_840 = arith.addf %add3A_832, %gather3A_839 : vector<16xf32>
    %mul3A_841 = arith.constant 16 : i32
    %mul3A_842 = vector.broadcast %mul3A_841 : i32 to vector<16xi32>
    %mul3A_843 = arith.muli %add3A_800, %mul3A_842 : vector<16xi32>
    %add3A_844 = arith.constant 5 : i32
    %add3A_845 = vector.broadcast %add3A_844 : i32 to vector<16xi32>
    %add3A_846 = arith.addi %mul3A_843, %add3A_845 : vector<16xi32>
    %gather3A_847 = tpu.vector_load_idx %arg20[%add3A_846] : memref<512xf32, #tpu.memory_space<vmem>>[vector<16xi32>], vector<16xf32>,
    %add3A_848 = arith.addf %add3A_840, %gather3A_847 : vector<16xf32>
    %mul3A_849 = arith.constant 16 : i32
    %mul3A_850 = vector.broadcast %mul3A_849 : i32 to vector<16xi32>
    %mul3A_851 = arith.muli %add3A_800, %mul3A_850 : vector<16xi32>
    %add3A_852 = arith.constant 6 : i32
    %add3A_853 = vector.broadcast %add3A_852 : i32 to vector<16xi32>
    %add3A_854 = arith.addi %mul3A_851, %add3A_853 : vector<16xi32>
    %gather3A_855 = tpu.vector_load_idx %arg20[%add3A_854] : memref<512xf32, #tpu.memory_space<vmem>>[vector<16xi32>], vector<16xf32>,
    %add3A_856 = arith.addf %add3A_848, %gather3A_855 : vector<16xf32>
    %mul3A_857 = arith.constant 16 : i32
    %mul3A_858 = vector.broadcast %mul3A_857 : i32 to vector<16xi32>
    %mul3A_859 = arith.muli %add3A_800, %mul3A_858 : vector<16xi32>
    %add3A_860 = arith.constant 7 : i32
    %add3A_861 = vector.broadcast %add3A_860 : i32 to vector<16xi32>
    %add3A_862 = arith.addi %mul3A_859, %add3A_861 : vector<16xi32>
    %gather3A_863 = tpu.vector_load_idx %arg20[%add3A_862] : memref<512xf32, #tpu.memory_space<vmem>>[vector<16xi32>], vector<16xf32>,
    %add3A_864 = arith.addf %add3A_856, %gather3A_863 : vector<16xf32>
    %mul3A_865 = arith.constant 16 : i32
    %mul3A_866 = vector.broadcast %mul3A_865 : i32 to vector<16xi32>
    %mul3A_867 = arith.muli %add3A_800, %mul3A_866 : vector<16xi32>
    %add3A_868 = arith.constant 8 : i32
    %add3A_869 = vector.broadcast %add3A_868 : i32 to vector<16xi32>
    %add3A_870 = arith.addi %mul3A_867, %add3A_869 : vector<16xi32>
    %gather3A_871 = tpu.vector_load_idx %arg20[%add3A_870] : memref<512xf32, #tpu.memory_space<vmem>>[vector<16xi32>], vector<16xf32>,
    %add3A_872 = arith.addf %add3A_864, %gather3A_871 : vector<16xf32>
    %mul3A_873 = arith.constant 16 : i32
    %mul3A_874 = vector.broadcast %mul3A_873 : i32 to vector<16xi32>
    %mul3A_875 = arith.muli %add3A_800, %mul3A_874 : vector<16xi32>
    %add3A_876 = arith.constant 9 : i32
    %add3A_877 = vector.broadcast %add3A_876 : i32 to vector<16xi32>
    %add3A_878 = arith.addi %mul3A_875, %add3A_877 : vector<16xi32>
    %gather3A_879 = tpu.vector_load_idx %arg20[%add3A_878] : memref<512xf32, #tpu.memory_space<vmem>>[vector<16xi32>], vector<16xf32>,
    %add3A_880 = arith.addf %add3A_872, %gather3A_879 : vector<16xf32>
    %mul3A_881 = arith.constant 16 : i32
    %mul3A_882 = vector.broadcast %mul3A_881 : i32 to vector<16xi32>
    %mul3A_883 = arith.muli %add3A_800, %mul3A_882 : vector<16xi32>
    %add3A_884 = arith.constant 10 : i32
    %add3A_885 = vector.broadcast %add3A_884 : i32 to vector<16xi32>
    %add3A_886 = arith.addi %mul3A_883, %add3A_885 : vector<16xi32>
    %gather3A_887 = tpu.vector_load_idx %arg20[%add3A_886] : memref<512xf32, #tpu.memory_space<vmem>>[vector<16xi32>], vector<16xf32>,
    %add3A_888 = arith.addf %add3A_880, %gather3A_887 : vector<16xf32>
    %mul3A_889 = arith.constant 16 : i32
    %mul3A_890 = vector.broadcast %mul3A_889 : i32 to vector<16xi32>
    %mul3A_891 = arith.muli %add3A_800, %mul3A_890 : vector<16xi32>
    %add3A_892 = arith.constant 11 : i32
    %add3A_893 = vector.broadcast %add3A_892 : i32 to vector<16xi32>
    %add3A_894 = arith.addi %mul3A_891, %add3A_893 : vector<16xi32>
    %gather3A_895 = tpu.vector_load_idx %arg20[%add3A_894] : memref<512xf32, #tpu.memory_space<vmem>>[vector<16xi32>], vector<16xf32>,
    %add3A_896 = arith.addf %add3A_888, %gather3A_895 : vector<16xf32>
    %mul3A_897 = arith.constant 16 : i32
    %mul3A_898 = vector.broadcast %mul3A_897 : i32 to vector<16xi32>
    %mul3A_899 = arith.muli %add3A_800, %mul3A_898 : vector<16xi32>
    %add3A_900 = arith.constant 12 : i32
    %add3A_901 = vector.broadcast %add3A_900 : i32 to vector<16xi32>
    %add3A_902 = arith.addi %mul3A_899, %add3A_901 : vector<16xi32>
    %gather3A_903 = tpu.vector_load_idx %arg20[%add3A_902] : memref<512xf32, #tpu.memory_space<vmem>>[vector<16xi32>], vector<16xf32>,
    %add3A_904 = arith.addf %add3A_896, %gather3A_903 : vector<16xf32>
    %mul3A_905 = arith.constant 16 : i32
    %mul3A_906 = vector.broadcast %mul3A_905 : i32 to vector<16xi32>
    %mul3A_907 = arith.muli %add3A_800, %mul3A_906 : vector<16xi32>
    %add3A_908 = arith.constant 13 : i32
    %add3A_909 = vector.broadcast %add3A_908 : i32 to vector<16xi32>
    %add3A_910 = arith.addi %mul3A_907, %add3A_909 : vector<16xi32>
    %gather3A_911 = tpu.vector_load_idx %arg20[%add3A_910] : memref<512xf32, #tpu.memory_space<vmem>>[vector<16xi32>], vector<16xf32>,
    %add3A_912 = arith.addf %add3A_904, %gather3A_911 : vector<16xf32>
    %mul3A_913 = arith.constant 16 : i32
    %mul3A_914 = vector.broadcast %mul3A_913 : i32 to vector<16xi32>
    %mul3A_915 = arith.muli %add3A_800, %mul3A_914 : vector<16xi32>
    %add3A_916 = arith.constant 14 : i32
    %add3A_917 = vector.broadcast %add3A_916 : i32 to vector<16xi32>
    %add3A_918 = arith.addi %mul3A_915, %add3A_917 : vector<16xi32>
    %gather3A_919 = tpu.vector_load_idx %arg20[%add3A_918] : memref<512xf32, #tpu.memory_space<vmem>>[vector<16xi32>], vector<16xf32>,
    %add3A_920 = arith.addf %add3A_912, %gather3A_919 : vector<16xf32>
    %mul3A_921 = arith.constant 16 : i32
    %mul3A_922 = vector.broadcast %mul3A_921 : i32 to vector<16xi32>
    %mul3A_923 = arith.muli %add3A_800, %mul3A_922 : vector<16xi32>
    %add3A_924 = arith.constant 15 : i32
    %add3A_925 = vector.broadcast %add3A_924 : i32 to vector<16xi32>
    %add3A_926 = arith.addi %mul3A_923, %add3A_925 : vector<16xi32>
    %gather3A_927 = tpu.vector_load_idx %arg20[%add3A_926] : memref<512xf32, #tpu.memory_space<vmem>>[vector<16xi32>], vector<16xf32>,
    %add3A_928 = arith.addf %add3A_920, %gather3A_927 : vector<16xf32>
    %mul3A_929 = arith.constant 16 : i32
    %mul3A_930 = vector.broadcast %mul3A_929 : i32 to vector<16xi32>
    %mul3A_931 = arith.muli %add3A_800, %mul3A_930 : vector<16xi32>
    %add3A_932 = arith.constant 0 : i32
    %add3A_933 = vector.broadcast %add3A_932 : i32 to vector<16xi32>
    %add3A_934 = arith.addi %mul3A_931, %add3A_933 : vector<16xi32>
    %gather3A_935 = tpu.vector_load_idx %arg21[%add3A_934] : memref<512xf32, #tpu.memory_space<vmem>>[vector<16xi32>], vector<16xf32>,
    %add3A_936 = arith.addf %broadcast_in_dim3A_3, %gather3A_935 : vector<16xf32>
    %mul3A_937 = arith.constant 16 : i32
    %mul3A_938 = vector.broadcast %mul3A_937 : i32 to vector<16xi32>
    %mul3A_939 = arith.muli %add3A_800, %mul3A_938 : vector<16xi32>
    %add3A_940 = arith.constant 1 : i32
    %add3A_941 = vector.broadcast %add3A_940 : i32 to vector<16xi32>
    %add3A_942 = arith.addi %mul3A_939, %add3A_941 : vector<16xi32>
    %gather3A_943 = tpu.vector_load_idx %arg21[%add3A_942] : memref<512xf32, #tpu.memory_space<vmem>>[vector<16xi32>], vector<16xf32>,
    %add3A_944 = arith.addf %add3A_936, %gather3A_943 : vector<16xf32>
    %mul3A_945 = arith.constant 16 : i32
    %mul3A_946 = vector.broadcast %mul3A_945 : i32 to vector<16xi32>
    %mul3A_947 = arith.muli %add3A_800, %mul3A_946 : vector<16xi32>
    %add3A_948 = arith.constant 2 : i32
    %add3A_949 = vector.broadcast %add3A_948 : i32 to vector<16xi32>
    %add3A_950 = arith.addi %mul3A_947, %add3A_949 : vector<16xi32>
    %gather3A_951 = tpu.vector_load_idx %arg21[%add3A_950] : memref<512xf32, #tpu.memory_space<vmem>>[vector<16xi32>], vector<16xf32>,
    %add3A_952 = arith.addf %add3A_944, %gather3A_951 : vector<16xf32>
    %mul3A_953 = arith.constant 16 : i32
    %mul3A_954 = vector.broadcast %mul3A_953 : i32 to vector<16xi32>
    %mul3A_955 = arith.muli %add3A_800, %mul3A_954 : vector<16xi32>
    %add3A_956 = arith.constant 3 : i32
    %add3A_957 = vector.broadcast %add3A_956 : i32 to vector<16xi32>
    %add3A_958 = arith.addi %mul3A_955, %add3A_957 : vector<16xi32>
    %gather3A_959 = tpu.vector_load_idx %arg21[%add3A_958] : memref<512xf32, #tpu.memory_space<vmem>>[vector<16xi32>], vector<16xf32>,
    %add3A_960 = arith.addf %add3A_952, %gather3A_959 : vector<16xf32>
    %mul3A_961 = arith.constant 16 : i32
    %mul3A_962 = vector.broadcast %mul3A_961 : i32 to vector<16xi32>
    %mul3A_963 = arith.muli %add3A_800, %mul3A_962 : vector<16xi32>
    %add3A_964 = arith.constant 4 : i32
    %add3A_965 = vector.broadcast %add3A_964 : i32 to vector<16xi32>
    %add3A_966 = arith.addi %mul3A_963, %add3A_965 : vector<16xi32>
    %gather3A_967 = tpu.vector_load_idx %arg21[%add3A_966] : memref<512xf32, #tpu.memory_space<vmem>>[vector<16xi32>], vector<16xf32>,
    %add3A_968 = arith.addf %add3A_960, %gather3A_967 : vector<16xf32>
    %mul3A_969 = arith.constant 16 : i32
    %mul3A_970 = vector.broadcast %mul3A_969 : i32 to vector<16xi32>
    %mul3A_971 = arith.muli %add3A_800, %mul3A_970 : vector<16xi32>
    %add3A_972 = arith.constant 5 : i32
    %add3A_973 = vector.broadcast %add3A_972 : i32 to vector<16xi32>
    %add3A_974 = arith.addi %mul3A_971, %add3A_973 : vector<16xi32>
    %gather3A_975 = tpu.vector_load_idx %arg21[%add3A_974] : memref<512xf32, #tpu.memory_space<vmem>>[vector<16xi32>], vector<16xf32>,
    %add3A_976 = arith.addf %add3A_968, %gather3A_975 : vector<16xf32>
    %mul3A_977 = arith.constant 16 : i32
    %mul3A_978 = vector.broadcast %mul3A_977 : i32 to vector<16xi32>
    %mul3A_979 = arith.muli %add3A_800, %mul3A_978 : vector<16xi32>
    %add3A_980 = arith.constant 6 : i32
    %add3A_981 = vector.broadcast %add3A_980 : i32 to vector<16xi32>
    %add3A_982 = arith.addi %mul3A_979, %add3A_981 : vector<16xi32>
    %gather3A_983 = tpu.vector_load_idx %arg21[%add3A_982] : memref<512xf32, #tpu.memory_space<vmem>>[vector<16xi32>], vector<16xf32>,
    %add3A_984 = arith.addf %add3A_976, %gather3A_983 : vector<16xf32>
    %mul3A_985 = arith.constant 16 : i32
    %mul3A_986 = vector.broadcast %mul3A_985 : i32 to vector<16xi32>
    %mul3A_987 = arith.muli %add3A_800, %mul3A_986 : vector<16xi32>
    %add3A_988 = arith.constant 7 : i32
    %add3A_989 = vector.broadcast %add3A_988 : i32 to vector<16xi32>
    %add3A_990 = arith.addi %mul3A_987, %add3A_989 : vector<16xi32>
    %gather3A_991 = tpu.vector_load_idx %arg21[%add3A_990] : memref<512xf32, #tpu.memory_space<vmem>>[vector<16xi32>], vector<16xf32>,
    %add3A_992 = arith.addf %add3A_984, %gather3A_991 : vector<16xf32>
    %mul3A_993 = arith.constant 16 : i32
    %mul3A_994 = vector.broadcast %mul3A_993 : i32 to vector<16xi32>
    %mul3A_995 = arith.muli %add3A_800, %mul3A_994 : vector<16xi32>
    %add3A_996 = arith.constant 8 : i32
    %add3A_997 = vector.broadcast %add3A_996 : i32 to vector<16xi32>
    %add3A_998 = arith.addi %mul3A_995, %add3A_997 : vector<16xi32>
    %gather3A_999 = tpu.vector_load_idx %arg21[%add3A_998] : memref<512xf32, #tpu.memory_space<vmem>>[vector<16xi32>], vector<16xf32>,
    %add3A_1000 = arith.addf %add3A_992, %gather3A_999 : vector<16xf32>
    %mul3A_1001 = arith.constant 16 : i32
    %mul3A_1002 = vector.broadcast %mul3A_1001 : i32 to vector<16xi32>
    %mul3A_1003 = arith.muli %add3A_800, %mul3A_1002 : vector<16xi32>
    %add3A_1004 = arith.constant 9 : i32
    %add3A_1005 = vector.broadcast %add3A_1004 : i32 to vector<16xi32>
    %add3A_1006 = arith.addi %mul3A_1003, %add3A_1005 : vector<16xi32>
    %gather3A_1007 = tpu.vector_load_idx %arg21[%add3A_1006] : memref<512xf32, #tpu.memory_space<vmem>>[vector<16xi32>], vector<16xf32>,
    %add3A_1008 = arith.addf %add3A_1000, %gather3A_1007 : vector<16xf32>
    %mul3A_1009 = arith.constant 16 : i32
    %mul3A_1010 = vector.broadcast %mul3A_1009 : i32 to vector<16xi32>
    %mul3A_1011 = arith.muli %add3A_800, %mul3A_1010 : vector<16xi32>
    %add3A_1012 = arith.constant 10 : i32
    %add3A_1013 = vector.broadcast %add3A_1012 : i32 to vector<16xi32>
    %add3A_1014 = arith.addi %mul3A_1011, %add3A_1013 : vector<16xi32>
    %gather3A_1015 = tpu.vector_load_idx %arg21[%add3A_1014] : memref<512xf32, #tpu.memory_space<vmem>>[vector<16xi32>], vector<16xf32>,
    %add3A_1016 = arith.addf %add3A_1008, %gather3A_1015 : vector<16xf32>
    %mul3A_1017 = arith.constant 16 : i32
    %mul3A_1018 = vector.broadcast %mul3A_1017 : i32 to vector<16xi32>
    %mul3A_1019 = arith.muli %add3A_800, %mul3A_1018 : vector<16xi32>
    %add3A_1020 = arith.constant 11 : i32
    %add3A_1021 = vector.broadcast %add3A_1020 : i32 to vector<16xi32>
    %add3A_1022 = arith.addi %mul3A_1019, %add3A_1021 : vector<16xi32>
    %gather3A_1023 = tpu.vector_load_idx %arg21[%add3A_1022] : memref<512xf32, #tpu.memory_space<vmem>>[vector<16xi32>], vector<16xf32>,
    %add3A_1024 = arith.addf %add3A_1016, %gather3A_1023 : vector<16xf32>
    %mul3A_1025 = arith.constant 16 : i32
    %mul3A_1026 = vector.broadcast %mul3A_1025 : i32 to vector<16xi32>
    %mul3A_1027 = arith.muli %add3A_800, %mul3A_1026 : vector<16xi32>
    %add3A_1028 = arith.constant 12 : i32
    %add3A_1029 = vector.broadcast %add3A_1028 : i32 to vector<16xi32>
    %add3A_1030 = arith.addi %mul3A_1027, %add3A_1029 : vector<16xi32>
    %gather3A_1031 = tpu.vector_load_idx %arg21[%add3A_1030] : memref<512xf32, #tpu.memory_space<vmem>>[vector<16xi32>], vector<16xf32>,
    %add3A_1032 = arith.addf %add3A_1024, %gather3A_1031 : vector<16xf32>
    %mul3A_1033 = arith.constant 16 : i32
    %mul3A_1034 = vector.broadcast %mul3A_1033 : i32 to vector<16xi32>
    %mul3A_1035 = arith.muli %add3A_800, %mul3A_1034 : vector<16xi32>
    %add3A_1036 = arith.constant 13 : i32
    %add3A_1037 = vector.broadcast %add3A_1036 : i32 to vector<16xi32>
    %add3A_1038 = arith.addi %mul3A_1035, %add3A_1037 : vector<16xi32>
    %gather3A_1039 = tpu.vector_load_idx %arg21[%add3A_1038] : memref<512xf32, #tpu.memory_space<vmem>>[vector<16xi32>], vector<16xf32>,
    %add3A_1040 = arith.addf %add3A_1032, %gather3A_1039 : vector<16xf32>
    %mul3A_1041 = arith.constant 16 : i32
    %mul3A_1042 = vector.broadcast %mul3A_1041 : i32 to vector<16xi32>
    %mul3A_1043 = arith.muli %add3A_800, %mul3A_1042 : vector<16xi32>
    %add3A_1044 = arith.constant 14 : i32
    %add3A_1045 = vector.broadcast %add3A_1044 : i32 to vector<16xi32>
    %add3A_1046 = arith.addi %mul3A_1043, %add3A_1045 : vector<16xi32>
    %gather3A_1047 = tpu.vector_load_idx %arg21[%add3A_1046] : memref<512xf32, #tpu.memory_space<vmem>>[vector<16xi32>], vector<16xf32>,
    %add3A_1048 = arith.addf %add3A_1040, %gather3A_1047 : vector<16xf32>
    %mul3A_1049 = arith.constant 16 : i32
    %mul3A_1050 = vector.broadcast %mul3A_1049 : i32 to vector<16xi32>
    %mul3A_1051 = arith.muli %add3A_800, %mul3A_1050 : vector<16xi32>
    %add3A_1052 = arith.constant 15 : i32
    %add3A_1053 = vector.broadcast %add3A_1052 : i32 to vector<16xi32>
    %add3A_1054 = arith.addi %mul3A_1051, %add3A_1053 : vector<16xi32>
    %gather3A_1055 = tpu.vector_load_idx %arg21[%add3A_1054] : memref<512xf32, #tpu.memory_space<vmem>>[vector<16xi32>], vector<16xf32>,
    %add3A_1056 = arith.addf %add3A_1048, %gather3A_1055 : vector<16xf32>
    %mul3A_1057 = arith.constant 16 : i32
    %mul3A_1058 = vector.broadcast %mul3A_1057 : i32 to vector<16xi32>
    %mul3A_1059 = arith.muli %add3A_800, %mul3A_1058 : vector<16xi32>
    %add3A_1060 = arith.constant 0 : i32
    %add3A_1061 = vector.broadcast %add3A_1060 : i32 to vector<16xi32>
    %add3A_1062 = arith.addi %mul3A_1059, %add3A_1061 : vector<16xi32>
    %gather3A_1063 = tpu.vector_load_idx %arg22[%add3A_1062] : memref<512xf32, #tpu.memory_space<vmem>>[vector<16xi32>], vector<16xf32>,
    %add3A_1064 = arith.addf %broadcast_in_dim3A_3, %gather3A_1063 : vector<16xf32>
    %mul3A_1065 = arith.constant 16 : i32
    %mul3A_1066 = vector.broadcast %mul3A_1065 : i32 to vector<16xi32>
    %mul3A_1067 = arith.muli %add3A_800, %mul3A_1066 : vector<16xi32>
    %add3A_1068 = arith.constant 1 : i32
    %add3A_1069 = vector.broadcast %add3A_1068 : i32 to vector<16xi32>
    %add3A_1070 = arith.addi %mul3A_1067, %add3A_1069 : vector<16xi32>
    %gather3A_1071 = tpu.vector_load_idx %arg22[%add3A_1070] : memref<512xf32, #tpu.memory_space<vmem>>[vector<16xi32>], vector<16xf32>,
    %add3A_1072 = arith.addf %add3A_1064, %gather3A_1071 : vector<16xf32>
    %mul3A_1073 = arith.constant 16 : i32
    %mul3A_1074 = vector.broadcast %mul3A_1073 : i32 to vector<16xi32>
    %mul3A_1075 = arith.muli %add3A_800, %mul3A_1074 : vector<16xi32>
    %add3A_1076 = arith.constant 2 : i32
    %add3A_1077 = vector.broadcast %add3A_1076 : i32 to vector<16xi32>
    %add3A_1078 = arith.addi %mul3A_1075, %add3A_1077 : vector<16xi32>
    %gather3A_1079 = tpu.vector_load_idx %arg22[%add3A_1078] : memref<512xf32, #tpu.memory_space<vmem>>[vector<16xi32>], vector<16xf32>,
    %add3A_1080 = arith.addf %add3A_1072, %gather3A_1079 : vector<16xf32>
    %mul3A_1081 = arith.constant 16 : i32
    %mul3A_1082 = vector.broadcast %mul3A_1081 : i32 to vector<16xi32>
    %mul3A_1083 = arith.muli %add3A_800, %mul3A_1082 : vector<16xi32>
    %add3A_1084 = arith.constant 3 : i32
    %add3A_1085 = vector.broadcast %add3A_1084 : i32 to vector<16xi32>
    %add3A_1086 = arith.addi %mul3A_1083, %add3A_1085 : vector<16xi32>
    %gather3A_1087 = tpu.vector_load_idx %arg22[%add3A_1086] : memref<512xf32, #tpu.memory_space<vmem>>[vector<16xi32>], vector<16xf32>,
    %add3A_1088 = arith.addf %add3A_1080, %gather3A_1087 : vector<16xf32>
    %mul3A_1089 = arith.constant 16 : i32
    %mul3A_1090 = vector.broadcast %mul3A_1089 : i32 to vector<16xi32>
    %mul3A_1091 = arith.muli %add3A_800, %mul3A_1090 : vector<16xi32>
    %add3A_1092 = arith.constant 4 : i32
    %add3A_1093 = vector.broadcast %add3A_1092 : i32 to vector<16xi32>
    %add3A_1094 = arith.addi %mul3A_1091, %add3A_1093 : vector<16xi32>
    %gather3A_1095 = tpu.vector_load_idx %arg22[%add3A_1094] : memref<512xf32, #tpu.memory_space<vmem>>[vector<16xi32>], vector<16xf32>,
    %add3A_1096 = arith.addf %add3A_1088, %gather3A_1095 : vector<16xf32>
    %mul3A_1097 = arith.constant 16 : i32
    %mul3A_1098 = vector.broadcast %mul3A_1097 : i32 to vector<16xi32>
    %mul3A_1099 = arith.muli %add3A_800, %mul3A_1098 : vector<16xi32>
    %add3A_1100 = arith.constant 5 : i32
    %add3A_1101 = vector.broadcast %add3A_1100 : i32 to vector<16xi32>
    %add3A_1102 = arith.addi %mul3A_1099, %add3A_1101 : vector<16xi32>
    %gather3A_1103 = tpu.vector_load_idx %arg22[%add3A_1102] : memref<512xf32, #tpu.memory_space<vmem>>[vector<16xi32>], vector<16xf32>,
    %add3A_1104 = arith.addf %add3A_1096, %gather3A_1103 : vector<16xf32>
    %mul3A_1105 = arith.constant 16 : i32
    %mul3A_1106 = vector.broadcast %mul3A_1105 : i32 to vector<16xi32>
    %mul3A_1107 = arith.muli %add3A_800, %mul3A_1106 : vector<16xi32>
    %add3A_1108 = arith.constant 6 : i32
    %add3A_1109 = vector.broadcast %add3A_1108 : i32 to vector<16xi32>
    %add3A_1110 = arith.addi %mul3A_1107, %add3A_1109 : vector<16xi32>
    %gather3A_1111 = tpu.vector_load_idx %arg22[%add3A_1110] : memref<512xf32, #tpu.memory_space<vmem>>[vector<16xi32>], vector<16xf32>,
    %add3A_1112 = arith.addf %add3A_1104, %gather3A_1111 : vector<16xf32>
    %mul3A_1113 = arith.constant 16 : i32
    %mul3A_1114 = vector.broadcast %mul3A_1113 : i32 to vector<16xi32>
    %mul3A_1115 = arith.muli %add3A_800, %mul3A_1114 : vector<16xi32>
    %add3A_1116 = arith.constant 7 : i32
    %add3A_1117 = vector.broadcast %add3A_1116 : i32 to vector<16xi32>
    %add3A_1118 = arith.addi %mul3A_1115, %add3A_1117 : vector<16xi32>
    %gather3A_1119 = tpu.vector_load_idx %arg22[%add3A_1118] : memref<512xf32, #tpu.memory_space<vmem>>[vector<16xi32>], vector<16xf32>,
    %add3A_1120 = arith.addf %add3A_1112, %gather3A_1119 : vector<16xf32>
    %mul3A_1121 = arith.constant 16 : i32
    %mul3A_1122 = vector.broadcast %mul3A_1121 : i32 to vector<16xi32>
    %mul3A_1123 = arith.muli %add3A_800, %mul3A_1122 : vector<16xi32>
    %add3A_1124 = arith.constant 8 : i32
    %add3A_1125 = vector.broadcast %add3A_1124 : i32 to vector<16xi32>
    %add3A_1126 = arith.addi %mul3A_1123, %add3A_1125 : vector<16xi32>
    %gather3A_1127 = tpu.vector_load_idx %arg22[%add3A_1126] : memref<512xf32, #tpu.memory_space<vmem>>[vector<16xi32>], vector<16xf32>,
    %add3A_1128 = arith.addf %add3A_1120, %gather3A_1127 : vector<16xf32>
    %mul3A_1129 = arith.constant 16 : i32
    %mul3A_1130 = vector.broadcast %mul3A_1129 : i32 to vector<16xi32>
    %mul3A_1131 = arith.muli %add3A_800, %mul3A_1130 : vector<16xi32>
    %add3A_1132 = arith.constant 9 : i32
    %add3A_1133 = vector.broadcast %add3A_1132 : i32 to vector<16xi32>
    %add3A_1134 = arith.addi %mul3A_1131, %add3A_1133 : vector<16xi32>
    %gather3A_1135 = tpu.vector_load_idx %arg22[%add3A_1134] : memref<512xf32, #tpu.memory_space<vmem>>[vector<16xi32>], vector<16xf32>,
    %add3A_1136 = arith.addf %add3A_1128, %gather3A_1135 : vector<16xf32>
    %mul3A_1137 = arith.constant 16 : i32
    %mul3A_1138 = vector.broadcast %mul3A_1137 : i32 to vector<16xi32>
    %mul3A_1139 = arith.muli %add3A_800, %mul3A_1138 : vector<16xi32>
    %add3A_1140 = arith.constant 10 : i32
    %add3A_1141 = vector.broadcast %add3A_1140 : i32 to vector<16xi32>
    %add3A_1142 = arith.addi %mul3A_1139, %add3A_1141 : vector<16xi32>
    %gather3A_1143 = tpu.vector_load_idx %arg22[%add3A_1142] : memref<512xf32, #tpu.memory_space<vmem>>[vector<16xi32>], vector<16xf32>,
    %add3A_1144 = arith.addf %add3A_1136, %gather3A_1143 : vector<16xf32>
    %mul3A_1145 = arith.constant 16 : i32
    %mul3A_1146 = vector.broadcast %mul3A_1145 : i32 to vector<16xi32>
    %mul3A_1147 = arith.muli %add3A_800, %mul3A_1146 : vector<16xi32>
    %add3A_1148 = arith.constant 11 : i32
    %add3A_1149 = vector.broadcast %add3A_1148 : i32 to vector<16xi32>
    %add3A_1150 = arith.addi %mul3A_1147, %add3A_1149 : vector<16xi32>
    %gather3A_1151 = tpu.vector_load_idx %arg22[%add3A_1150] : memref<512xf32, #tpu.memory_space<vmem>>[vector<16xi32>], vector<16xf32>,
    %add3A_1152 = arith.addf %add3A_1144, %gather3A_1151 : vector<16xf32>
    %mul3A_1153 = arith.constant 16 : i32
    %mul3A_1154 = vector.broadcast %mul3A_1153 : i32 to vector<16xi32>
    %mul3A_1155 = arith.muli %add3A_800, %mul3A_1154 : vector<16xi32>
    %add3A_1156 = arith.constant 12 : i32
    %add3A_1157 = vector.broadcast %add3A_1156 : i32 to vector<16xi32>
    %add3A_1158 = arith.addi %mul3A_1155, %add3A_1157 : vector<16xi32>
    %gather3A_1159 = tpu.vector_load_idx %arg22[%add3A_1158] : memref<512xf32, #tpu.memory_space<vmem>>[vector<16xi32>], vector<16xf32>,
    %add3A_1160 = arith.addf %add3A_1152, %gather3A_1159 : vector<16xf32>
    %mul3A_1161 = arith.constant 16 : i32
    %mul3A_1162 = vector.broadcast %mul3A_1161 : i32 to vector<16xi32>
    %mul3A_1163 = arith.muli %add3A_800, %mul3A_1162 : vector<16xi32>
    %add3A_1164 = arith.constant 13 : i32
    %add3A_1165 = vector.broadcast %add3A_1164 : i32 to vector<16xi32>
    %add3A_1166 = arith.addi %mul3A_1163, %add3A_1165 : vector<16xi32>
    %gather3A_1167 = tpu.vector_load_idx %arg22[%add3A_1166] : memref<512xf32, #tpu.memory_space<vmem>>[vector<16xi32>], vector<16xf32>,
    %add3A_1168 = arith.addf %add3A_1160, %gather3A_1167 : vector<16xf32>
    %mul3A_1169 = arith.constant 16 : i32
    %mul3A_1170 = vector.broadcast %mul3A_1169 : i32 to vector<16xi32>
    %mul3A_1171 = arith.muli %add3A_800, %mul3A_1170 : vector<16xi32>
    %add3A_1172 = arith.constant 14 : i32
    %add3A_1173 = vector.broadcast %add3A_1172 : i32 to vector<16xi32>
    %add3A_1174 = arith.addi %mul3A_1171, %add3A_1173 : vector<16xi32>
    %gather3A_1175 = tpu.vector_load_idx %arg22[%add3A_1174] : memref<512xf32, #tpu.memory_space<vmem>>[vector<16xi32>], vector<16xf32>,
    %add3A_1176 = arith.addf %add3A_1168, %gather3A_1175 : vector<16xf32>
    %mul3A_1177 = arith.constant 16 : i32
    %mul3A_1178 = vector.broadcast %mul3A_1177 : i32 to vector<16xi32>
    %mul3A_1179 = arith.muli %add3A_800, %mul3A_1178 : vector<16xi32>
    %add3A_1180 = arith.constant 15 : i32
    %add3A_1181 = vector.broadcast %add3A_1180 : i32 to vector<16xi32>
    %add3A_1182 = arith.addi %mul3A_1179, %add3A_1181 : vector<16xi32>
    %gather3A_1183 = tpu.vector_load_idx %arg22[%add3A_1182] : memref<512xf32, #tpu.memory_space<vmem>>[vector<16xi32>], vector<16xf32>,
    %add3A_1184 = arith.addf %add3A_1176, %gather3A_1183 : vector<16xf32>
    %mul3A_1185 = arith.constant 16 : i32
    %mul3A_1186 = vector.broadcast %mul3A_1185 : i32 to vector<16xi32>
    %mul3A_1187 = arith.muli %add3A_800, %mul3A_1186 : vector<16xi32>
    %add3A_1188 = arith.constant 0 : i32
    %add3A_1189 = vector.broadcast %add3A_1188 : i32 to vector<16xi32>
    %add3A_1190 = arith.addi %mul3A_1187, %add3A_1189 : vector<16xi32>
    %gather3A_1191 = tpu.vector_load_idx %arg23[%add3A_1190] : memref<512xf32, #tpu.memory_space<vmem>>[vector<16xi32>], vector<16xf32>,
    %add3A_1192 = arith.addf %broadcast_in_dim3A_3, %gather3A_1191 : vector<16xf32>
    %mul3A_1193 = arith.constant 16 : i32
    %mul3A_1194 = vector.broadcast %mul3A_1193 : i32 to vector<16xi32>
    %mul3A_1195 = arith.muli %add3A_800, %mul3A_1194 : vector<16xi32>
    %add3A_1196 = arith.constant 1 : i32
    %add3A_1197 = vector.broadcast %add3A_1196 : i32 to vector<16xi32>
    %add3A_1198 = arith.addi %mul3A_1195, %add3A_1197 : vector<16xi32>
    %gather3A_1199 = tpu.vector_load_idx %arg23[%add3A_1198] : memref<512xf32, #tpu.memory_space<vmem>>[vector<16xi32>], vector<16xf32>,
    %add3A_1200 = arith.addf %add3A_1192, %gather3A_1199 : vector<16xf32>
    %mul3A_1201 = arith.constant 16 : i32
    %mul3A_1202 = vector.broadcast %mul3A_1201 : i32 to vector<16xi32>
    %mul3A_1203 = arith.muli %add3A_800, %mul3A_1202 : vector<16xi32>
    %add3A_1204 = arith.constant 2 : i32
    %add3A_1205 = vector.broadcast %add3A_1204 : i32 to vector<16xi32>
    %add3A_1206 = arith.addi %mul3A_1203, %add3A_1205 : vector<16xi32>
    %gather3A_1207 = tpu.vector_load_idx %arg23[%add3A_1206] : memref<512xf32, #tpu.memory_space<vmem>>[vector<16xi32>], vector<16xf32>,
    %add3A_1208 = arith.addf %add3A_1200, %gather3A_1207 : vector<16xf32>
    %mul3A_1209 = arith.constant 16 : i32
    %mul3A_1210 = vector.broadcast %mul3A_1209 : i32 to vector<16xi32>
    %mul3A_1211 = arith.muli %add3A_800, %mul3A_1210 : vector<16xi32>
    %add3A_1212 = arith.constant 3 : i32
    %add3A_1213 = vector.broadcast %add3A_1212 : i32 to vector<16xi32>
    %add3A_1214 = arith.addi %mul3A_1211, %add3A_1213 : vector<16xi32>
    %gather3A_1215 = tpu.vector_load_idx %arg23[%add3A_1214] : memref<512xf32, #tpu.memory_space<vmem>>[vector<16xi32>], vector<16xf32>,
    %add3A_1216 = arith.addf %add3A_1208, %gather3A_1215 : vector<16xf32>
    %mul3A_1217 = arith.constant 16 : i32
    %mul3A_1218 = vector.broadcast %mul3A_1217 : i32 to vector<16xi32>
    %mul3A_1219 = arith.muli %add3A_800, %mul3A_1218 : vector<16xi32>
    %add3A_1220 = arith.constant 4 : i32
    %add3A_1221 = vector.broadcast %add3A_1220 : i32 to vector<16xi32>
    %add3A_1222 = arith.addi %mul3A_1219, %add3A_1221 : vector<16xi32>
    %gather3A_1223 = tpu.vector_load_idx %arg23[%add3A_1222] : memref<512xf32, #tpu.memory_space<vmem>>[vector<16xi32>], vector<16xf32>,
    %add3A_1224 = arith.addf %add3A_1216, %gather3A_1223 : vector<16xf32>
    %mul3A_1225 = arith.constant 16 : i32
    %mul3A_1226 = vector.broadcast %mul3A_1225 : i32 to vector<16xi32>
    %mul3A_1227 = arith.muli %add3A_800, %mul3A_1226 : vector<16xi32>
    %add3A_1228 = arith.constant 5 : i32
    %add3A_1229 = vector.broadcast %add3A_1228 : i32 to vector<16xi32>
    %add3A_1230 = arith.addi %mul3A_1227, %add3A_1229 : vector<16xi32>
    %gather3A_1231 = tpu.vector_load_idx %arg23[%add3A_1230] : memref<512xf32, #tpu.memory_space<vmem>>[vector<16xi32>], vector<16xf32>,
    %add3A_1232 = arith.addf %add3A_1224, %gather3A_1231 : vector<16xf32>
    %mul3A_1233 = arith.constant 16 : i32
    %mul3A_1234 = vector.broadcast %mul3A_1233 : i32 to vector<16xi32>
    %mul3A_1235 = arith.muli %add3A_800, %mul3A_1234 : vector<16xi32>
    %add3A_1236 = arith.constant 6 : i32
    %add3A_1237 = vector.broadcast %add3A_1236 : i32 to vector<16xi32>
    %add3A_1238 = arith.addi %mul3A_1235, %add3A_1237 : vector<16xi32>
    %gather3A_1239 = tpu.vector_load_idx %arg23[%add3A_1238] : memref<512xf32, #tpu.memory_space<vmem>>[vector<16xi32>], vector<16xf32>,
    %add3A_1240 = arith.addf %add3A_1232, %gather3A_1239 : vector<16xf32>
    %mul3A_1241 = arith.constant 16 : i32
    %mul3A_1242 = vector.broadcast %mul3A_1241 : i32 to vector<16xi32>
    %mul3A_1243 = arith.muli %add3A_800, %mul3A_1242 : vector<16xi32>
    %add3A_1244 = arith.constant 7 : i32
    %add3A_1245 = vector.broadcast %add3A_1244 : i32 to vector<16xi32>
    %add3A_1246 = arith.addi %mul3A_1243, %add3A_1245 : vector<16xi32>
    %gather3A_1247 = tpu.vector_load_idx %arg23[%add3A_1246] : memref<512xf32, #tpu.memory_space<vmem>>[vector<16xi32>], vector<16xf32>,
    %add3A_1248 = arith.addf %add3A_1240, %gather3A_1247 : vector<16xf32>
    %mul3A_1249 = arith.constant 16 : i32
    %mul3A_1250 = vector.broadcast %mul3A_1249 : i32 to vector<16xi32>
    %mul3A_1251 = arith.muli %add3A_800, %mul3A_1250 : vector<16xi32>
    %add3A_1252 = arith.constant 8 : i32
    %add3A_1253 = vector.broadcast %add3A_1252 : i32 to vector<16xi32>
    %add3A_1254 = arith.addi %mul3A_1251, %add3A_1253 : vector<16xi32>
    %gather3A_1255 = tpu.vector_load_idx %arg23[%add3A_1254] : memref<512xf32, #tpu.memory_space<vmem>>[vector<16xi32>], vector<16xf32>,
    %add3A_1256 = arith.addf %add3A_1248, %gather3A_1255 : vector<16xf32>
    %mul3A_1257 = arith.constant 16 : i32
    %mul3A_1258 = vector.broadcast %mul3A_1257 : i32 to vector<16xi32>
    %mul3A_1259 = arith.muli %add3A_800, %mul3A_1258 : vector<16xi32>
    %add3A_1260 = arith.constant 9 : i32
    %add3A_1261 = vector.broadcast %add3A_1260 : i32 to vector<16xi32>
    %add3A_1262 = arith.addi %mul3A_1259, %add3A_1261 : vector<16xi32>
    %gather3A_1263 = tpu.vector_load_idx %arg23[%add3A_1262] : memref<512xf32, #tpu.memory_space<vmem>>[vector<16xi32>], vector<16xf32>,
    %add3A_1264 = arith.addf %add3A_1256, %gather3A_1263 : vector<16xf32>
    %mul3A_1265 = arith.constant 16 : i32
    %mul3A_1266 = vector.broadcast %mul3A_1265 : i32 to vector<16xi32>
    %mul3A_1267 = arith.muli %add3A_800, %mul3A_1266 : vector<16xi32>
    %add3A_1268 = arith.constant 10 : i32
    %add3A_1269 = vector.broadcast %add3A_1268 : i32 to vector<16xi32>
    %add3A_1270 = arith.addi %mul3A_1267, %add3A_1269 : vector<16xi32>
    %gather3A_1271 = tpu.vector_load_idx %arg23[%add3A_1270] : memref<512xf32, #tpu.memory_space<vmem>>[vector<16xi32>], vector<16xf32>,
    %add3A_1272 = arith.addf %add3A_1264, %gather3A_1271 : vector<16xf32>
    %mul3A_1273 = arith.constant 16 : i32
    %mul3A_1274 = vector.broadcast %mul3A_1273 : i32 to vector<16xi32>
    %mul3A_1275 = arith.muli %add3A_800, %mul3A_1274 : vector<16xi32>
    %add3A_1276 = arith.constant 11 : i32
    %add3A_1277 = vector.broadcast %add3A_1276 : i32 to vector<16xi32>
    %add3A_1278 = arith.addi %mul3A_1275, %add3A_1277 : vector<16xi32>
    %gather3A_1279 = tpu.vector_load_idx %arg23[%add3A_1278] : memref<512xf32, #tpu.memory_space<vmem>>[vector<16xi32>], vector<16xf32>,
    %add3A_1280 = arith.addf %add3A_1272, %gather3A_1279 : vector<16xf32>
    %mul3A_1281 = arith.constant 16 : i32
    %mul3A_1282 = vector.broadcast %mul3A_1281 : i32 to vector<16xi32>
    %mul3A_1283 = arith.muli %add3A_800, %mul3A_1282 : vector<16xi32>
    %add3A_1284 = arith.constant 12 : i32
    %add3A_1285 = vector.broadcast %add3A_1284 : i32 to vector<16xi32>
    %add3A_1286 = arith.addi %mul3A_1283, %add3A_1285 : vector<16xi32>
    %gather3A_1287 = tpu.vector_load_idx %arg23[%add3A_1286] : memref<512xf32, #tpu.memory_space<vmem>>[vector<16xi32>], vector<16xf32>,
    %add3A_1288 = arith.addf %add3A_1280, %gather3A_1287 : vector<16xf32>
    %mul3A_1289 = arith.constant 16 : i32
    %mul3A_1290 = vector.broadcast %mul3A_1289 : i32 to vector<16xi32>
    %mul3A_1291 = arith.muli %add3A_800, %mul3A_1290 : vector<16xi32>
    %add3A_1292 = arith.constant 13 : i32
    %add3A_1293 = vector.broadcast %add3A_1292 : i32 to vector<16xi32>
    %add3A_1294 = arith.addi %mul3A_1291, %add3A_1293 : vector<16xi32>
    %gather3A_1295 = tpu.vector_load_idx %arg23[%add3A_1294] : memref<512xf32, #tpu.memory_space<vmem>>[vector<16xi32>], vector<16xf32>,
    %add3A_1296 = arith.addf %add3A_1288, %gather3A_1295 : vector<16xf32>
    %mul3A_1297 = arith.constant 16 : i32
    %mul3A_1298 = vector.broadcast %mul3A_1297 : i32 to vector<16xi32>
    %mul3A_1299 = arith.muli %add3A_800, %mul3A_1298 : vector<16xi32>
    %add3A_1300 = arith.constant 14 : i32
    %add3A_1301 = vector.broadcast %add3A_1300 : i32 to vector<16xi32>
    %add3A_1302 = arith.addi %mul3A_1299, %add3A_1301 : vector<16xi32>
    %gather3A_1303 = tpu.vector_load_idx %arg23[%add3A_1302] : memref<512xf32, #tpu.memory_space<vmem>>[vector<16xi32>], vector<16xf32>,
    %add3A_1304 = arith.addf %add3A_1296, %gather3A_1303 : vector<16xf32>
    %mul3A_1305 = arith.constant 16 : i32
    %mul3A_1306 = vector.broadcast %mul3A_1305 : i32 to vector<16xi32>
    %mul3A_1307 = arith.muli %add3A_800, %mul3A_1306 : vector<16xi32>
    %add3A_1308 = arith.constant 15 : i32
    %add3A_1309 = vector.broadcast %add3A_1308 : i32 to vector<16xi32>
    %add3A_1310 = arith.addi %mul3A_1307, %add3A_1309 : vector<16xi32>
    %gather3A_1311 = tpu.vector_load_idx %arg23[%add3A_1310] : memref<512xf32, #tpu.memory_space<vmem>>[vector<16xi32>], vector<16xf32>,
    %add3A_1312 = arith.addf %add3A_1304, %gather3A_1311 : vector<16xf32>
    %mul3A_1313 = arith.constant 16 : i32
    %mul3A_1314 = vector.broadcast %mul3A_1313 : i32 to vector<16xi32>
    %mul3A_1315 = arith.muli %add3A_800, %mul3A_1314 : vector<16xi32>
    %add3A_1316 = arith.constant 0 : i32
    %add3A_1317 = vector.broadcast %add3A_1316 : i32 to vector<16xi32>
    %add3A_1318 = arith.addi %mul3A_1315, %add3A_1317 : vector<16xi32>
    %gather3A_1319 = tpu.vector_load_idx %arg24[%add3A_1318] : memref<512xf32, #tpu.memory_space<vmem>>[vector<16xi32>], vector<16xf32>,
    %add3A_1320 = arith.addf %broadcast_in_dim3A_3, %gather3A_1319 : vector<16xf32>
    %mul3A_1321 = arith.constant 16 : i32
    %mul3A_1322 = vector.broadcast %mul3A_1321 : i32 to vector<16xi32>
    %mul3A_1323 = arith.muli %add3A_800, %mul3A_1322 : vector<16xi32>
    %add3A_1324 = arith.constant 1 : i32
    %add3A_1325 = vector.broadcast %add3A_1324 : i32 to vector<16xi32>
    %add3A_1326 = arith.addi %mul3A_1323, %add3A_1325 : vector<16xi32>
    %gather3A_1327 = tpu.vector_load_idx %arg24[%add3A_1326] : memref<512xf32, #tpu.memory_space<vmem>>[vector<16xi32>], vector<16xf32>,
    %add3A_1328 = arith.addf %add3A_1320, %gather3A_1327 : vector<16xf32>
    %mul3A_1329 = arith.constant 16 : i32
    %mul3A_1330 = vector.broadcast %mul3A_1329 : i32 to vector<16xi32>
    %mul3A_1331 = arith.muli %add3A_800, %mul3A_1330 : vector<16xi32>
    %add3A_1332 = arith.constant 2 : i32
    %add3A_1333 = vector.broadcast %add3A_1332 : i32 to vector<16xi32>
    %add3A_1334 = arith.addi %mul3A_1331, %add3A_1333 : vector<16xi32>
    %gather3A_1335 = tpu.vector_load_idx %arg24[%add3A_1334] : memref<512xf32, #tpu.memory_space<vmem>>[vector<16xi32>], vector<16xf32>,
    %add3A_1336 = arith.addf %add3A_1328, %gather3A_1335 : vector<16xf32>
    %mul3A_1337 = arith.constant 16 : i32
    %mul3A_1338 = vector.broadcast %mul3A_1337 : i32 to vector<16xi32>
    %mul3A_1339 = arith.muli %add3A_800, %mul3A_1338 : vector<16xi32>
    %add3A_1340 = arith.constant 3 : i32
    %add3A_1341 = vector.broadcast %add3A_1340 : i32 to vector<16xi32>
    %add3A_1342 = arith.addi %mul3A_1339, %add3A_1341 : vector<16xi32>
    %gather3A_1343 = tpu.vector_load_idx %arg24[%add3A_1342] : memref<512xf32, #tpu.memory_space<vmem>>[vector<16xi32>], vector<16xf32>,
    %add3A_1344 = arith.addf %add3A_1336, %gather3A_1343 : vector<16xf32>
    %mul3A_1345 = arith.constant 16 : i32
    %mul3A_1346 = vector.broadcast %mul3A_1345 : i32 to vector<16xi32>
    %mul3A_1347 = arith.muli %add3A_800, %mul3A_1346 : vector<16xi32>
    %add3A_1348 = arith.constant 4 : i32
    %add3A_1349 = vector.broadcast %add3A_1348 : i32 to vector<16xi32>
    %add3A_1350 = arith.addi %mul3A_1347, %add3A_1349 : vector<16xi32>
    %gather3A_1351 = tpu.vector_load_idx %arg24[%add3A_1350] : memref<512xf32, #tpu.memory_space<vmem>>[vector<16xi32>], vector<16xf32>,
    %add3A_1352 = arith.addf %add3A_1344, %gather3A_1351 : vector<16xf32>
    %mul3A_1353 = arith.constant 16 : i32
    %mul3A_1354 = vector.broadcast %mul3A_1353 : i32 to vector<16xi32>
    %mul3A_1355 = arith.muli %add3A_800, %mul3A_1354 : vector<16xi32>
    %add3A_1356 = arith.constant 5 : i32
    %add3A_1357 = vector.broadcast %add3A_1356 : i32 to vector<16xi32>
    %add3A_1358 = arith.addi %mul3A_1355, %add3A_1357 : vector<16xi32>
    %gather3A_1359 = tpu.vector_load_idx %arg24[%add3A_1358] : memref<512xf32, #tpu.memory_space<vmem>>[vector<16xi32>], vector<16xf32>,
    %add3A_1360 = arith.addf %add3A_1352, %gather3A_1359 : vector<16xf32>
    %mul3A_1361 = arith.constant 16 : i32
    %mul3A_1362 = vector.broadcast %mul3A_1361 : i32 to vector<16xi32>
    %mul3A_1363 = arith.muli %add3A_800, %mul3A_1362 : vector<16xi32>
    %add3A_1364 = arith.constant 6 : i32
    %add3A_1365 = vector.broadcast %add3A_1364 : i32 to vector<16xi32>
    %add3A_1366 = arith.addi %mul3A_1363, %add3A_1365 : vector<16xi32>
    %gather3A_1367 = tpu.vector_load_idx %arg24[%add3A_1366] : memref<512xf32, #tpu.memory_space<vmem>>[vector<16xi32>], vector<16xf32>,
    %add3A_1368 = arith.addf %add3A_1360, %gather3A_1367 : vector<16xf32>
    %mul3A_1369 = arith.constant 16 : i32
    %mul3A_1370 = vector.broadcast %mul3A_1369 : i32 to vector<16xi32>
    %mul3A_1371 = arith.muli %add3A_800, %mul3A_1370 : vector<16xi32>
    %add3A_1372 = arith.constant 7 : i32
    %add3A_1373 = vector.broadcast %add3A_1372 : i32 to vector<16xi32>
    %add3A_1374 = arith.addi %mul3A_1371, %add3A_1373 : vector<16xi32>
    %gather3A_1375 = tpu.vector_load_idx %arg24[%add3A_1374] : memref<512xf32, #tpu.memory_space<vmem>>[vector<16xi32>], vector<16xf32>,
    %add3A_1376 = arith.addf %add3A_1368, %gather3A_1375 : vector<16xf32>
    %mul3A_1377 = arith.constant 16 : i32
    %mul3A_1378 = vector.broadcast %mul3A_1377 : i32 to vector<16xi32>
    %mul3A_1379 = arith.muli %add3A_800, %mul3A_1378 : vector<16xi32>
    %add3A_1380 = arith.constant 8 : i32
    %add3A_1381 = vector.broadcast %add3A_1380 : i32 to vector<16xi32>
    %add3A_1382 = arith.addi %mul3A_1379, %add3A_1381 : vector<16xi32>
    %gather3A_1383 = tpu.vector_load_idx %arg24[%add3A_1382] : memref<512xf32, #tpu.memory_space<vmem>>[vector<16xi32>], vector<16xf32>,
    %add3A_1384 = arith.addf %add3A_1376, %gather3A_1383 : vector<16xf32>
    %mul3A_1385 = arith.constant 16 : i32
    %mul3A_1386 = vector.broadcast %mul3A_1385 : i32 to vector<16xi32>
    %mul3A_1387 = arith.muli %add3A_800, %mul3A_1386 : vector<16xi32>
    %add3A_1388 = arith.constant 9 : i32
    %add3A_1389 = vector.broadcast %add3A_1388 : i32 to vector<16xi32>
    %add3A_1390 = arith.addi %mul3A_1387, %add3A_1389 : vector<16xi32>
    %gather3A_1391 = tpu.vector_load_idx %arg24[%add3A_1390] : memref<512xf32, #tpu.memory_space<vmem>>[vector<16xi32>], vector<16xf32>,
    %add3A_1392 = arith.addf %add3A_1384, %gather3A_1391 : vector<16xf32>
    %mul3A_1393 = arith.constant 16 : i32
    %mul3A_1394 = vector.broadcast %mul3A_1393 : i32 to vector<16xi32>
    %mul3A_1395 = arith.muli %add3A_800, %mul3A_1394 : vector<16xi32>
    %add3A_1396 = arith.constant 10 : i32
    %add3A_1397 = vector.broadcast %add3A_1396 : i32 to vector<16xi32>
    %add3A_1398 = arith.addi %mul3A_1395, %add3A_1397 : vector<16xi32>
    %gather3A_1399 = tpu.vector_load_idx %arg24[%add3A_1398] : memref<512xf32, #tpu.memory_space<vmem>>[vector<16xi32>], vector<16xf32>,
    %add3A_1400 = arith.addf %add3A_1392, %gather3A_1399 : vector<16xf32>
    %mul3A_1401 = arith.constant 16 : i32
    %mul3A_1402 = vector.broadcast %mul3A_1401 : i32 to vector<16xi32>
    %mul3A_1403 = arith.muli %add3A_800, %mul3A_1402 : vector<16xi32>
    %add3A_1404 = arith.constant 11 : i32
    %add3A_1405 = vector.broadcast %add3A_1404 : i32 to vector<16xi32>
    %add3A_1406 = arith.addi %mul3A_1403, %add3A_1405 : vector<16xi32>
    %gather3A_1407 = tpu.vector_load_idx %arg24[%add3A_1406] : memref<512xf32, #tpu.memory_space<vmem>>[vector<16xi32>], vector<16xf32>,
    %add3A_1408 = arith.addf %add3A_1400, %gather3A_1407 : vector<16xf32>
    %mul3A_1409 = arith.constant 16 : i32
    %mul3A_1410 = vector.broadcast %mul3A_1409 : i32 to vector<16xi32>
    %mul3A_1411 = arith.muli %add3A_800, %mul3A_1410 : vector<16xi32>
    %add3A_1412 = arith.constant 12 : i32
    %add3A_1413 = vector.broadcast %add3A_1412 : i32 to vector<16xi32>
    %add3A_1414 = arith.addi %mul3A_1411, %add3A_1413 : vector<16xi32>
    %gather3A_1415 = tpu.vector_load_idx %arg24[%add3A_1414] : memref<512xf32, #tpu.memory_space<vmem>>[vector<16xi32>], vector<16xf32>,
    %add3A_1416 = arith.addf %add3A_1408, %gather3A_1415 : vector<16xf32>
    %mul3A_1417 = arith.constant 16 : i32
    %mul3A_1418 = vector.broadcast %mul3A_1417 : i32 to vector<16xi32>
    %mul3A_1419 = arith.muli %add3A_800, %mul3A_1418 : vector<16xi32>
    %add3A_1420 = arith.constant 13 : i32
    %add3A_1421 = vector.broadcast %add3A_1420 : i32 to vector<16xi32>
    %add3A_1422 = arith.addi %mul3A_1419, %add3A_1421 : vector<16xi32>
    %gather3A_1423 = tpu.vector_load_idx %arg24[%add3A_1422] : memref<512xf32, #tpu.memory_space<vmem>>[vector<16xi32>], vector<16xf32>,
    %add3A_1424 = arith.addf %add3A_1416, %gather3A_1423 : vector<16xf32>
    %mul3A_1425 = arith.constant 16 : i32
    %mul3A_1426 = vector.broadcast %mul3A_1425 : i32 to vector<16xi32>
    %mul3A_1427 = arith.muli %add3A_800, %mul3A_1426 : vector<16xi32>
    %add3A_1428 = arith.constant 14 : i32
    %add3A_1429 = vector.broadcast %add3A_1428 : i32 to vector<16xi32>
    %add3A_1430 = arith.addi %mul3A_1427, %add3A_1429 : vector<16xi32>
    %gather3A_1431 = tpu.vector_load_idx %arg24[%add3A_1430] : memref<512xf32, #tpu.memory_space<vmem>>[vector<16xi32>], vector<16xf32>,
    %add3A_1432 = arith.addf %add3A_1424, %gather3A_1431 : vector<16xf32>
    %mul3A_1433 = arith.constant 16 : i32
    %mul3A_1434 = vector.broadcast %mul3A_1433 : i32 to vector<16xi32>
    %mul3A_1435 = arith.muli %add3A_800, %mul3A_1434 : vector<16xi32>
    %add3A_1436 = arith.constant 15 : i32
    %add3A_1437 = vector.broadcast %add3A_1436 : i32 to vector<16xi32>
    %add3A_1438 = arith.addi %mul3A_1435, %add3A_1437 : vector<16xi32>
    %gather3A_1439 = tpu.vector_load_idx %arg24[%add3A_1438] : memref<512xf32, #tpu.memory_space<vmem>>[vector<16xi32>], vector<16xf32>,
    %add3A_1440 = arith.addf %add3A_1432, %gather3A_1439 : vector<16xf32>
    %mul3A_1441 = arith.constant 16 : i32
    %mul3A_1442 = vector.broadcast %mul3A_1441 : i32 to vector<16xi32>
    %mul3A_1443 = arith.muli %add3A_800, %mul3A_1442 : vector<16xi32>
    %add3A_1444 = arith.constant 0 : i32
    %add3A_1445 = vector.broadcast %add3A_1444 : i32 to vector<16xi32>
    %add3A_1446 = arith.addi %mul3A_1443, %add3A_1445 : vector<16xi32>
    %gather3A_1447 = tpu.vector_load_idx %arg25[%add3A_1446] : memref<512xf32, #tpu.memory_space<vmem>>[vector<16xi32>], vector<16xf32>,
    %add3A_1448 = arith.addf %broadcast_in_dim3A_3, %gather3A_1447 : vector<16xf32>
    %mul3A_1449 = arith.constant 16 : i32
    %mul3A_1450 = vector.broadcast %mul3A_1449 : i32 to vector<16xi32>
    %mul3A_1451 = arith.muli %add3A_800, %mul3A_1450 : vector<16xi32>
    %add3A_1452 = arith.constant 1 : i32
    %add3A_1453 = vector.broadcast %add3A_1452 : i32 to vector<16xi32>
    %add3A_1454 = arith.addi %mul3A_1451, %add3A_1453 : vector<16xi32>
    %gather3A_1455 = tpu.vector_load_idx %arg25[%add3A_1454] : memref<512xf32, #tpu.memory_space<vmem>>[vector<16xi32>], vector<16xf32>,
    %add3A_1456 = arith.addf %add3A_1448, %gather3A_1455 : vector<16xf32>
    %mul3A_1457 = arith.constant 16 : i32
    %mul3A_1458 = vector.broadcast %mul3A_1457 : i32 to vector<16xi32>
    %mul3A_1459 = arith.muli %add3A_800, %mul3A_1458 : vector<16xi32>
    %add3A_1460 = arith.constant 2 : i32
    %add3A_1461 = vector.broadcast %add3A_1460 : i32 to vector<16xi32>
    %add3A_1462 = arith.addi %mul3A_1459, %add3A_1461 : vector<16xi32>
    %gather3A_1463 = tpu.vector_load_idx %arg25[%add3A_1462] : memref<512xf32, #tpu.memory_space<vmem>>[vector<16xi32>], vector<16xf32>,
    %add3A_1464 = arith.addf %add3A_1456, %gather3A_1463 : vector<16xf32>
    %mul3A_1465 = arith.constant 16 : i32
    %mul3A_1466 = vector.broadcast %mul3A_1465 : i32 to vector<16xi32>
    %mul3A_1467 = arith.muli %add3A_800, %mul3A_1466 : vector<16xi32>
    %add3A_1468 = arith.constant 3 : i32
    %add3A_1469 = vector.broadcast %add3A_1468 : i32 to vector<16xi32>
    %add3A_1470 = arith.addi %mul3A_1467, %add3A_1469 : vector<16xi32>
    %gather3A_1471 = tpu.vector_load_idx %arg25[%add3A_1470] : memref<512xf32, #tpu.memory_space<vmem>>[vector<16xi32>], vector<16xf32>,
    %add3A_1472 = arith.addf %add3A_1464, %gather3A_1471 : vector<16xf32>
    %mul3A_1473 = arith.constant 16 : i32
    %mul3A_1474 = vector.broadcast %mul3A_1473 : i32 to vector<16xi32>
    %mul3A_1475 = arith.muli %add3A_800, %mul3A_1474 : vector<16xi32>
    %add3A_1476 = arith.constant 4 : i32
    %add3A_1477 = vector.broadcast %add3A_1476 : i32 to vector<16xi32>
    %add3A_1478 = arith.addi %mul3A_1475, %add3A_1477 : vector<16xi32>
    %gather3A_1479 = tpu.vector_load_idx %arg25[%add3A_1478] : memref<512xf32, #tpu.memory_space<vmem>>[vector<16xi32>], vector<16xf32>,
    %add3A_1480 = arith.addf %add3A_1472, %gather3A_1479 : vector<16xf32>
    %mul3A_1481 = arith.constant 16 : i32
    %mul3A_1482 = vector.broadcast %mul3A_1481 : i32 to vector<16xi32>
    %mul3A_1483 = arith.muli %add3A_800, %mul3A_1482 : vector<16xi32>
    %add3A_1484 = arith.constant 5 : i32
    %add3A_1485 = vector.broadcast %add3A_1484 : i32 to vector<16xi32>
    %add3A_1486 = arith.addi %mul3A_1483, %add3A_1485 : vector<16xi32>
    %gather3A_1487 = tpu.vector_load_idx %arg25[%add3A_1486] : memref<512xf32, #tpu.memory_space<vmem>>[vector<16xi32>], vector<16xf32>,
    %add3A_1488 = arith.addf %add3A_1480, %gather3A_1487 : vector<16xf32>
    %mul3A_1489 = arith.constant 16 : i32
    %mul3A_1490 = vector.broadcast %mul3A_1489 : i32 to vector<16xi32>
    %mul3A_1491 = arith.muli %add3A_800, %mul3A_1490 : vector<16xi32>
    %add3A_1492 = arith.constant 6 : i32
    %add3A_1493 = vector.broadcast %add3A_1492 : i32 to vector<16xi32>
    %add3A_1494 = arith.addi %mul3A_1491, %add3A_1493 : vector<16xi32>
    %gather3A_1495 = tpu.vector_load_idx %arg25[%add3A_1494] : memref<512xf32, #tpu.memory_space<vmem>>[vector<16xi32>], vector<16xf32>,
    %add3A_1496 = arith.addf %add3A_1488, %gather3A_1495 : vector<16xf32>
    %mul3A_1497 = arith.constant 16 : i32
    %mul3A_1498 = vector.broadcast %mul3A_1497 : i32 to vector<16xi32>
    %mul3A_1499 = arith.muli %add3A_800, %mul3A_1498 : vector<16xi32>
    %add3A_1500 = arith.constant 7 : i32
    %add3A_1501 = vector.broadcast %add3A_1500 : i32 to vector<16xi32>
    %add3A_1502 = arith.addi %mul3A_1499, %add3A_1501 : vector<16xi32>
    %gather3A_1503 = tpu.vector_load_idx %arg25[%add3A_1502] : memref<512xf32, #tpu.memory_space<vmem>>[vector<16xi32>], vector<16xf32>,
    %add3A_1504 = arith.addf %add3A_1496, %gather3A_1503 : vector<16xf32>
    %mul3A_1505 = arith.constant 16 : i32
    %mul3A_1506 = vector.broadcast %mul3A_1505 : i32 to vector<16xi32>
    %mul3A_1507 = arith.muli %add3A_800, %mul3A_1506 : vector<16xi32>
    %add3A_1508 = arith.constant 8 : i32
    %add3A_1509 = vector.broadcast %add3A_1508 : i32 to vector<16xi32>
    %add3A_1510 = arith.addi %mul3A_1507, %add3A_1509 : vector<16xi32>
    %gather3A_1511 = tpu.vector_load_idx %arg25[%add3A_1510] : memref<512xf32, #tpu.memory_space<vmem>>[vector<16xi32>], vector<16xf32>,
    %add3A_1512 = arith.addf %add3A_1504, %gather3A_1511 : vector<16xf32>
    %mul3A_1513 = arith.constant 16 : i32
    %mul3A_1514 = vector.broadcast %mul3A_1513 : i32 to vector<16xi32>
    %mul3A_1515 = arith.muli %add3A_800, %mul3A_1514 : vector<16xi32>
    %add3A_1516 = arith.constant 9 : i32
    %add3A_1517 = vector.broadcast %add3A_1516 : i32 to vector<16xi32>
    %add3A_1518 = arith.addi %mul3A_1515, %add3A_1517 : vector<16xi32>
    %gather3A_1519 = tpu.vector_load_idx %arg25[%add3A_1518] : memref<512xf32, #tpu.memory_space<vmem>>[vector<16xi32>], vector<16xf32>,
    %add3A_1520 = arith.addf %add3A_1512, %gather3A_1519 : vector<16xf32>
    %mul3A_1521 = arith.constant 16 : i32
    %mul3A_1522 = vector.broadcast %mul3A_1521 : i32 to vector<16xi32>
    %mul3A_1523 = arith.muli %add3A_800, %mul3A_1522 : vector<16xi32>
    %add3A_1524 = arith.constant 10 : i32
    %add3A_1525 = vector.broadcast %add3A_1524 : i32 to vector<16xi32>
    %add3A_1526 = arith.addi %mul3A_1523, %add3A_1525 : vector<16xi32>
    %gather3A_1527 = tpu.vector_load_idx %arg25[%add3A_1526] : memref<512xf32, #tpu.memory_space<vmem>>[vector<16xi32>], vector<16xf32>,
    %add3A_1528 = arith.addf %add3A_1520, %gather3A_1527 : vector<16xf32>
    %mul3A_1529 = arith.constant 16 : i32
    %mul3A_1530 = vector.broadcast %mul3A_1529 : i32 to vector<16xi32>
    %mul3A_1531 = arith.muli %add3A_800, %mul3A_1530 : vector<16xi32>
    %add3A_1532 = arith.constant 11 : i32
    %add3A_1533 = vector.broadcast %add3A_1532 : i32 to vector<16xi32>
    %add3A_1534 = arith.addi %mul3A_1531, %add3A_1533 : vector<16xi32>
    %gather3A_1535 = tpu.vector_load_idx %arg25[%add3A_1534] : memref<512xf32, #tpu.memory_space<vmem>>[vector<16xi32>], vector<16xf32>,
    %add3A_1536 = arith.addf %add3A_1528, %gather3A_1535 : vector<16xf32>
    %mul3A_1537 = arith.constant 16 : i32
    %mul3A_1538 = vector.broadcast %mul3A_1537 : i32 to vector<16xi32>
    %mul3A_1539 = arith.muli %add3A_800, %mul3A_1538 : vector<16xi32>
    %add3A_1540 = arith.constant 12 : i32
    %add3A_1541 = vector.broadcast %add3A_1540 : i32 to vector<16xi32>
    %add3A_1542 = arith.addi %mul3A_1539, %add3A_1541 : vector<16xi32>
    %gather3A_1543 = tpu.vector_load_idx %arg25[%add3A_1542] : memref<512xf32, #tpu.memory_space<vmem>>[vector<16xi32>], vector<16xf32>,
    %add3A_1544 = arith.addf %add3A_1536, %gather3A_1543 : vector<16xf32>
    %mul3A_1545 = arith.constant 16 : i32
    %mul3A_1546 = vector.broadcast %mul3A_1545 : i32 to vector<16xi32>
    %mul3A_1547 = arith.muli %add3A_800, %mul3A_1546 : vector<16xi32>
    %add3A_1548 = arith.constant 13 : i32
    %add3A_1549 = vector.broadcast %add3A_1548 : i32 to vector<16xi32>
    %add3A_1550 = arith.addi %mul3A_1547, %add3A_1549 : vector<16xi32>
    %gather3A_1551 = tpu.vector_load_idx %arg25[%add3A_1550] : memref<512xf32, #tpu.memory_space<vmem>>[vector<16xi32>], vector<16xf32>,
    %add3A_1552 = arith.addf %add3A_1544, %gather3A_1551 : vector<16xf32>
    %mul3A_1553 = arith.constant 16 : i32
    %mul3A_1554 = vector.broadcast %mul3A_1553 : i32 to vector<16xi32>
    %mul3A_1555 = arith.muli %add3A_800, %mul3A_1554 : vector<16xi32>
    %add3A_1556 = arith.constant 14 : i32
    %add3A_1557 = vector.broadcast %add3A_1556 : i32 to vector<16xi32>
    %add3A_1558 = arith.addi %mul3A_1555, %add3A_1557 : vector<16xi32>
    %gather3A_1559 = tpu.vector_load_idx %arg25[%add3A_1558] : memref<512xf32, #tpu.memory_space<vmem>>[vector<16xi32>], vector<16xf32>,
    %add3A_1560 = arith.addf %add3A_1552, %gather3A_1559 : vector<16xf32>
    %mul3A_1561 = arith.constant 16 : i32
    %mul3A_1562 = vector.broadcast %mul3A_1561 : i32 to vector<16xi32>
    %mul3A_1563 = arith.muli %add3A_800, %mul3A_1562 : vector<16xi32>
    %add3A_1564 = arith.constant 15 : i32
    %add3A_1565 = vector.broadcast %add3A_1564 : i32 to vector<16xi32>
    %add3A_1566 = arith.addi %mul3A_1563, %add3A_1565 : vector<16xi32>
    %gather3A_1567 = tpu.vector_load_idx %arg25[%add3A_1566] : memref<512xf32, #tpu.memory_space<vmem>>[vector<16xi32>], vector<16xf32>,
    %add3A_1568 = arith.addf %add3A_1560, %gather3A_1567 : vector<16xf32>
    %neg3A_1569 = arith.constant 0.000000e+00 : f32
    %neg3A_1570 = vector.broadcast %neg3A_1569 : f32 to vector<16xf32>
    %neg3A_1571 = arith.subf %neg3A_1570, %add3A_1568 : vector<16xf32>
    %exp3A_1572 = math.exp %neg3A_1571 : vector<16xf32>
    %mul3A_1573 = arith.constant 1.000000e+02 : f32
    %mul3A_1574 = vector.broadcast %mul3A_1573 : f32 to vector<16xf32>
    %mul3A_1575 = arith.mulf %exp3A_1572, %mul3A_1574 : vector<16xf32>
    %add3A_1576 = arith.addf %add3A_1312, %mul3A_1575 : vector<16xf32>
    %mul3A_1577 = arith.constant 3 : i32
    %mul3A_1578 = vector.broadcast %mul3A_1577 : i32 to vector<16xi32>
    %mul3A_1579 = arith.muli %add3A_800, %mul3A_1578 : vector<16xi32>
    tpu.vector_store_idx %arg26[%mul3A_1579], %add3A_928 : memref<96xf32, #tpu.memory_space<vmem>>[vector<16xi32>], vector<16xf32>,
    %add3A_1580 = arith.constant 1 : i32
    %add3A_1581 = vector.broadcast %add3A_1580 : i32 to vector<16xi32>
    %add3A_1582 = arith.addi %mul3A_1579, %add3A_1581 : vector<16xi32>
    tpu.vector_store_idx %arg26[%add3A_1582], %add3A_1056 : memref<96xf32, #tpu.memory_space<vmem>>[vector<16xi32>], vector<16xf32>,
    %add3A_1583 = arith.constant 2 : i32
    %add3A_1584 = vector.broadcast %add3A_1583 : i32 to vector<16xi32>
    %add3A_1585 = arith.addi %mul3A_1579, %add3A_1584 : vector<16xi32>
    tpu.vector_store_idx %arg26[%add3A_1585], %add3A_1184 : memref<96xf32, #tpu.memory_space<vmem>>[vector<16xi32>], vector<16xf32>,
    %swap3A_1586 = arith.constant 16 : index
    %swap3A_1587 = tpu.vector_load %arg27[%swap3A_1586] {strides = array<i32>} : memref<32xf32, #tpu.memory_space<vmem>>, vector<16xf32>,
    tpu.vector_store %arg27[%swap3A_1586], %add3A_1576 {strides = array<i32>} : memref<32xf32, #tpu.memory_space<vmem>>, vector<16xf32>,
    %swap3A_1588 = arith.constant 16 : index
    %swap3A_1589 = tpu.vector_load %arg28[%swap3A_1588] {strides = array<i32>} : memref<32xf32, #tpu.memory_space<vmem>>, vector<16xf32>,
    tpu.vector_store %arg28[%swap3A_1588], %add3A_1440 {strides = array<i32>} : memref<32xf32, #tpu.memory_space<vmem>>, vector<16xf32>,
    %mul3A_1590 = arith.constant 3 : i32
    %mul3A_1591 = arith.muli %mul3A_2, %mul3A_1590 : i32
    "tpu.region"() ({
      %run_scoped3A = tpu.sem_alloc : memref<!tpu.dma_semaphore, #tpu.memory_space<semaphore_mem>>
      %dma_start3A = tpu.memref_slice %arg7[%mul3A_1591] : memref<3072xf32, #tpu.memory_space<hbm>> -> memref<96xf32, #tpu.memory_space<hbm>>
      %dma_start3A_1592 = tpu.memref_slice %arg7[%mul3A_1591] : memref<3072xf32, #tpu.memory_space<hbm>> -> memref<96xf32, #tpu.memory_space<hbm>>
      tpu.enqueue_dma source(%arg26 : memref<96xf32, #tpu.memory_space<vmem>>) target(%dma_start3A_1592 : memref<96xf32, #tpu.memory_space<hbm>>) target_semaphore(%run_scoped3A : memref<!tpu.dma_semaphore, #tpu.memory_space<semaphore_mem>>)
      %dma_wait3A = tpu.memref_slice %arg7[%mul3A_1591] : memref<3072xf32, #tpu.memory_space<hbm>> -> memref<96xf32, #tpu.memory_space<hbm>>
      %dma_wait3A_1593 = tpu.memref_slice %arg7[%mul3A_1591] : memref<3072xf32, #tpu.memory_space<hbm>> -> memref<96xf32, #tpu.memory_space<hbm>>
      tpu.wait_dma2 semaphore(%run_scoped3A : memref<!tpu.dma_semaphore, #tpu.memory_space<semaphore_mem>>) src(%arg26 : memref<96xf32, #tpu.memory_space<vmem>>) dst(%dma_wait3A_1593 : memref<96xf32, #tpu.memory_space<hbm>>)
      tpu.yield
    }) : () -> ()
    "tpu.region"() ({
      %run_scoped3A = tpu.sem_alloc : memref<!tpu.dma_semaphore, #tpu.memory_space<semaphore_mem>>
      %dma_start3A = tpu.memref_slice %arg8[%mul3A_2] : memref<1024xf32, #tpu.memory_space<hbm>> -> memref<32xf32, #tpu.memory_space<hbm>>
      %dma_start3A_1592 = tpu.memref_slice %arg8[%mul3A_2] : memref<1024xf32, #tpu.memory_space<hbm>> -> memref<32xf32, #tpu.memory_space<hbm>>
      tpu.enqueue_dma source(%arg27 : memref<32xf32, #tpu.memory_space<vmem>>) target(%dma_start3A_1592 : memref<32xf32, #tpu.memory_space<hbm>>) target_semaphore(%run_scoped3A : memref<!tpu.dma_semaphore, #tpu.memory_space<semaphore_mem>>)
      %dma_wait3A = tpu.memref_slice %arg8[%mul3A_2] : memref<1024xf32, #tpu.memory_space<hbm>> -> memref<32xf32, #tpu.memory_space<hbm>>
      %dma_wait3A_1593 = tpu.memref_slice %arg8[%mul3A_2] : memref<1024xf32, #tpu.memory_space<hbm>> -> memref<32xf32, #tpu.memory_space<hbm>>
      tpu.wait_dma2 semaphore(%run_scoped3A : memref<!tpu.dma_semaphore, #tpu.memory_space<semaphore_mem>>) src(%arg27 : memref<32xf32, #tpu.memory_space<vmem>>) dst(%dma_wait3A_1593 : memref<32xf32, #tpu.memory_space<hbm>>)
      tpu.yield
    }) : () -> ()
    "tpu.region"() ({
      %run_scoped3A = tpu.sem_alloc : memref<!tpu.dma_semaphore, #tpu.memory_space<semaphore_mem>>
      %dma_start3A = tpu.memref_slice %arg9[%mul3A_2] : memref<1024xf32, #tpu.memory_space<hbm>> -> memref<32xf32, #tpu.memory_space<hbm>>
      %dma_start3A_1592 = tpu.memref_slice %arg9[%mul3A_2] : memref<1024xf32, #tpu.memory_space<hbm>> -> memref<32xf32, #tpu.memory_space<hbm>>
      tpu.enqueue_dma source(%arg28 : memref<32xf32, #tpu.memory_space<vmem>>) target(%dma_start3A_1592 : memref<32xf32, #tpu.memory_space<hbm>>) target_semaphore(%run_scoped3A : memref<!tpu.dma_semaphore, #tpu.memory_space<semaphore_mem>>)
      %dma_wait3A = tpu.memref_slice %arg9[%mul3A_2] : memref<1024xf32, #tpu.memory_space<hbm>> -> memref<32xf32, #tpu.memory_space<hbm>>
      %dma_wait3A_1593 = tpu.memref_slice %arg9[%mul3A_2] : memref<1024xf32, #tpu.memory_space<hbm>> -> memref<32xf32, #tpu.memory_space<hbm>>
      tpu.wait_dma2 semaphore(%run_scoped3A : memref<!tpu.dma_semaphore, #tpu.memory_space<semaphore_mem>>) src(%arg28 : memref<32xf32, #tpu.memory_space<vmem>>) dst(%dma_wait3A_1593 : memref<32xf32, #tpu.memory_space<hbm>>)
      tpu.yield
    }) : () -> ()
    return
  }
}

module attributes {stable_mosaic.version = 14 : i64} {
  func.func @_tc_body(%arg0: i32, %arg1: memref<128x3xf32, #tpu.memory_space<vmem>>, %arg2: memref<128x3xf32, #tpu.memory_space<vmem>>, %arg3: memref<3x4096xf32, #tpu.memory_space<vmem>>, %arg4: memref<3x4096xf32, #tpu.memory_space<vmem>>, %arg5: memref<128x4096xf32, #tpu.memory_space<vmem>>, %arg6: memref<128x4096xf32, #tpu.memory_space<vmem>>) attributes {dimension_semantics = [#tpu.dimension_semantics<arbitrary>], iteration_bounds = array<i64: 8>, scalar_prefetch = 0 : i64, scratch_operands = 0 : i64, tpu.core_type = #tpu.core_type<tc>, window_params = [{transform_indices = @transform_0, window_bounds = array<i64: 128, 3>}, {transform_indices = @transform_1, window_bounds = array<i64: 128, 3>}, {pipeline_mode = #tpu.pipeline_mode<synchronous>, transform_indices = @transform_2, window_bounds = array<i64: 3, 4096>}, {pipeline_mode = #tpu.pipeline_mode<synchronous>, transform_indices = @transform_3, window_bounds = array<i64: 3, 4096>}, {transform_indices = @transform_4, window_bounds = array<i64: 128, 4096>}, {transform_indices = @transform_5, window_bounds = array<i64: 128, 4096>}]} {
    %get3A = arith.constant 0 : index
    %get3A_0 = arith.constant 0 : index
    %get3A_1 = vector.load %arg1[%get3A, %get3A_0] : memref<128x3xf32, #tpu.memory_space<vmem>>, vector<128x1xf32>
    %get3A_2 = arith.constant 0 : index
    %get3A_3 = arith.constant 0 : index
    %get3A_4 = vector.load %arg2[%get3A_2, %get3A_3] : memref<128x3xf32, #tpu.memory_space<vmem>>, vector<128x1xf32>
    %get3A_5 = arith.constant 0 : index
    %get3A_6 = arith.constant 0 : index
    %get3A_7 = vector.load %arg3[%get3A_5, %get3A_6] : memref<3x4096xf32, #tpu.memory_space<vmem>>, vector<1x4096xf32>
    %get3A_8 = arith.constant 0 : index
    %get3A_9 = arith.constant 0 : index
    %get3A_10 = vector.load %arg4[%get3A_8, %get3A_9] : memref<3x4096xf32, #tpu.memory_space<vmem>>, vector<1x4096xf32>
    %sub3A = vector.broadcast %get3A_7 : vector<1x4096xf32> to vector<128x4096xf32>
    %sub3A_11 = vector.broadcast %get3A_1 : vector<128x1xf32> to vector<128x4096xf32>
    %sub3A_12 = arith.subf %sub3A, %sub3A_11 : vector<128x4096xf32>
    %mul3A = vector.broadcast %get3A_4 : vector<128x1xf32> to vector<128x4096xf32>
    %mul3A_13 = arith.mulf %sub3A_12, %mul3A : vector<128x4096xf32>
    %sub3A_14 = vector.broadcast %get3A_10 : vector<1x4096xf32> to vector<128x4096xf32>
    %sub3A_15 = vector.broadcast %get3A_1 : vector<128x1xf32> to vector<128x4096xf32>
    %sub3A_16 = arith.subf %sub3A_14, %sub3A_15 : vector<128x4096xf32>
    %mul3A_17 = vector.broadcast %get3A_4 : vector<128x1xf32> to vector<128x4096xf32>
    %mul3A_18 = arith.mulf %sub3A_16, %mul3A_17 : vector<128x4096xf32>
    %min3A = arith.minimumf %mul3A_13, %mul3A_18 : vector<128x4096xf32>
    %max3A = arith.maximumf %mul3A_13, %mul3A_18 : vector<128x4096xf32>
    %get3A_19 = arith.constant 0 : index
    %get3A_20 = arith.constant 1 : index
    %get3A_21 = vector.load %arg1[%get3A_19, %get3A_20] : memref<128x3xf32, #tpu.memory_space<vmem>>, vector<128x1xf32>
    %get3A_22 = arith.constant 0 : index
    %get3A_23 = arith.constant 1 : index
    %get3A_24 = vector.load %arg2[%get3A_22, %get3A_23] : memref<128x3xf32, #tpu.memory_space<vmem>>, vector<128x1xf32>
    %get3A_25 = arith.constant 1 : index
    %get3A_26 = arith.constant 0 : index
    %get3A_27 = vector.load %arg3[%get3A_25, %get3A_26] : memref<3x4096xf32, #tpu.memory_space<vmem>>, vector<1x4096xf32>
    %get3A_28 = arith.constant 1 : index
    %get3A_29 = arith.constant 0 : index
    %get3A_30 = vector.load %arg4[%get3A_28, %get3A_29] : memref<3x4096xf32, #tpu.memory_space<vmem>>, vector<1x4096xf32>
    %sub3A_31 = vector.broadcast %get3A_27 : vector<1x4096xf32> to vector<128x4096xf32>
    %sub3A_32 = vector.broadcast %get3A_21 : vector<128x1xf32> to vector<128x4096xf32>
    %sub3A_33 = arith.subf %sub3A_31, %sub3A_32 : vector<128x4096xf32>
    %mul3A_34 = vector.broadcast %get3A_24 : vector<128x1xf32> to vector<128x4096xf32>
    %mul3A_35 = arith.mulf %sub3A_33, %mul3A_34 : vector<128x4096xf32>
    %sub3A_36 = vector.broadcast %get3A_30 : vector<1x4096xf32> to vector<128x4096xf32>
    %sub3A_37 = vector.broadcast %get3A_21 : vector<128x1xf32> to vector<128x4096xf32>
    %sub3A_38 = arith.subf %sub3A_36, %sub3A_37 : vector<128x4096xf32>
    %mul3A_39 = vector.broadcast %get3A_24 : vector<128x1xf32> to vector<128x4096xf32>
    %mul3A_40 = arith.mulf %sub3A_38, %mul3A_39 : vector<128x4096xf32>
    %min3A_41 = arith.minimumf %mul3A_35, %mul3A_40 : vector<128x4096xf32>
    %max3A_42 = arith.maximumf %mul3A_35, %mul3A_40 : vector<128x4096xf32>
    %max3A_43 = arith.maximumf %min3A, %min3A_41 : vector<128x4096xf32>
    %min3A_44 = arith.minimumf %max3A, %max3A_42 : vector<128x4096xf32>
    %get3A_45 = arith.constant 0 : index
    %get3A_46 = arith.constant 2 : index
    %get3A_47 = vector.load %arg1[%get3A_45, %get3A_46] : memref<128x3xf32, #tpu.memory_space<vmem>>, vector<128x1xf32>
    %get3A_48 = arith.constant 0 : index
    %get3A_49 = arith.constant 2 : index
    %get3A_50 = vector.load %arg2[%get3A_48, %get3A_49] : memref<128x3xf32, #tpu.memory_space<vmem>>, vector<128x1xf32>
    %get3A_51 = arith.constant 2 : index
    %get3A_52 = arith.constant 0 : index
    %get3A_53 = vector.load %arg3[%get3A_51, %get3A_52] : memref<3x4096xf32, #tpu.memory_space<vmem>>, vector<1x4096xf32>
    %get3A_54 = arith.constant 2 : index
    %get3A_55 = arith.constant 0 : index
    %get3A_56 = vector.load %arg4[%get3A_54, %get3A_55] : memref<3x4096xf32, #tpu.memory_space<vmem>>, vector<1x4096xf32>
    %sub3A_57 = vector.broadcast %get3A_53 : vector<1x4096xf32> to vector<128x4096xf32>
    %sub3A_58 = vector.broadcast %get3A_47 : vector<128x1xf32> to vector<128x4096xf32>
    %sub3A_59 = arith.subf %sub3A_57, %sub3A_58 : vector<128x4096xf32>
    %mul3A_60 = vector.broadcast %get3A_50 : vector<128x1xf32> to vector<128x4096xf32>
    %mul3A_61 = arith.mulf %sub3A_59, %mul3A_60 : vector<128x4096xf32>
    %sub3A_62 = vector.broadcast %get3A_56 : vector<1x4096xf32> to vector<128x4096xf32>
    %sub3A_63 = vector.broadcast %get3A_47 : vector<128x1xf32> to vector<128x4096xf32>
    %sub3A_64 = arith.subf %sub3A_62, %sub3A_63 : vector<128x4096xf32>
    %mul3A_65 = vector.broadcast %get3A_50 : vector<128x1xf32> to vector<128x4096xf32>
    %mul3A_66 = arith.mulf %sub3A_64, %mul3A_65 : vector<128x4096xf32>
    %min3A_67 = arith.minimumf %mul3A_61, %mul3A_66 : vector<128x4096xf32>
    %max3A_68 = arith.maximumf %mul3A_61, %mul3A_66 : vector<128x4096xf32>
    %max3A_69 = arith.maximumf %max3A_43, %min3A_67 : vector<128x4096xf32>
    %min3A_70 = arith.minimumf %min3A_44, %max3A_68 : vector<128x4096xf32>
    %gt3A = arith.cmpf ogt, %min3A_70, %max3A_69 : vector<128x4096xf32>
    %gt3A_71 = arith.constant 0.000000e+00 : f32
    %gt3A_72 = vector.broadcast %gt3A_71 : f32 to vector<128x4096xf32>
    %gt3A_73 = arith.cmpf ogt, %min3A_70, %gt3A_72 : vector<128x4096xf32>
    %and3A = arith.andi %gt3A, %gt3A_73 : vector<128x4096xi1>
    %jit3A = arith.constant 1.000000e+30 : f32
    %broadcast_in_dim3A = vector.broadcast %jit3A : f32 to vector<128x4096xf32>
    %select_n3A = arith.select %and3A, %max3A_69, %broadcast_in_dim3A : vector<128x4096xi1>, vector<128x4096xf32>
    %swap3A = arith.constant 0 : index
    %swap3A_74 = arith.constant 0 : index
    %swap3A_75 = vector.load %arg5[%swap3A, %swap3A_74] : memref<128x4096xf32, #tpu.memory_space<vmem>>, vector<128x4096xf32>
    tpu.vector_store %arg5[%swap3A, %swap3A_74], %select_n3A {strides = array<i32>} : memref<128x4096xf32, #tpu.memory_space<vmem>>, vector<128x4096xf32>,
    %swap3A_76 = arith.constant 0 : index
    %swap3A_77 = arith.constant 0 : index
    %swap3A_78 = vector.load %arg6[%swap3A_76, %swap3A_77] : memref<128x4096xf32, #tpu.memory_space<vmem>>, vector<128x4096xf32>
    tpu.vector_store %arg6[%swap3A_76, %swap3A_77], %min3A_70 {strides = array<i32>} : memref<128x4096xf32, #tpu.memory_space<vmem>>, vector<128x4096xf32>,
    return
  }
  func.func @transform_0(%arg0: i32) -> (i32, i32) {
    %c0_i32 = arith.constant 0 : i32
    %c0_i32_0 = arith.constant 0 : i32
    return %arg0, %c0_i32 : i32, i32
  }
  func.func @transform_1(%arg0: i32) -> (i32, i32) {
    %c0_i32 = arith.constant 0 : i32
    %c0_i32_0 = arith.constant 0 : i32
    return %arg0, %c0_i32 : i32, i32
  }
  func.func @transform_2(%arg0: i32) -> (i32, i32) {
    %c0_i32 = arith.constant 0 : i32
    %c0_i32_0 = arith.constant 0 : i32
    %c0_i32_1 = arith.constant 0 : i32
    return %c0_i32, %c0_i32_0 : i32, i32
  }
  func.func @transform_3(%arg0: i32) -> (i32, i32) {
    %c0_i32 = arith.constant 0 : i32
    %c0_i32_0 = arith.constant 0 : i32
    %c0_i32_1 = arith.constant 0 : i32
    return %c0_i32, %c0_i32_0 : i32, i32
  }
  func.func @transform_4(%arg0: i32) -> (i32, i32) {
    %c0_i32 = arith.constant 0 : i32
    %c0_i32_0 = arith.constant 0 : i32
    return %arg0, %c0_i32 : i32, i32
  }
  func.func @transform_5(%arg0: i32) -> (i32, i32) {
    %c0_i32 = arith.constant 0 : i32
    %c0_i32_0 = arith.constant 0 : i32
    return %arg0, %c0_i32 : i32, i32
  }
}

</mosaic_0001>

<sc_bundles>
// kernel: kernel.4.cloned.1.call-start
scs
__scs_entry_jumppad:
0x0: {  	(pc) =	sbr.rel $0x88, $3  }
0x1: {  	(tag) =	ssettag $0x0;
	lr =	simm.s32 $0x1  }
0x2: {  	[smem:$0x3F9B] =	sst lr;
	_ =	strace $0xD0000000  }
0x3: {  	_ = 	snop  }
0x4: {  	_ = 	snop  }
0x5: {  	_ = 	snop  }
0x6: {  	_ = 	snop  }
0x7: {  	_ = 	snop  }
__scs_overlays_trampoline_lowered:
0x8: {  	[smem:$0x3FAA] =	sst s0  }
0x9: {  	[smem:$0x3FAB] =	sst s1  }
0xa: {  	[smem:$0x3FAC] =	sst s2  }
0xb: {  	[smem:$0x3FAD] =	sst s3  }
0xc: {  	[smem:$0x3FAE] =	sst s4  }
0xd: {  	[smem:$0x3FAF] =	sst s5  }
0xe: {  	[smem:$0x3FB0] =	sst s6  }
0xf: {  	[smem:$0x3FB1] =	sst s7  }
0x10: {  	[smem:$0x3FB2] =	sst s8  }
0x11: {  	[smem:$0x3FB3] =	sst s9;
	s0 =	simm.s32 @!p0 $0x0  }
0x12: {  	s1 =	sld [smem:$0x3F99];
	s0 =	simm.s32 @p0 $0x1  }
0x13: {  	[smem:$0x3FB4] =	sst s0;
	s0 =	simm.s32 @!p1 $0x0  }
0x14: {  	s2 =	sld [smem:$0x3F98];
	s0 =	simm.s32 @p1 $0x1  }
0x15: {  	[smem:$0x3FB5] =	sst s0;
	s0 =	simm.s32 @!p2 $0x0  }
0x16: {  	s3 =	sld [smem:$0x3FDB];
	s0 =	simm.s32 @p2 $0x1  }
0x17: {  	s4 =	simm.s32 $0x1BF5;
	[smem:$0x3FB7] =	sst s0  }
0x18: {  	s0 =	sld [smem:$0x3F9A];
	_ =	swait.ge [sflag:s4], $0x0  }
0x19: {  	s7 =	sld [smem:$0x3F9B]  }
0x1a: {  	s8 =	sadd.s32 $0xFFFFE003, lr  }
0x1b: {  	s9 =	sadd.s32 $0xFFFFFEF7, lr;
	s5 =	simm.s32 $0xFFFFFFFF;
	p2 =	slt.u32 s8, $0xFFFFF086  }
0x1c: {  	p1 =	slt.u32 s9, $0xF7A;
	s5 =	simm.s32 @!p2 $0x0  }
0x1d: {  	s5 =	simm.s32 @p1 $0x1;
	p0 =	seq.s32 s7, s2  }
0x1e: {  	s7 =	smul.u32 @!p0 $0xF7A, s2;
	p2 =	seq.s32 @!p0 s5, $0x0  }
0x1f: {  	s9 =	smul.u32 $0xF7A, s1;
	s8 =	simm.s32 @!p0 $0x1BF5;
	p2 =	por !p2, p0  }
0x20: {  	[sflag:s8] =	ssyncset.s32 @!p0 $0xFFFFF086;
	s6 =	sadd.s32 @!p0 s3, s7;
	s7 =	simm.s32 @!p0 $0x108  }
0x21: {  	s3 =	sadd.s32 s3, s9;
	s6 =	sadd.s32 @!p0 $0x88, s6;
	s7 =	simm.s32 @p2 $0x1082  }
0x22: {  	[simem:s7], [sflag:s8] =	dma.local @!p0 [hbm:s6], $0xF7A  }
0x23: {  	s9 =	sor.u32 $0xD0000000, s2;
	s6 =	simm.s32 $0x108;
	_ =	swait.ge @!p0 [sflag:s8], $0x0  }
0x24: {  	s3 =	sadd.s32 $0x88, s3;
	s6 =	simm.s32 @!p1 $0x1082;
	[sflag:s4] =	ssyncset.s32 $0xFFFFF086  }
0x25: {  	[simem:s6], [sflag:s4] =	dma.local [hbm:s3], $0xF7A  }
0x26: {  	[smem:$0x3F9B] =	sst s1;
	(tag) =	ssettag s2;
	_ =	strace s9  }
0x27: {  	s1 =	sld [smem:$0x3FAB]  }
0x28: {  	s2 =	sld [smem:$0x3FAC]  }
0x29: {  	s4 =	sld [smem:$0x3FAE]  }
0x2a: {  	p0 =	seq.s32 s5, $0x0;
	s5 =	sld [smem:$0x3FAF]  }
0x2b: {  	s6 =	sld [smem:$0x3FB0]  }
0x2c: {  	s7 =	sld [smem:$0x3FB1]  }
0x2d: {  	s3 =	simm.s32 $0x108;
	s8 =	sld [smem:$0x3FB2]  }
0x2e: {  	s3 =	simm.s32 @!p0 $0x1082;
	s9 =	sld [smem:$0x3FB3]  }
0x2f: {  	lr =	sadd.s32 s0, s3;
	s0 =	sld [smem:$0x3FAA]  }
0x30: {  	s3 =	sld [smem:$0x3FAD]  }
0x31: {  	[smem:$0x3FB6] =	sst s10  }
0x32: {  	s10 =	sld [smem:$0x3FB4];
	_ =	sdelay $0x3  }
0x33: {  	p0 =	seq.s32 s10, $0x1;
	s10 =	sld [smem:$0x3FB6];
	_ =	sdelay $0x3  }
0x34: {  	[smem:$0x3FB6] =	sst s10  }
0x35: {  	s10 =	sld [smem:$0x3FB5];
	_ =	sdelay $0x3  }
0x36: {  	p1 =	seq.s32 s10, $0x1;
	s10 =	sld [smem:$0x3FB6];
	_ =	sdelay $0x3  }
0x37: {  	[smem:$0x3FB6] =	sst s10  }
0x38: {  	s10 =	sld [smem:$0x3FB7]  }
0x39: {  	_ = 	snop;
	(pc) =	sbr.ind lr, $3  }
0x3a: {  	_ = 	snop  }
0x3b: {  	_ = 	snop  }
0x3c: {  	p2 =	seq.s32 s10, $0x1;
	s10 =	sld [smem:$0x3FB6]  }
0x3d: {  	_ =	shalt  }
0x3e: {  	_ =	shalt  }
0x3f: {  	_ =	shalt  }
0x40: {  	_ =	shalt  }
0x41: {  	_ =	shalt  }
0x42: {  	_ =	shalt  }
0x43: {  	_ =	shalt  }
0x44: {  	_ =	shalt  }
0x45: {  	_ =	shalt  }
0x46: {  	_ =	shalt  }
0x47: {  	_ =	shalt  }
0x48: {  	_ =	shalt  }
0x49: {  	_ =	shalt  }
0x4a: {  	_ =	shalt  }
0x4b: {  	_ =	shalt  }
0x4c: {  	_ =	shalt  }
0x4d: {  	_ =	shalt  }
0x4e: {  	_ =	shalt  }
0x4f: {  	_ =	shalt  }
0x50: {  	_ =	shalt  }
0x51: {  	_ =	shalt  }
0x52: {  	_ =	shalt  }
0x53: {  	_ =	shalt  }
0x54: {  	_ =	shalt  }
0x55: {  	_ =	shalt  }
0x56: {  	_ =	shalt  }
0x57: {  	_ =	shalt  }
0x58: {  	_ =	shalt  }
0x59: {  	_ =	shalt  }
0x5a: {  	_ =	shalt  }
0x5b: {  	_ =	shalt  }
0x5c: {  	_ =	shalt  }
0x5d: {  	_ =	shalt  }
0x5e: {  	_ =	shalt  }
0x5f: {  	_ =	shalt  }
0x60: {  	_ =	shalt  }
0x61: {  	_ =	shalt  }
0x62: {  	_ =	shalt  }
0x63: {  	_ =	shalt  }
0x64: {  	_ =	shalt  }
0x65: {  	_ =	shalt  }
0x66: {  	_ =	shalt  }
0x67: {  	_ =	shalt  }
0x68: {  	_ =	shalt  }
0x69: {  	_ =	shalt  }
0x6a: {  	_ =	shalt  }
0x6b: {  	_ =	shalt  }
0x6c: {  	_ =	shalt  }
0x6d: {  	_ =	shalt  }
0x6e: {  	_ =	shalt  }
0x6f: {  	_ =	shalt  }
0x70: {  	_ =	shalt  }
0x71: {  	_ =	shalt  }
0x72: {  	_ =	shalt  }
0x73: {  	_ =	shalt  }
0x74: {  	_ =	shalt  }
0x75: {  	_ =	shalt  }
0x76: {  	_ =	shalt  }
0x77: {  	_ =	shalt  }
0x78: {  	_ =	shalt  }
0x79: {  	_ =	shalt  }
0x7a: {  	_ =	shalt  }
0x7b: {  	_ =	shalt  }
0x7c: {  	_ =	shalt  }
0x7d: {  	_ =	shalt  }
0x7e: {  	_ =	shalt  }
0x7f: {  	_ =	shalt  }
0x80: {  	_ =	shalt  }
0x81: {  	_ =	shalt  }
0x82: {  	_ =	shalt  }
0x83: {  	_ =	shalt  }
0x84: {  	_ =	shalt  }
0x85: {  	_ =	shalt  }
0x86: {  	_ =	shalt  }
0x87: {  	_ =	shalt  }
.Lfunc_end0:
.L_simem_size_0:
called_computation_lowered:
.L_overlay_start_0:
0x88: {  	s2 =	sld [smem:$0x3FD9]  }
0x89: {  	s3 =	sld [smem:$0x3FFE];
	_ =	sdelay $0x1  }
0x8a: {  	s1 =	srdreg.scid  }
0x8b: {  	s0 =	sand.u32 $0x1, s1  }
0x8c: {  	s14 =	sshll.u32 s0, $0xA;
	s2 =	sadd.s32 s3, s2  }
0x8d: {  	s2 =	sadd.s32 s2, s14  }
0x8e: {  	[smem:$0x3FC2] =	sst s2  }
0x8f: {  	_ = 	snop  }
0x90: {  	s2 =	sld [smem:$0x3FD0];
	_ =	sdelay $0x2  }
0x91: {  	s4 =	simm.s32 $0xA;
	s5 =	simm.s32 $0x10;
	s15 =	sld [smem:$0x3FC7]  }
0x92: {  	[smem:s5], [sflag:s4] =	dma.local [hbm:s2], $0x1  }
0x93: {  	_ =	swait.eq [sflag:s4], $0x1  }
0x94: {  	s16 =	sld [smem:$0x10];
	[sflag:s4] =	ssyncset.done $0x0  }
0x95: {  	s17 =	sld [smem:$0x11];
	[sflag:s4] =	ssyncadd.s32 $0xFFFFFFFF  }
0x96: {  	s18 =	sld [smem:$0x12];
	(tm) =	ssettm $0x1  }
0x97: {  	s6 =	sld [smem:$0x3FFB];
	_ =	sdelay $0x3  }
0x98: {  	_ =	strace s6  }
0x99: {  	s6 =	sld [smem:$0x3FFC];
	_ =	sdelay $0x3  }
0x9a: {  	_ =	strace s6  }
0x9b: {  	s6 =	sld [smem:$0x3FFD];
	_ =	sdelay $0x3  }
0x9c: {  	_ =	strace s6  }
0x9d: {  	_ =	strace $0x8FFFFFFF  }
0x9e: {  	s19 =	sld [smem:$0x3FDB];
	_ =	sdelay $0x1  }
0x9f: {  	s7 =	simm.s32 $_scs_section_size  }
0xa0: {  	s8 =	simm.s32 $_size__tile_overlayer_lowered;
	s9 =	simm.s32 $_tile_overlayer_lowered  }
0xa1: {  	s22 =	simm.s32 $0x1BFF;
	s21 =	sshll.u32 s9, $0x1;
	s6 =	sadd.s32 s7, s19  }
0xa2: {  	s10 =	simm.s32 $0x0;
	s20 =	sshll.u32 s8, $0x1;
	s8 =	sadd.s32 s21, s6  }
0xa3: {  	[timem:s10], [sflag:s22] =	dma.local [hbm:s8], s20  }
0xa4: {  	_ =	swait.ge [sflag:s22], s20  }
0xa5: {  	s7 =	ssub.s32 $0x0, s20;
	[sflag:s22] =	ssyncset.done $0x0  }
0xa6: {  	[sflag:s22] =	ssyncadd.s32 s7;
	_ =	sdelay $0x1  }
0xa7: {  	s23 =	simm.s32 $0x1B8B  }
0xa8: {  	_ =	swait.ge [sflag:s23], $0x1  }
0xa9: {  	[sflag:s23] =	ssyncset.done $0x0  }
0xaa: {  	s25 =	simm.s32 $0x1B8E;
	s24 =	sld [smem:$0x3FFE];
	[sflag:s23] =	ssyncadd.s32 $0xFFFFFFFF  }
0xab: {  	s26 =	simm.s32 $execute0_lowered;
	[smem:$0x3FD2] =	sst s25  }
0xac: {  	s8 =	sshll.u32 s26, $0x1;
	_ =	strace $0x80000046;
	[dreg:$0x1] =	wrdreg $0xFFFFFFFF  }
0xad: {  	s28 =	simm.s32 $_size_execute0_lowered;
	s6 =	sadd.s32 s6, s8;
	[dreg:$0x0] =	wrdreg $0x0  }
0xae: {  	s8 =	sshll.u32 s28, $0x1;
	[dreg:$0x2] =	wrdreg s6  }
0xaf: {  	[dreg:$0x3] =	wrdreg s8  }
0xb0: {  	[dreg:$0x4] =	wrdreg $0xC0  }
0xb1: {  	_ =	task [dreg:s10], $0x5FFFF  }
0xb2: {  	[dreg:$0x1] =	wrdreg $0xFFFFFFFF  }
0xb3: {  	[dreg:$0x0] =	wrdreg $0x60  }
0xb4: {  	[dreg:$0x2] =	wrdreg s24  }
0xb5: {  	[dreg:$0x3] =	wrdreg s15  }
0xb6: {  	[dreg:$0x4] =	wrdreg s16  }
0xb7: {  	[dreg:$0x5] =	wrdreg s17  }
0xb8: {  	[dreg:$0x6] =	wrdreg s18  }
0xb9: {  	[dreg:$0x7] =	wrdreg $0x9  }
0xba: {  	_ =	task.clear_ibuf [dreg:s10], $0x8FFFF;
	_ =	strace $0x90000046  }
0xbb: {  	s29 =	simm.s32 $0x9;
	_ =	strace $0x80000048  }
0xbc: {  	_ =	swait.ge [sflag:s29], $0x1  }
0xbd: {  	[sflag:s29] =	ssyncadd.s32 $0xFFFFFFFF  }
0xbe: {  	_ =	strace $0x90000048  }
0xbf: {  	_ =	sfence  }
0xc0: {  	s30 =	sld [smem:$0x0];
	_ =	sdelay $0x2  }
0xc1: {  	s31 =	sshll.u32 s1, $0xD;
	s1 =	sshrl.u32 s1, $0x2  }
0xc2: {  	s3 =	sand.u32 $0x4000, s31;
	s1 =	sadd.s32 s1, s30  }
0xc3: {  	s0 =	sor.u32 s3, s0;
	s1 =	sshll.u32 s1, $0x11  }
0xc4: {  	s0 =	sor.u32 s1, s0  }
0xc5: {  	s0 =	sadd.s32 $0x8F2B, s0  }
0xc6: {  	[sflag:s0] =	ssyncadd.remote.s32 $0x1  }
0xc7: {  	_ =	sfence.sel $0xFFFF  }
0xc8: {  	[dreg:$0x0] =	wrdreg $0xFFFFFFFF;
	(pc) =	sbr.abs _section_cstart, $3  }
0xc9: {  	[dreg:$0x1] =	wrdreg $0xFFFFFFFF  }
0xca: {  	_ =	task.clear_ibuf [dreg:s10], $0x2FFFF;
	_ =	strace $0x9FFFFFFF  }
0xcb: {  	(tm) =	ssettm $0x7FFFFFFF  }
tec
execute0_lowered:
.L_overlay_start_1:
0x0: {  	(tag) =	ssettag $0x1  }
0x1: {  	s0 =	rddreg [dreg:$0x0]  }
0x2: {  	s1 =	rddreg [dreg:$0x2]  }
0x3: {  	s3 =	rddreg [dreg:$0x3]  }
0x4: {  	s11 =	rddreg [dreg:$0x4];
	s2 =	simm.s32 $0x0  }
0x5: {  	s6 =	srdreg.scid;
	s8 =	stileid.u32;
	s14 =	simm.s32 $0x1  }
0x6: {  	s15 =	simm.s32 $0x31B0;
	s16 =	simm.s32 $0x3000;
	s17 =	simm.s32 $0x3010  }
0x7: {  	s18 =	simm.s32 $0x3130;
	s19 =	simm.s32 $0x30D0;
	s20 =	simm.s32 $0x1E1B0  }
0x8: {  	s21 =	simm.s32 $0x1E3B0;
	s22 =	simm.s32 $0x1E5B0;
	s23 =	simm.s32 $0x1E7B0  }
0x9: {  	s24 =	simm.s32 $0x1E9B0;
	s25 =	simm.s32 $0x1EBB0;
	s26 =	simm.s32 $0x1EDB0  }
0xa: {  	s30 =	simm.s32 $0x0;
	[smem:$0x7FF] =	sst s2;
	s4 =	sadd.s32 $0x81000, s0  }
0xb: {  	s5 =	sadd.s32 $0x101000, s0;
	s7 =	sand.u32 $0x1, s6;
	s29 =	sadd.s32 $0x1000, s0  }
0xc: {  	s8 =	sshll.u32 s8, $0x1;
	_ =	strace $0x80000047;
	[dreg:$0x6] =	wrdreg s29  }
.Ltmp0:
0xd: {  	s9 =	ssub.s32 $0x2, s7;
	s10 =	sor.u32 s7, s8;
	(pc) =	sbr.rel .LBB2_1-.Ltmp0, $4  }
0xe: {  	v0 =	vimm.f32 $1.000000020e+30;
	v1 =	vimm.f32 $0.0e+00;
	s7 =	sadd.s32 $0x4600, s0;
	s31 =	sshrl.u32 s9, $0x1;
	s12 =	smul.u32 $0xC, s10  }
0xf: {  	v2 =	vimm.s32 $0x0;
	v3 =	vimm.s32 $0x1;
	v4 =	vimm.s32 $0x2;
	s8 =	sshll.u32 s10, $0x5;
	s13 =	sshll.u32 s10, $0x2;
	s0 =	ssub.s32 s9, s31  }
0x10: {  	v5 =	vimm.s32 $0x3;
	v6 =	vimm.s32 $0x4;
	v7 =	vimm.s32 $0x5;
	s10 =	sadd.s32 s3, s13;
	s11 =	sadd.s32 s11, s13;
	s1 =	sadd.s32 s1, s12  }
0x11: {  	v8 =	vimm.s32 $0x6;
	v9 =	vimm.s32 $0x7;
	v10 =	vimm.s32 $0x8;
	s13 =	simm.s32 $0x2000;
	s12 =	smax.u32 s0, $0x1;
	[dreg:$0x7] =	wrdreg s1  }
.LBB2_14:
0x12: {  	v3 =	vlaneseq.u32  }
0x13: {  	v12 =	vmul.u32 $0x10, v3;
	_ =	sdelay $0x4  }
0x14: {  	v36 =	vor.u32 $0x1, v12  }
0x15: {  	v37 =	vor.u32 $0x2, v12;
	v26 =	vld.idx.msk [tilespmem:v12+s20+$0x0], $0xffff  }
0x16: {  	v38 =	vor.u32 $0x3, v12;
	v51 =	vld.idx.msk [tilespmem:v12+s21+$0x0], $0xffff  }
0x17: {  	v33 =	vor.u32 $0x4, v12;
	v60 =	vld.idx.msk [tilespmem:v12+s22+$0x0], $0xffff  }
0x18: {  	v30 =	vor.u32 $0x5, v12;
	v10 =	vld.idx.msk [tilespmem:v12+s23+$0x0], $0xffff  }
0x19: {  	v29 =	vor.u32 $0x6, v12;
	v28 =	vld.idx.msk [tilespmem:v36+s20+$0x0], $0xffff  }
0x1a: {  	v25 =	vor.u32 $0x7, v12;
	v32 =	vld.idx.msk [tilespmem:v37+s20+$0x0], $0xffff  }
0x1b: {  	v23 =	vor.u32 $0x8, v12;
	v35 =	vld.idx.msk [tilespmem:v38+s20+$0x0], $0xffff  }
0x1c: {  	v22 =	vor.u32 $0x9, v12;
	v39 =	vld.idx.msk [tilespmem:v33+s20+$0x0], $0xffff  }
0x1d: {  	v20 =	vor.u32 $0xA, v12;
	v40 =	vld.idx.msk [tilespmem:v30+s20+$0x0], $0xffff  }
0x1e: {  	v18 =	vor.u32 $0xB, v12;
	v41 =	vld.idx.msk [tilespmem:v29+s20+$0x0], $0xffff  }
0x1f: {  	v16 =	vor.u32 $0xC, v12;
	v42 =	vld.idx.msk [tilespmem:v25+s20+$0x0], $0xffff  }
0x20: {  	v13 =	vor.u32 $0xD, v12;
	v43 =	vld.idx.msk [tilespmem:v23+s20+$0x0], $0xffff  }
0x21: {  	v15 =	vor.u32 $0xE, v12;
	v44 =	vld.idx.msk [tilespmem:v22+s20+$0x0], $0xffff  }
0x22: {  	v14 =	vor.u32 $0xF, v12;
	v45 =	vld.idx.msk [tilespmem:v20+s20+$0x0], $0xffff  }
0x23: {  	v46 =	vld.idx.msk [tilespmem:v18+s20+$0x0], $0xffff  }
0x24: {  	v47 =	vld.idx.msk [tilespmem:v16+s20+$0x0], $0xffff  }
0x25: {  	v48 =	vld.idx.msk [tilespmem:v13+s20+$0x0], $0xffff  }
0x26: {  	v49 =	vld.idx.msk [tilespmem:v15+s20+$0x0], $0xffff  }
0x27: {  	v50 =	vld.idx.msk [tilespmem:v14+s20+$0x0], $0xffff  }
0x28: {  	v52 =	vld.idx.msk [tilespmem:v36+s21+$0x0], $0xffff  }
0x29: {  	v53 =	vld.idx.msk [tilespmem:v37+s21+$0x0], $0xffff  }
0x2a: {  	v54 =	vld.idx.msk [tilespmem:v38+s21+$0x0], $0xffff  }
0x2b: {  	v55 =	vld.idx.msk [tilespmem:v33+s21+$0x0], $0xffff  }
0x2c: {  	v56 =	vld.idx.msk [tilespmem:v30+s21+$0x0], $0xffff  }
0x2d: {  	v57 =	vld.idx.msk [tilespmem:v29+s21+$0x0], $0xffff  }
0x2e: {  	v58 =	vld.idx.msk [tilespmem:v25+s21+$0x0], $0xffff  }
0x2f: {  	v59 =	vld.idx.msk [tilespmem:v23+s21+$0x0], $0xffff  }
0x30: {  	v34 =	vld.idx.msk [tilespmem:v22+s21+$0x0], $0xffff  }
0x31: {  	v31 =	vld.idx.msk [tilespmem:v20+s21+$0x0], $0xffff  }
0x32: {  	v27 =	vld.idx.msk [tilespmem:v18+s21+$0x0], $0xffff  }
0x33: {  	v24 =	vld.idx.msk [tilespmem:v16+s21+$0x0], $0xffff  }
0x34: {  	v21 =	vld.idx.msk [tilespmem:v13+s21+$0x0], $0xffff  }
0x35: {  	v3 =	vld.idx.msk [tilespmem:v15+s21+$0x0], $0xffff  }
0x36: {  	v61 =	vld.idx.msk [tilespmem:v36+s22+$0x0], $0xffff  }
0x37: {  	v62 =	vld.idx.msk [tilespmem:v37+s22+$0x0], $0xffff  }
0x38: {  	v63 =	vld.idx.msk [tilespmem:v38+s22+$0x0], $0xffff  }
0x39: {  	v11 =	vld.idx.msk [tilespmem:v33+s22+$0x0], $0xffff  }
0x3a: {  	v5 =	vld.idx.msk [tilespmem:v30+s22+$0x0], $0xffff;
	v26 =	vadd.f32 $0.0e+00, v26  }
0x3b: {  	v6 =	vld.idx.msk [tilespmem:v29+s22+$0x0], $0xffff  }
0x3c: {  	v7 =	vld.idx.msk [tilespmem:v25+s22+$0x0], $0xffff;
	v26 =	vadd.f32 v28, v26  }
0x3d: {  	v8 =	vld.idx.msk [tilespmem:v23+s22+$0x0], $0xffff  }
0x3e: {  	v9 =	vld.idx.msk [tilespmem:v22+s22+$0x0], $0xffff;
	v26 =	vadd.f32 v32, v26  }
0x3f: {  	v17 =	vld.idx.msk [tilespmem:v20+s22+$0x0], $0xffff  }
0x40: {  	[tilespmem:$0x1FFC0] =	vst v3;
	v3 =	vld.idx.msk [tilespmem:v14+s21+$0x0], $0xffff;
	v26 =	vadd.f32 v35, v26  }
0x41: {  	v19 =	vld.idx.msk [tilespmem:v18+s22+$0x0], $0xffff  }
0x42: {  	v4 =	vld.idx.msk [tilespmem:v37+s23+$0x0], $0xffff;
	v26 =	vadd.f32 v39, v26  }
0x43: {  	v28 =	vld.idx.msk [tilespmem:v15+s22+$0x0], $0xffff  }
0x44: {  	v39 =	vadd.f32 v40, v26;
	v40 =	vld.idx.msk [tilespmem:v12+s25+$0x0], $0xffff  }
0x45: {  	[tilespmem:$0x1FFD0] =	vst v3;
	v3 =	vld.idx.msk [tilespmem:v36+s23+$0x0], $0xffff  }
0x46: {  	v39 =	vadd.f32 v41, v39;
	v41 =	vld.idx.msk [tilespmem:v36+s25+$0x0], $0xffff  }
0x47: {  	v32 =	vld.idx.msk [tilespmem:v13+s22+$0x0], $0xffff  }
0x48: {  	v39 =	vadd.f32 v42, v39;
	v42 =	vld.idx.msk [tilespmem:v37+s25+$0x0], $0xffff  }
0x49: {  	v10 =	vadd.f32 $0.0e+00, v10;
	v35 =	vld.idx.msk [tilespmem:v16+s22+$0x0], $0xffff;
	v40 =	vadd.f32 $0.0e+00, v40  }
0x4a: {  	v39 =	vadd.f32 v43, v39;
	v43 =	vadd.f32 $0.0e+00, v51;
	v51 =	vld.idx.msk [tilespmem:v38+s25+$0x0], $0xffff  }
0x4b: {  	v3 =	vadd.f32 v3, v10;
	v10 =	vld.idx.msk [tilespmem:v37+s24+$0x0], $0xffff;
	v40 =	vadd.f32 v41, v40  }
0x4c: {  	v39 =	vadd.f32 v44, v39;
	v52 =	vadd.f32 v52, v43;
	v43 =	vld.idx.msk [tilespmem:v33+s25+$0x0], $0xffff  }
0x4d: {  	v36 =	vld.idx.msk [tilespmem:v36+s24+$0x0], $0xffff;
	v40 =	vadd.f32 v42, v40  }
0x4e: {  	v3 =	vadd.f32 v4, v3;
	v42 =	vld.idx.msk [tilespmem:v30+s25+$0x0], $0xffff;
	v39 =	vadd.f32 v45, v39  }
0x4f: {  	v4 =	vld.idx.msk [tilespmem:v38+s24+$0x0], $0xffff;
	v41 =	vadd.f32 v53, v52;
	v40 =	vadd.f32 v51, v40  }
0x50: {  	v39 =	vadd.f32 v46, v39;
	v46 =	vld.idx.msk [tilespmem:v29+s25+$0x0], $0xffff  }
0x51: {  	v44 =	vld.idx.msk [tilespmem:v38+s23+$0x0], $0xffff;
	v41 =	vadd.f32 v54, v41;
	v40 =	vadd.f32 v43, v40  }
0x52: {  	v54 =	vld.idx.msk [tilespmem:v25+s25+$0x0], $0xffff  }
0x53: {  	v45 =	vld.idx.msk [tilespmem:v33+s23+$0x0], $0xffff;
	v41 =	vadd.f32 v55, v41;
	v40 =	vadd.f32 v42, v40  }
0x54: {  	v55 =	vld.idx.msk [tilespmem:v23+s25+$0x0], $0xffff  }
0x55: {  	v52 =	vld.idx.msk [tilespmem:v20+s25+$0x0], $0xffff;
	v41 =	vadd.f32 v56, v41;
	v40 =	vadd.f32 v46, v40  }
0x56: {  	v56 =	vld.idx.msk [tilespmem:v22+s25+$0x0], $0xffff  }
0x57: {  	v41 =	vadd.f32 v57, v41;
	v57 =	vld.idx.msk [tilespmem:v12+s24+$0x0], $0xffff;
	v40 =	vadd.f32 v54, v40  }
0x58: {  	v53 =	vadd.f32 $0.0e+00, v60;
	v60 =	vld.idx.msk [tilespmem:v13+s25+$0x0], $0xffff  }
0x59: {  	v33 =	vld.idx.msk [tilespmem:v33+s24+$0x0], $0xffff;
	v3 =	vadd.f32 v44, v3;
	v40 =	vadd.f32 v55, v40  }
0x5a: {  	v39 =	vadd.f32 v47, v39;
	v54 =	vld.idx.msk [tilespmem:v18+s25+$0x0], $0xffff;
	v41 =	vadd.f32 v58, v41  }
0x5b: {  	v51 =	vld.idx.msk [tilespmem:v30+s23+$0x0], $0xffff;
	v55 =	vadd.f32 v56, v40;
	v56 =	vadd.f32 v61, v53  }
0x5c: {  	v58 =	vld.idx.msk [tilespmem:v16+s25+$0x0], $0xffff;
	v41 =	vadd.f32 v59, v41;
	v57 =	vadd.f32 $0.0e+00, v57  }
0x5d: {  	v30 =	vld.idx.msk [tilespmem:v30+s24+$0x0], $0xffff;
	v37 =	vadd.f32 v52, v55;
	v59 =	vadd.f32 v62, v56  }
0x5e: {  	v47 =	vld.idx.msk [tilespmem:v29+s23+$0x0], $0xffff;
	v3 =	vadd.f32 v45, v3;
	v36 =	vadd.f32 v36, v57  }
0x5f: {  	v29 =	vld.idx.msk [tilespmem:v29+s24+$0x0], $0xffff;
	v37 =	vadd.f32 v54, v37;
	v38 =	vadd.f32 v63, v59  }
0x60: {  	v39 =	vadd.f32 v48, v39;
	v61 =	vld.idx.msk [tilespmem:v15+s25+$0x0], $0xffff;
	v10 =	vadd.f32 v10, v36  }
0x61: {  	v48 =	vld.idx.msk [tilespmem:v25+s23+$0x0], $0xffff;
	v37 =	vadd.f32 v58, v37;
	v11 =	vadd.f32 v11, v38  }
0x62: {  	v3 =	vadd.f32 v51, v3;
	v4 =	vadd.f32 v4, v10;
	v10 =	vld.idx.msk [tilespmem:v14+s25+$0x0], $0xffff  }
0x63: {  	v37 =	vadd.f32 v60, v37;
	v5 =	vadd.f32 v5, v11;
	v11 =	vld.idx.msk [tilespmem:v23+s23+$0x0], $0xffff  }
0x64: {  	v26 =	vld.idx.msk [tilespmem:v14+s22+$0x0], $0xffff;
	v3 =	vadd.f32 v47, v3;
	v4 =	vadd.f32 v33, v4  }
0x65: {  	v62 =	vadd.f32 v61, v37;
	v5 =	vadd.f32 v6, v5;
	v6 =	vld.idx.msk [tilespmem:v22+s23+$0x0], $0xffff  }
0x66: {  	v25 =	vld.idx.msk [tilespmem:v25+s24+$0x0], $0xffff;
	v3 =	vadd.f32 v48, v3;
	v4 =	vadd.f32 v30, v4  }
0x67: {  	v10 =	vadd.f32 v10, v62;
	v5 =	vadd.f32 v7, v5;
	v7 =	vld.idx.msk [tilespmem:v20+s23+$0x0], $0xffff  }
0x68: {  	v23 =	vld.idx.msk [tilespmem:v23+s24+$0x0], $0xffff;
	v4 =	vadd.f32 v29, v4;
	v3 =	vadd.f32 v11, v3  }
0x69: {  	v10 =	vsub.f32 $0.0e+00, v10;
	v5 =	vadd.f32 v8, v5;
	v8 =	vld.idx.msk [tilespmem:v18+s23+$0x0], $0xffff  }
0x6a: {  	v11 =	vld.idx.msk [tilespmem:v22+s24+$0x0], $0xffff;
	v3 =	vadd.f32 v6, v3  }
0x6b: {  	v4 =	vadd.f32 v25, v4;
	v10 =	vmul.f32 $1.442695020e+00, v10;
	v5 =	vadd.f32 v9, v5;
	v9 =	vld.idx.msk [tilespmem:v16+s23+$0x0], $0xffff  }
0x6c: {  	v6 =	vld.idx.msk [tilespmem:v20+s24+$0x0], $0xffff;
	v3 =	vadd.f32 v7, v3  }
0x6d: {  	v63 =	vadd.f32 v34, v41;
	v4 =	vadd.f32 v23, v4;
	(erf) = vpow2.f32 v10;
	v10 =	vld.idx.msk [tilespmem:v13+s23+$0x0], $0xffff  }
0x6e: {  	v39 =	vadd.f32 v49, v39;
	v7 =	vld.idx.msk [tilespmem:v18+s24+$0x0], $0xffff;
	v3 =	vadd.f32 v8, v3  }
0x6f: {  	v29 =	vld.idx.msk [tilespmem:v15+s23+$0x0], $0xffff;
	v25 =	vadd.f32 v31, v63;
	v4 =	vadd.f32 v11, v4  }
0x70: {  	v31 =	vld [tilespmem:$0x1FFD0];
	v5 =	vadd.f32 v17, v5;
	v3 =	vadd.f32 v9, v3  }
0x71: {  	v11 =	vadd.f32 v27, v25;
	v8 =	vld.idx.msk [tilespmem:v16+s24+$0x0], $0xffff;
	v4 =	vadd.f32 v6, v4  }
0x72: {  	v5 =	vadd.f32 v19, v5;
	v3 =	vadd.f32 v10, v3;
	v10 =	vld [tilespmem:$0x1FFC0]  }
0x73: {  	v6 =	vadd.f32 v24, v11;
	v9 =	vld.idx.msk [tilespmem:v13+s24+$0x0], $0xffff;
	v4 =	vadd.f32 v7, v4;
	v7 =	vlaneseq.u32  }
0x74: {  	v11 =	vld.idx.msk [tilespmem:v14+s23+$0x0], $0xffff;
	v5 =	vadd.f32 v35, v5;
	v13 =	vmul.u32 $0x3, v7  }
0x75: {  	v39 =	vadd.f32 v50, v39;
	v6 =	vadd.f32 v21, v6;
	v7 =	vld.idx.msk [tilespmem:v15+s24+$0x0], $0xffff  }
0x76: {  	v5 =	vadd.f32 v32, v5;
	v4 =	vadd.f32 v8, v4;
	v8 =	vadd.s32 $0x1, v13  }
0x77: {  	v3 =	vadd.f32 v29, v3;
	v30 =	vadd.s32 $0x2, v13;
	v6 =	vadd.f32 v10, v6;
	v10 =	vld.idx.msk [tilespmem:v14+s24+$0x0], $0xffff  }
0x78: {  	v5 =	vadd.f32 v28, v5;
	v4 =	vadd.f32 v9, v4;
	v9 =	vpop (erf)  }
0x79: {  	v3 =	vadd.f32 v11, v3;
	v9 =	vmul.f32 $1.000000000e+02, v9;
	v6 =	vadd.f32 v31, v6  }
0x7a: {  	v5 =	vadd.f32 v26, v5;
	v4 =	vadd.f32 v7, v4;
	v7 =	vor.u32 $0x100, v12;
	[tilespmem:v13+s26+$0x0] =	vst.idx.msk $0xffff, v39  }
0x7b: {  	v33 =	vor.u32 $0x104, v12;
	v3 =	vadd.f32 v9, v3;
	[tilespmem:v8+s26+$0x0] =	vst.idx.msk $0xffff, v6  }
0x7c: {  	v28 =	vor.u32 $0x106, v12;
	v4 =	vadd.f32 v10, v4;
	[tilespmem:v30+s26+$0x0] =	vst.idx.msk $0xffff, v5  }
0x7d: {  	v25 =	vor.u32 $0x107, v12;
	[tilespmem:$0x1EE10] =	vst v3  }
0x7e: {  	v23 =	vor.u32 $0x108, v12;
	[tilespmem:$0x1EE30] =	vst v4  }
0x7f: {  	v21 =	vor.u32 $0x109, v12;
	v4 =	vld.idx.msk [tilespmem:v7+s20+$0x0], $0xffff  }
0x80: {  	v20 =	vor.u32 $0x10A, v12;
	v11 =	vld.idx.msk [tilespmem:v33+s20+$0x0], $0xffff  }
0x81: {  	v18 =	vor.u32 $0x10B, v12;
	v36 =	vld.idx.msk [tilespmem:v28+s20+$0x0], $0xffff  }
0x82: {  	v16 =	vor.u32 $0x10C, v12;
	v37 =	vld.idx.msk [tilespmem:v25+s20+$0x0], $0xffff  }
0x83: {  	v15 =	vor.u32 $0x10D, v12;
	v38 =	vld.idx.msk [tilespmem:v23+s20+$0x0], $0xffff  }
0x84: {  	v14 =	vor.u32 $0x10E, v12;
	v39 =	vld.idx.msk [tilespmem:v21+s20+$0x0], $0xffff  }
0x85: {  	v40 =	vld.idx.msk [tilespmem:v20+s20+$0x0], $0xffff  }
0x86: {  	v41 =	vld.idx.msk [tilespmem:v18+s20+$0x0], $0xffff  }
0x87: {  	v42 =	vld.idx.msk [tilespmem:v16+s20+$0x0], $0xffff  }
0x88: {  	v43 =	vld.idx.msk [tilespmem:v15+s20+$0x0], $0xffff  }
0x89: {  	v44 =	vld.idx.msk [tilespmem:v14+s20+$0x0], $0xffff  }
0x8a: {  	v46 =	vld.idx.msk [tilespmem:v7+s21+$0x0], $0xffff  }
0x8b: {  	v50 =	vld.idx.msk [tilespmem:v33+s21+$0x0], $0xffff  }
0x8c: {  	v52 =	vld.idx.msk [tilespmem:v28+s21+$0x0], $0xffff  }
0x8d: {  	v53 =	vld.idx.msk [tilespmem:v25+s21+$0x0], $0xffff  }
0x8e: {  	v54 =	vld.idx.msk [tilespmem:v23+s21+$0x0], $0xffff  }
0x8f: {  	v34 =	vld.idx.msk [tilespmem:v21+s21+$0x0], $0xffff  }
0x90: {  	v31 =	vld.idx.msk [tilespmem:v20+s21+$0x0], $0xffff  }
0x91: {  	v27 =	vld.idx.msk [tilespmem:v18+s21+$0x0], $0xffff  }
0x92: {  	v24 =	vld.idx.msk [tilespmem:v16+s21+$0x0], $0xffff  }
0x93: {  	v22 =	vld.idx.msk [tilespmem:v15+s21+$0x0], $0xffff  }
0x94: {  	v32 =	vld.idx.msk [tilespmem:v14+s21+$0x0], $0xffff  }
0x95: {  	v55 =	vld.idx.msk [tilespmem:v7+s22+$0x0], $0xffff  }
0x96: {  	v59 =	vld.idx.msk [tilespmem:v33+s22+$0x0], $0xffff  }
0x97: {  	v61 =	vld.idx.msk [tilespmem:v28+s22+$0x0], $0xffff  }
0x98: {  	v6 =	vor.u32 $0x101, v12;
	v17 =	vld.idx.msk [tilespmem:v25+s22+$0x0], $0xffff  }
0x99: {  	v62 =	vld.idx.msk [tilespmem:v23+s22+$0x0], $0xffff  }
0x9a: {  	v19 =	vld.idx.msk [tilespmem:v21+s22+$0x0], $0xffff  }
0x9b: {  	v5 =	vor.u32 $0x102, v12;
	v63 =	vld.idx.msk [tilespmem:v20+s22+$0x0], $0xffff  }
0x9c: {  	v30 =	vor.u32 $0x105, v12;
	v29 =	vld.idx.msk [tilespmem:v14+s22+$0x0], $0xffff  }
0x9d: {  	v8 =	vld.idx.msk [tilespmem:v6+s20+$0x0], $0xffff  }
0x9e: {  	v47 =	vld.idx.msk [tilespmem:v6+s21+$0x0], $0xffff  }
0x9f: {  	v56 =	vld.idx.msk [tilespmem:v6+s22+$0x0], $0xffff  }
0xa0: {  	v9 =	vld.idx.msk [tilespmem:v5+s20+$0x0], $0xffff  }
0xa1: {  	v3 =	vor.u32 $0x103, v12;
	v26 =	vld.idx.msk [tilespmem:v30+s20+$0x0], $0xffff  }
0xa2: {  	v12 =	vor.u32 $0x10F, v12;
	v48 =	vld.idx.msk [tilespmem:v5+s21+$0x0], $0xffff  }
0xa3: {  	v51 =	vld.idx.msk [tilespmem:v30+s21+$0x0], $0xffff  }
0xa4: {  	v57 =	vld.idx.msk [tilespmem:v5+s22+$0x0], $0xffff  }
0xa5: {  	v60 =	vld.idx.msk [tilespmem:v30+s22+$0x0], $0xffff  }
0xa6: {  	v10 =	vld.idx.msk [tilespmem:v3+s20+$0x0], $0xffff;
	v4 =	vadd.f32 $0.0e+00, v4  }
0xa7: {  	v45 =	vld.idx.msk [tilespmem:v12+s20+$0x0], $0xffff  }
0xa8: {  	v35 =	vld.idx.msk [tilespmem:v12+s21+$0x0], $0xffff;
	v4 =	vadd.f32 v8, v4  }
0xa9: {  	v49 =	vld.idx.msk [tilespmem:v3+s21+$0x0], $0xffff  }
0xaa: {  	v58 =	vld.idx.msk [tilespmem:v3+s22+$0x0], $0xffff;
	v4 =	vadd.f32 v9, v4  }
0xab: {  	[tilespmem:$0x1FFE0] =	vst v32;
	v32 =	vld.idx.msk [tilespmem:v15+s22+$0x0], $0xffff  }
0xac: {  	v8 =	vld.idx.msk [tilespmem:v7+s23+$0x0], $0xffff;
	v4 =	vadd.f32 v10, v4  }
0xad: {  	[tilespmem:$0x1FFF0] =	vst v35;
	v35 =	vld.idx.msk [tilespmem:v16+s22+$0x0], $0xffff  }
0xae: {  	v9 =	vld.idx.msk [tilespmem:v6+s23+$0x0], $0xffff;
	v4 =	vadd.f32 v11, v4  }
0xaf: {  	v10 =	vld.idx.msk [tilespmem:v18+s22+$0x0], $0xffff  }
0xb0: {  	v11 =	vld.idx.msk [tilespmem:v7+s25+$0x0], $0xffff;
	v4 =	vadd.f32 v26, v4  }
0xb1: {  	v7 =	vld.idx.msk [tilespmem:v7+s24+$0x0], $0xffff  }
0xb2: {  	v4 =	vadd.f32 v36, v4;
	v36 =	vld.idx.msk [tilespmem:v6+s25+$0x0], $0xffff  }
0xb3: {  	v26 =	vld.idx.msk [tilespmem:v12+s22+$0x0], $0xffff  }
0xb4: {  	v4 =	vadd.f32 v37, v4;
	v37 =	vld.idx.msk [tilespmem:v5+s25+$0x0], $0xffff  }
0xb5: {  	v6 =	vld.idx.msk [tilespmem:v6+s24+$0x0], $0xffff;
	v11 =	vadd.f32 $0.0e+00, v11  }
0xb6: {  	v4 =	vadd.f32 v38, v4;
	v38 =	vadd.f32 $0.0e+00, v46;
	v46 =	vld.idx.msk [tilespmem:v3+s25+$0x0], $0xffff  }
0xb7: {  	v11 =	vadd.f32 v36, v11;
	v36 =	vld.idx.msk [tilespmem:v5+s23+$0x0], $0xffff  }
0xb8: {  	v4 =	vadd.f32 v39, v4;
	v38 =	vadd.f32 v47, v38;
	v39 =	vld.idx.msk [tilespmem:v33+s25+$0x0], $0xffff  }
0xb9: {  	v7 =	vadd.f32 $0.0e+00, v7;
	v5 =	vld.idx.msk [tilespmem:v5+s24+$0x0], $0xffff;
	v11 =	vadd.f32 v37, v11  }
0xba: {  	v38 =	vadd.f32 v48, v38;
	v48 =	vld.idx.msk [tilespmem:v30+s25+$0x0], $0xffff  }
0xbb: {  	v6 =	vadd.f32 v6, v7;
	v7 =	vld.idx.msk [tilespmem:v15+s25+$0x0], $0xffff;
	v11 =	vadd.f32 v46, v11  }
0xbc: {  	v38 =	vadd.f32 v49, v38;
	v49 =	vld.idx.msk [tilespmem:v28+s25+$0x0], $0xffff  }
0xbd: {  	v37 =	vld.idx.msk [tilespmem:v3+s23+$0x0], $0xffff;
	v11 =	vadd.f32 v39, v11  }
0xbe: {  	v38 =	vadd.f32 v50, v38;
	v50 =	vld.idx.msk [tilespmem:v25+s25+$0x0], $0xffff  }
0xbf: {  	v3 =	vld.idx.msk [tilespmem:v3+s24+$0x0], $0xffff;
	v11 =	vadd.f32 v48, v11  }
0xc0: {  	v8 =	vadd.f32 $0.0e+00, v8;
	v38 =	vadd.f32 v51, v38;
	v51 =	vld.idx.msk [tilespmem:v23+s25+$0x0], $0xffff  }
0xc1: {  	v4 =	vadd.f32 v40, v4;
	v40 =	vld.idx.msk [tilespmem:v28+s23+$0x0], $0xffff;
	v11 =	vadd.f32 v49, v11  }
0xc2: {  	v8 =	vadd.f32 v9, v8;
	v38 =	vadd.f32 v52, v38;
	v52 =	vld.idx.msk [tilespmem:v21+s25+$0x0], $0xffff  }
0xc3: {  	v46 =	vld.idx.msk [tilespmem:v33+s23+$0x0], $0xffff;
	v11 =	vadd.f32 v50, v11  }
0xc4: {  	v4 =	vadd.f32 v41, v4;
	v8 =	vadd.f32 v36, v8;
	v48 =	vld.idx.msk [tilespmem:v20+s25+$0x0], $0xffff  }
0xc5: {  	v33 =	vld.idx.msk [tilespmem:v33+s24+$0x0], $0xffff;
	v5 =	vadd.f32 v5, v6;
	v11 =	vadd.f32 v51, v11  }
0xc6: {  	v4 =	vadd.f32 v42, v4;
	v49 =	vadd.f32 $0.0e+00, v55;
	v50 =	vld.idx.msk [tilespmem:v18+s25+$0x0], $0xffff  }
0xc7: {  	v41 =	vld.idx.msk [tilespmem:v25+s23+$0x0], $0xffff;
	v8 =	vadd.f32 v37, v8;
	v9 =	vadd.f32 v52, v11  }
0xc8: {  	v3 =	vadd.f32 v3, v5;
	v51 =	vld.idx.msk [tilespmem:v16+s25+$0x0], $0xffff;
	v11 =	vadd.f32 v56, v49  }
0xc9: {  	v6 =	vld.idx.msk [tilespmem:v14+s25+$0x0], $0xffff;
	v4 =	vadd.f32 v43, v4;
	v9 =	vadd.f32 v48, v9  }
0xca: {  	v39 =	vld.idx.msk [tilespmem:v30+s23+$0x0], $0xffff;
	v8 =	vadd.f32 v46, v8;
	v11 =	vadd.f32 v57, v11  }
0xcb: {  	v30 =	vld.idx.msk [tilespmem:v30+s24+$0x0], $0xffff;
	v3 =	vadd.f32 v33, v3;
	v9 =	vadd.f32 v50, v9  }
0xcc: {  	v5 =	vld.idx.msk [tilespmem:v12+s25+$0x0], $0xffff;
	v38 =	vadd.f32 v53, v38;
	v11 =	vadd.f32 v58, v11  }
0xcd: {  	v4 =	vadd.f32 v44, v4;
	v53 =	vld.idx.msk [tilespmem:v21+s23+$0x0], $0xffff;
	v9 =	vadd.f32 v51, v9  }
0xce: {  	v38 =	vadd.f32 v54, v38;
	v54 =	vld.idx.msk [tilespmem:v21+s24+$0x0], $0xffff;
	v11 =	vadd.f32 v59, v11  }
0xcf: {  	v8 =	vadd.f32 v39, v8;
	v7 =	vadd.f32 v7, v9;
	v9 =	vld.idx.msk [tilespmem:v28+s24+$0x0], $0xffff  }
0xd0: {  	v3 =	vadd.f32 v30, v3;
	v52 =	vld.idx.msk [tilespmem:v23+s23+$0x0], $0xffff;
	v11 =	vadd.f32 v60, v11  }
0xd1: {  	v8 =	vadd.f32 v40, v8;
	v6 =	vadd.f32 v6, v7;
	v7 =	vld.idx.msk [tilespmem:v25+s24+$0x0], $0xffff  }
0xd2: {  	v4 =	vadd.f32 v45, v4;
	v59 =	vld.idx.msk [tilespmem:v12+s23+$0x0], $0xffff;
	v11 =	vadd.f32 v61, v11  }
0xd3: {  	v8 =	vadd.f32 v41, v8;
	v5 =	vadd.f32 v5, v6;
	v6 =	vld.idx.msk [tilespmem:v23+s24+$0x0], $0xffff  }
0xd4: {  	v11 =	vadd.f32 v17, v11;
	v3 =	vadd.f32 v9, v3;
	v9 =	vld.idx.msk [tilespmem:v20+s23+$0x0], $0xffff  }
0xd5: {  	v8 =	vadd.f32 v52, v8;
	v61 =	vld [tilespmem:$0x1FFE0];
	v5 =	vsub.f32 $0.0e+00, v5  }
0xd6: {  	v11 =	vadd.f32 v62, v11;
	v3 =	vadd.f32 v7, v3;
	v7 =	vld.idx.msk [tilespmem:v18+s23+$0x0], $0xffff  }
0xd7: {  	v55 =	vadd.f32 v34, v38;
	v8 =	vadd.f32 v53, v8;
	v20 =	vld.idx.msk [tilespmem:v20+s24+$0x0], $0xffff;
	v5 =	vmul.f32 $1.442695020e+00, v5  }
0xd8: {  	v11 =	vadd.f32 v19, v11;
	v3 =	vadd.f32 v6, v3;
	v6 =	vld.idx.msk [tilespmem:v16+s23+$0x0], $0xffff  }
0xd9: {  	v56 =	vadd.f32 v31, v55;
	v8 =	vadd.f32 v9, v8;
	(erf) = vpow2.f32 v5;
	v5 =	vld.idx.msk [tilespmem:v18+s24+$0x0], $0xffff  }
0xda: {  	v9 =	vadd.f32 v63, v11;
	v11 =	vld.idx.msk [tilespmem:v15+s23+$0x0], $0xffff;
	v3 =	vadd.f32 v54, v3  }
0xdb: {  	v57 =	vadd.f32 v27, v56;
	v7 =	vadd.f32 v7, v8;
	v8 =	vld.idx.msk [tilespmem:v16+s24+$0x0], $0xffff  }
0xdc: {  	v9 =	vadd.f32 v10, v9;
	v10 =	vld.idx.msk [tilespmem:v14+s23+$0x0], $0xffff;
	v3 =	vadd.f32 v20, v3  }
0xdd: {  	v58 =	vadd.f32 v24, v57;
	v6 =	vadd.f32 v6, v7;
	v7 =	vld.idx.msk [tilespmem:v15+s24+$0x0], $0xffff  }
0xde: {  	v63 =	vld [tilespmem:$0x1FFF0];
	v9 =	vadd.f32 v35, v9;
	v3 =	vadd.f32 v5, v3  }
0xdf: {  	v60 =	vadd.s32 $0x30, v13;
	v5 =	vadd.f32 v22, v58;
	v6 =	vadd.f32 v11, v6;
	v11 =	vld.idx.msk [tilespmem:v14+s24+$0x0], $0xffff  }
0xe0: {  	v9 =	vadd.f32 v32, v9;
	v3 =	vadd.f32 v8, v3;
	v8 =	vadd.s32 $0x31, v13  }
0xe1: {  	v62 =	vadd.s32 $0x32, v13;
	v5 =	vadd.f32 v61, v5;
	v6 =	vadd.f32 v10, v6;
	v10 =	vld.idx.msk [tilespmem:v12+s24+$0x0], $0xffff  }
0xe2: {  	v9 =	vadd.f32 v29, v9;
	v3 =	vadd.f32 v7, v3;
	v7 =	vpop (erf)  }
0xe3: {  	v5 =	vadd.f32 v63, v5;
	v6 =	vadd.f32 v59, v6;
	v7 =	vmul.f32 $1.000000000e+02, v7  }
0xe4: {  	[tilespmem:v60+s26+$0x0] =	vst.idx.msk $0xffff, v4;
	v9 =	vadd.f32 v26, v9;
	v3 =	vadd.f32 v11, v3  }
0xe5: {  	v4 =	vadd.f32 v7, v6;
	[tilespmem:v8+s26+$0x0] =	vst.idx.msk $0xffff, v5  }
0xe6: {  	v3 =	vadd.f32 v10, v3;
	[tilespmem:v62+s26+$0x0] =	vst.idx.msk $0xffff, v9  }
0xe7: {  	[tilespmem:$0x1EE20] =	vst v4  }
0xe8: {  	s0 =	rddreg [dreg:$0x7];
	[tilespmem:$0x1EE40] =	vst v3  }
0xe9: {  	[hbm4b:s0+s2] =	stream.linear.scatter [tilespmem:s26], [sflag:$0x1], $0x60, $0x38;
	[tilespmem:$0x1EE50] =	vst v63  }
0xea: {  	_ =	swait.ge [sflag:s14], $0x60  }
0xeb: {  	[sflag:s14] =	ssyncset.done $0x0  }
0xec: {  	s29 =	simm.s32 $0x1EE10;
	[sflag:s14] =	ssyncadd.s32 $0xFFFFFFA0  }
0xed: {  	[hbm4b:s10+s2] =	stream.linear.scatter [tilespmem:s29], [sflag:$0x1], $0x20, $0x38;
	[tilespmem:$0x1EE50] =	vst v63  }
0xee: {  	s30 =	sadd.s32 $0x1, s30;
	_ =	swait.ge [sflag:s14], $0x20  }
0xef: {  	p0 =	sne.s32 s30, s12;
	[sflag:s14] =	ssyncset.done $0x0  }
.Ltmp1:
0xf0: {  	s31 =	simm.s32 $0x1EE30;
	[sflag:s14] =	ssyncadd.s32 $0xFFFFFFE0;
	(pc) =	sbr.rel @!p0 .LBB2_15-.Ltmp1, $4  }
0xf1: {  	[hbm4b:s11+s2] =	stream.linear.scatter [tilespmem:s31], [sflag:$0x1], $0x20, $0x38;
	[tilespmem:$0x1EE50] =	vst v63  }
0xf2: {  	v7 =	vimm.s32 $0x5;
	v6 =	vimm.s32 $0x4;
	_ =	swait.ge [sflag:s14], $0x20  }
0xf3: {  	v8 =	vimm.s32 $0x6;
	v5 =	vimm.s32 $0x3;
	v10 =	vimm.s32 $0x8;
	[sflag:s14] =	ssyncset.done $0x0  }
0xf4: {  	v9 =	vimm.s32 $0x7;
	v4 =	vimm.s32 $0x2;
	v3 =	vimm.s32 $0x1;
	[sflag:s14] =	ssyncadd.s32 $0xFFFFFFE0  }
.LBB2_1:
0xf5: {  	s0 =	rddreg [dreg:$0x1]  }
0xf6: {  	[tilespmem:s13], [sflag:$0x1] =	stream.linear.gather [hbm4b:s0+s2], $0x1000, $0x38;
	[tilespmem:$0x1EE50] =	vst v63  }
0xf7: {  	_ =	swait.ge [sflag:s14], $0x1000  }
0xf8: {  	[sflag:s14] =	ssyncset.done $0x0  }
.Ltmp2:
0xf9: {  	s29 =	rddreg [dreg:$0x6];
	[sflag:s14] =	ssyncadd.s32 $0xFFFFF000;
	(pc) =	sbr.rel .LBB2_2-.Ltmp2, $4  }
0xfa: {  	[tilespmem:s15], [sflag:$0x1] =	stream.linear.gather [hbm4b:s29+s2], $0x1B000, $0x38;
	[tilespmem:$0x1EE50] =	vst v63  }
0xfb: {  	_ =	swait.ge [sflag:s14], $0x1B000  }
0xfc: {  	[sflag:s14] =	ssyncset.done $0x0  }
0xfd: {  	s31 =	simm.s32 $0x0;
	[sflag:s14] =	ssyncadd.s32 $0xFFFE5000  }
.LBB2_5:
0xfe: {  	v27 =	vimm.f32 $0.0e+00  }
0xff: {  	v33 =	vimm.f32 $0.0e+00;
	v35 =	vimm.f32 $0.0e+00;
	v24 =	vimm.f32 $0.0e+00  }
.LBB2_13:
0x100: {  	_ = 	snop  }
0x101: {  	v26 =	vmul.u32 $0x1B, v13;
	_ =	sdelay $0x1  }
0x102: {  	v13 =	vadd.s32 $0x1, v26  }
0x103: {  	v22 =	vld.idx.msk [tilespmem:v3+s16+$0x0], $0xffff  }
0x104: {  	v21 =	vld.idx.msk [tilespmem:v4+s16+$0x0], $0xffff;
	v15 =	vadd.s32 $0x2, v26  }
0x105: {  	v19 =	vld.idx.msk [tilespmem:v5+s16+$0x0], $0xffff  }
0x106: {  	v20 =	vadd.s32 $0x3, v26;
	v18 =	vld.idx.msk [tilespmem:v26+s15+$0x0], $0xffff  }
0x107: {  	v13 =	vld.idx.msk [tilespmem:v13+s15+$0x0], $0xffff  }
0x108: {  	v17 =	vld.idx.msk [tilespmem:v6+s16+$0x0], $0xffff;
	v25 =	vadd.s32 $0x4, v26  }
0x109: {  	v30 =	vadd.s32 $0x5, v26;
	v29 =	vld.idx.msk [tilespmem:v15+s15+$0x0], $0xffff  }
0x10a: {  	v16 =	vld.idx.msk [tilespmem:v7+s16+$0x0], $0xffff  }
0x10b: {  	v32 =	vadd.s32 $0x6, v26;
	v31 =	vld.idx.msk [tilespmem:v20+s15+$0x0], $0xffff  }
0x10c: {  	v34 =	vadd.s32 $0x7, v26;
	v15 =	vld.idx.msk [tilespmem:v8+s16+$0x0], $0xffff;
	v48 =	vadd.f32 $0.0e+00, v18;
	v13 =	vmul.f32 v13, v22  }
0x10d: {  	v36 =	vadd.s32 $0x9, v26;
	v25 =	vld.idx.msk [tilespmem:v25+s15+$0x0], $0xffff  }
0x10e: {  	v30 =	vld.idx.msk [tilespmem:v30+s15+$0x0], $0xffff;
	v29 =	vmul.f32 v29, v21;
	v13 =	vadd.f32 v13, v48  }
0x10f: {  	v37 =	vadd.s32 $0xA, v26;
	v20 =	vld.idx.msk [tilespmem:v10+s16+$0x0], $0xffff  }
0x110: {  	v50 =	vadd.s32 $0x8, v26;
	v32 =	vld.idx.msk [tilespmem:v32+s15+$0x0], $0xffff;
	v49 =	vmul.f32 v31, v19;
	v13 =	vadd.f32 v29, v13  }
0x111: {  	v38 =	vadd.s32 $0xB, v26;
	v51 =	vld.idx.msk [tilespmem:v34+s15+$0x0], $0xffff  }
0x112: {  	v53 =	vadd.s32 $0xC, v26;
	v52 =	vld.idx.msk [tilespmem:v36+s15+$0x0], $0xffff;
	v25 =	vmul.f32 v25, v17;
	v13 =	vadd.f32 v49, v13  }
0x113: {  	v18 =	vld.idx.msk [tilespmem:v9+s16+$0x0], $0xffff  }
0x114: {  	v55 =	vld.idx.msk [tilespmem:v37+s15+$0x0], $0xffff;
	v54 =	vmul.f32 v30, v16;
	v13 =	vadd.f32 v25, v13  }
0x115: {  	v56 =	vadd.s32 $0xD, v26;
	v31 =	vld.idx.msk [tilespmem:v50+s15+$0x0], $0xffff  }
0x116: {  	v38 =	vld.idx.msk [tilespmem:v38+s15+$0x0], $0xffff;
	v32 =	vmul.f32 v32, v15;
	v25 =	vadd.f32 v54, v13  }
0x117: {  	v27 =	vsub.f32 $0.0e+00, v27;
	v39 =	vadd.s32 $0xE, v26;
	v57 =	vld.idx.msk [tilespmem:v53+s15+$0x0], $0xffff  }
0x118: {  	v58 =	vadd.s32 $0xF, v26;
	v29 =	vmul.f32 v51, v18;
	v13 =	vld [tilespmem:$0x3130];
	v25 =	vadd.f32 v32, v25  }
0x119: {  	v61 =	vadd.s32 $0x10, v26;
	v34 =	vadd.f32 $0.0e+00, v52;
	v30 =	vmul.f32 v55, v22  }
0x11a: {  	v63 =	vadd.s32 $0x12, v26;
	v60 =	vld.idx.msk [tilespmem:v56+s15+$0x0], $0xffff;
	v59 =	vmul.f32 v31, v20;
	v25 =	vadd.f32 v29, v25  }
0x11b: {  	v45 =	vadd.s32 $0x13, v26;
	v62 =	vmul.f32 v38, v21;
	v30 =	vadd.f32 v30, v34  }
0x11c: {  	v46 =	vadd.s32 $0x11, v26;
	v27 =	vmul.f32 $1.442695020e+00, v27;
	v44 =	vld.idx.msk [tilespmem:v39+s15+$0x0], $0xffff;
	v25 =	vadd.f32 v59, v25  }
0x11d: {  	v30 =	vadd.f32 v62, v30;
	v32 =	vmul.f32 v57, v19;
	v40 =	vsub.f32 $0.0e+00, v13  }
0x11e: {  	v41 =	vadd.s32 $0x14, v26;
	(erf) = vpow2.f32 v27;
	v36 =	vld.idx.msk [tilespmem:v58+s15+$0x0], $0xffff;
	v25 =	vsub.f32 $0.0e+00, v25  }
0x11f: {  	v47 =	vld.idx.msk [tilespmem:v61+s15+$0x0], $0xffff;
	v31 =	vmul.f32 v60, v17;
	v30 =	vadd.f32 v32, v30;
	v40 =	vmul.f32 $1.442695020e+00, v40  }
0x120: {  	v58 =	vadd.s32 $0x18, v26;
	v50 =	vld.idx.msk [tilespmem:v45+s15+$0x0], $0xffff;
	v49 =	vadd.s32 $0x15, v26;
	v25 =	vmul.f32 $1.442695020e+00, v25  }
0x121: {  	v48 =	vld.idx.msk [tilespmem:v63+s15+$0x0], $0xffff;
	v29 =	vmul.f32 v44, v16;
	v30 =	vadd.f32 v31, v30;
	(erf) = vpow2.f32 v40  }
0x122: {  	v52 =	vadd.s32 $0x16, v26;
	v51 =	vld.idx.msk [tilespmem:v46+s15+$0x0], $0xffff;
	(erf) = vpow2.f32 v25  }
0x123: {  	v53 =	vmul.f32 v36, v15;
	v54 =	vld.idx.msk [tilespmem:v41+s15+$0x0], $0xffff;
	v29 =	vadd.f32 v29, v30  }
0x124: {  	v55 =	vadd.s32 $0x17, v26  }
0x125: {  	v56 =	vmul.f32 v47, v18;
	v57 =	vld.idx.msk [tilespmem:v49+s15+$0x0], $0xffff;
	v29 =	vadd.f32 v53, v29  }
0x126: {  	v37 =	vld.idx.msk [tilespmem:v58+s15+$0x0], $0xffff;
	v27 =	vadd.f32 $0.0e+00, v48;
	v31 =	vmul.f32 v50, v22  }
0x127: {  	v34 =	vld.idx.msk [tilespmem:v52+s15+$0x0], $0xffff;
	v59 =	vmul.f32 v51, v20;
	v29 =	vadd.f32 v56, v29  }
0x128: {  	v60 =	vadd.s32 $0x19, v26;
	v36 =	vmul.f32 v54, v21;
	v31 =	vadd.f32 v31, v27  }
0x129: {  	v61 =	vld.idx.msk [tilespmem:v55+s15+$0x0], $0xffff;
	v25 =	vpop (erf);
	v29 =	vadd.f32 v59, v29  }
0x12a: {  	v62 =	vadd.s32 $0x1A, v26;
	v32 =	vmul.f32 v57, v19;
	v31 =	vadd.f32 v36, v31;
	v27 =	vpop (erf)  }
0x12b: {  	v43 =	vmul.f32 v37, v15;
	v37 =	vmul.u32 $0x1B, v23;
	v29 =	vsub.f32 $0.0e+00, v29;
	v63 =	vpop (erf)  }
0x12c: {  	v40 =	vmul.f32 v34, v17;
	v31 =	vadd.f32 v32, v31;
	v26 =	vadd.f32 $1.000000000e+00, v63  }
0x12d: {  	v46 =	vadd.s32 $0x1, v37;
	v41 =	vld.idx.msk [tilespmem:v60+s15+$0x0], $0xffff;
	v29 =	vmul.f32 $1.442695020e+00, v29  }
0x12e: {  	v30 =	vmul.f32 v61, v16;
	v31 =	vadd.f32 v40, v31;
	(erf) = vrcp.f32 v26  }
0x12f: {  	v47 =	vadd.s32 $0x2, v37;
	v42 =	vld.idx.msk [tilespmem:v62+s15+$0x0], $0xffff;
	(erf) = vpow2.f32 v29  }
0x130: {  	v30 =	vadd.f32 v30, v31  }
0x131: {  	v48 =	vld.idx.msk [tilespmem:v37+s15+$0x0], $0xffff  }
0x132: {  	v49 =	vadd.s32 $0x3, v37;
	v45 =	vmul.f32 v41, v18;
	v31 =	vld.idx.msk [tilespmem:v46+s15+$0x0], $0xffff;
	v44 =	vadd.f32 v43, v30;
	_ =	sdelay $0x1  }
0x133: {  	v51 =	vadd.s32 $0x4, v37;
	v32 =	vld.idx.msk [tilespmem:v47+s15+$0x0], $0xffff;
	v23 =	vadd.f32 v45, v44;
	v29 =	vmul.f32 v42, v20;
	_ =	sdelay $0x1  }
0x134: {  	v52 =	vadd.s32 $0x5, v37;
	v23 =	vadd.f32 v29, v23  }
0x135: {  	v54 =	vadd.s32 $0x6, v37;
	v34 =	vadd.f32 $0.0e+00, v48;
	v53 =	vld.idx.msk [tilespmem:v49+s15+$0x0], $0xffff;
	v31 =	vmul.f32 v31, v22;
	v30 =	vpop (erf)  }
0x136: {  	v55 =	vadd.s32 $0x7, v37;
	v57 =	vadd.s32 $0xA, v37;
	v23 =	vsub.f32 $0.0e+00, v23;
	v50 =	vpop (erf)  }
0x137: {  	v38 =	vld.idx.msk [tilespmem:v51+s15+$0x0], $0xffff;
	v32 =	vmul.f32 v32, v21;
	v31 =	vadd.f32 v31, v34;
	v29 =	vadd.f32 $1.000000000e+00, v50  }
0x138: {  	v56 =	vadd.s32 $0x9, v37;
	v23 =	vmul.f32 $1.442695020e+00, v23  }
0x139: {  	v39 =	vld.idx.msk [tilespmem:v52+s15+$0x0], $0xffff;
	v43 =	vadd.s32 $0xB, v37;
	v31 =	vadd.f32 v32, v31;
	(erf) = vrcp.f32 v29  }
0x13a: {  	v36 =	vld.idx.msk [tilespmem:v54+s15+$0x0], $0xffff;
	v42 =	vadd.s32 $0x8, v37;
	(erf) = vpow2.f32 v23;
	v23 =	vmul.f32 v53, v19  }
0x13b: {  	v60 =	vadd.s32 $0xC, v37;
	v41 =	vld.idx.msk [tilespmem:v57+s15+$0x0], $0xffff  }
0x13c: {  	v61 =	vadd.s32 $0xD, v37;
	v59 =	vld.idx.msk [tilespmem:v55+s15+$0x0], $0xffff;
	v58 =	vmul.f32 v38, v17;
	v23 =	vadd.f32 v23, v31  }
0x13d: {  	v34 =	vld.idx.msk [tilespmem:v56+s15+$0x0], $0xffff  }
0x13e: {  	v39 =	vmul.f32 v39, v16;
	v45 =	vadd.s32 $0xE, v37;
	v43 =	vld.idx.msk [tilespmem:v43+s15+$0x0], $0xffff;
	v23 =	vadd.f32 v58, v23  }
0x13f: {  	v33 =	vsub.f32 $0.0e+00, v33;
	v42 =	vld.idx.msk [tilespmem:v42+s15+$0x0], $0xffff  }
0x140: {  	v62 =	vld.idx.msk [tilespmem:v60+s15+$0x0], $0xffff;
	v36 =	vmul.f32 v36, v15;
	v39 =	vadd.f32 v39, v23  }
0x141: {  	v33 =	vmul.f32 $1.442695020e+00, v33;
	v48 =	vadd.s32 $0xF, v37;
	v38 =	vmul.f32 v59, v18;
	v50 =	vld.idx.msk [tilespmem:v61+s15+$0x0], $0xffff  }
0x142: {  	v63 =	vmul.f32 v41, v22;
	v34 =	vadd.f32 $0.0e+00, v34;
	v23 =	vld [tilespmem:$0x3140];
	v36 =	vadd.f32 v36, v39  }
0x143: {  	v51 =	vadd.s32 $0x10, v37;
	v47 =	vadd.s32 $0x14, v37;
	v54 =	vld.idx.msk [tilespmem:v45+s15+$0x0], $0xffff;
	v52 =	vmul.f32 v43, v21  }
0x144: {  	v34 =	vadd.f32 v63, v34;
	v49 =	vmul.f32 v42, v20;
	v36 =	vadd.f32 v38, v36  }
0x145: {  	v55 =	vadd.s32 $0x13, v37;
	v56 =	vadd.s32 $0x11, v37;
	v53 =	vadd.s32 $0x12, v37;
	v32 =	vpop (erf)  }
0x146: {  	v34 =	vadd.f32 v52, v34;
	v39 =	vmul.f32 v62, v19;
	v44 =	vpop (erf);
	v36 =	vadd.f32 v49, v36  }
0x147: {  	v41 =	vld.idx.msk [tilespmem:v48+s15+$0x0], $0xffff;
	v57 =	vmul.f32 v50, v17;
	v31 =	vadd.f32 $1.000000000e+00, v44;
	v46 =	vsub.f32 $0.0e+00, v23  }
0x148: {  	v34 =	vadd.f32 v39, v34;
	v38 =	vmul.f32 v54, v16;
	v36 =	vsub.f32 $0.0e+00, v36  }
0x149: {  	v61 =	vadd.s32 $0x15, v37;
	v58 =	vld.idx.msk [tilespmem:v51+s15+$0x0], $0xffff;
	(erf) = vrcp.f32 v31;
	v46 =	vmul.f32 $1.442695020e+00, v46  }
0x14a: {  	v60 =	vld.idx.msk [tilespmem:v53+s15+$0x0], $0xffff;
	v34 =	vadd.f32 v57, v34;
	(erf) = vpow2.f32 v33;
	v59 =	vmul.f32 $1.442695020e+00, v36  }
0x14b: {  	v48 =	vadd.s32 $0x16, v37;
	v62 =	vld.idx.msk [tilespmem:v55+s15+$0x0], $0xffff;
	(erf) = vpow2.f32 v46  }
0x14c: {  	v63 =	vld.idx.msk [tilespmem:v56+s15+$0x0], $0xffff;
	v49 =	vmul.f32 v41, v15;
	v34 =	vadd.f32 v38, v34;
	(erf) = vpow2.f32 v59  }
0x14d: {  	v50 =	vld.idx.msk [tilespmem:v47+s15+$0x0], $0xffff;
	v51 =	vadd.s32 $0x17, v37  }
0x14e: {  	v52 =	vmul.f32 v58, v18;
	v34 =	vadd.f32 v49, v34  }
0x14f: {  	v53 =	vld.idx.msk [tilespmem:v61+s15+$0x0], $0xffff;
	v55 =	vadd.s32 $0x18, v37  }
0x150: {  	v54 =	vadd.f32 $0.0e+00, v60;
	v39 =	vmul.f32 v62, v22;
	v34 =	vadd.f32 v52, v34  }
0x151: {  	v40 =	vld.idx.msk [tilespmem:v48+s15+$0x0], $0xffff;
	v56 =	vmul.f32 v63, v20  }
0x152: {  	v44 =	vld.idx.msk [tilespmem:v51+s15+$0x0], $0xffff;
	v41 =	vmul.f32 v50, v21;
	v57 =	vadd.s32 $0x19, v37;
	v39 =	vadd.f32 v39, v54;
	v36 =	vpop (erf)  }
0x153: {  	v38 =	vadd.f32 v56, v34;
	v33 =	vpop (erf)  }
0x154: {  	v58 =	vmul.f32 v53, v19;
	v39 =	vadd.f32 v41, v39;
	v59 =	vadd.s32 $0x1A, v37;
	v34 =	vpop (erf)  }
0x155: {  	v43 =	vmul.u32 $0x1B, v28;
	v45 =	vld.idx.msk [tilespmem:v55+s15+$0x0], $0xffff;
	v38 =	vsub.f32 $0.0e+00, v38;
	v60 =	vpop (erf)  }
0x156: {  	v40 =	vmul.f32 v40, v17;
	v39 =	vadd.f32 v58, v39;
	v37 =	vadd.f32 $1.000000000e+00, v60  }
0x157: {  	v62 =	vmul.f32 v44, v16;
	v61 =	vld.idx.msk [tilespmem:v57+s15+$0x0], $0xffff;
	v38 =	vmul.f32 $1.442695020e+00, v38  }
0x158: {  	v49 =	vadd.s32 $0x1, v43;
	v39 =	vadd.f32 v40, v39;
	(erf) = vrcp.f32 v37  }
0x159: {  	v50 =	vadd.s32 $0x2, v43;
	v63 =	vld.idx.msk [tilespmem:v59+s15+$0x0], $0xffff;
	(erf) = vpow2.f32 v38  }
0x15a: {  	v46 =	vmul.f32 v45, v15;
	v39 =	vadd.f32 v62, v39;
	_ =	sdelay $0x1  }
0x15b: {  	v51 =	vld.idx.msk [tilespmem:v43+s15+$0x0], $0xffff;
	v52 =	vadd.s32 $0x3, v43;
	v48 =	vmul.f32 v61, v18;
	v47 =	vadd.f32 v46, v39  }
0x15c: {  	v40 =	vld.idx.msk [tilespmem:v49+s15+$0x0], $0xffff  }
0x15d: {  	v54 =	vadd.s32 $0x4, v43;
	v41 =	vld.idx.msk [tilespmem:v50+s15+$0x0], $0xffff;
	v28 =	vadd.f32 v48, v47;
	v38 =	vmul.f32 v63, v20;
	_ =	sdelay $0x1  }
0x15e: {  	v55 =	vadd.s32 $0x5, v43;
	v28 =	vadd.f32 v38, v28  }
0x15f: {  	v42 =	vadd.f32 $0.0e+00, v51;
	v56 =	vld.idx.msk [tilespmem:v52+s15+$0x0], $0xffff;
	v39 =	vpop (erf)  }
0x160: {  	v57 =	vadd.s32 $0x6, v43;
	v40 =	vmul.f32 v40, v22;
	v28 =	vsub.f32 $0.0e+00, v28;
	v53 =	vpop (erf)  }
0x161: {  	v45 =	vld.idx.msk [tilespmem:v54+s15+$0x0], $0xffff;
	v41 =	vmul.f32 v41, v21;
	v59 =	vadd.s32 $0x9, v43;
	v38 =	vadd.f32 $1.000000000e+00, v53  }
0x162: {  	v48 =	vadd.s32 $0xA, v43;
	v40 =	vadd.f32 v40, v42;
	v28 =	vmul.f32 $1.442695020e+00, v28  }
0x163: {  	v50 =	vadd.s32 $0xB, v43;
	v58 =	vadd.s32 $0x7, v43;
	v46 =	vld.idx.msk [tilespmem:v55+s15+$0x0], $0xffff;
	(erf) = vrcp.f32 v38  }
0x164: {  	v40 =	vadd.f32 v41, v40;
	(erf) = vpow2.f32 v28;
	v28 =	vmul.f32 v56, v19  }
0x165: {  	v49 =	vadd.s32 $0x8, v43;
	v44 =	vld.idx.msk [tilespmem:v57+s15+$0x0], $0xffff  }
0x166: {  	v52 =	vadd.s32 $0xE, v43;
	v60 =	vmul.f32 v45, v17;
	v42 =	vld.idx.msk [tilespmem:v59+s15+$0x0], $0xffff;
	v28 =	vadd.f32 v28, v40  }
0x167: {  	v62 =	vadd.s32 $0xC, v43;
	v48 =	vld.idx.msk [tilespmem:v48+s15+$0x0], $0xffff  }
0x168: {  	v61 =	vld.idx.msk [tilespmem:v58+s15+$0x0], $0xffff;
	v46 =	vmul.f32 v46, v16;
	v28 =	vadd.f32 v60, v28  }
0x169: {  	v50 =	vld.idx.msk [tilespmem:v50+s15+$0x0], $0xffff;
	v63 =	vadd.s32 $0xD, v43  }
0x16a: {  	v49 =	vld.idx.msk [tilespmem:v49+s15+$0x0], $0xffff;
	v44 =	vmul.f32 v44, v15;
	v46 =	vadd.f32 v46, v28  }
0x16b: {  	v35 =	vsub.f32 $0.0e+00, v35;
	v59 =	vld.idx.msk [tilespmem:v52+s15+$0x0], $0xffff  }
0x16c: {  	v42 =	vadd.f32 $0.0e+00, v42;
	v55 =	vmul.f32 v48, v22;
	v44 =	vadd.f32 v44, v46;
	v46 =	vld.idx.msk [tilespmem:v62+s15+$0x0], $0xffff  }
0x16d: {  	v35 =	vmul.f32 $1.442695020e+00, v35;
	v45 =	vmul.f32 v61, v18;
	v56 =	vadd.s32 $0xF, v43;
	v28 =	vld [tilespmem:$0x3150]  }
0x16e: {  	v58 =	vadd.s32 $0x12, v43;
	v57 =	vmul.f32 v50, v21;
	v42 =	vadd.f32 v55, v42;
	v62 =	vld.idx.msk [tilespmem:v63+s15+$0x0], $0xffff  }
0x16f: {  	v61 =	vmul.f32 v49, v20;
	v41 =	vpop (erf);
	v63 =	vadd.s32 $0x10, v43;
	v44 =	vadd.f32 v45, v44  }
0x170: {  	v54 =	vadd.s32 $0x14, v43;
	v42 =	vadd.f32 v57, v42;
	v60 =	vadd.s32 $0x13, v43;
	v51 =	vpop (erf)  }
0x171: {  	v40 =	vadd.f32 $1.000000000e+00, v51;
	v44 =	vadd.f32 v61, v44;
	v46 =	vmul.f32 v46, v19  }
0x172: {  	v48 =	vld.idx.msk [tilespmem:v56+s15+$0x0], $0xffff;
	v45 =	vmul.f32 v59, v16;
	v53 =	vsub.f32 $0.0e+00, v28;
	v61 =	vadd.s32 $0x11, v43  }
0x173: {  	v55 =	vld.idx.msk [tilespmem:v58+s15+$0x0], $0xffff;
	v62 =	vmul.f32 v62, v17;
	v44 =	vsub.f32 $0.0e+00, v44;
	v42 =	vadd.f32 v46, v42  }
0x174: {  	v57 =	vadd.s32 $0x15, v43;
	(erf) = vrcp.f32 v40;
	v53 =	vmul.f32 $1.442695020e+00, v53;
	v56 =	vld.idx.msk [tilespmem:v63+s15+$0x0], $0xffff  }
0x175: {  	v58 =	vld.idx.msk [tilespmem:v60+s15+$0x0], $0xffff;
	(erf) = vpow2.f32 v35;
	v63 =	vmul.f32 $1.442695020e+00, v44;
	v42 =	vadd.f32 v62, v42  }
0x176: {  	v47 =	vadd.s32 $0x16, v43;
	(erf) = vpow2.f32 v53  }
0x177: {  	v60 =	vmul.f32 v48, v15;
	v59 =	vld.idx.msk [tilespmem:v61+s15+$0x0], $0xffff;
	(erf) = vpow2.f32 v63;
	v42 =	vadd.f32 v45, v42  }
0x178: {  	v61 =	vld.idx.msk [tilespmem:v54+s15+$0x0], $0xffff  }
0x179: {  	v62 =	vadd.s32 $0x17, v43;
	v63 =	vmul.f32 v56, v18;
	v42 =	vadd.f32 v60, v42  }
0x17a: {  	v46 =	vmul.f32 v58, v22;
	v56 =	vld.idx.msk [tilespmem:v57+s15+$0x0], $0xffff  }
0x17b: {  	v58 =	vadd.s32 $0x18, v43;
	v57 =	vadd.f32 $0.0e+00, v55;
	v42 =	vadd.f32 v63, v42  }
0x17c: {  	v47 =	vld.idx.msk [tilespmem:v47+s15+$0x0], $0xffff;
	v59 =	vmul.f32 v59, v20  }
0x17d: {  	v46 =	vadd.f32 v46, v57;
	v44 =	vpop (erf);
	v60 =	vadd.s32 $0x19, v43;
	v48 =	vmul.f32 v61, v21  }
0x17e: {  	v35 =	vpop (erf);
	v51 =	vld.idx.msk [tilespmem:v62+s15+$0x0], $0xffff;
	v45 =	vadd.f32 v59, v42  }
0x17f: {  	v62 =	vadd.s32 $0x1A, v43;
	v61 =	vmul.f32 v56, v19;
	v46 =	vadd.f32 v48, v46;
	v42 =	vpop (erf)  }
0x180: {  	v52 =	vld.idx.msk [tilespmem:v58+s15+$0x0], $0xffff;
	v45 =	vsub.f32 $0.0e+00, v45;
	v63 =	vpop (erf)  }
0x181: {  	v47 =	vmul.f32 v47, v17;
	v46 =	vadd.f32 v61, v46;
	v43 =	vadd.f32 $1.000000000e+00, v63  }
0x182: {  	v49 =	vmul.u32 $0x1B, v14;
	v55 =	vld.idx.msk [tilespmem:v60+s15+$0x0], $0xffff;
	v45 =	vmul.f32 $1.442695020e+00, v45  }
0x183: {  	v56 =	vmul.f32 v51, v16;
	v46 =	vadd.f32 v47, v46;
	(erf) = vrcp.f32 v43  }
0x184: {  	v61 =	vadd.s32 $0x1, v49;
	v57 =	vld.idx.msk [tilespmem:v62+s15+$0x0], $0xffff;
	(erf) = vpow2.f32 v45  }
0x185: {  	v58 =	vmul.f32 v52, v15;
	v46 =	vadd.f32 v56, v46  }
0x186: {  	v62 =	vadd.s32 $0x2, v49  }
0x187: {  	v60 =	vmul.f32 v55, v18;
	v59 =	vadd.f32 v58, v46  }
0x188: {  	v63 =	vld.idx.msk [tilespmem:v49+s15+$0x0], $0xffff;
	v56 =	vadd.s32 $0x3, v49  }
0x189: {  	v47 =	vld.idx.msk [tilespmem:v61+s15+$0x0], $0xffff;
	v45 =	vmul.f32 v57, v20;
	v14 =	vadd.f32 v60, v59  }
0x18a: {  	v58 =	vadd.s32 $0x4, v49  }
0x18b: {  	v48 =	vld.idx.msk [tilespmem:v62+s15+$0x0], $0xffff;
	v14 =	vadd.f32 v45, v14  }
0x18c: {  	v59 =	vadd.s32 $0x5, v49;
	v46 =	vpop (erf)  }
0x18d: {  	v55 =	vadd.s32 $0xA, v49;
	v62 =	vadd.s32 $0x6, v49;
	v61 =	vld.idx.msk [tilespmem:v56+s15+$0x0], $0xffff;
	v14 =	vsub.f32 $0.0e+00, v14;
	v57 =	vpop (erf)  }
0x18e: {  	v50 =	vadd.f32 $0.0e+00, v63;
	v47 =	vmul.f32 v47, v22;
	v45 =	vadd.f32 $1.000000000e+00, v57  }
0x18f: {  	v63 =	vadd.s32 $0x7, v49;
	v60 =	vadd.s32 $0x9, v49;
	v52 =	vld.idx.msk [tilespmem:v58+s15+$0x0], $0xffff;
	v14 =	vmul.f32 $1.442695020e+00, v14  }
0x190: {  	v48 =	vmul.f32 v48, v21;
	v47 =	vadd.f32 v47, v50;
	(erf) = vrcp.f32 v45  }
0x191: {  	v53 =	vld.idx.msk [tilespmem:v59+s15+$0x0], $0xffff;
	v57 =	vadd.s32 $0xB, v49;
	(erf) = vpow2.f32 v14  }
0x192: {  	v56 =	vadd.s32 $0x8, v49;
	v55 =	vld.idx.msk [tilespmem:v55+s15+$0x0], $0xffff;
	v47 =	vadd.f32 v48, v47;
	v14 =	vmul.f32 v61, v19  }
0x193: {  	v51 =	vld.idx.msk [tilespmem:v62+s15+$0x0], $0xffff  }
0x194: {  	v50 =	vld.idx.msk [tilespmem:v60+s15+$0x0], $0xffff;
	v61 =	vmul.f32 v52, v17;
	v14 =	vadd.f32 v14, v47  }
0x195: {  	v62 =	vld.idx.msk [tilespmem:v63+s15+$0x0], $0xffff;
	v63 =	vadd.s32 $0xC, v49  }
0x196: {  	v53 =	vmul.f32 v53, v16;
	v57 =	vld.idx.msk [tilespmem:v57+s15+$0x0], $0xffff;
	v14 =	vadd.f32 v61, v14  }
0x197: {  	v60 =	vadd.s32 $0xD, v49;
	v56 =	vld.idx.msk [tilespmem:v56+s15+$0x0], $0xffff  }
0x198: {  	v24 =	vsub.f32 $0.0e+00, v24;
	v51 =	vmul.f32 v51, v15;
	v53 =	vadd.f32 v53, v14  }
0x199: {  	v59 =	vadd.s32 $0xE, v49;
	v50 =	vadd.f32 $0.0e+00, v50;
	v61 =	vmul.f32 v55, v22;
	v14 =	vld [tilespmem:$0x3160];
	v48 =	vpop (erf)  }
0x19a: {  	v52 =	vmul.f32 v62, v18;
	v55 =	vadd.s32 $0xF, v49;
	v51 =	vadd.f32 v51, v53;
	v53 =	vld.idx.msk [tilespmem:v63+s15+$0x0], $0xffff;
	v58 =	vpop (erf)  }
0x19b: {  	v50 =	vadd.f32 v61, v50;
	v54 =	vmul.f32 v57, v21;
	v47 =	vadd.f32 $1.000000000e+00, v58  }
0x19c: {  	v51 =	vadd.f32 v52, v51;
	v52 =	vmul.f32 v56, v20;
	v56 =	vld.idx.msk [tilespmem:v60+s15+$0x0], $0xffff;
	v58 =	vadd.s32 $0x10, v49  }
0x19d: {  	v24 =	vmul.f32 $1.442695020e+00, v24;
	v57 =	vadd.s32 $0x12, v49  }
0x19e: {  	v50 =	vadd.f32 v54, v50;
	v51 =	vadd.f32 v52, v51;
	v52 =	vld.idx.msk [tilespmem:v59+s15+$0x0], $0xffff;
	v59 =	vadd.s32 $0x13, v49  }
0x19f: {  	v54 =	vadd.s32 $0x11, v49;
	v60 =	vsub.f32 $0.0e+00, v14;
	v53 =	vmul.f32 v53, v19  }
0x1a0: {  	v61 =	vadd.s32 $0x14, v49;
	v55 =	vld.idx.msk [tilespmem:v55+s15+$0x0], $0xffff;
	(erf) = vrcp.f32 v47;
	v51 =	vsub.f32 $0.0e+00, v51  }
0x1a1: {  	v62 =	vmul.f32 $1.442695020e+00, v60;
	v50 =	vadd.f32 v53, v50;
	v56 =	vmul.f32 v56, v17;
	v58 =	vld.idx.msk [tilespmem:v58+s15+$0x0], $0xffff  }
0x1a2: {  	(erf) = vpow2.f32 v24;
	v63 =	vmul.f32 $1.442695020e+00, v51;
	v51 =	vld.idx.msk [tilespmem:v57+s15+$0x0], $0xffff;
	v57 =	vadd.s32 $0x15, v49  }
0x1a3: {  	(erf) = vpow2.f32 v62;
	v50 =	vadd.f32 v56, v50;
	v52 =	vmul.f32 v52, v16;
	v53 =	vld.idx.msk [tilespmem:v59+s15+$0x0], $0xffff  }
0x1a4: {  	v24 =	vld.idx.msk [tilespmem:v54+s15+$0x0], $0xffff;
	v54 =	vadd.s32 $0x16, v49;
	(erf) = vpow2.f32 v63  }
0x1a5: {  	v61 =	vld.idx.msk [tilespmem:v61+s15+$0x0], $0xffff;
	v60 =	vmul.f32 v55, v15;
	v50 =	vadd.f32 v52, v50  }
0x1a6: {  	v62 =	vadd.s32 $0x17, v49  }
0x1a7: {  	v63 =	vmul.f32 v58, v18;
	v50 =	vadd.f32 v60, v50;
	v57 =	vld.idx.msk [tilespmem:v57+s15+$0x0], $0xffff  }
0x1a8: {  	v51 =	vadd.f32 $0.0e+00, v51;
	v22 =	vmul.f32 v53, v22;
	v53 =	vadd.s32 $0x18, v49  }
0x1a9: {  	v24 =	vmul.f32 v24, v20;
	v52 =	vld.idx.msk [tilespmem:v54+s15+$0x0], $0xffff;
	v50 =	vadd.f32 v63, v50  }
0x1aa: {  	v54 =	vpop (erf);
	v60 =	vmul.f32 v61, v21;
	v61 =	vadd.s32 $0x19, v49;
	v22 =	vadd.f32 v22, v51  }
0x1ab: {  	v62 =	vld.idx.msk [tilespmem:v62+s15+$0x0], $0xffff;
	v21 =	vpop (erf);
	v24 =	vadd.f32 v24, v50  }
0x1ac: {  	v49 =	vadd.s32 $0x1A, v49;
	v51 =	vpop (erf);
	v22 =	vadd.f32 v60, v22;
	v19 =	vmul.f32 v57, v19  }
0x1ad: {  	v63 =	vpop (erf);
	v24 =	vsub.f32 $0.0e+00, v24;
	v53 =	vld.idx.msk [tilespmem:v53+s15+$0x0], $0xffff  }
0x1ae: {  	v17 =	vmul.f32 v52, v17;
	v19 =	vadd.f32 v19, v22;
	v22 =	vadd.f32 $1.000000000e+00, v63  }
0x1af: {  	v58 =	vld.idx.msk [tilespmem:v61+s15+$0x0], $0xffff;
	v24 =	vmul.f32 $1.442695020e+00, v24  }
0x1b0: {  	v16 =	vmul.f32 v62, v16;
	v17 =	vadd.f32 v17, v19;
	(erf) = vrcp.f32 v22  }
0x1b1: {  	v59 =	vld.idx.msk [tilespmem:v49+s15+$0x0], $0xffff;
	(erf) = vpow2.f32 v24  }
0x1b2: {  	v16 =	vadd.f32 v16, v17;
	v15 =	vmul.f32 v53, v15;
	_ =	sdelay $0x1  }
0x1b3: {  	v60 =	vmul.f32 v58, v18;
	v15 =	vadd.f32 v15, v16  }
0x1b4: {  	v55 =	vmul.f32 v39, v37  }
0x1b5: {  	v61 =	vmul.f32 v59, v20;
	v15 =	vadd.f32 v60, v15  }
0x1b6: {  	v50 =	vmul.f32 v27, v25;
	v57 =	vsub.f32 $2.000000000e+00, v55;
	v63 =	vmul.f32 v32, v29  }
0x1b7: {  	v13 =	vadd.f32 $0.0e+00, v13;
	v62 =	vmul.f32 v30, v26;
	v15 =	vadd.f32 v61, v15  }
0x1b8: {  	v49 =	vsub.f32 $2.000000000e+00, v63;
	v19 =	vsub.f32 v25, v50;
	v25 =	vmul.f32 v57, v39;
	v18 =	vpop (erf)  }
0x1b9: {  	v24 =	vsub.f32 $2.000000000e+00, v62;
	v58 =	vmul.f32 v41, v38;
	v52 =	vpop (erf);
	v15 =	vsub.f32 $0.0e+00, v15  }
0x1ba: {  	v17 =	vmul.f32 v49, v32;
	v53 =	vmul.f32 v36, v31;
	v20 =	vadd.f32 $1.000000000e+00, v52  }
0x1bb: {  	v16 =	vmul.f32 v24, v30;
	v15 =	vmul.f32 $1.442695020e+00, v15  }
0x1bc: {  	v13 =	vadd.f32 v23, v13;
	v63 =	vmul.f32 v25, v37;
	(erf) = vrcp.f32 v20  }
0x1bd: {  	v56 =	vmul.f32 v16, v26;
	v26 =	vsub.f32 $2.000000000e+00, v58;
	(erf) = vpow2.f32 v15  }
0x1be: {  	v50 =	vld [tilespmem:$0x3170];
	v37 =	vmul.f32 v34, v33;
	v24 =	vsub.f32 $2.000000000e+00, v53;
	v60 =	vmul.f32 v44, v40  }
0x1bf: {  	v59 =	vmul.f32 v17, v29;
	v30 =	vsub.f32 $2.000000000e+00, v63;
	v26 =	vmul.f32 v26, v41  }
0x1c0: {  	v63 =	vmul.f32 v54, v47;
	v24 =	vmul.f32 v24, v36;
	v29 =	vsub.f32 $2.000000000e+00, v60  }
0x1c1: {  	v13 =	vadd.f32 v28, v13;
	v25 =	vmul.f32 v30, v25;
	v39 =	vmul.f32 v26, v38  }
0x1c2: {  	v61 =	vsub.f32 $2.000000000e+00, v59;
	v29 =	vmul.f32 v29, v44;
	v52 =	vmul.f32 v46, v43  }
0x1c3: {  	v62 =	vmul.f32 v24, v31;
	v59 =	vmul.f32 v50, v19;
	v41 =	vsub.f32 $2.000000000e+00, v39  }
0x1c4: {  	v44 =	vmul.f32 v29, v40;
	v55 =	vsub.f32 $2.000000000e+00, v52;
	v15 =	vsub.f32 $2.000000000e+00, v56  }
0x1c5: {  	v36 =	vsub.f32 $2.000000000e+00, v62;
	v26 =	vmul.f32 v41, v26;
	v56 =	vmul.f32 v48, v45;
	v32 =	vpop (erf)  }
0x1c6: {  	v53 =	vsub.f32 $2.000000000e+00, v44;
	v57 =	vmul.f32 v55, v46;
	v15 =	vmul.f32 v15, v16;
	v49 =	vpop (erf)  }
0x1c7: {  	v16 =	vmul.f32 v61, v17;
	v17 =	vmul.f32 v36, v24;
	v31 =	vadd.f32 $1.000000000e+00, v49  }
0x1c8: {  	v13 =	vadd.f32 v14, v13;
	v27 =	vmul.f32 v53, v29;
	v53 =	vmul.f32 v42, v35  }
0x1c9: {  	v60 =	vld [tilespmem:$0x3180];
	v24 =	vsub.f32 v33, v37;
	v61 =	vmul.f32 v57, v43;
	(erf) = vrcp.f32 v31  }
0x1ca: {  	v58 =	vsub.f32 $2.000000000e+00, v56;
	v43 =	vmul.f32 v18, v22;
	v15 =	vmul.f32 v15, v19  }
0x1cb: {  	v30 =	vadd.f32 $0.0e+00, v59;
	v25 =	vmul.f32 v25, v24;
	v16 =	vmul.f32 v16, v19  }
0x1cc: {  	v41 =	vsub.f32 $2.000000000e+00, v63;
	v56 =	vld [tilespmem:$0x3190];
	v17 =	vmul.f32 v17, v19;
	v29 =	vmul.f32 v58, v48  }
0x1cd: {  	v62 =	vmul.f32 v27, v24;
	v19 =	vadd.f32 $0.0e+00, v19;
	v55 =	vsub.f32 v35, v53  }
0x1ce: {  	v33 =	vmul.f32 v60, v24;
	v34 =	vsub.f32 $2.000000000e+00, v61;
	v27 =	vsub.f32 $2.000000000e+00, v43  }
0x1cf: {  	v26 =	vmul.f32 v26, v24;
	v15 =	vadd.f32 $0.0e+00, v15;
	v16 =	vadd.f32 $0.0e+00, v16  }
0x1d0: {  	v17 =	vadd.f32 $0.0e+00, v17;
	v40 =	vmul.f32 v29, v45;
	v30 =	vadd.f32 v33, v30  }
0x1d1: {  	v19 =	vadd.f32 v24, v19;
	v18 =	vmul.f32 v27, v18;
	v60 =	vmul.f32 v56, v55  }
0x1d2: {  	v15 =	vadd.f32 v25, v15;
	v16 =	vadd.f32 v26, v16;
	v45 =	vmul.f32 v32, v20;
	v46 =	vpop (erf)  }
0x1d3: {  	v17 =	vadd.f32 v62, v17;
	v25 =	vmul.f32 v34, v57;
	v49 =	vmul.f32 v46, v31  }
0x1d4: {  	v44 =	vsub.f32 $2.000000000e+00, v40;
	v26 =	vmul.f32 v41, v54;
	v48 =	vsub.f32 $2.000000000e+00, v45  }
0x1d5: {  	v57 =	vmul.f32 v51, v21;
	v22 =	vmul.f32 v18, v22;
	v52 =	vsub.f32 $2.000000000e+00, v49  }
0x1d6: {  	v19 =	vadd.f32 v55, v19;
	v29 =	vmul.f32 v44, v29;
	v32 =	vmul.f32 v48, v32  }
0x1d7: {  	v62 =	vadd.f32 v60, v30;
	v50 =	vmul.f32 v26, v47;
	v54 =	vmul.f32 v52, v46  }
0x1d8: {  	v25 =	vmul.f32 v25, v55;
	v22 =	vsub.f32 $2.000000000e+00, v22;
	v20 =	vmul.f32 v32, v20  }
0x1d9: {  	v21 =	vsub.f32 v21, v57;
	v27 =	vsub.f32 $2.000000000e+00, v50;
	v31 =	vmul.f32 v54, v31  }
0x1da: {  	v29 =	vmul.f32 v29, v55;
	v18 =	vmul.f32 v22, v18;
	v20 =	vsub.f32 $2.000000000e+00, v20  }
0x1db: {  	v12 =	vmul.f32 v21, v12;
	v26 =	vmul.f32 v27, v26;
	v58 =	vsub.f32 $2.000000000e+00, v31  }
0x1dc: {  	v15 =	vadd.f32 v25, v15;
	v18 =	vmul.f32 v18, v21;
	v20 =	vmul.f32 v20, v32  }
0x1dd: {  	s0 =	sshll.u32 s31, $0x4;
	s31 =	sadd.s32 $0x1, s31;
	v63 =	vadd.f32 v21, v19;
	v59 =	vmul.f32 v26, v55;
	v22 =	vmul.f32 v58, v54  }
0x1de: {  	p0 =	sne.s32 s31, $0x20;
	[tilespmem:s0+$0x1EBB0] =	vst v13;
	v16 =	vadd.f32 v29, v16;
	v12 =	vadd.f32 v12, v62;
	v20 =	vmul.f32 v20, v21  }
.Ltmp3:
0x1df: {  	[tilespmem:s0+$0x1E9B0] =	vst v63;
	v15 =	vadd.f32 v18, v15;
	v17 =	vadd.f32 v59, v17;
	v61 =	vmul.f32 v22, v21;
	(pc) =	sbr.rel @!p0 .LBB2_14-.Ltmp3, $4  }
0x1e0: {  	[tilespmem:s0+$0x1E7B0] =	vst v12;
	v16 =	vadd.f32 v20, v16  }
0x1e1: {  	[tilespmem:s0+$0x1E1B0] =	vst v15;
	v17 =	vadd.f32 v61, v17  }
0x1e2: {  	[tilespmem:s0+$0x1E3B0] =	vst v16  }
0x1e3: {  	[tilespmem:s0+$0x1E5B0] =	vst v17  }
.LBB2_2:
0x1e4: {  	s0 =	sadd.s32 s8, s31  }
0x1e5: {  	s1 =	sshll.u32 s0, $0x9  }
0x1e6: {  	s28 =	simm.s32 $0x0;
	s3 =	sadd.s32 s4, s1  }
0x1e7: {  	[tilespmem:s28], [sflag:$0x1] =	stream.linear.gather [hbm4b:s3+s28], $0x1000, $0x38;
	[tilespmem:$0x1EE50] =	vst v63  }
0x1e8: {  	_ =	swait.ge [sflag:s14], $0x1000  }
0x1e9: {  	[sflag:s14] =	ssyncset.done $0x0  }
0x1ea: {  	s1 =	sadd.s32 s5, s1;
	s3 =	simm.s32 $0x1000;
	[sflag:s14] =	ssyncadd.s32 $0xFFFFF000  }
0x1eb: {  	[tilespmem:s3], [sflag:$0x1] =	stream.linear.gather [hbm4b:s1+s28], $0x1000, $0x38;
	[tilespmem:$0x1EE50] =	vst v63  }
0x1ec: {  	_ =	swait.ge [sflag:s14], $0x1000  }
0x1ed: {  	s0 =	sshll.u32 s0, $0x1;
	[sflag:s14] =	ssyncset.done $0x0  }
0x1ee: {  	s0 =	sadd.s32 s7, s0;
	[sflag:s14] =	ssyncadd.s32 $0xFFFFF000  }
0x1ef: {  	[tilespmem:s16], [sflag:$0x1] =	stream.linear.gather [hbm4b:s0+s28], $0x10, $0x38;
	[tilespmem:$0x1EE50] =	vst v63  }
0x1f0: {  	_ =	swait.ge [sflag:s14], $0x10  }
0x1f1: {  	[sflag:s14] =	ssyncset.done $0x0  }
0x1f2: {  	[sflag:s14] =	ssyncadd.s32 $0xFFFFFFF0  }
0x1f3: {  	[tilespmem:$0x3010] =	vst v0  }
0x1f4: {  	[tilespmem:$0x3070] =	vst v1  }
0x1f5: {  	[tilespmem:$0x30D0] =	vst v2  }
0x1f6: {  	[tilespmem:$0x3020] =	vst v0  }
0x1f7: {  	[tilespmem:$0x3080] =	vst v1  }
0x1f8: {  	[tilespmem:$0x30E0] =	vst v2  }
0x1f9: {  	[tilespmem:$0x3030] =	vst v0  }
0x1fa: {  	[tilespmem:$0x3090] =	vst v1  }
0x1fb: {  	[tilespmem:$0x30F0] =	vst v2  }
0x1fc: {  	[tilespmem:$0x3040] =	vst v0  }
0x1fd: {  	[tilespmem:$0x30A0] =	vst v1  }
0x1fe: {  	[tilespmem:$0x3100] =	vst v2  }
0x1ff: {  	[tilespmem:$0x3050] =	vst v0  }
0x200: {  	[tilespmem:$0x30B0] =	vst v1  }
0x201: {  	[tilespmem:$0x3110] =	vst v2  }
0x202: {  	[tilespmem:$0x3060] =	vst v0  }
0x203: {  	[tilespmem:$0x30C0] =	vst v1  }
0x204: {  	[tilespmem:$0x3120] =	vst v2  }
0x205: {  	v12 =	vld [tilespmem:s28+$0x0];
	_ =	sdelay $0x4  }
0x206: {  	vm0 =	vlt.f32 v12, $1.000000020e+29  }
0x207: {  	v13 =	vsel vm0, $0x1, v2  }
0x208: {  	(xrf0) =	vadd.scan.msk.s32 $0xffff, v13;
	_ =	sdelay $0x5  }
0x209: {  	v13, _, _ =	vpop (xrf0)  }
0x20a: {  	(v2sf) =	vpush v13, $0xF;
	_ =	sdelay $0xe  }
0x20b: {  	s9 =	spop (v2sf)  }
0x20c: {  	p0 =	slt.s32 s9, $0x1  }
0x20d: {  	v13 =	vld @!p0 [tilespmem:s3+$0x0]  }
0x20e: {  	p1 =	por @!p0 $0x1, $0x1  }
0x20f: {  	s29 =	simm.s32 $0x0;
	p1 =	por !p1, p0  }
0x210: {  	vm0 =	vlt.f32 @!p0 v12, $1.000000020e+29;
	s29 =	simm.s32 @p1 $0x40  }
0x211: {  	v14 =	vlaneseq.u32 @!p0;
	[tilespmem:s29+$0x3010] =	vst.msk @!p0 vm0, v12  }
0x212: {  	v12 =	vor.u32 @!p0 s28, v14;
	[tilespmem:s29+$0x3070] =	vst.msk @!p0 vm0, v13  }
0x213: {  	s1 =	simm.s32 $0x10;
	s0 =	sadd.s32 $0x0, s9;
	s28 =	simm.s32 $0x10;
	[tilespmem:s29+$0x30D0] =	vst.msk @!p0 vm0, v12  }
.LBB2_3:
0x214: {  	v12 =	vld [tilespmem:s1+$0x0];
	s29 =	smov.u32 s28;
	s6 =	smov.u32 s0  }
0x215: {  	s28 =	sadd.s32 $0x10, s28  }
0x216: {  	p0 =	sne.s32 s28, $0x1000;
	_ =	sdelay $0x2  }
0x217: {  	vm0 =	vlt.f32 v12, $1.000000020e+29  }
0x218: {  	v13 =	vsel vm0, $0x1, v2  }
0x219: {  	(xrf0) =	vadd.scan.msk.s32 $0xffff, v13;
	_ =	sdelay $0x5  }
0x21a: {  	v13, _, _ =	vpop (xrf0)  }
0x21b: {  	(v2sf) =	vpush v13, $0xF;
	_ =	sdelay $0xe  }
0x21c: {  	s9 =	spop (v2sf)  }
0x21d: {  	s3 =	sadd.s32 $0x10, s3;
	p1 =	slt.s32 s9, $0x1;
	s0 =	sadd.s32 s0, s9  }
0x21e: {  	v13 =	vld @!p1 [tilespmem:s3+$0x0]  }
0x21f: {  	p2 =	slt.s32 @!p1 s6, $0x40  }
.Ltmp4:
0x220: {  	p2 =	por !p2, p1;
	(pc) =	sbr.rel @p0 .LBB2_3-.Ltmp4, $4  }
0x221: {  	vm0 =	vlt.f32 @!p1 v12, $1.000000020e+29;
	s6 =	simm.s32 @p2 $0x40  }
0x222: {  	v14 =	vlaneseq.u32 @!p1;
	[tilespmem:s6+$0x3010] =	vst.msk @!p1 vm0, v12  }
0x223: {  	v12 =	vor.u32 @!p1 s29, v14;
	[tilespmem:s6+$0x3070] =	vst.msk @!p1 vm0, v13  }
0x224: {  	s1 =	sadd.s32 $0x10, s1;
	[tilespmem:s6+$0x30D0] =	vst.msk @!p1 vm0, v12  }
0x225: {  	v12 =	vld [tilespmem:$0x30D0];
	_ =	sdelay $0x7  }
0x226: {  	v12 =	vld.idx.msk [tilespmem:v12+s13+$0x0], $0xffff;
	_ =	sdelay $0x4  }
0x227: {  	v12 =	vmul.f32 $1.442695020e+00, v12;
	_ =	sdelay $0x1  }
0x228: {  	(erf) = vpow2.f32 v12  }
0x229: {  	v12 =	vld [tilespmem:$0x3010]  }
0x22a: {  	v13 =	vld [tilespmem:$0x3070];
	_ =	sdelay $0x3  }
0x22b: {  	v15 =	vld [tilespmem:$0x30E0];
	v14 =	vmax.f32 v12, $0.0e+00  }
0x22c: {  	v16 =	vsub.f32 v13, v14;
	v13 =	vadd.f32 v13, v14;
	_ =	sdelay $0x1  }
0x22d: {  	vm0 =	vlt.f32 v12, $1.000000020e+29;
	v12 =	vmul.f32 $5.000000000e-01, v13;
	v14 =	vpop (erf)  }
0x22e: {  	v14 =	vmul.f32 v14, v16  }
0x22f: {  	v12 =	vnsel vm0, $0x0, v12  }
0x230: {  	[tilespmem:$0x3170] =	vst v12;
	v13 =	vnsel vm0, $0x0, v14  }
0x231: {  	[tilespmem:$0x3130] =	vst v13  }
0x232: {  	v12 =	vld.idx.msk [tilespmem:v15+s13+$0x0], $0xffff;
	_ =	sdelay $0x4  }
0x233: {  	v12 =	vmul.f32 $1.442695020e+00, v12;
	_ =	sdelay $0x1  }
0x234: {  	(erf) = vpow2.f32 v12  }
0x235: {  	v12 =	vld [tilespmem:$0x3020]  }
0x236: {  	v13 =	vld [tilespmem:$0x3080];
	_ =	sdelay $0x3  }
0x237: {  	v15 =	vld [tilespmem:$0x30F0];
	v14 =	vmax.f32 v12, $0.0e+00  }
0x238: {  	v61 =	vsub.f32 v13, v14;
	v13 =	vadd.f32 v13, v14;
	_ =	sdelay $0x1  }
0x239: {  	vm13 =	vlt.f32 v12, $1.000000020e+29;
	v12 =	vmul.f32 $5.000000000e-01, v13;
	v14 =	vpop (erf)  }
0x23a: {  	v14 =	vmul.f32 v14, v61  }
0x23b: {  	v12 =	vnsel vm13, $0x0, v12  }
0x23c: {  	[tilespmem:$0x3180] =	vst v12;
	v13 =	vnsel vm13, $0x0, v14  }
0x23d: {  	[tilespmem:$0x3140] =	vst v13  }
0x23e: {  	v12 =	vld.idx.msk [tilespmem:v15+s13+$0x0], $0xffff;
	_ =	sdelay $0x4  }
0x23f: {  	v12 =	vmul.f32 $1.442695020e+00, v12;
	_ =	sdelay $0x1  }
0x240: {  	(erf) = vpow2.f32 v12  }
0x241: {  	v12 =	vld [tilespmem:$0x3030]  }
0x242: {  	v13 =	vld [tilespmem:$0x3090];
	_ =	sdelay $0x3  }
0x243: {  	v15 =	vld [tilespmem:$0x3100];
	v14 =	vmax.f32 v12, $0.0e+00  }
0x244: {  	v62 =	vsub.f32 v13, v14;
	v13 =	vadd.f32 v13, v14;
	_ =	sdelay $0x1  }
0x245: {  	vm14 =	vlt.f32 v12, $1.000000020e+29;
	v12 =	vmul.f32 $5.000000000e-01, v13;
	v14 =	vpop (erf)  }
0x246: {  	v14 =	vmul.f32 v14, v62  }
0x247: {  	v12 =	vnsel vm14, $0x0, v12  }
0x248: {  	[tilespmem:$0x3190] =	vst v12;
	v13 =	vnsel vm14, $0x0, v14  }
0x249: {  	[tilespmem:$0x3150] =	vst v13  }
0x24a: {  	v12 =	vld.idx.msk [tilespmem:v15+s13+$0x0], $0xffff;
	_ =	sdelay $0x4  }
0x24b: {  	v12 =	vmul.f32 $1.442695020e+00, v12;
	_ =	sdelay $0x1  }
0x24c: {  	(erf) = vpow2.f32 v12;
	_ =	sdelay $0x1  }
0x24d: {  	v12 =	vld [tilespmem:$0x3040]  }
0x24e: {  	v13 =	vld [tilespmem:$0x30A0];
	_ =	sdelay $0x3  }
0x24f: {  	v14 =	vmax.f32 v12, $0.0e+00  }
0x250: {  	v15 =	vsub.f32 v13, v14  }
0x251: {  	v63 =	vpop (erf)  }
0x252: {  	p0 =	slt.s32 s0, $0x1;
	v13 =	vadd.f32 v13, v14;
	v14 =	vmul.f32 v63, v15  }
.Ltmp5:
0x253: {  	vm15 =	vlt.f32 v12, $1.000000020e+29;
	(pc) =	sbr.rel @p0 .LBB2_5-.Ltmp5, $4  }
0x254: {  	v12 =	vmul.f32 $5.000000000e-01, v13;
	v13 =	vld [tilespmem:$0x30D0];
	v14 =	vnsel vm15, $0x0, v14  }
0x255: {  	[tilespmem:$0x3160] =	vst v14;
	v14 =	vld [tilespmem:$0x3100]  }
0x256: {  	v23 =	vld [tilespmem:$0x30E0];
	v12 =	vnsel vm15, $0x0, v12  }
0x257: {  	v28 =	vld [tilespmem:$0x30F0];
	[tilespmem:$0x31A0] =	vst v12  }
0x258: {  	s1 =	simm.s32 $0x0  }
0x259: {  	v20 =	vmov s1  }
0x25a: {  	v17 =	vld [tilespmem:$0x3010];
	s0 =	smin.u32 s0, $0x40  }
0x25b: {  	v18 =	vld [tilespmem:$0x3020];
	p1 =	sne.s32 s0, $0x1  }
.Ltmp6:
0x25c: {  	v15 =	vld [tilespmem:$0x3030];
	(pc) =	sbr.rel @!p1 .LBB2_7-.Ltmp6, $4  }
0x25d: {  	v19 =	vld [tilespmem:$0x3040]  }
0x25e: {  	v27 =	vld.idx.msk [tilespmem:v20+s17+$0x0], $0xffff  }
0x25f: {  	v21 =	vld.idx.msk [tilespmem:v20+s19+$0x0], $0xffff  }
0x260: {  	v16 =	vimm.f32 $0.0e+00;
	p0 =	por $0x0, $0x0;
	s1 =	simm.s32 $0x1;
	v26 =	vld.idx.msk [tilespmem:v20+s18+$0x0], $0xffff  }
0x261: {  	_ =	sdelay $0x1  }
0x262: {  	v24 =	vmov s1;
	vm0 =	veq.f32 v27, v17  }
0x263: {  	vm1 =	veq.f32 v27, v18;
	vm2 =	veq.f32 v27, v15;
	vm4 =	veq.f32 v27, v19  }
0x264: {  	vm7 =	vlt.f32 v27, v19;
	vm12 =	vlt.f32 v27, v17;
	vm13 =	vlt.f32 v27, v18  }
0x265: {  	vm14 =	vlt.f32 v27, v15;
	vm3 =	vlt.s32 v21, v13;
	vm5 =	vlt.s32 v21, v14  }
0x266: {  	p1 =	sne.s32 s0, $0x2;
	vm6 =	vlt.s32 v21, v23;
	vm11 =	vlt.s32 v21, v28;
	vm4 =	vmand vm4, vm5  }
.Ltmp7:
0x267: {  	vm0 =	vmand vm0, vm3;
	vm1 =	vmand vm1, vm6;
	vm2 =	vmand vm2, vm11;
	v30 =	vld.idx.msk [tilespmem:v24+s17+$0x0], $0xffff;
	(pc) =	sbr.rel @!p1 .LBB2_9-.Ltmp7, $4  }
0x268: {  	vm4 =	vmor vm7, vm4;
	vm0 =	vmor vm12, vm0;
	vm1 =	vmor vm13, vm1;
	v21 =	vld.idx.msk [tilespmem:v24+s19+$0x0], $0xffff  }
0x269: {  	vm15 =	vmor vm14, vm2;
	v29 =	vld.idx.msk [tilespmem:v24+s18+$0x0], $0xffff;
	v24 =	vimm.f32 $0.0e+00;
	v20 =	vnsel vm4, $0x0, v26  }
0x26a: {  	v22 =	vnsel vm0, $0x0, v26;
	v25 =	vnsel vm1, $0x0, v26;
	v20 =	vadd.f32 v20, v16  }
0x26b: {  	s1 =	simm.s32 $0x2;
	p0 =	por $0x1, $0x1;
	v31 =	vnsel vm15, $0x0, v26;
	v22 =	vadd.f32 v22, v16;
	v25 =	vadd.f32 v25, v16  }
.LBB2_10:
0x26c: {  	v26 =	vmov s1;
	v24 =	vadd.f32 v31, v24  }
0x26d: {  	s1 =	sadd.s32 $0x1, s1;
	vm0 =	veq.f32 v30, v17;
	vm1 =	veq.f32 v30, v18;
	vm2 =	veq.f32 v30, v15;
	v27 =	vmovc v30  }
0x26e: {  	p1 =	sne.s32 s0, s1;
	vm3 =	vlt.s32 v21, v13;
	vm4 =	veq.f32 v27, v19;
	vm5 =	vlt.s32 v21, v14  }
0x26f: {  	vm6 =	vlt.s32 v21, v23;
	vm7 =	vlt.f32 v27, v19;
	vm4 =	vmand vm4, vm5  }
0x270: {  	vm0 =	vmand vm0, vm3;
	vm3 =	vlt.s32 v21, v28;
	vm4 =	vmor vm7, vm4  }
.Ltmp8:
0x271: {  	vm1 =	vmand vm1, vm6;
	vm2 =	vmand vm2, vm3;
	v31 =	vnsel vm4, $0x0, v29;
	v30 =	vld.idx.msk [tilespmem:v26+s17+$0x0], $0xffff;
	(pc) =	sbr.rel @p1 .LBB2_10-.Ltmp8, $4  }
0x272: {  	vm3 =	vlt.f32 v27, v17;
	vm4 =	vlt.f32 v27, v18;
	v20 =	vadd.f32 v31, v20;
	v21 =	vld.idx.msk [tilespmem:v26+s19+$0x0], $0xffff  }
0x273: {  	vm0 =	vmor vm3, vm0;
	vm3 =	vlt.f32 v27, v15;
	vm1 =	vmor vm4, vm1  }
0x274: {  	v27 =	vnsel vm0, $0x0, v29;
	vm0 =	vmor vm3, vm2;
	v31 =	vnsel vm1, $0x0, v29  }
0x275: {  	v22 =	vadd.f32 v27, v22;
	v25 =	vadd.f32 v31, v25;
	v31 =	vnsel vm0, $0x0, v29;
	v29 =	vld.idx.msk [tilespmem:v26+s18+$0x0], $0xffff  }
0x276: {  	_ =	sdelay $0x3  }
0x277: {  	v27 =	vmov v30;
	v26 =	vmov v29  }
.LBB2_12:
0x278: {  	v29 =	vadd.f32 @p0 v31, v24  }
0x279: {  	vm0 =	veq.f32 v27, v17;
	vm1 =	veq.f32 v27, v18;
	vm2 =	veq.f32 v27, v15  }
0x27a: {  	vm3 =	vlt.s32 v21, v13;
	vm4 =	veq.f32 v27, v19;
	vm5 =	vlt.s32 v21, v14  }
0x27b: {  	vm6 =	vlt.s32 v21, v23;
	vm7 =	vlt.f32 v27, v19;
	vm11 =	vlt.s32 v21, v28  }
0x27c: {  	vm12 =	vlt.f32 v27, v17;
	vm13 =	vlt.f32 v27, v18;
	vm14 =	vlt.f32 v27, v15  }
0x27d: {  	vm4 =	vmand vm4, vm5;
	vm0 =	vmand vm0, vm3;
	vm1 =	vmand vm1, vm6  }
.Ltmp9:
0x27e: {  	vm2 =	vmand vm2, vm11;
	vm4 =	vmor vm7, vm4;
	vm0 =	vmor vm12, vm0;
	(pc) =	sbr.rel .LBB2_13-.Ltmp9, $4  }
0x27f: {  	vm1 =	vmor vm13, vm1;
	vm15 =	vmor vm14, vm2;
	v16 =	vpsel p0, v29, v16  }
0x280: {  	v62 =	vnsel vm4, $0x0, v26;
	v15 =	vnsel vm0, $0x0, v26;
	v63 =	vnsel vm1, $0x0, v26  }
0x281: {  	v24 =	vadd.f32 v62, v20;
	v27 =	vadd.f32 v15, v22;
	v15 =	vnsel vm15, $0x0, v26  }
0x282: {  	v33 =	vadd.f32 v63, v25;
	v35 =	vadd.f32 v15, v16  }
.LBB2_7:
.Ltmp10:
0x283: {  	(pc) =	sbr.rel .LBB2_12-.Ltmp10, $3  }
0x284: {  	_ =	sdelay $0x1  }
0x285: {  	v24 =	vimm.f32 $0.0e+00  }
0x286: {  	v20 =	vimm.f32 $0.0e+00;
	v22 =	vimm.f32 $0.0e+00;
	v25 =	vimm.f32 $0.0e+00  }
.LBB2_9:
.Ltmp11:
0x287: {  	(pc) =	sbr.rel .LBB2_12-.Ltmp11, $2  }
0x288: {  	_ =	sdelay $0x2  }
0x289: {  	v24 =	vimm.f32 $0.0e+00;
	v27 =	vmov v30;
	v26 =	vmov v29  }
.LBB2_15:
0x28a: {  	_ =	sfence.sel $0x180000  }
0x28b: {  	[bflag:$0x0] =	sbarrier.arrive $0xFFFF  }
0x28c: {  	_ =	strace $0x90000047  }
0x28d: {  	s0 =	stileid.u32;
	[bflag:$0x2] =	sbarrier.arrive $0xFFFF  }
0x28e: {  	p0 =	sne.s32 s0, $0x0;
	s0 =	rddreg [dreg:$0x5]  }
0x28f: {  	s0 =	sadd.s32 @!p0 $0x100000, s0  }
0x290: {  	[sflag:s0] =	ssyncadd.tile.s32 @!p0 $0x1;
	_ =	shalt  }
.Lfunc_end2:
_tile_overlayer_lowered:
.L_overlay_start_2:
0x291: {  	(tag) =	ssettag $0x2  }
0x292: {  	s0 =	rddreg [dreg:$0x0];
	s2 =	stileid.u32  }
0x293: {  	s1 =	rddreg [dreg:$0x1];
	p0 =	sne.s32 s2, $0x0  }
0x294: {  	s3 =	rddreg [dreg:$0x2];
	[bflag:$0x3] =	sbarrier.arrive $0xFFFF;
	s2 =	simm.s32 @!p0 $0x1C01  }
0x295: {  	[timem:s3], [sflag:s2] =	dma.local @!p0 [hbm:s0], s1  }
0x296: {  	s0 =	simm.s32 @!p0 $0x1  }
0x297: {  	_ =	swait.ge @!p0 [sflag:s0], s1  }
0x298: {  	s1 =	ssub.s32 @!p0 $0x0, s1;
	[sflag:s0] =	ssyncset.done @!p0 $0x0  }
0x299: {  	[sflag:s0] =	ssyncadd.s32 @!p0 s1  }
0x29a: {  	[bflag:$0x3] =	sbarrier.arrive $0xFFFF  }
0x29b: {  	_ =	shalt  }

</sc_bundles>
